<compile_context>
chip_gen: v7x
topology: tpu7x:2x2x1
jax: 0.10.2.dev20260603
libtpu: 0.0.44.dev20260713+nightly
codegen_flags: <defaults>
</compile_context>

<pallas_src>
import jax
import jax.numpy as jnp
from jax import lax
from jax.experimental import pallas as pl
from jax.experimental.pallas import tpu as pltpu
from jax.experimental.pallas import tpu_sc as plsc

N_CLUSTERS = 512
DIM = 64
N_POS = 50
N_SAMPLES = 16384

_INFO = plsc.get_sparse_core_info()
NC = _INFO.num_cores
NS = _INFO.num_subcores
NW = NC * NS

S_PER_W = N_SAMPLES // NW
STEP = 128
N_Q = S_PER_W // STEP
TROW = STEP + 1
LANES = 16


def _body(xt_hbm, table_hbm, out_hbm, idx_v, gbuf, tbuf, table_sp,
          gsem0, gsem1, osem0, osem1):
    sid = lax.axis_index("s")
    wid = sid * NC + lax.axis_index("c")
    ibase = wid * S_PER_W
    blk0 = wid * N_Q

    @pl.when(sid == 0)
    def _():
        pltpu.sync_copy(table_hbm, table_sp)

    pltpu.sync_copy(xt_hbm.at[:, pl.ds(blk0, N_Q)], idx_v)
    plsc.subcore_barrier()

    gsems = (gsem0, gsem1)
    osems = (osem0, osem1)

    def fire_gather(t, r):
        pltpu.async_copy(
            table_sp.at[idx_v.at[t // N_Q, t % N_Q]], gbuf.at[r], gsems[r]
        )

    def drain_gather(r):
        pltpu.make_async_copy(
            table_hbm.at[pl.ds(0, STEP)], gbuf.at[r], gsems[r]
        ).wait()

    def transpose(r):
        iota = lax.iota(jnp.int32, LANES)
        zero = jnp.zeros((LANES,), jnp.int32)
        one = jnp.ones((LANES,), jnp.int32)
        idx_hi = [(iota + b * LANES) // 8 for b in range(DIM // LANES)]
        idx_lo = [(iota + b * LANES) % 8 for b in range(DIM // LANES)]

        del one

        @plsc.parallel_loop(0, STEP // 4, 1, unroll=2)
        def rows(i4):
            for di in range(4):
                i = i4 * 4 + di
                ivec = jnp.full((LANES,), i, jnp.int32)
                for b in range(DIM // LANES):
                    vals = gbuf[r, i, pl.ds(b * LANES, LANES)]
                    plsc.store_scatter(
                        tbuf.at[r], [idx_hi[b], zero, idx_lo[b], ivec], vals
                    )

    def fire_out(t, r):
        pltpu.async_copy(
            tbuf.at[r, :, :, :, pl.ds(0, STEP)],
            out_hbm.at[t // N_Q, :,
                       pl.ds(ibase // STEP + (t % N_Q), 1)],
            osems[r],
        )

    def drain_out(r):
        pltpu.make_async_copy(
            out_hbm.at[0, :, pl.ds(0, 1)], tbuf.at[r, :, :, :, pl.ds(0, STEP)],
            osems[r],
        ).wait()

    n_steps = N_POS * N_Q

    fire_gather(0, 0)
    fire_gather(1, 1)

    drain_gather(0)
    transpose(0)
    fire_out(0, 0)
    fire_gather(2, 0)

    drain_gather(1)
    transpose(1)
    fire_out(1, 1)
    fire_gather(3, 1)

    def step_pair(tt, carry):
        for r in range(2):
            t = 2 * tt + 2 + r
            drain_gather(r)
            drain_out(r)
            transpose(r)
            fire_out(t, r)

            @pl.when(t + 2 < n_steps)
            def _():
                fire_gather(t + 2, r)

        return carry

    lax.fori_loop(0, (n_steps - 2) // 2, step_pair, 0)

    drain_out(0)
    drain_out(1)


@jax.jit
def kernel(x, embedding_weight):
    xt = x.astype(jnp.int32).T.reshape(N_POS, N_SAMPLES // STEP, STEP)

    mesh = plsc.VectorSubcoreMesh(core_axis_name="c", subcore_axis_name="s")
    out = pl.kernel(
        _body,
        out_type=jax.ShapeDtypeStruct(
            (N_POS, DIM // 8, N_SAMPLES // STEP, 8, STEP), jnp.float32
        ),
        mesh=mesh,
        scratch_types=[
            pltpu.VMEM((N_POS, N_Q, STEP), jnp.int32),
            pltpu.VMEM((2, STEP, DIM), jnp.float32),
            pltpu.VMEM((2, DIM // 8, 1, 8, TROW), jnp.float32),
            pltpu.VMEM_SHARED((N_CLUSTERS, DIM), jnp.float32),
            pltpu.SemaphoreType.DMA,
            pltpu.SemaphoreType.DMA,
            pltpu.SemaphoreType.DMA,
            pltpu.SemaphoreType.DMA,
        ],
        compiler_params=pltpu.CompilerParams(
            use_tc_tiling_on_sc=False, needs_layout_passes=False
        ),
    )(xt, embedding_weight)
    return jnp.transpose(out, (2, 4, 0, 1, 3)).reshape(
        N_SAMPLES, N_POS, DIM
    )

# --- scband reference (transcript-rebuilt; emitter-appended) ---
"""Pipeline reference for scband-embed-cluster-centers-29042568855602 (READ-ONLY COPY).

The authoritative reference and input builder live on the scoring server;
editing this copy changes nothing except your own understanding.
"""

import jax, jax.numpy as jnp
import numpy as np

N_CLUSTERS = 512
DIM = 64

def setup_inputs(seed: int = 0) -> dict:
    key = jax.random.key(seed)
    k_idx, k_tab = jax.random.split(key)
    x = jax.random.randint(k_idx, (16384, 50), 0, N_CLUSTERS, dtype=jnp.int64 if jax.config.jax_enable_x64 else jnp.int32)
    embedding_weight = jax.random.normal(k_tab, (N_CLUSTERS, DIM), dtype=jnp.float32)
    return {"x": x, "embedding_weight": embedding_weight}

def reference(x, embedding_weight):
    # nn.Embedding forward: gather rows of the table by index
    return jnp.take(embedding_weight, x, axis=0)

if __name__ == "__main__":
    import jax
    _d = setup_inputs()
    print(jax.jit(kernel)(*tuple(_d.values())))

</pallas_src>

<mosaic_0001>
#map = affine_map<(d0, d1) -> (0, 0, 0)>
#map1 = affine_map<(d0, d1) -> (0, 0)>
#map2 = affine_map<(d0, d1) -> (0, 0, 0, 0, 0)>
module attributes {stable_mosaic.version = 14 : i64} {
  func.func @_body(%arg0: i32, %arg1: i32, %arg2: memref<50x128x128xi32, #tpu.memory_space<hbm>>, %arg3: memref<512x64xf32, #tpu.memory_space<hbm>>, %arg4: memref<50x8x128x8x128xf32, #tpu.memory_space<hbm>>, %arg5: memref<50x4x128xi32, #tpu.memory_space<vmem>>, %arg6: memref<2x128x64xf32, #tpu.memory_space<vmem>>, %arg7: memref<2x8x1x8x129xf32, #tpu.memory_space<vmem>>, %arg8: memref<512x64xf32, #tpu.memory_space<vmem_shared>>, %arg9: memref<!tpu.dma_semaphore, #tpu.memory_space<semaphore_mem>>, %arg10: memref<!tpu.dma_semaphore, #tpu.memory_space<semaphore_mem>>, %arg11: memref<!tpu.dma_semaphore, #tpu.memory_space<semaphore_mem>>, %arg12: memref<!tpu.dma_semaphore, #tpu.memory_space<semaphore_mem>>) attributes {dimension_semantics = [#tpu.dimension_semantics<core_parallel>, #tpu.dimension_semantics<subcore_parallel>], iteration_bounds = array<i64: 2, 16>, scalar_prefetch = 0 : i64, scratch_operands = 8 : i64, tpu.core_type = #tpu.core_type<sc_vector_subcore>, window_params = [{transform_indices = #map}, {transform_indices = #map1}, {transform_indices = #map2}]} {
    %mul3A = arith.constant 2 : i32
    %mul3A_0 = arith.muli %arg1, %mul3A : i32
    %add3A = arith.addi %mul3A_0, %arg0 : i32
    %mul3A_1 = arith.constant 512 : i32
    %mul3A_2 = arith.muli %add3A, %mul3A_1 : i32
    %mul3A_3 = arith.constant 4 : i32
    %mul3A_4 = arith.muli %add3A, %mul3A_3 : i32
    %eq3A = arith.constant 0 : i32
    %eq3A_5 = arith.cmpi eq, %arg1, %eq3A : i32
    %convert_element_type3A = arith.extui %eq3A_5 : i1 to i32
    %cond3A = arith.constant 0 : i32
    %cond3A_6 = arith.cmpi ne, %convert_element_type3A, %cond3A : i32
    scf.if %cond3A_6 {
      "tpu.region"() ({
        %run_scoped3A = tpu.sem_alloc : memref<!tpu.dma_semaphore, #tpu.memory_space<semaphore_mem>>
        tpu.enqueue_dma source(%arg3 : memref<512x64xf32, #tpu.memory_space<hbm>>) target(%arg8 : memref<512x64xf32, #tpu.memory_space<vmem_shared>>) target_semaphore(%run_scoped3A : memref<!tpu.dma_semaphore, #tpu.memory_space<semaphore_mem>>)
        tpu.wait_dma2 semaphore(%run_scoped3A : memref<!tpu.dma_semaphore, #tpu.memory_space<semaphore_mem>>) src(%arg3 : memref<512x64xf32, #tpu.memory_space<hbm>>) dst(%arg8 : memref<512x64xf32, #tpu.memory_space<vmem_shared>>)
        tpu.yield
      }) : () -> ()
    } else {
    }
    "tpu.region"() ({
      %run_scoped3A = tpu.sem_alloc : memref<!tpu.dma_semaphore, #tpu.memory_space<semaphore_mem>>
      %dma_start3A_720 = arith.constant 0 : i32
      %dma_start3A_721 = arith.constant 0 : i32
      %dma_start3A_722 = tpu.memref_slice %arg2[%dma_start3A_720, %mul3A_4, %dma_start3A_721] : memref<50x128x128xi32, #tpu.memory_space<hbm>> -> memref<50x4x128xi32, #tpu.memory_space<hbm>>
      %dma_start3A_723 = arith.constant 0 : i32
      %dma_start3A_724 = arith.constant 0 : i32
      %dma_start3A_725 = tpu.memref_slice %arg2[%dma_start3A_723, %mul3A_4, %dma_start3A_724] : memref<50x128x128xi32, #tpu.memory_space<hbm>> -> memref<50x4x128xi32, #tpu.memory_space<hbm>>
      tpu.enqueue_dma source(%dma_start3A_725 : memref<50x4x128xi32, #tpu.memory_space<hbm>>) target(%arg5 : memref<50x4x128xi32, #tpu.memory_space<vmem>>) target_semaphore(%run_scoped3A : memref<!tpu.dma_semaphore, #tpu.memory_space<semaphore_mem>>)
      %dma_wait3A_726 = arith.constant 0 : i32
      %dma_wait3A_727 = arith.constant 0 : i32
      %dma_wait3A_728 = tpu.memref_slice %arg2[%dma_wait3A_726, %mul3A_4, %dma_wait3A_727] : memref<50x128x128xi32, #tpu.memory_space<hbm>> -> memref<50x4x128xi32, #tpu.memory_space<hbm>>
      %dma_wait3A_729 = arith.constant 0 : i32
      %dma_wait3A_730 = arith.constant 0 : i32
      %dma_wait3A_731 = tpu.memref_slice %arg2[%dma_wait3A_729, %mul3A_4, %dma_wait3A_730] : memref<50x128x128xi32, #tpu.memory_space<hbm>> -> memref<50x4x128xi32, #tpu.memory_space<hbm>>
      tpu.wait_dma2 semaphore(%run_scoped3A : memref<!tpu.dma_semaphore, #tpu.memory_space<semaphore_mem>>) src(%dma_wait3A_731 : memref<50x4x128xi32, #tpu.memory_space<hbm>>) dst(%arg5 : memref<50x4x128xi32, #tpu.memory_space<vmem>>)
      tpu.yield
    }) : () -> ()
    %barrier3A = arith.constant 0 : index
    tpu.barrier barrier_id(%barrier3A)
    %dma_start3A = arith.constant 0 : i32
    %dma_start3A_7 = arith.constant 0 : i32
    %dma_start3A_8 = arith.constant 0 : i32
    %dma_start3A_9 = arith.constant 0 : i32
    %dma_start3A_10 = arith.constant 0 : i32
    %dma_start3A_11 = tpu.memref_slice %arg6[%dma_start3A_8, %dma_start3A_9, %dma_start3A_10] : memref<2x128x64xf32, #tpu.memory_space<vmem>> -> memref<1x128x64xf32, #tpu.memory_space<vmem>>
    %dma_start3A_12 = tpu.memref_squeeze %dma_start3A_11 : memref<1x128x64xf32, #tpu.memory_space<vmem>> -> memref<128x64xf32, #tpu.memory_space<vmem>>
    %dma_start3A_13 = arith.constant 0 : i32
    %dma_start3A_14 = tpu.memref_slice %arg5[%dma_start3A, %dma_start3A_7, %dma_start3A_13] : memref<50x4x128xi32, #tpu.memory_space<vmem>> -> memref<1x1x128xi32, #tpu.memory_space<vmem>>
    %dma_start3A_15 = tpu.memref_squeeze %dma_start3A_14 : memref<1x1x128xi32, #tpu.memory_space<vmem>> -> memref<128xi32, #tpu.memory_space<vmem>>
    %dma_start3A_16 = arith.constant 0 : i32
    %dma_start3A_17 = arith.constant 0 : i32
    %dma_start3A_18 = tpu.memref_slice %arg8[%dma_start3A_16, %dma_start3A_17] : memref<512x64xf32, #tpu.memory_space<vmem_shared>> -> memref<512x64xf32, #tpu.memory_space<vmem_shared>>
    tpu.enqueue_indirect_dma source(%dma_start3A_18 : memref<512x64xf32, #tpu.memory_space<vmem_shared>>) target(%dma_start3A_12 : memref<128x64xf32, #tpu.memory_space<vmem>>) offsets(%dma_start3A_15 : memref<128xi32, #tpu.memory_space<vmem>>) semaphore(%arg9 : memref<!tpu.dma_semaphore, #tpu.memory_space<semaphore_mem>>)
    %dma_start3A_19 = arith.constant 0 : i32
    %dma_start3A_20 = arith.constant 1 : i32
    %dma_start3A_21 = arith.constant 1 : i32
    %dma_start3A_22 = arith.constant 0 : i32
    %dma_start3A_23 = arith.constant 0 : i32
    %dma_start3A_24 = tpu.memref_slice %arg6[%dma_start3A_21, %dma_start3A_22, %dma_start3A_23] : memref<2x128x64xf32, #tpu.memory_space<vmem>> -> memref<1x128x64xf32, #tpu.memory_space<vmem>>
    %dma_start3A_25 = tpu.memref_squeeze %dma_start3A_24 : memref<1x128x64xf32, #tpu.memory_space<vmem>> -> memref<128x64xf32, #tpu.memory_space<vmem>>
    %dma_start3A_26 = arith.constant 0 : i32
    %dma_start3A_27 = tpu.memref_slice %arg5[%dma_start3A_19, %dma_start3A_20, %dma_start3A_26] : memref<50x4x128xi32, #tpu.memory_space<vmem>> -> memref<1x1x128xi32, #tpu.memory_space<vmem>>
    %dma_start3A_28 = tpu.memref_squeeze %dma_start3A_27 : memref<1x1x128xi32, #tpu.memory_space<vmem>> -> memref<128xi32, #tpu.memory_space<vmem>>
    %dma_start3A_29 = arith.constant 0 : i32
    %dma_start3A_30 = arith.constant 0 : i32
    %dma_start3A_31 = tpu.memref_slice %arg8[%dma_start3A_29, %dma_start3A_30] : memref<512x64xf32, #tpu.memory_space<vmem_shared>> -> memref<512x64xf32, #tpu.memory_space<vmem_shared>>
    tpu.enqueue_indirect_dma source(%dma_start3A_31 : memref<512x64xf32, #tpu.memory_space<vmem_shared>>) target(%dma_start3A_25 : memref<128x64xf32, #tpu.memory_space<vmem>>) offsets(%dma_start3A_28 : memref<128xi32, #tpu.memory_space<vmem>>) semaphore(%arg10 : memref<!tpu.dma_semaphore, #tpu.memory_space<semaphore_mem>>)
    %dma_wait3A = arith.constant 0 : i32
    %dma_wait3A_32 = arith.constant 0 : i32
    %dma_wait3A_33 = arith.constant 0 : i32
    %dma_wait3A_34 = tpu.memref_slice %arg6[%dma_wait3A, %dma_wait3A_32, %dma_wait3A_33] : memref<2x128x64xf32, #tpu.memory_space<vmem>> -> memref<1x128x64xf32, #tpu.memory_space<vmem>>
    %dma_wait3A_35 = tpu.memref_squeeze %dma_wait3A_34 : memref<1x128x64xf32, #tpu.memory_space<vmem>> -> memref<128x64xf32, #tpu.memory_space<vmem>>
    %dma_wait3A_36 = arith.constant 0 : i32
    %dma_wait3A_37 = arith.constant 0 : i32
    %dma_wait3A_38 = tpu.memref_slice %arg3[%dma_wait3A_36, %dma_wait3A_37] : memref<512x64xf32, #tpu.memory_space<hbm>> -> memref<128x64xf32, #tpu.memory_space<hbm>>
    %dma_wait3A_39 = arith.constant 0 : i32
    %dma_wait3A_40 = arith.constant 0 : i32
    %dma_wait3A_41 = tpu.memref_slice %arg6[%dma_wait3A, %dma_wait3A_39, %dma_wait3A_40] : memref<2x128x64xf32, #tpu.memory_space<vmem>> -> memref<1x128x64xf32, #tpu.memory_space<vmem>>
    %dma_wait3A_42 = tpu.memref_squeeze %dma_wait3A_41 : memref<1x128x64xf32, #tpu.memory_space<vmem>> -> memref<128x64xf32, #tpu.memory_space<vmem>>
    %dma_wait3A_43 = arith.constant 0 : i32
    %dma_wait3A_44 = arith.constant 0 : i32
    %dma_wait3A_45 = tpu.memref_slice %arg3[%dma_wait3A_43, %dma_wait3A_44] : memref<512x64xf32, #tpu.memory_space<hbm>> -> memref<128x64xf32, #tpu.memory_space<hbm>>
    tpu.wait_dma2 semaphore(%arg9 : memref<!tpu.dma_semaphore, #tpu.memory_space<semaphore_mem>>) src(%dma_wait3A_45 : memref<128x64xf32, #tpu.memory_space<hbm>>) dst(%dma_wait3A_42 : memref<128x64xf32, #tpu.memory_space<vmem>>)
    %iota3A = tpu.iota {dimensions = array<i32: 0>} : vector<16xi32>
    %broadcast_in_dim3A = arith.constant 0 : i32
    %broadcast_in_dim3A_46 = vector.broadcast %broadcast_in_dim3A : i32 to vector<16xi32>
    %broadcast_in_dim3A_47 = arith.constant 1 : i32
    %broadcast_in_dim3A_48 = vector.broadcast %broadcast_in_dim3A_47 : i32 to vector<16xi32>
    %add3A_49 = arith.constant 0 : i32
    %add3A_50 = vector.broadcast %add3A_49 : i32 to vector<16xi32>
    %add3A_51 = arith.addi %iota3A, %add3A_50 : vector<16xi32>
    %jit3A = arith.constant 8 : i32
    %div3A = vector.broadcast %jit3A : i32 to vector<16xi32>
    %div3A_52 = arith.divsi %add3A_51, %div3A : vector<16xi32>
    %sign3A = arith.constant 0 : i32
    %sign3A_53 = vector.broadcast %sign3A : i32 to vector<16xi32>
    %sign3A_54 = arith.cmpi sgt, %add3A_51, %sign3A_53 : vector<16xi32>
    %sign3A_55 = arith.extui %sign3A_54 : vector<16xi1> to vector<16xi32>
    %sign3A_56 = arith.constant 0 : i32
    %sign3A_57 = vector.broadcast %sign3A_56 : i32 to vector<16xi32>
    %sign3A_58 = arith.cmpi slt, %add3A_51, %sign3A_57 : vector<16xi32>
    %sign3A_59 = arith.extui %sign3A_58 : vector<16xi1> to vector<16xi32>
    %sign3A_60 = arith.subi %sign3A_55, %sign3A_59 : vector<16xi32>
    %sign3A_61 = arith.constant 0 : i32
    %sign3A_62 = arith.cmpi sgt, %jit3A, %sign3A_61 : i32
    %sign3A_63 = arith.extui %sign3A_62 : i1 to i32
    %sign3A_64 = arith.constant 0 : i32
    %sign3A_65 = arith.cmpi slt, %jit3A, %sign3A_64 : i32
    %sign3A_66 = arith.extui %sign3A_65 : i1 to i32
    %sign3A_67 = arith.subi %sign3A_63, %sign3A_66 : i32
    %ne3A = vector.broadcast %sign3A_67 : i32 to vector<16xi32>
    %ne3A_68 = arith.cmpi ne, %sign3A_60, %ne3A : vector<16xi32>
    %rem3A = vector.broadcast %jit3A : i32 to vector<16xi32>
    %rem3A_69 = arith.remsi %add3A_51, %rem3A : vector<16xi32>
    %ne3A_70 = arith.constant 0 : i32
    %ne3A_71 = vector.broadcast %ne3A_70 : i32 to vector<16xi32>
    %ne3A_72 = arith.cmpi ne, %rem3A_69, %ne3A_71 : vector<16xi32>
    %and3A = arith.andi %ne3A_68, %ne3A_72 : vector<16xi1>
    %sub3A = arith.constant 1 : i32
    %sub3A_73 = vector.broadcast %sub3A : i32 to vector<16xi32>
    %sub3A_74 = arith.subi %div3A_52, %sub3A_73 : vector<16xi32>
    %select_n3A = arith.select %and3A, %sub3A_74, %div3A_52 : vector<16xi1>, vector<16xi32>
    %add3A_75 = arith.constant 16 : i32
    %add3A_76 = vector.broadcast %add3A_75 : i32 to vector<16xi32>
    %add3A_77 = arith.addi %iota3A, %add3A_76 : vector<16xi32>
    %jit3A_78 = arith.constant 8 : i32
    %div3A_79 = vector.broadcast %jit3A_78 : i32 to vector<16xi32>
    %div3A_80 = arith.divsi %add3A_77, %div3A_79 : vector<16xi32>
    %sign3A_81 = arith.constant 0 : i32
    %sign3A_82 = vector.broadcast %sign3A_81 : i32 to vector<16xi32>
    %sign3A_83 = arith.cmpi sgt, %add3A_77, %sign3A_82 : vector<16xi32>
    %sign3A_84 = arith.extui %sign3A_83 : vector<16xi1> to vector<16xi32>
    %sign3A_85 = arith.constant 0 : i32
    %sign3A_86 = vector.broadcast %sign3A_85 : i32 to vector<16xi32>
    %sign3A_87 = arith.cmpi slt, %add3A_77, %sign3A_86 : vector<16xi32>
    %sign3A_88 = arith.extui %sign3A_87 : vector<16xi1> to vector<16xi32>
    %sign3A_89 = arith.subi %sign3A_84, %sign3A_88 : vector<16xi32>
    %sign3A_90 = arith.constant 0 : i32
    %sign3A_91 = arith.cmpi sgt, %jit3A_78, %sign3A_90 : i32
    %sign3A_92 = arith.extui %sign3A_91 : i1 to i32
    %sign3A_93 = arith.constant 0 : i32
    %sign3A_94 = arith.cmpi slt, %jit3A_78, %sign3A_93 : i32
    %sign3A_95 = arith.extui %sign3A_94 : i1 to i32
    %sign3A_96 = arith.subi %sign3A_92, %sign3A_95 : i32
    %ne3A_97 = vector.broadcast %sign3A_96 : i32 to vector<16xi32>
    %ne3A_98 = arith.cmpi ne, %sign3A_89, %ne3A_97 : vector<16xi32>
    %rem3A_99 = vector.broadcast %jit3A_78 : i32 to vector<16xi32>
    %rem3A_100 = arith.remsi %add3A_77, %rem3A_99 : vector<16xi32>
    %ne3A_101 = arith.constant 0 : i32
    %ne3A_102 = vector.broadcast %ne3A_101 : i32 to vector<16xi32>
    %ne3A_103 = arith.cmpi ne, %rem3A_100, %ne3A_102 : vector<16xi32>
    %and3A_104 = arith.andi %ne3A_98, %ne3A_103 : vector<16xi1>
    %sub3A_105 = arith.constant 1 : i32
    %sub3A_106 = vector.broadcast %sub3A_105 : i32 to vector<16xi32>
    %sub3A_107 = arith.subi %div3A_80, %sub3A_106 : vector<16xi32>
    %select_n3A_108 = arith.select %and3A_104, %sub3A_107, %div3A_80 : vector<16xi1>, vector<16xi32>
    %add3A_109 = arith.constant 32 : i32
    %add3A_110 = vector.broadcast %add3A_109 : i32 to vector<16xi32>
    %add3A_111 = arith.addi %iota3A, %add3A_110 : vector<16xi32>
    %jit3A_112 = arith.constant 8 : i32
    %div3A_113 = vector.broadcast %jit3A_112 : i32 to vector<16xi32>
    %div3A_114 = arith.divsi %add3A_111, %div3A_113 : vector<16xi32>
    %sign3A_115 = arith.constant 0 : i32
    %sign3A_116 = vector.broadcast %sign3A_115 : i32 to vector<16xi32>
    %sign3A_117 = arith.cmpi sgt, %add3A_111, %sign3A_116 : vector<16xi32>
    %sign3A_118 = arith.extui %sign3A_117 : vector<16xi1> to vector<16xi32>
    %sign3A_119 = arith.constant 0 : i32
    %sign3A_120 = vector.broadcast %sign3A_119 : i32 to vector<16xi32>
    %sign3A_121 = arith.cmpi slt, %add3A_111, %sign3A_120 : vector<16xi32>
    %sign3A_122 = arith.extui %sign3A_121 : vector<16xi1> to vector<16xi32>
    %sign3A_123 = arith.subi %sign3A_118, %sign3A_122 : vector<16xi32>
    %sign3A_124 = arith.constant 0 : i32
    %sign3A_125 = arith.cmpi sgt, %jit3A_112, %sign3A_124 : i32
    %sign3A_126 = arith.extui %sign3A_125 : i1 to i32
    %sign3A_127 = arith.constant 0 : i32
    %sign3A_128 = arith.cmpi slt, %jit3A_112, %sign3A_127 : i32
    %sign3A_129 = arith.extui %sign3A_128 : i1 to i32
    %sign3A_130 = arith.subi %sign3A_126, %sign3A_129 : i32
    %ne3A_131 = vector.broadcast %sign3A_130 : i32 to vector<16xi32>
    %ne3A_132 = arith.cmpi ne, %sign3A_123, %ne3A_131 : vector<16xi32>
    %rem3A_133 = vector.broadcast %jit3A_112 : i32 to vector<16xi32>
    %rem3A_134 = arith.remsi %add3A_111, %rem3A_133 : vector<16xi32>
    %ne3A_135 = arith.constant 0 : i32
    %ne3A_136 = vector.broadcast %ne3A_135 : i32 to vector<16xi32>
    %ne3A_137 = arith.cmpi ne, %rem3A_134, %ne3A_136 : vector<16xi32>
    %and3A_138 = arith.andi %ne3A_132, %ne3A_137 : vector<16xi1>
    %sub3A_139 = arith.constant 1 : i32
    %sub3A_140 = vector.broadcast %sub3A_139 : i32 to vector<16xi32>
    %sub3A_141 = arith.subi %div3A_114, %sub3A_140 : vector<16xi32>
    %select_n3A_142 = arith.select %and3A_138, %sub3A_141, %div3A_114 : vector<16xi1>, vector<16xi32>
    %add3A_143 = arith.constant 48 : i32
    %add3A_144 = vector.broadcast %add3A_143 : i32 to vector<16xi32>
    %add3A_145 = arith.addi %iota3A, %add3A_144 : vector<16xi32>
    %jit3A_146 = arith.constant 8 : i32
    %div3A_147 = vector.broadcast %jit3A_146 : i32 to vector<16xi32>
    %div3A_148 = arith.divsi %add3A_145, %div3A_147 : vector<16xi32>
    %sign3A_149 = arith.constant 0 : i32
    %sign3A_150 = vector.broadcast %sign3A_149 : i32 to vector<16xi32>
    %sign3A_151 = arith.cmpi sgt, %add3A_145, %sign3A_150 : vector<16xi32>
    %sign3A_152 = arith.extui %sign3A_151 : vector<16xi1> to vector<16xi32>
    %sign3A_153 = arith.constant 0 : i32
    %sign3A_154 = vector.broadcast %sign3A_153 : i32 to vector<16xi32>
    %sign3A_155 = arith.cmpi slt, %add3A_145, %sign3A_154 : vector<16xi32>
    %sign3A_156 = arith.extui %sign3A_155 : vector<16xi1> to vector<16xi32>
    %sign3A_157 = arith.subi %sign3A_152, %sign3A_156 : vector<16xi32>
    %sign3A_158 = arith.constant 0 : i32
    %sign3A_159 = arith.cmpi sgt, %jit3A_146, %sign3A_158 : i32
    %sign3A_160 = arith.extui %sign3A_159 : i1 to i32
    %sign3A_161 = arith.constant 0 : i32
    %sign3A_162 = arith.cmpi slt, %jit3A_146, %sign3A_161 : i32
    %sign3A_163 = arith.extui %sign3A_162 : i1 to i32
    %sign3A_164 = arith.subi %sign3A_160, %sign3A_163 : i32
    %ne3A_165 = vector.broadcast %sign3A_164 : i32 to vector<16xi32>
    %ne3A_166 = arith.cmpi ne, %sign3A_157, %ne3A_165 : vector<16xi32>
    %rem3A_167 = vector.broadcast %jit3A_146 : i32 to vector<16xi32>
    %rem3A_168 = arith.remsi %add3A_145, %rem3A_167 : vector<16xi32>
    %ne3A_169 = arith.constant 0 : i32
    %ne3A_170 = vector.broadcast %ne3A_169 : i32 to vector<16xi32>
    %ne3A_171 = arith.cmpi ne, %rem3A_168, %ne3A_170 : vector<16xi32>
    %and3A_172 = arith.andi %ne3A_166, %ne3A_171 : vector<16xi1>
    %sub3A_173 = arith.constant 1 : i32
    %sub3A_174 = vector.broadcast %sub3A_173 : i32 to vector<16xi32>
    %sub3A_175 = arith.subi %div3A_148, %sub3A_174 : vector<16xi32>
    %select_n3A_176 = arith.select %and3A_172, %sub3A_175, %div3A_148 : vector<16xi1>, vector<16xi32>
    %add3A_177 = arith.constant 0 : i32
    %add3A_178 = vector.broadcast %add3A_177 : i32 to vector<16xi32>
    %add3A_179 = arith.addi %iota3A, %add3A_178 : vector<16xi32>
    %jit3A_180 = arith.constant 8 : i32
    %eq3A_181 = arith.constant 0 : i32
    %eq3A_182 = arith.cmpi eq, %jit3A_180, %eq3A_181 : i32
    %jit3A_183 = arith.constant 1 : i32
    %select_n3A_184 = arith.select %eq3A_182, %jit3A_183, %jit3A_180 : i32
    %rem3A_185 = vector.broadcast %select_n3A_184 : i32 to vector<16xi32>
    %rem3A_186 = arith.remsi %add3A_179, %rem3A_185 : vector<16xi32>
    %ne3A_187 = arith.constant 0 : i32
    %ne3A_188 = vector.broadcast %ne3A_187 : i32 to vector<16xi32>
    %ne3A_189 = arith.cmpi ne, %rem3A_186, %ne3A_188 : vector<16xi32>
    %lt3A = arith.constant 0 : i32
    %lt3A_190 = vector.broadcast %lt3A : i32 to vector<16xi32>
    %lt3A_191 = arith.cmpi slt, %rem3A_186, %lt3A_190 : vector<16xi32>
    %lt3A_192 = arith.constant 0 : i32
    %lt3A_193 = arith.cmpi slt, %select_n3A_184, %lt3A_192 : i32
    %ne3A_194 = vector.broadcast %lt3A_193 : i1 to vector<16xi1>
    %ne3A_195 = vector.broadcast %ne3A_194 : vector<16xi1> to vector<16xi1>
    %ne3A_196 = arith.xori %lt3A_191, %ne3A_195 : vector<16xi1>
    %and3A_197 = arith.andi %ne3A_196, %ne3A_189 : vector<16xi1>
    %add3A_198 = vector.broadcast %select_n3A_184 : i32 to vector<16xi32>
    %add3A_199 = arith.addi %rem3A_186, %add3A_198 : vector<16xi32>
    %select_n3A_200 = arith.select %and3A_197, %add3A_199, %rem3A_186 : vector<16xi1>, vector<16xi32>
    %add3A_201 = arith.constant 16 : i32
    %add3A_202 = vector.broadcast %add3A_201 : i32 to vector<16xi32>
    %add3A_203 = arith.addi %iota3A, %add3A_202 : vector<16xi32>
    %jit3A_204 = arith.constant 8 : i32
    %eq3A_205 = arith.constant 0 : i32
    %eq3A_206 = arith.cmpi eq, %jit3A_204, %eq3A_205 : i32
    %jit3A_207 = arith.constant 1 : i32
    %select_n3A_208 = arith.select %eq3A_206, %jit3A_207, %jit3A_204 : i32
    %rem3A_209 = vector.broadcast %select_n3A_208 : i32 to vector<16xi32>
    %rem3A_210 = arith.remsi %add3A_203, %rem3A_209 : vector<16xi32>
    %ne3A_211 = arith.constant 0 : i32
    %ne3A_212 = vector.broadcast %ne3A_211 : i32 to vector<16xi32>
    %ne3A_213 = arith.cmpi ne, %rem3A_210, %ne3A_212 : vector<16xi32>
    %lt3A_214 = arith.constant 0 : i32
    %lt3A_215 = vector.broadcast %lt3A_214 : i32 to vector<16xi32>
    %lt3A_216 = arith.cmpi slt, %rem3A_210, %lt3A_215 : vector<16xi32>
    %lt3A_217 = arith.constant 0 : i32
    %lt3A_218 = arith.cmpi slt, %select_n3A_208, %lt3A_217 : i32
    %ne3A_219 = vector.broadcast %lt3A_218 : i1 to vector<16xi1>
    %ne3A_220 = vector.broadcast %ne3A_219 : vector<16xi1> to vector<16xi1>
    %ne3A_221 = arith.xori %lt3A_216, %ne3A_220 : vector<16xi1>
    %and3A_222 = arith.andi %ne3A_221, %ne3A_213 : vector<16xi1>
    %add3A_223 = vector.broadcast %select_n3A_208 : i32 to vector<16xi32>
    %add3A_224 = arith.addi %rem3A_210, %add3A_223 : vector<16xi32>
    %select_n3A_225 = arith.select %and3A_222, %add3A_224, %rem3A_210 : vector<16xi1>, vector<16xi32>
    %add3A_226 = arith.constant 32 : i32
    %add3A_227 = vector.broadcast %add3A_226 : i32 to vector<16xi32>
    %add3A_228 = arith.addi %iota3A, %add3A_227 : vector<16xi32>
    %jit3A_229 = arith.constant 8 : i32
    %eq3A_230 = arith.constant 0 : i32
    %eq3A_231 = arith.cmpi eq, %jit3A_229, %eq3A_230 : i32
    %jit3A_232 = arith.constant 1 : i32
    %select_n3A_233 = arith.select %eq3A_231, %jit3A_232, %jit3A_229 : i32
    %rem3A_234 = vector.broadcast %select_n3A_233 : i32 to vector<16xi32>
    %rem3A_235 = arith.remsi %add3A_228, %rem3A_234 : vector<16xi32>
    %ne3A_236 = arith.constant 0 : i32
    %ne3A_237 = vector.broadcast %ne3A_236 : i32 to vector<16xi32>
    %ne3A_238 = arith.cmpi ne, %rem3A_235, %ne3A_237 : vector<16xi32>
    %lt3A_239 = arith.constant 0 : i32
    %lt3A_240 = vector.broadcast %lt3A_239 : i32 to vector<16xi32>
    %lt3A_241 = arith.cmpi slt, %rem3A_235, %lt3A_240 : vector<16xi32>
    %lt3A_242 = arith.constant 0 : i32
    %lt3A_243 = arith.cmpi slt, %select_n3A_233, %lt3A_242 : i32
    %ne3A_244 = vector.broadcast %lt3A_243 : i1 to vector<16xi1>
    %ne3A_245 = vector.broadcast %ne3A_244 : vector<16xi1> to vector<16xi1>
    %ne3A_246 = arith.xori %lt3A_241, %ne3A_245 : vector<16xi1>
    %and3A_247 = arith.andi %ne3A_246, %ne3A_238 : vector<16xi1>
    %add3A_248 = vector.broadcast %select_n3A_233 : i32 to vector<16xi32>
    %add3A_249 = arith.addi %rem3A_235, %add3A_248 : vector<16xi32>
    %select_n3A_250 = arith.select %and3A_247, %add3A_249, %rem3A_235 : vector<16xi1>, vector<16xi32>
    %add3A_251 = arith.constant 48 : i32
    %add3A_252 = vector.broadcast %add3A_251 : i32 to vector<16xi32>
    %add3A_253 = arith.addi %iota3A, %add3A_252 : vector<16xi32>
    %jit3A_254 = arith.constant 8 : i32
    %eq3A_255 = arith.constant 0 : i32
    %eq3A_256 = arith.cmpi eq, %jit3A_254, %eq3A_255 : i32
    %jit3A_257 = arith.constant 1 : i32
    %select_n3A_258 = arith.select %eq3A_256, %jit3A_257, %jit3A_254 : i32
    %rem3A_259 = vector.broadcast %select_n3A_258 : i32 to vector<16xi32>
    %rem3A_260 = arith.remsi %add3A_253, %rem3A_259 : vector<16xi32>
    %ne3A_261 = arith.constant 0 : i32
    %ne3A_262 = vector.broadcast %ne3A_261 : i32 to vector<16xi32>
    %ne3A_263 = arith.cmpi ne, %rem3A_260, %ne3A_262 : vector<16xi32>
    %lt3A_264 = arith.constant 0 : i32
    %lt3A_265 = vector.broadcast %lt3A_264 : i32 to vector<16xi32>
    %lt3A_266 = arith.cmpi slt, %rem3A_260, %lt3A_265 : vector<16xi32>
    %lt3A_267 = arith.constant 0 : i32
    %lt3A_268 = arith.cmpi slt, %select_n3A_258, %lt3A_267 : i32
    %ne3A_269 = vector.broadcast %lt3A_268 : i1 to vector<16xi1>
    %ne3A_270 = vector.broadcast %ne3A_269 : vector<16xi1> to vector<16xi1>
    %ne3A_271 = arith.xori %lt3A_266, %ne3A_270 : vector<16xi1>
    %and3A_272 = arith.andi %ne3A_271, %ne3A_263 : vector<16xi1>
    %add3A_273 = vector.broadcast %select_n3A_258 : i32 to vector<16xi32>
    %add3A_274 = arith.addi %rem3A_260, %add3A_273 : vector<16xi32>
    %select_n3A_275 = arith.select %and3A_272, %add3A_274, %rem3A_260 : vector<16xi1>, vector<16xi32>
    %parallel_loop3A = arith.constant 0 : i32
    %parallel_loop3A_276 = arith.constant 32 : i32
    %parallel_loop3A_277 = arith.constant 1 : i32
    scf.for %parallel_loop3A_720 = %parallel_loop3A to %parallel_loop3A_276 step %parallel_loop3A_277  : i32 {
      %parallel_loop3A_721 = arith.constant 4 : i32
      %parallel_loop3A_722 = arith.muli %parallel_loop3A_720, %parallel_loop3A_721 : i32
      %parallel_loop3A_723 = arith.constant 0 : i32
      %parallel_loop3A_724 = arith.addi %parallel_loop3A_722, %parallel_loop3A_723 : i32
      %parallel_loop3A_725 = vector.broadcast %parallel_loop3A_724 : i32 to vector<16xi32>
      %parallel_loop3A_726 = arith.constant 0 : i32
      %parallel_loop3A_727 = arith.index_cast %parallel_loop3A_726 : i32 to index
      %parallel_loop3A_728 = arith.index_cast %parallel_loop3A_724 : i32 to index
      %parallel_loop3A_729 = arith.constant 0 : index
      %parallel_loop3A_730 = tpu.vector_load %arg6[%parallel_loop3A_727, %parallel_loop3A_728, %parallel_loop3A_729] {strides = array<i32>} : memref<2x128x64xf32, #tpu.memory_space<vmem>>, vector<16xf32>,
      %parallel_loop3A_731 = arith.constant 0 : i32
      %parallel_loop3A_732 = arith.constant 0 : i32
      %parallel_loop3A_733 = arith.constant 0 : i32
      %parallel_loop3A_734 = arith.constant 0 : i32
      %parallel_loop3A_735 = arith.constant 0 : i32
      %parallel_loop3A_736 = tpu.memref_slice %arg7[%parallel_loop3A_731, %parallel_loop3A_732, %parallel_loop3A_733, %parallel_loop3A_734, %parallel_loop3A_735] : memref<2x8x1x8x129xf32, #tpu.memory_space<vmem>> -> memref<1x8x1x8x129xf32, #tpu.memory_space<vmem>>
      %parallel_loop3A_737 = tpu.memref_squeeze %parallel_loop3A_736 : memref<1x8x1x8x129xf32, #tpu.memory_space<vmem>> -> memref<8x1x8x129xf32, #tpu.memory_space<vmem>>
      tpu.vector_store_idx %parallel_loop3A_737[%select_n3A, %broadcast_in_dim3A_46, %select_n3A_200, %parallel_loop3A_725], %parallel_loop3A_730 : memref<8x1x8x129xf32, #tpu.memory_space<vmem>>[vector<16xi32>, vector<16xi32>, vector<16xi32>, vector<16xi32>], vector<16xf32>,
      %parallel_loop3A_738 = arith.constant 0 : i32
      %parallel_loop3A_739 = arith.index_cast %parallel_loop3A_738 : i32 to index
      %parallel_loop3A_740 = arith.index_cast %parallel_loop3A_724 : i32 to index
      %parallel_loop3A_741 = arith.constant 16 : index
      %parallel_loop3A_742 = tpu.vector_load %arg6[%parallel_loop3A_739, %parallel_loop3A_740, %parallel_loop3A_741] {strides = array<i32>} : memref<2x128x64xf32, #tpu.memory_space<vmem>>, vector<16xf32>,
      %parallel_loop3A_743 = arith.constant 0 : i32
      %parallel_loop3A_744 = arith.constant 0 : i32
      %parallel_loop3A_745 = arith.constant 0 : i32
      %parallel_loop3A_746 = arith.constant 0 : i32
      %parallel_loop3A_747 = arith.constant 0 : i32
      %parallel_loop3A_748 = tpu.memref_slice %arg7[%parallel_loop3A_743, %parallel_loop3A_744, %parallel_loop3A_745, %parallel_loop3A_746, %parallel_loop3A_747] : memref<2x8x1x8x129xf32, #tpu.memory_space<vmem>> -> memref<1x8x1x8x129xf32, #tpu.memory_space<vmem>>
      %parallel_loop3A_749 = tpu.memref_squeeze %parallel_loop3A_748 : memref<1x8x1x8x129xf32, #tpu.memory_space<vmem>> -> memref<8x1x8x129xf32, #tpu.memory_space<vmem>>
      tpu.vector_store_idx %parallel_loop3A_749[%select_n3A_108, %broadcast_in_dim3A_46, %select_n3A_225, %parallel_loop3A_725], %parallel_loop3A_742 : memref<8x1x8x129xf32, #tpu.memory_space<vmem>>[vector<16xi32>, vector<16xi32>, vector<16xi32>, vector<16xi32>], vector<16xf32>,
      %parallel_loop3A_750 = arith.constant 0 : i32
      %parallel_loop3A_751 = arith.index_cast %parallel_loop3A_750 : i32 to index
      %parallel_loop3A_752 = arith.index_cast %parallel_loop3A_724 : i32 to index
      %parallel_loop3A_753 = arith.constant 32 : index
      %parallel_loop3A_754 = tpu.vector_load %arg6[%parallel_loop3A_751, %parallel_loop3A_752, %parallel_loop3A_753] {strides = array<i32>} : memref<2x128x64xf32, #tpu.memory_space<vmem>>, vector<16xf32>,
      %parallel_loop3A_755 = arith.constant 0 : i32
      %parallel_loop3A_756 = arith.constant 0 : i32
      %parallel_loop3A_757 = arith.constant 0 : i32
      %parallel_loop3A_758 = arith.constant 0 : i32
      %parallel_loop3A_759 = arith.constant 0 : i32
      %parallel_loop3A_760 = tpu.memref_slice %arg7[%parallel_loop3A_755, %parallel_loop3A_756, %parallel_loop3A_757, %parallel_loop3A_758, %parallel_loop3A_759] : memref<2x8x1x8x129xf32, #tpu.memory_space<vmem>> -> memref<1x8x1x8x129xf32, #tpu.memory_space<vmem>>
      %parallel_loop3A_761 = tpu.memref_squeeze %parallel_loop3A_760 : memref<1x8x1x8x129xf32, #tpu.memory_space<vmem>> -> memref<8x1x8x129xf32, #tpu.memory_space<vmem>>
      tpu.vector_store_idx %parallel_loop3A_761[%select_n3A_142, %broadcast_in_dim3A_46, %select_n3A_250, %parallel_loop3A_725], %parallel_loop3A_754 : memref<8x1x8x129xf32, #tpu.memory_space<vmem>>[vector<16xi32>, vector<16xi32>, vector<16xi32>, vector<16xi32>], vector<16xf32>,
      %parallel_loop3A_762 = arith.constant 0 : i32
      %parallel_loop3A_763 = arith.index_cast %parallel_loop3A_762 : i32 to index
      %parallel_loop3A_764 = arith.index_cast %parallel_loop3A_724 : i32 to index
      %parallel_loop3A_765 = arith.constant 48 : index
      %parallel_loop3A_766 = tpu.vector_load %arg6[%parallel_loop3A_763, %parallel_loop3A_764, %parallel_loop3A_765] {strides = array<i32>} : memref<2x128x64xf32, #tpu.memory_space<vmem>>, vector<16xf32>,
      %parallel_loop3A_767 = arith.constant 0 : i32
      %parallel_loop3A_768 = arith.constant 0 : i32
      %parallel_loop3A_769 = arith.constant 0 : i32
      %parallel_loop3A_770 = arith.constant 0 : i32
      %parallel_loop3A_771 = arith.constant 0 : i32
      %parallel_loop3A_772 = tpu.memref_slice %arg7[%parallel_loop3A_767, %parallel_loop3A_768, %parallel_loop3A_769, %parallel_loop3A_770, %parallel_loop3A_771] : memref<2x8x1x8x129xf32, #tpu.memory_space<vmem>> -> memref<1x8x1x8x129xf32, #tpu.memory_space<vmem>>
      %parallel_loop3A_773 = tpu.memref_squeeze %parallel_loop3A_772 : memref<1x8x1x8x129xf32, #tpu.memory_space<vmem>> -> memref<8x1x8x129xf32, #tpu.memory_space<vmem>>
      tpu.vector_store_idx %parallel_loop3A_773[%select_n3A_176, %broadcast_in_dim3A_46, %select_n3A_275, %parallel_loop3A_725], %parallel_loop3A_766 : memref<8x1x8x129xf32, #tpu.memory_space<vmem>>[vector<16xi32>, vector<16xi32>, vector<16xi32>, vector<16xi32>], vector<16xf32>,
      %parallel_loop3A_774 = arith.constant 4 : i32
      %parallel_loop3A_775 = arith.muli %parallel_loop3A_720, %parallel_loop3A_774 : i32
      %parallel_loop3A_776 = arith.constant 1 : i32
      %parallel_loop3A_777 = arith.addi %parallel_loop3A_775, %parallel_loop3A_776 : i32
      %parallel_loop3A_778 = vector.broadcast %parallel_loop3A_777 : i32 to vector<16xi32>
      %parallel_loop3A_779 = arith.constant 0 : i32
      %parallel_loop3A_780 = arith.index_cast %parallel_loop3A_779 : i32 to index
      %parallel_loop3A_781 = arith.index_cast %parallel_loop3A_777 : i32 to index
      %parallel_loop3A_782 = arith.constant 0 : index
      %parallel_loop3A_783 = tpu.vector_load %arg6[%parallel_loop3A_780, %parallel_loop3A_781, %parallel_loop3A_782] {strides = array<i32>} : memref<2x128x64xf32, #tpu.memory_space<vmem>>, vector<16xf32>,
      %parallel_loop3A_784 = arith.constant 0 : i32
      %parallel_loop3A_785 = arith.constant 0 : i32
      %parallel_loop3A_786 = arith.constant 0 : i32
      %parallel_loop3A_787 = arith.constant 0 : i32
      %parallel_loop3A_788 = arith.constant 0 : i32
      %parallel_loop3A_789 = tpu.memref_slice %arg7[%parallel_loop3A_784, %parallel_loop3A_785, %parallel_loop3A_786, %parallel_loop3A_787, %parallel_loop3A_788] : memref<2x8x1x8x129xf32, #tpu.memory_space<vmem>> -> memref<1x8x1x8x129xf32, #tpu.memory_space<vmem>>
      %parallel_loop3A_790 = tpu.memref_squeeze %parallel_loop3A_789 : memref<1x8x1x8x129xf32, #tpu.memory_space<vmem>> -> memref<8x1x8x129xf32, #tpu.memory_space<vmem>>
      tpu.vector_store_idx %parallel_loop3A_790[%select_n3A, %broadcast_in_dim3A_46, %select_n3A_200, %parallel_loop3A_778], %parallel_loop3A_783 : memref<8x1x8x129xf32, #tpu.memory_space<vmem>>[vector<16xi32>, vector<16xi32>, vector<16xi32>, vector<16xi32>], vector<16xf32>,
      %parallel_loop3A_791 = arith.constant 0 : i32
      %parallel_loop3A_792 = arith.index_cast %parallel_loop3A_791 : i32 to index
      %parallel_loop3A_793 = arith.index_cast %parallel_loop3A_777 : i32 to index
      %parallel_loop3A_794 = arith.constant 16 : index
      %parallel_loop3A_795 = tpu.vector_load %arg6[%parallel_loop3A_792, %parallel_loop3A_793, %parallel_loop3A_794] {strides = array<i32>} : memref<2x128x64xf32, #tpu.memory_space<vmem>>, vector<16xf32>,
      %parallel_loop3A_796 = arith.constant 0 : i32
      %parallel_loop3A_797 = arith.constant 0 : i32
      %parallel_loop3A_798 = arith.constant 0 : i32
      %parallel_loop3A_799 = arith.constant 0 : i32
      %parallel_loop3A_800 = arith.constant 0 : i32
      %parallel_loop3A_801 = tpu.memref_slice %arg7[%parallel_loop3A_796, %parallel_loop3A_797, %parallel_loop3A_798, %parallel_loop3A_799, %parallel_loop3A_800] : memref<2x8x1x8x129xf32, #tpu.memory_space<vmem>> -> memref<1x8x1x8x129xf32, #tpu.memory_space<vmem>>
      %parallel_loop3A_802 = tpu.memref_squeeze %parallel_loop3A_801 : memref<1x8x1x8x129xf32, #tpu.memory_space<vmem>> -> memref<8x1x8x129xf32, #tpu.memory_space<vmem>>
      tpu.vector_store_idx %parallel_loop3A_802[%select_n3A_108, %broadcast_in_dim3A_46, %select_n3A_225, %parallel_loop3A_778], %parallel_loop3A_795 : memref<8x1x8x129xf32, #tpu.memory_space<vmem>>[vector<16xi32>, vector<16xi32>, vector<16xi32>, vector<16xi32>], vector<16xf32>,
      %parallel_loop3A_803 = arith.constant 0 : i32
      %parallel_loop3A_804 = arith.index_cast %parallel_loop3A_803 : i32 to index
      %parallel_loop3A_805 = arith.index_cast %parallel_loop3A_777 : i32 to index
      %parallel_loop3A_806 = arith.constant 32 : index
      %parallel_loop3A_807 = tpu.vector_load %arg6[%parallel_loop3A_804, %parallel_loop3A_805, %parallel_loop3A_806] {strides = array<i32>} : memref<2x128x64xf32, #tpu.memory_space<vmem>>, vector<16xf32>,
      %parallel_loop3A_808 = arith.constant 0 : i32
      %parallel_loop3A_809 = arith.constant 0 : i32
      %parallel_loop3A_810 = arith.constant 0 : i32
      %parallel_loop3A_811 = arith.constant 0 : i32
      %parallel_loop3A_812 = arith.constant 0 : i32
      %parallel_loop3A_813 = tpu.memref_slice %arg7[%parallel_loop3A_808, %parallel_loop3A_809, %parallel_loop3A_810, %parallel_loop3A_811, %parallel_loop3A_812] : memref<2x8x1x8x129xf32, #tpu.memory_space<vmem>> -> memref<1x8x1x8x129xf32, #tpu.memory_space<vmem>>
      %parallel_loop3A_814 = tpu.memref_squeeze %parallel_loop3A_813 : memref<1x8x1x8x129xf32, #tpu.memory_space<vmem>> -> memref<8x1x8x129xf32, #tpu.memory_space<vmem>>
      tpu.vector_store_idx %parallel_loop3A_814[%select_n3A_142, %broadcast_in_dim3A_46, %select_n3A_250, %parallel_loop3A_778], %parallel_loop3A_807 : memref<8x1x8x129xf32, #tpu.memory_space<vmem>>[vector<16xi32>, vector<16xi32>, vector<16xi32>, vector<16xi32>], vector<16xf32>,
      %parallel_loop3A_815 = arith.constant 0 : i32
      %parallel_loop3A_816 = arith.index_cast %parallel_loop3A_815 : i32 to index
      %parallel_loop3A_817 = arith.index_cast %parallel_loop3A_777 : i32 to index
      %parallel_loop3A_818 = arith.constant 48 : index
      %parallel_loop3A_819 = tpu.vector_load %arg6[%parallel_loop3A_816, %parallel_loop3A_817, %parallel_loop3A_818] {strides = array<i32>} : memref<2x128x64xf32, #tpu.memory_space<vmem>>, vector<16xf32>,
      %parallel_loop3A_820 = arith.constant 0 : i32
      %parallel_loop3A_821 = arith.constant 0 : i32
      %parallel_loop3A_822 = arith.constant 0 : i32
      %parallel_loop3A_823 = arith.constant 0 : i32
      %parallel_loop3A_824 = arith.constant 0 : i32
      %parallel_loop3A_825 = tpu.memref_slice %arg7[%parallel_loop3A_820, %parallel_loop3A_821, %parallel_loop3A_822, %parallel_loop3A_823, %parallel_loop3A_824] : memref<2x8x1x8x129xf32, #tpu.memory_space<vmem>> -> memref<1x8x1x8x129xf32, #tpu.memory_space<vmem>>
      %parallel_loop3A_826 = tpu.memref_squeeze %parallel_loop3A_825 : memref<1x8x1x8x129xf32, #tpu.memory_space<vmem>> -> memref<8x1x8x129xf32, #tpu.memory_space<vmem>>
      tpu.vector_store_idx %parallel_loop3A_826[%select_n3A_176, %broadcast_in_dim3A_46, %select_n3A_275, %parallel_loop3A_778], %parallel_loop3A_819 : memref<8x1x8x129xf32, #tpu.memory_space<vmem>>[vector<16xi32>, vector<16xi32>, vector<16xi32>, vector<16xi32>], vector<16xf32>,
      %parallel_loop3A_827 = arith.constant 4 : i32
      %parallel_loop3A_828 = arith.muli %parallel_loop3A_720, %parallel_loop3A_827 : i32
      %parallel_loop3A_829 = arith.constant 2 : i32
      %parallel_loop3A_830 = arith.addi %parallel_loop3A_828, %parallel_loop3A_829 : i32
      %parallel_loop3A_831 = vector.broadcast %parallel_loop3A_830 : i32 to vector<16xi32>
      %parallel_loop3A_832 = arith.constant 0 : i32
      %parallel_loop3A_833 = arith.index_cast %parallel_loop3A_832 : i32 to index
      %parallel_loop3A_834 = arith.index_cast %parallel_loop3A_830 : i32 to index
      %parallel_loop3A_835 = arith.constant 0 : index
      %parallel_loop3A_836 = tpu.vector_load %arg6[%parallel_loop3A_833, %parallel_loop3A_834, %parallel_loop3A_835] {strides = array<i32>} : memref<2x128x64xf32, #tpu.memory_space<vmem>>, vector<16xf32>,
      %parallel_loop3A_837 = arith.constant 0 : i32
      %parallel_loop3A_838 = arith.constant 0 : i32
      %parallel_loop3A_839 = arith.constant 0 : i32
      %parallel_loop3A_840 = arith.constant 0 : i32
      %parallel_loop3A_841 = arith.constant 0 : i32
      %parallel_loop3A_842 = tpu.memref_slice %arg7[%parallel_loop3A_837, %parallel_loop3A_838, %parallel_loop3A_839, %parallel_loop3A_840, %parallel_loop3A_841] : memref<2x8x1x8x129xf32, #tpu.memory_space<vmem>> -> memref<1x8x1x8x129xf32, #tpu.memory_space<vmem>>
      %parallel_loop3A_843 = tpu.memref_squeeze %parallel_loop3A_842 : memref<1x8x1x8x129xf32, #tpu.memory_space<vmem>> -> memref<8x1x8x129xf32, #tpu.memory_space<vmem>>
      tpu.vector_store_idx %parallel_loop3A_843[%select_n3A, %broadcast_in_dim3A_46, %select_n3A_200, %parallel_loop3A_831], %parallel_loop3A_836 : memref<8x1x8x129xf32, #tpu.memory_space<vmem>>[vector<16xi32>, vector<16xi32>, vector<16xi32>, vector<16xi32>], vector<16xf32>,
      %parallel_loop3A_844 = arith.constant 0 : i32
      %parallel_loop3A_845 = arith.index_cast %parallel_loop3A_844 : i32 to index
      %parallel_loop3A_846 = arith.index_cast %parallel_loop3A_830 : i32 to index
      %parallel_loop3A_847 = arith.constant 16 : index
      %parallel_loop3A_848 = tpu.vector_load %arg6[%parallel_loop3A_845, %parallel_loop3A_846, %parallel_loop3A_847] {strides = array<i32>} : memref<2x128x64xf32, #tpu.memory_space<vmem>>, vector<16xf32>,
      %parallel_loop3A_849 = arith.constant 0 : i32
      %parallel_loop3A_850 = arith.constant 0 : i32
      %parallel_loop3A_851 = arith.constant 0 : i32
      %parallel_loop3A_852 = arith.constant 0 : i32
      %parallel_loop3A_853 = arith.constant 0 : i32
      %parallel_loop3A_854 = tpu.memref_slice %arg7[%parallel_loop3A_849, %parallel_loop3A_850, %parallel_loop3A_851, %parallel_loop3A_852, %parallel_loop3A_853] : memref<2x8x1x8x129xf32, #tpu.memory_space<vmem>> -> memref<1x8x1x8x129xf32, #tpu.memory_space<vmem>>
      %parallel_loop3A_855 = tpu.memref_squeeze %parallel_loop3A_854 : memref<1x8x1x8x129xf32, #tpu.memory_space<vmem>> -> memref<8x1x8x129xf32, #tpu.memory_space<vmem>>
      tpu.vector_store_idx %parallel_loop3A_855[%select_n3A_108, %broadcast_in_dim3A_46, %select_n3A_225, %parallel_loop3A_831], %parallel_loop3A_848 : memref<8x1x8x129xf32, #tpu.memory_space<vmem>>[vector<16xi32>, vector<16xi32>, vector<16xi32>, vector<16xi32>], vector<16xf32>,
      %parallel_loop3A_856 = arith.constant 0 : i32
      %parallel_loop3A_857 = arith.index_cast %parallel_loop3A_856 : i32 to index
      %parallel_loop3A_858 = arith.index_cast %parallel_loop3A_830 : i32 to index
      %parallel_loop3A_859 = arith.constant 32 : index
      %parallel_loop3A_860 = tpu.vector_load %arg6[%parallel_loop3A_857, %parallel_loop3A_858, %parallel_loop3A_859] {strides = array<i32>} : memref<2x128x64xf32, #tpu.memory_space<vmem>>, vector<16xf32>,
      %parallel_loop3A_861 = arith.constant 0 : i32
      %parallel_loop3A_862 = arith.constant 0 : i32
      %parallel_loop3A_863 = arith.constant 0 : i32
      %parallel_loop3A_864 = arith.constant 0 : i32
      %parallel_loop3A_865 = arith.constant 0 : i32
      %parallel_loop3A_866 = tpu.memref_slice %arg7[%parallel_loop3A_861, %parallel_loop3A_862, %parallel_loop3A_863, %parallel_loop3A_864, %parallel_loop3A_865] : memref<2x8x1x8x129xf32, #tpu.memory_space<vmem>> -> memref<1x8x1x8x129xf32, #tpu.memory_space<vmem>>
      %parallel_loop3A_867 = tpu.memref_squeeze %parallel_loop3A_866 : memref<1x8x1x8x129xf32, #tpu.memory_space<vmem>> -> memref<8x1x8x129xf32, #tpu.memory_space<vmem>>
      tpu.vector_store_idx %parallel_loop3A_867[%select_n3A_142, %broadcast_in_dim3A_46, %select_n3A_250, %parallel_loop3A_831], %parallel_loop3A_860 : memref<8x1x8x129xf32, #tpu.memory_space<vmem>>[vector<16xi32>, vector<16xi32>, vector<16xi32>, vector<16xi32>], vector<16xf32>,
      %parallel_loop3A_868 = arith.constant 0 : i32
      %parallel_loop3A_869 = arith.index_cast %parallel_loop3A_868 : i32 to index
      %parallel_loop3A_870 = arith.index_cast %parallel_loop3A_830 : i32 to index
      %parallel_loop3A_871 = arith.constant 48 : index
      %parallel_loop3A_872 = tpu.vector_load %arg6[%parallel_loop3A_869, %parallel_loop3A_870, %parallel_loop3A_871] {strides = array<i32>} : memref<2x128x64xf32, #tpu.memory_space<vmem>>, vector<16xf32>,
      %parallel_loop3A_873 = arith.constant 0 : i32
      %parallel_loop3A_874 = arith.constant 0 : i32
      %parallel_loop3A_875 = arith.constant 0 : i32
      %parallel_loop3A_876 = arith.constant 0 : i32
      %parallel_loop3A_877 = arith.constant 0 : i32
      %parallel_loop3A_878 = tpu.memref_slice %arg7[%parallel_loop3A_873, %parallel_loop3A_874, %parallel_loop3A_875, %parallel_loop3A_876, %parallel_loop3A_877] : memref<2x8x1x8x129xf32, #tpu.memory_space<vmem>> -> memref<1x8x1x8x129xf32, #tpu.memory_space<vmem>>
      %parallel_loop3A_879 = tpu.memref_squeeze %parallel_loop3A_878 : memref<1x8x1x8x129xf32, #tpu.memory_space<vmem>> -> memref<8x1x8x129xf32, #tpu.memory_space<vmem>>
      tpu.vector_store_idx %parallel_loop3A_879[%select_n3A_176, %broadcast_in_dim3A_46, %select_n3A_275, %parallel_loop3A_831], %parallel_loop3A_872 : memref<8x1x8x129xf32, #tpu.memory_space<vmem>>[vector<16xi32>, vector<16xi32>, vector<16xi32>, vector<16xi32>], vector<16xf32>,
      %parallel_loop3A_880 = arith.constant 4 : i32
      %parallel_loop3A_881 = arith.muli %parallel_loop3A_720, %parallel_loop3A_880 : i32
      %parallel_loop3A_882 = arith.constant 3 : i32
      %parallel_loop3A_883 = arith.addi %parallel_loop3A_881, %parallel_loop3A_882 : i32
      %parallel_loop3A_884 = vector.broadcast %parallel_loop3A_883 : i32 to vector<16xi32>
      %parallel_loop3A_885 = arith.constant 0 : i32
      %parallel_loop3A_886 = arith.index_cast %parallel_loop3A_885 : i32 to index
      %parallel_loop3A_887 = arith.index_cast %parallel_loop3A_883 : i32 to index
      %parallel_loop3A_888 = arith.constant 0 : index
      %parallel_loop3A_889 = tpu.vector_load %arg6[%parallel_loop3A_886, %parallel_loop3A_887, %parallel_loop3A_888] {strides = array<i32>} : memref<2x128x64xf32, #tpu.memory_space<vmem>>, vector<16xf32>,
      %parallel_loop3A_890 = arith.constant 0 : i32
      %parallel_loop3A_891 = arith.constant 0 : i32
      %parallel_loop3A_892 = arith.constant 0 : i32
      %parallel_loop3A_893 = arith.constant 0 : i32
      %parallel_loop3A_894 = arith.constant 0 : i32
      %parallel_loop3A_895 = tpu.memref_slice %arg7[%parallel_loop3A_890, %parallel_loop3A_891, %parallel_loop3A_892, %parallel_loop3A_893, %parallel_loop3A_894] : memref<2x8x1x8x129xf32, #tpu.memory_space<vmem>> -> memref<1x8x1x8x129xf32, #tpu.memory_space<vmem>>
      %parallel_loop3A_896 = tpu.memref_squeeze %parallel_loop3A_895 : memref<1x8x1x8x129xf32, #tpu.memory_space<vmem>> -> memref<8x1x8x129xf32, #tpu.memory_space<vmem>>
      tpu.vector_store_idx %parallel_loop3A_896[%select_n3A, %broadcast_in_dim3A_46, %select_n3A_200, %parallel_loop3A_884], %parallel_loop3A_889 : memref<8x1x8x129xf32, #tpu.memory_space<vmem>>[vector<16xi32>, vector<16xi32>, vector<16xi32>, vector<16xi32>], vector<16xf32>,
      %parallel_loop3A_897 = arith.constant 0 : i32
      %parallel_loop3A_898 = arith.index_cast %parallel_loop3A_897 : i32 to index
      %parallel_loop3A_899 = arith.index_cast %parallel_loop3A_883 : i32 to index
      %parallel_loop3A_900 = arith.constant 16 : index
      %parallel_loop3A_901 = tpu.vector_load %arg6[%parallel_loop3A_898, %parallel_loop3A_899, %parallel_loop3A_900] {strides = array<i32>} : memref<2x128x64xf32, #tpu.memory_space<vmem>>, vector<16xf32>,
      %parallel_loop3A_902 = arith.constant 0 : i32
      %parallel_loop3A_903 = arith.constant 0 : i32
      %parallel_loop3A_904 = arith.constant 0 : i32
      %parallel_loop3A_905 = arith.constant 0 : i32
      %parallel_loop3A_906 = arith.constant 0 : i32
      %parallel_loop3A_907 = tpu.memref_slice %arg7[%parallel_loop3A_902, %parallel_loop3A_903, %parallel_loop3A_904, %parallel_loop3A_905, %parallel_loop3A_906] : memref<2x8x1x8x129xf32, #tpu.memory_space<vmem>> -> memref<1x8x1x8x129xf32, #tpu.memory_space<vmem>>
      %parallel_loop3A_908 = tpu.memref_squeeze %parallel_loop3A_907 : memref<1x8x1x8x129xf32, #tpu.memory_space<vmem>> -> memref<8x1x8x129xf32, #tpu.memory_space<vmem>>
      tpu.vector_store_idx %parallel_loop3A_908[%select_n3A_108, %broadcast_in_dim3A_46, %select_n3A_225, %parallel_loop3A_884], %parallel_loop3A_901 : memref<8x1x8x129xf32, #tpu.memory_space<vmem>>[vector<16xi32>, vector<16xi32>, vector<16xi32>, vector<16xi32>], vector<16xf32>,
      %parallel_loop3A_909 = arith.constant 0 : i32
      %parallel_loop3A_910 = arith.index_cast %parallel_loop3A_909 : i32 to index
      %parallel_loop3A_911 = arith.index_cast %parallel_loop3A_883 : i32 to index
      %parallel_loop3A_912 = arith.constant 32 : index
      %parallel_loop3A_913 = tpu.vector_load %arg6[%parallel_loop3A_910, %parallel_loop3A_911, %parallel_loop3A_912] {strides = array<i32>} : memref<2x128x64xf32, #tpu.memory_space<vmem>>, vector<16xf32>,
      %parallel_loop3A_914 = arith.constant 0 : i32
      %parallel_loop3A_915 = arith.constant 0 : i32
      %parallel_loop3A_916 = arith.constant 0 : i32
      %parallel_loop3A_917 = arith.constant 0 : i32
      %parallel_loop3A_918 = arith.constant 0 : i32
      %parallel_loop3A_919 = tpu.memref_slice %arg7[%parallel_loop3A_914, %parallel_loop3A_915, %parallel_loop3A_916, %parallel_loop3A_917, %parallel_loop3A_918] : memref<2x8x1x8x129xf32, #tpu.memory_space<vmem>> -> memref<1x8x1x8x129xf32, #tpu.memory_space<vmem>>
      %parallel_loop3A_920 = tpu.memref_squeeze %parallel_loop3A_919 : memref<1x8x1x8x129xf32, #tpu.memory_space<vmem>> -> memref<8x1x8x129xf32, #tpu.memory_space<vmem>>
      tpu.vector_store_idx %parallel_loop3A_920[%select_n3A_142, %broadcast_in_dim3A_46, %select_n3A_250, %parallel_loop3A_884], %parallel_loop3A_913 : memref<8x1x8x129xf32, #tpu.memory_space<vmem>>[vector<16xi32>, vector<16xi32>, vector<16xi32>, vector<16xi32>], vector<16xf32>,
      %parallel_loop3A_921 = arith.constant 0 : i32
      %parallel_loop3A_922 = arith.index_cast %parallel_loop3A_921 : i32 to index
      %parallel_loop3A_923 = arith.index_cast %parallel_loop3A_883 : i32 to index
      %parallel_loop3A_924 = arith.constant 48 : index
      %parallel_loop3A_925 = tpu.vector_load %arg6[%parallel_loop3A_922, %parallel_loop3A_923, %parallel_loop3A_924] {strides = array<i32>} : memref<2x128x64xf32, #tpu.memory_space<vmem>>, vector<16xf32>,
      %parallel_loop3A_926 = arith.constant 0 : i32
      %parallel_loop3A_927 = arith.constant 0 : i32
      %parallel_loop3A_928 = arith.constant 0 : i32
      %parallel_loop3A_929 = arith.constant 0 : i32
      %parallel_loop3A_930 = arith.constant 0 : i32
      %parallel_loop3A_931 = tpu.memref_slice %arg7[%parallel_loop3A_926, %parallel_loop3A_927, %parallel_loop3A_928, %parallel_loop3A_929, %parallel_loop3A_930] : memref<2x8x1x8x129xf32, #tpu.memory_space<vmem>> -> memref<1x8x1x8x129xf32, #tpu.memory_space<vmem>>
      %parallel_loop3A_932 = tpu.memref_squeeze %parallel_loop3A_931 : memref<1x8x1x8x129xf32, #tpu.memory_space<vmem>> -> memref<8x1x8x129xf32, #tpu.memory_space<vmem>>
      tpu.vector_store_idx %parallel_loop3A_932[%select_n3A_176, %broadcast_in_dim3A_46, %select_n3A_275, %parallel_loop3A_884], %parallel_loop3A_925 : memref<8x1x8x129xf32, #tpu.memory_space<vmem>>[vector<16xi32>, vector<16xi32>, vector<16xi32>, vector<16xi32>], vector<16xf32>,
    } {sc.loop_unroll_factor = 2 : i64, sc.parallel_access}
    %jit3A_278 = arith.constant 128 : i32
    %div3A_279 = arith.divsi %mul3A_2, %jit3A_278 : i32
    %sign3A_280 = arith.constant 0 : i32
    %sign3A_281 = arith.cmpi sgt, %mul3A_2, %sign3A_280 : i32
    %sign3A_282 = arith.extui %sign3A_281 : i1 to i32
    %sign3A_283 = arith.constant 0 : i32
    %sign3A_284 = arith.cmpi slt, %mul3A_2, %sign3A_283 : i32
    %sign3A_285 = arith.extui %sign3A_284 : i1 to i32
    %sign3A_286 = arith.subi %sign3A_282, %sign3A_285 : i32
    %sign3A_287 = arith.constant 0 : i32
    %sign3A_288 = arith.cmpi sgt, %jit3A_278, %sign3A_287 : i32
    %sign3A_289 = arith.extui %sign3A_288 : i1 to i32
    %sign3A_290 = arith.constant 0 : i32
    %sign3A_291 = arith.cmpi slt, %jit3A_278, %sign3A_290 : i32
    %sign3A_292 = arith.extui %sign3A_291 : i1 to i32
    %sign3A_293 = arith.subi %sign3A_289, %sign3A_292 : i32
    %ne3A_294 = arith.cmpi ne, %sign3A_286, %sign3A_293 : i32
    %rem3A_295 = arith.remsi %mul3A_2, %jit3A_278 : i32
    %ne3A_296 = arith.constant 0 : i32
    %ne3A_297 = arith.cmpi ne, %rem3A_295, %ne3A_296 : i32
    %and3A_298 = arith.andi %ne3A_294, %ne3A_297 : i1
    %sub3A_299 = arith.constant 1 : i32
    %sub3A_300 = arith.subi %div3A_279, %sub3A_299 : i32
    %select_n3A_301 = arith.select %and3A_298, %sub3A_300, %div3A_279 : i32
    %add3A_302 = arith.constant 0 : i32
    %add3A_303 = arith.addi %select_n3A_301, %add3A_302 : i32
    %dma_start3A_304 = arith.constant 0 : i32
    %dma_start3A_305 = arith.constant 0 : i32
    %dma_start3A_306 = arith.constant 0 : i32
    %dma_start3A_307 = arith.constant 0 : i32
    %dma_start3A_308 = arith.constant 0 : i32
    %dma_start3A_309 = arith.constant 0 : i32
    %dma_start3A_310 = tpu.memref_slice %arg7[%dma_start3A_304, %dma_start3A_306, %dma_start3A_307, %dma_start3A_308, %dma_start3A_309] : memref<2x8x1x8x129xf32, #tpu.memory_space<vmem>> -> memref<1x8x1x8x128xf32, #tpu.memory_space<vmem>>
    %dma_start3A_311 = tpu.memref_squeeze %dma_start3A_310 : memref<1x8x1x8x128xf32, #tpu.memory_space<vmem>> -> memref<8x1x8x128xf32, #tpu.memory_space<vmem>>
    %dma_start3A_312 = arith.constant 0 : i32
    %dma_start3A_313 = arith.constant 0 : i32
    %dma_start3A_314 = arith.constant 0 : i32
    %dma_start3A_315 = tpu.memref_slice %arg4[%dma_start3A_305, %dma_start3A_312, %add3A_303, %dma_start3A_313, %dma_start3A_314] : memref<50x8x128x8x128xf32, #tpu.memory_space<hbm>> -> memref<1x8x1x8x128xf32, #tpu.memory_space<hbm>>
    %dma_start3A_316 = tpu.memref_squeeze %dma_start3A_315 : memref<1x8x1x8x128xf32, #tpu.memory_space<hbm>> -> memref<8x1x8x128xf32, #tpu.memory_space<hbm>>
    %dma_start3A_317 = arith.constant 0 : i32
    %dma_start3A_318 = arith.constant 0 : i32
    %dma_start3A_319 = arith.constant 0 : i32
    %dma_start3A_320 = tpu.memref_slice %arg4[%dma_start3A_305, %dma_start3A_317, %add3A_303, %dma_start3A_318, %dma_start3A_319] : memref<50x8x128x8x128xf32, #tpu.memory_space<hbm>> -> memref<1x8x1x8x128xf32, #tpu.memory_space<hbm>>
    %dma_start3A_321 = tpu.memref_squeeze %dma_start3A_320 : memref<1x8x1x8x128xf32, #tpu.memory_space<hbm>> -> memref<8x1x8x128xf32, #tpu.memory_space<hbm>>
    %dma_start3A_322 = arith.constant 0 : i32
    %dma_start3A_323 = arith.constant 0 : i32
    %dma_start3A_324 = arith.constant 0 : i32
    %dma_start3A_325 = arith.constant 0 : i32
    %dma_start3A_326 = tpu.memref_slice %arg7[%dma_start3A_304, %dma_start3A_322, %dma_start3A_323, %dma_start3A_324, %dma_start3A_325] : memref<2x8x1x8x129xf32, #tpu.memory_space<vmem>> -> memref<1x8x1x8x128xf32, #tpu.memory_space<vmem>>
    %dma_start3A_327 = tpu.memref_squeeze %dma_start3A_326 : memref<1x8x1x8x128xf32, #tpu.memory_space<vmem>> -> memref<8x1x8x128xf32, #tpu.memory_space<vmem>>
    tpu.enqueue_dma source(%dma_start3A_327 : memref<8x1x8x128xf32, #tpu.memory_space<vmem>>) target(%dma_start3A_321 : memref<8x1x8x128xf32, #tpu.memory_space<hbm>>) target_semaphore(%arg11 : memref<!tpu.dma_semaphore, #tpu.memory_space<semaphore_mem>>)
    %dma_start3A_328 = arith.constant 0 : i32
    %dma_start3A_329 = arith.constant 2 : i32
    %dma_start3A_330 = arith.constant 0 : i32
    %dma_start3A_331 = arith.constant 0 : i32
    %dma_start3A_332 = arith.constant 0 : i32
    %dma_start3A_333 = tpu.memref_slice %arg6[%dma_start3A_330, %dma_start3A_331, %dma_start3A_332] : memref<2x128x64xf32, #tpu.memory_space<vmem>> -> memref<1x128x64xf32, #tpu.memory_space<vmem>>
    %dma_start3A_334 = tpu.memref_squeeze %dma_start3A_333 : memref<1x128x64xf32, #tpu.memory_space<vmem>> -> memref<128x64xf32, #tpu.memory_space<vmem>>
    %dma_start3A_335 = arith.constant 0 : i32
    %dma_start3A_336 = tpu.memref_slice %arg5[%dma_start3A_328, %dma_start3A_329, %dma_start3A_335] : memref<50x4x128xi32, #tpu.memory_space<vmem>> -> memref<1x1x128xi32, #tpu.memory_space<vmem>>
    %dma_start3A_337 = tpu.memref_squeeze %dma_start3A_336 : memref<1x1x128xi32, #tpu.memory_space<vmem>> -> memref<128xi32, #tpu.memory_space<vmem>>
    %dma_start3A_338 = arith.constant 0 : i32
    %dma_start3A_339 = arith.constant 0 : i32
    %dma_start3A_340 = tpu.memref_slice %arg8[%dma_start3A_338, %dma_start3A_339] : memref<512x64xf32, #tpu.memory_space<vmem_shared>> -> memref<512x64xf32, #tpu.memory_space<vmem_shared>>
    tpu.enqueue_indirect_dma source(%dma_start3A_340 : memref<512x64xf32, #tpu.memory_space<vmem_shared>>) target(%dma_start3A_334 : memref<128x64xf32, #tpu.memory_space<vmem>>) offsets(%dma_start3A_337 : memref<128xi32, #tpu.memory_space<vmem>>) semaphore(%arg9 : memref<!tpu.dma_semaphore, #tpu.memory_space<semaphore_mem>>)
    %dma_wait3A_341 = arith.constant 1 : i32
    %dma_wait3A_342 = arith.constant 0 : i32
    %dma_wait3A_343 = arith.constant 0 : i32
    %dma_wait3A_344 = tpu.memref_slice %arg6[%dma_wait3A_341, %dma_wait3A_342, %dma_wait3A_343] : memref<2x128x64xf32, #tpu.memory_space<vmem>> -> memref<1x128x64xf32, #tpu.memory_space<vmem>>
    %dma_wait3A_345 = tpu.memref_squeeze %dma_wait3A_344 : memref<1x128x64xf32, #tpu.memory_space<vmem>> -> memref<128x64xf32, #tpu.memory_space<vmem>>
    %dma_wait3A_346 = arith.constant 0 : i32
    %dma_wait3A_347 = arith.constant 0 : i32
    %dma_wait3A_348 = tpu.memref_slice %arg3[%dma_wait3A_346, %dma_wait3A_347] : memref<512x64xf32, #tpu.memory_space<hbm>> -> memref<128x64xf32, #tpu.memory_space<hbm>>
    %dma_wait3A_349 = arith.constant 0 : i32
    %dma_wait3A_350 = arith.constant 0 : i32
    %dma_wait3A_351 = tpu.memref_slice %arg6[%dma_wait3A_341, %dma_wait3A_349, %dma_wait3A_350] : memref<2x128x64xf32, #tpu.memory_space<vmem>> -> memref<1x128x64xf32, #tpu.memory_space<vmem>>
    %dma_wait3A_352 = tpu.memref_squeeze %dma_wait3A_351 : memref<1x128x64xf32, #tpu.memory_space<vmem>> -> memref<128x64xf32, #tpu.memory_space<vmem>>
    %dma_wait3A_353 = arith.constant 0 : i32
    %dma_wait3A_354 = arith.constant 0 : i32
    %dma_wait3A_355 = tpu.memref_slice %arg3[%dma_wait3A_353, %dma_wait3A_354] : memref<512x64xf32, #tpu.memory_space<hbm>> -> memref<128x64xf32, #tpu.memory_space<hbm>>
    tpu.wait_dma2 semaphore(%arg10 : memref<!tpu.dma_semaphore, #tpu.memory_space<semaphore_mem>>) src(%dma_wait3A_355 : memref<128x64xf32, #tpu.memory_space<hbm>>) dst(%dma_wait3A_352 : memref<128x64xf32, #tpu.memory_space<vmem>>)
    %iota3A_356 = tpu.iota {dimensions = array<i32: 0>} : vector<16xi32>
    %broadcast_in_dim3A_357 = arith.constant 0 : i32
    %broadcast_in_dim3A_358 = vector.broadcast %broadcast_in_dim3A_357 : i32 to vector<16xi32>
    %broadcast_in_dim3A_359 = arith.constant 1 : i32
    %broadcast_in_dim3A_360 = vector.broadcast %broadcast_in_dim3A_359 : i32 to vector<16xi32>
    %add3A_361 = arith.constant 0 : i32
    %add3A_362 = vector.broadcast %add3A_361 : i32 to vector<16xi32>
    %add3A_363 = arith.addi %iota3A_356, %add3A_362 : vector<16xi32>
    %jit3A_364 = arith.constant 8 : i32
    %div3A_365 = vector.broadcast %jit3A_364 : i32 to vector<16xi32>
    %div3A_366 = arith.divsi %add3A_363, %div3A_365 : vector<16xi32>
    %sign3A_367 = arith.constant 0 : i32
    %sign3A_368 = vector.broadcast %sign3A_367 : i32 to vector<16xi32>
    %sign3A_369 = arith.cmpi sgt, %add3A_363, %sign3A_368 : vector<16xi32>
    %sign3A_370 = arith.extui %sign3A_369 : vector<16xi1> to vector<16xi32>
    %sign3A_371 = arith.constant 0 : i32
    %sign3A_372 = vector.broadcast %sign3A_371 : i32 to vector<16xi32>
    %sign3A_373 = arith.cmpi slt, %add3A_363, %sign3A_372 : vector<16xi32>
    %sign3A_374 = arith.extui %sign3A_373 : vector<16xi1> to vector<16xi32>
    %sign3A_375 = arith.subi %sign3A_370, %sign3A_374 : vector<16xi32>
    %sign3A_376 = arith.constant 0 : i32
    %sign3A_377 = arith.cmpi sgt, %jit3A_364, %sign3A_376 : i32
    %sign3A_378 = arith.extui %sign3A_377 : i1 to i32
    %sign3A_379 = arith.constant 0 : i32
    %sign3A_380 = arith.cmpi slt, %jit3A_364, %sign3A_379 : i32
    %sign3A_381 = arith.extui %sign3A_380 : i1 to i32
    %sign3A_382 = arith.subi %sign3A_378, %sign3A_381 : i32
    %ne3A_383 = vector.broadcast %sign3A_382 : i32 to vector<16xi32>
    %ne3A_384 = arith.cmpi ne, %sign3A_375, %ne3A_383 : vector<16xi32>
    %rem3A_385 = vector.broadcast %jit3A_364 : i32 to vector<16xi32>
    %rem3A_386 = arith.remsi %add3A_363, %rem3A_385 : vector<16xi32>
    %ne3A_387 = arith.constant 0 : i32
    %ne3A_388 = vector.broadcast %ne3A_387 : i32 to vector<16xi32>
    %ne3A_389 = arith.cmpi ne, %rem3A_386, %ne3A_388 : vector<16xi32>
    %and3A_390 = arith.andi %ne3A_384, %ne3A_389 : vector<16xi1>
    %sub3A_391 = arith.constant 1 : i32
    %sub3A_392 = vector.broadcast %sub3A_391 : i32 to vector<16xi32>
    %sub3A_393 = arith.subi %div3A_366, %sub3A_392 : vector<16xi32>
    %select_n3A_394 = arith.select %and3A_390, %sub3A_393, %div3A_366 : vector<16xi1>, vector<16xi32>
    %add3A_395 = arith.constant 16 : i32
    %add3A_396 = vector.broadcast %add3A_395 : i32 to vector<16xi32>
    %add3A_397 = arith.addi %iota3A_356, %add3A_396 : vector<16xi32>
    %jit3A_398 = arith.constant 8 : i32
    %div3A_399 = vector.broadcast %jit3A_398 : i32 to vector<16xi32>
    %div3A_400 = arith.divsi %add3A_397, %div3A_399 : vector<16xi32>
    %sign3A_401 = arith.constant 0 : i32
    %sign3A_402 = vector.broadcast %sign3A_401 : i32 to vector<16xi32>
    %sign3A_403 = arith.cmpi sgt, %add3A_397, %sign3A_402 : vector<16xi32>
    %sign3A_404 = arith.extui %sign3A_403 : vector<16xi1> to vector<16xi32>
    %sign3A_405 = arith.constant 0 : i32
    %sign3A_406 = vector.broadcast %sign3A_405 : i32 to vector<16xi32>
    %sign3A_407 = arith.cmpi slt, %add3A_397, %sign3A_406 : vector<16xi32>
    %sign3A_408 = arith.extui %sign3A_407 : vector<16xi1> to vector<16xi32>
    %sign3A_409 = arith.subi %sign3A_404, %sign3A_408 : vector<16xi32>
    %sign3A_410 = arith.constant 0 : i32
    %sign3A_411 = arith.cmpi sgt, %jit3A_398, %sign3A_410 : i32
    %sign3A_412 = arith.extui %sign3A_411 : i1 to i32
    %sign3A_413 = arith.constant 0 : i32
    %sign3A_414 = arith.cmpi slt, %jit3A_398, %sign3A_413 : i32
    %sign3A_415 = arith.extui %sign3A_414 : i1 to i32
    %sign3A_416 = arith.subi %sign3A_412, %sign3A_415 : i32
    %ne3A_417 = vector.broadcast %sign3A_416 : i32 to vector<16xi32>
    %ne3A_418 = arith.cmpi ne, %sign3A_409, %ne3A_417 : vector<16xi32>
    %rem3A_419 = vector.broadcast %jit3A_398 : i32 to vector<16xi32>
    %rem3A_420 = arith.remsi %add3A_397, %rem3A_419 : vector<16xi32>
    %ne3A_421 = arith.constant 0 : i32
    %ne3A_422 = vector.broadcast %ne3A_421 : i32 to vector<16xi32>
    %ne3A_423 = arith.cmpi ne, %rem3A_420, %ne3A_422 : vector<16xi32>
    %and3A_424 = arith.andi %ne3A_418, %ne3A_423 : vector<16xi1>
    %sub3A_425 = arith.constant 1 : i32
    %sub3A_426 = vector.broadcast %sub3A_425 : i32 to vector<16xi32>
    %sub3A_427 = arith.subi %div3A_400, %sub3A_426 : vector<16xi32>
    %select_n3A_428 = arith.select %and3A_424, %sub3A_427, %div3A_400 : vector<16xi1>, vector<16xi32>
    %add3A_429 = arith.constant 32 : i32
    %add3A_430 = vector.broadcast %add3A_429 : i32 to vector<16xi32>
    %add3A_431 = arith.addi %iota3A_356, %add3A_430 : vector<16xi32>
    %jit3A_432 = arith.constant 8 : i32
    %div3A_433 = vector.broadcast %jit3A_432 : i32 to vector<16xi32>
    %div3A_434 = arith.divsi %add3A_431, %div3A_433 : vector<16xi32>
    %sign3A_435 = arith.constant 0 : i32
    %sign3A_436 = vector.broadcast %sign3A_435 : i32 to vector<16xi32>
    %sign3A_437 = arith.cmpi sgt, %add3A_431, %sign3A_436 : vector<16xi32>
    %sign3A_438 = arith.extui %sign3A_437 : vector<16xi1> to vector<16xi32>
    %sign3A_439 = arith.constant 0 : i32
    %sign3A_440 = vector.broadcast %sign3A_439 : i32 to vector<16xi32>
    %sign3A_441 = arith.cmpi slt, %add3A_431, %sign3A_440 : vector<16xi32>
    %sign3A_442 = arith.extui %sign3A_441 : vector<16xi1> to vector<16xi32>
    %sign3A_443 = arith.subi %sign3A_438, %sign3A_442 : vector<16xi32>
    %sign3A_444 = arith.constant 0 : i32
    %sign3A_445 = arith.cmpi sgt, %jit3A_432, %sign3A_444 : i32
    %sign3A_446 = arith.extui %sign3A_445 : i1 to i32
    %sign3A_447 = arith.constant 0 : i32
    %sign3A_448 = arith.cmpi slt, %jit3A_432, %sign3A_447 : i32
    %sign3A_449 = arith.extui %sign3A_448 : i1 to i32
    %sign3A_450 = arith.subi %sign3A_446, %sign3A_449 : i32
    %ne3A_451 = vector.broadcast %sign3A_450 : i32 to vector<16xi32>
    %ne3A_452 = arith.cmpi ne, %sign3A_443, %ne3A_451 : vector<16xi32>
    %rem3A_453 = vector.broadcast %jit3A_432 : i32 to vector<16xi32>
    %rem3A_454 = arith.remsi %add3A_431, %rem3A_453 : vector<16xi32>
    %ne3A_455 = arith.constant 0 : i32
    %ne3A_456 = vector.broadcast %ne3A_455 : i32 to vector<16xi32>
    %ne3A_457 = arith.cmpi ne, %rem3A_454, %ne3A_456 : vector<16xi32>
    %and3A_458 = arith.andi %ne3A_452, %ne3A_457 : vector<16xi1>
    %sub3A_459 = arith.constant 1 : i32
    %sub3A_460 = vector.broadcast %sub3A_459 : i32 to vector<16xi32>
    %sub3A_461 = arith.subi %div3A_434, %sub3A_460 : vector<16xi32>
    %select_n3A_462 = arith.select %and3A_458, %sub3A_461, %div3A_434 : vector<16xi1>, vector<16xi32>
    %add3A_463 = arith.constant 48 : i32
    %add3A_464 = vector.broadcast %add3A_463 : i32 to vector<16xi32>
    %add3A_465 = arith.addi %iota3A_356, %add3A_464 : vector<16xi32>
    %jit3A_466 = arith.constant 8 : i32
    %div3A_467 = vector.broadcast %jit3A_466 : i32 to vector<16xi32>
    %div3A_468 = arith.divsi %add3A_465, %div3A_467 : vector<16xi32>
    %sign3A_469 = arith.constant 0 : i32
    %sign3A_470 = vector.broadcast %sign3A_469 : i32 to vector<16xi32>
    %sign3A_471 = arith.cmpi sgt, %add3A_465, %sign3A_470 : vector<16xi32>
    %sign3A_472 = arith.extui %sign3A_471 : vector<16xi1> to vector<16xi32>
    %sign3A_473 = arith.constant 0 : i32
    %sign3A_474 = vector.broadcast %sign3A_473 : i32 to vector<16xi32>
    %sign3A_475 = arith.cmpi slt, %add3A_465, %sign3A_474 : vector<16xi32>
    %sign3A_476 = arith.extui %sign3A_475 : vector<16xi1> to vector<16xi32>
    %sign3A_477 = arith.subi %sign3A_472, %sign3A_476 : vector<16xi32>
    %sign3A_478 = arith.constant 0 : i32
    %sign3A_479 = arith.cmpi sgt, %jit3A_466, %sign3A_478 : i32
    %sign3A_480 = arith.extui %sign3A_479 : i1 to i32
    %sign3A_481 = arith.constant 0 : i32
    %sign3A_482 = arith.cmpi slt, %jit3A_466, %sign3A_481 : i32
    %sign3A_483 = arith.extui %sign3A_482 : i1 to i32
    %sign3A_484 = arith.subi %sign3A_480, %sign3A_483 : i32
    %ne3A_485 = vector.broadcast %sign3A_484 : i32 to vector<16xi32>
    %ne3A_486 = arith.cmpi ne, %sign3A_477, %ne3A_485 : vector<16xi32>
    %rem3A_487 = vector.broadcast %jit3A_466 : i32 to vector<16xi32>
    %rem3A_488 = arith.remsi %add3A_465, %rem3A_487 : vector<16xi32>
    %ne3A_489 = arith.constant 0 : i32
    %ne3A_490 = vector.broadcast %ne3A_489 : i32 to vector<16xi32>
    %ne3A_491 = arith.cmpi ne, %rem3A_488, %ne3A_490 : vector<16xi32>
    %and3A_492 = arith.andi %ne3A_486, %ne3A_491 : vector<16xi1>
    %sub3A_493 = arith.constant 1 : i32
    %sub3A_494 = vector.broadcast %sub3A_493 : i32 to vector<16xi32>
    %sub3A_495 = arith.subi %div3A_468, %sub3A_494 : vector<16xi32>
    %select_n3A_496 = arith.select %and3A_492, %sub3A_495, %div3A_468 : vector<16xi1>, vector<16xi32>
    %add3A_497 = arith.constant 0 : i32
    %add3A_498 = vector.broadcast %add3A_497 : i32 to vector<16xi32>
    %add3A_499 = arith.addi %iota3A_356, %add3A_498 : vector<16xi32>
    %jit3A_500 = arith.constant 8 : i32
    %eq3A_501 = arith.constant 0 : i32
    %eq3A_502 = arith.cmpi eq, %jit3A_500, %eq3A_501 : i32
    %jit3A_503 = arith.constant 1 : i32
    %select_n3A_504 = arith.select %eq3A_502, %jit3A_503, %jit3A_500 : i32
    %rem3A_505 = vector.broadcast %select_n3A_504 : i32 to vector<16xi32>
    %rem3A_506 = arith.remsi %add3A_499, %rem3A_505 : vector<16xi32>
    %ne3A_507 = arith.constant 0 : i32
    %ne3A_508 = vector.broadcast %ne3A_507 : i32 to vector<16xi32>
    %ne3A_509 = arith.cmpi ne, %rem3A_506, %ne3A_508 : vector<16xi32>
    %lt3A_510 = arith.constant 0 : i32
    %lt3A_511 = vector.broadcast %lt3A_510 : i32 to vector<16xi32>
    %lt3A_512 = arith.cmpi slt, %rem3A_506, %lt3A_511 : vector<16xi32>
    %lt3A_513 = arith.constant 0 : i32
    %lt3A_514 = arith.cmpi slt, %select_n3A_504, %lt3A_513 : i32
    %ne3A_515 = vector.broadcast %lt3A_514 : i1 to vector<16xi1>
    %ne3A_516 = vector.broadcast %ne3A_515 : vector<16xi1> to vector<16xi1>
    %ne3A_517 = arith.xori %lt3A_512, %ne3A_516 : vector<16xi1>
    %and3A_518 = arith.andi %ne3A_517, %ne3A_509 : vector<16xi1>
    %add3A_519 = vector.broadcast %select_n3A_504 : i32 to vector<16xi32>
    %add3A_520 = arith.addi %rem3A_506, %add3A_519 : vector<16xi32>
    %select_n3A_521 = arith.select %and3A_518, %add3A_520, %rem3A_506 : vector<16xi1>, vector<16xi32>
    %add3A_522 = arith.constant 16 : i32
    %add3A_523 = vector.broadcast %add3A_522 : i32 to vector<16xi32>
    %add3A_524 = arith.addi %iota3A_356, %add3A_523 : vector<16xi32>
    %jit3A_525 = arith.constant 8 : i32
    %eq3A_526 = arith.constant 0 : i32
    %eq3A_527 = arith.cmpi eq, %jit3A_525, %eq3A_526 : i32
    %jit3A_528 = arith.constant 1 : i32
    %select_n3A_529 = arith.select %eq3A_527, %jit3A_528, %jit3A_525 : i32
    %rem3A_530 = vector.broadcast %select_n3A_529 : i32 to vector<16xi32>
    %rem3A_531 = arith.remsi %add3A_524, %rem3A_530 : vector<16xi32>
    %ne3A_532 = arith.constant 0 : i32
    %ne3A_533 = vector.broadcast %ne3A_532 : i32 to vector<16xi32>
    %ne3A_534 = arith.cmpi ne, %rem3A_531, %ne3A_533 : vector<16xi32>
    %lt3A_535 = arith.constant 0 : i32
    %lt3A_536 = vector.broadcast %lt3A_535 : i32 to vector<16xi32>
    %lt3A_537 = arith.cmpi slt, %rem3A_531, %lt3A_536 : vector<16xi32>
    %lt3A_538 = arith.constant 0 : i32
    %lt3A_539 = arith.cmpi slt, %select_n3A_529, %lt3A_538 : i32
    %ne3A_540 = vector.broadcast %lt3A_539 : i1 to vector<16xi1>
    %ne3A_541 = vector.broadcast %ne3A_540 : vector<16xi1> to vector<16xi1>
    %ne3A_542 = arith.xori %lt3A_537, %ne3A_541 : vector<16xi1>
    %and3A_543 = arith.andi %ne3A_542, %ne3A_534 : vector<16xi1>
    %add3A_544 = vector.broadcast %select_n3A_529 : i32 to vector<16xi32>
    %add3A_545 = arith.addi %rem3A_531, %add3A_544 : vector<16xi32>
    %select_n3A_546 = arith.select %and3A_543, %add3A_545, %rem3A_531 : vector<16xi1>, vector<16xi32>
    %add3A_547 = arith.constant 32 : i32
    %add3A_548 = vector.broadcast %add3A_547 : i32 to vector<16xi32>
    %add3A_549 = arith.addi %iota3A_356, %add3A_548 : vector<16xi32>
    %jit3A_550 = arith.constant 8 : i32
    %eq3A_551 = arith.constant 0 : i32
    %eq3A_552 = arith.cmpi eq, %jit3A_550, %eq3A_551 : i32
    %jit3A_553 = arith.constant 1 : i32
    %select_n3A_554 = arith.select %eq3A_552, %jit3A_553, %jit3A_550 : i32
    %rem3A_555 = vector.broadcast %select_n3A_554 : i32 to vector<16xi32>
    %rem3A_556 = arith.remsi %add3A_549, %rem3A_555 : vector<16xi32>
    %ne3A_557 = arith.constant 0 : i32
    %ne3A_558 = vector.broadcast %ne3A_557 : i32 to vector<16xi32>
    %ne3A_559 = arith.cmpi ne, %rem3A_556, %ne3A_558 : vector<16xi32>
    %lt3A_560 = arith.constant 0 : i32
    %lt3A_561 = vector.broadcast %lt3A_560 : i32 to vector<16xi32>
    %lt3A_562 = arith.cmpi slt, %rem3A_556, %lt3A_561 : vector<16xi32>
    %lt3A_563 = arith.constant 0 : i32
    %lt3A_564 = arith.cmpi slt, %select_n3A_554, %lt3A_563 : i32
    %ne3A_565 = vector.broadcast %lt3A_564 : i1 to vector<16xi1>
    %ne3A_566 = vector.broadcast %ne3A_565 : vector<16xi1> to vector<16xi1>
    %ne3A_567 = arith.xori %lt3A_562, %ne3A_566 : vector<16xi1>
    %and3A_568 = arith.andi %ne3A_567, %ne3A_559 : vector<16xi1>
    %add3A_569 = vector.broadcast %select_n3A_554 : i32 to vector<16xi32>
    %add3A_570 = arith.addi %rem3A_556, %add3A_569 : vector<16xi32>
    %select_n3A_571 = arith.select %and3A_568, %add3A_570, %rem3A_556 : vector<16xi1>, vector<16xi32>
    %add3A_572 = arith.constant 48 : i32
    %add3A_573 = vector.broadcast %add3A_572 : i32 to vector<16xi32>
    %add3A_574 = arith.addi %iota3A_356, %add3A_573 : vector<16xi32>
    %jit3A_575 = arith.constant 8 : i32
    %eq3A_576 = arith.constant 0 : i32
    %eq3A_577 = arith.cmpi eq, %jit3A_575, %eq3A_576 : i32
    %jit3A_578 = arith.constant 1 : i32
    %select_n3A_579 = arith.select %eq3A_577, %jit3A_578, %jit3A_575 : i32
    %rem3A_580 = vector.broadcast %select_n3A_579 : i32 to vector<16xi32>
    %rem3A_581 = arith.remsi %add3A_574, %rem3A_580 : vector<16xi32>
    %ne3A_582 = arith.constant 0 : i32
    %ne3A_583 = vector.broadcast %ne3A_582 : i32 to vector<16xi32>
    %ne3A_584 = arith.cmpi ne, %rem3A_581, %ne3A_583 : vector<16xi32>
    %lt3A_585 = arith.constant 0 : i32
    %lt3A_586 = vector.broadcast %lt3A_585 : i32 to vector<16xi32>
    %lt3A_587 = arith.cmpi slt, %rem3A_581, %lt3A_586 : vector<16xi32>
    %lt3A_588 = arith.constant 0 : i32
    %lt3A_589 = arith.cmpi slt, %select_n3A_579, %lt3A_588 : i32
    %ne3A_590 = vector.broadcast %lt3A_589 : i1 to vector<16xi1>
    %ne3A_591 = vector.broadcast %ne3A_590 : vector<16xi1> to vector<16xi1>
    %ne3A_592 = arith.xori %lt3A_587, %ne3A_591 : vector<16xi1>
    %and3A_593 = arith.andi %ne3A_592, %ne3A_584 : vector<16xi1>
    %add3A_594 = vector.broadcast %select_n3A_579 : i32 to vector<16xi32>
    %add3A_595 = arith.addi %rem3A_581, %add3A_594 : vector<16xi32>
    %select_n3A_596 = arith.select %and3A_593, %add3A_595, %rem3A_581 : vector<16xi1>, vector<16xi32>
    %parallel_loop3A_597 = arith.constant 0 : i32
    %parallel_loop3A_598 = arith.constant 32 : i32
    %parallel_loop3A_599 = arith.constant 1 : i32
    scf.for %parallel_loop3A_720 = %parallel_loop3A_597 to %parallel_loop3A_598 step %parallel_loop3A_599  : i32 {
      %parallel_loop3A_721 = arith.constant 4 : i32
      %parallel_loop3A_722 = arith.muli %parallel_loop3A_720, %parallel_loop3A_721 : i32
      %parallel_loop3A_723 = arith.constant 0 : i32
      %parallel_loop3A_724 = arith.addi %parallel_loop3A_722, %parallel_loop3A_723 : i32
      %parallel_loop3A_725 = vector.broadcast %parallel_loop3A_724 : i32 to vector<16xi32>
      %parallel_loop3A_726 = arith.constant 1 : i32
      %parallel_loop3A_727 = arith.index_cast %parallel_loop3A_726 : i32 to index
      %parallel_loop3A_728 = arith.index_cast %parallel_loop3A_724 : i32 to index
      %parallel_loop3A_729 = arith.constant 0 : index
      %parallel_loop3A_730 = tpu.vector_load %arg6[%parallel_loop3A_727, %parallel_loop3A_728, %parallel_loop3A_729] {strides = array<i32>} : memref<2x128x64xf32, #tpu.memory_space<vmem>>, vector<16xf32>,
      %parallel_loop3A_731 = arith.constant 1 : i32
      %parallel_loop3A_732 = arith.constant 0 : i32
      %parallel_loop3A_733 = arith.constant 0 : i32
      %parallel_loop3A_734 = arith.constant 0 : i32
      %parallel_loop3A_735 = arith.constant 0 : i32
      %parallel_loop3A_736 = tpu.memref_slice %arg7[%parallel_loop3A_731, %parallel_loop3A_732, %parallel_loop3A_733, %parallel_loop3A_734, %parallel_loop3A_735] : memref<2x8x1x8x129xf32, #tpu.memory_space<vmem>> -> memref<1x8x1x8x129xf32, #tpu.memory_space<vmem>>
      %parallel_loop3A_737 = tpu.memref_squeeze %parallel_loop3A_736 : memref<1x8x1x8x129xf32, #tpu.memory_space<vmem>> -> memref<8x1x8x129xf32, #tpu.memory_space<vmem>>
      tpu.vector_store_idx %parallel_loop3A_737[%select_n3A_394, %broadcast_in_dim3A_358, %select_n3A_521, %parallel_loop3A_725], %parallel_loop3A_730 : memref<8x1x8x129xf32, #tpu.memory_space<vmem>>[vector<16xi32>, vector<16xi32>, vector<16xi32>, vector<16xi32>], vector<16xf32>,
      %parallel_loop3A_738 = arith.constant 1 : i32
      %parallel_loop3A_739 = arith.index_cast %parallel_loop3A_738 : i32 to index
      %parallel_loop3A_740 = arith.index_cast %parallel_loop3A_724 : i32 to index
      %parallel_loop3A_741 = arith.constant 16 : index
      %parallel_loop3A_742 = tpu.vector_load %arg6[%parallel_loop3A_739, %parallel_loop3A_740, %parallel_loop3A_741] {strides = array<i32>} : memref<2x128x64xf32, #tpu.memory_space<vmem>>, vector<16xf32>,
      %parallel_loop3A_743 = arith.constant 1 : i32
      %parallel_loop3A_744 = arith.constant 0 : i32
      %parallel_loop3A_745 = arith.constant 0 : i32
      %parallel_loop3A_746 = arith.constant 0 : i32
      %parallel_loop3A_747 = arith.constant 0 : i32
      %parallel_loop3A_748 = tpu.memref_slice %arg7[%parallel_loop3A_743, %parallel_loop3A_744, %parallel_loop3A_745, %parallel_loop3A_746, %parallel_loop3A_747] : memref<2x8x1x8x129xf32, #tpu.memory_space<vmem>> -> memref<1x8x1x8x129xf32, #tpu.memory_space<vmem>>
      %parallel_loop3A_749 = tpu.memref_squeeze %parallel_loop3A_748 : memref<1x8x1x8x129xf32, #tpu.memory_space<vmem>> -> memref<8x1x8x129xf32, #tpu.memory_space<vmem>>
      tpu.vector_store_idx %parallel_loop3A_749[%select_n3A_428, %broadcast_in_dim3A_358, %select_n3A_546, %parallel_loop3A_725], %parallel_loop3A_742 : memref<8x1x8x129xf32, #tpu.memory_space<vmem>>[vector<16xi32>, vector<16xi32>, vector<16xi32>, vector<16xi32>], vector<16xf32>,
      %parallel_loop3A_750 = arith.constant 1 : i32
      %parallel_loop3A_751 = arith.index_cast %parallel_loop3A_750 : i32 to index
      %parallel_loop3A_752 = arith.index_cast %parallel_loop3A_724 : i32 to index
      %parallel_loop3A_753 = arith.constant 32 : index
      %parallel_loop3A_754 = tpu.vector_load %arg6[%parallel_loop3A_751, %parallel_loop3A_752, %parallel_loop3A_753] {strides = array<i32>} : memref<2x128x64xf32, #tpu.memory_space<vmem>>, vector<16xf32>,
      %parallel_loop3A_755 = arith.constant 1 : i32
      %parallel_loop3A_756 = arith.constant 0 : i32
      %parallel_loop3A_757 = arith.constant 0 : i32
      %parallel_loop3A_758 = arith.constant 0 : i32
      %parallel_loop3A_759 = arith.constant 0 : i32
      %parallel_loop3A_760 = tpu.memref_slice %arg7[%parallel_loop3A_755, %parallel_loop3A_756, %parallel_loop3A_757, %parallel_loop3A_758, %parallel_loop3A_759] : memref<2x8x1x8x129xf32, #tpu.memory_space<vmem>> -> memref<1x8x1x8x129xf32, #tpu.memory_space<vmem>>
      %parallel_loop3A_761 = tpu.memref_squeeze %parallel_loop3A_760 : memref<1x8x1x8x129xf32, #tpu.memory_space<vmem>> -> memref<8x1x8x129xf32, #tpu.memory_space<vmem>>
      tpu.vector_store_idx %parallel_loop3A_761[%select_n3A_462, %broadcast_in_dim3A_358, %select_n3A_571, %parallel_loop3A_725], %parallel_loop3A_754 : memref<8x1x8x129xf32, #tpu.memory_space<vmem>>[vector<16xi32>, vector<16xi32>, vector<16xi32>, vector<16xi32>], vector<16xf32>,
      %parallel_loop3A_762 = arith.constant 1 : i32
      %parallel_loop3A_763 = arith.index_cast %parallel_loop3A_762 : i32 to index
      %parallel_loop3A_764 = arith.index_cast %parallel_loop3A_724 : i32 to index
      %parallel_loop3A_765 = arith.constant 48 : index
      %parallel_loop3A_766 = tpu.vector_load %arg6[%parallel_loop3A_763, %parallel_loop3A_764, %parallel_loop3A_765] {strides = array<i32>} : memref<2x128x64xf32, #tpu.memory_space<vmem>>, vector<16xf32>,
      %parallel_loop3A_767 = arith.constant 1 : i32
      %parallel_loop3A_768 = arith.constant 0 : i32
      %parallel_loop3A_769 = arith.constant 0 : i32
      %parallel_loop3A_770 = arith.constant 0 : i32
      %parallel_loop3A_771 = arith.constant 0 : i32
      %parallel_loop3A_772 = tpu.memref_slice %arg7[%parallel_loop3A_767, %parallel_loop3A_768, %parallel_loop3A_769, %parallel_loop3A_770, %parallel_loop3A_771] : memref<2x8x1x8x129xf32, #tpu.memory_space<vmem>> -> memref<1x8x1x8x129xf32, #tpu.memory_space<vmem>>
      %parallel_loop3A_773 = tpu.memref_squeeze %parallel_loop3A_772 : memref<1x8x1x8x129xf32, #tpu.memory_space<vmem>> -> memref<8x1x8x129xf32, #tpu.memory_space<vmem>>
      tpu.vector_store_idx %parallel_loop3A_773[%select_n3A_496, %broadcast_in_dim3A_358, %select_n3A_596, %parallel_loop3A_725], %parallel_loop3A_766 : memref<8x1x8x129xf32, #tpu.memory_space<vmem>>[vector<16xi32>, vector<16xi32>, vector<16xi32>, vector<16xi32>], vector<16xf32>,
      %parallel_loop3A_774 = arith.constant 4 : i32
      %parallel_loop3A_775 = arith.muli %parallel_loop3A_720, %parallel_loop3A_774 : i32
      %parallel_loop3A_776 = arith.constant 1 : i32
      %parallel_loop3A_777 = arith.addi %parallel_loop3A_775, %parallel_loop3A_776 : i32
      %parallel_loop3A_778 = vector.broadcast %parallel_loop3A_777 : i32 to vector<16xi32>
      %parallel_loop3A_779 = arith.constant 1 : i32
      %parallel_loop3A_780 = arith.index_cast %parallel_loop3A_779 : i32 to index
      %parallel_loop3A_781 = arith.index_cast %parallel_loop3A_777 : i32 to index
      %parallel_loop3A_782 = arith.constant 0 : index
      %parallel_loop3A_783 = tpu.vector_load %arg6[%parallel_loop3A_780, %parallel_loop3A_781, %parallel_loop3A_782] {strides = array<i32>} : memref<2x128x64xf32, #tpu.memory_space<vmem>>, vector<16xf32>,
      %parallel_loop3A_784 = arith.constant 1 : i32
      %parallel_loop3A_785 = arith.constant 0 : i32
      %parallel_loop3A_786 = arith.constant 0 : i32
      %parallel_loop3A_787 = arith.constant 0 : i32
      %parallel_loop3A_788 = arith.constant 0 : i32
      %parallel_loop3A_789 = tpu.memref_slice %arg7[%parallel_loop3A_784, %parallel_loop3A_785, %parallel_loop3A_786, %parallel_loop3A_787, %parallel_loop3A_788] : memref<2x8x1x8x129xf32, #tpu.memory_space<vmem>> -> memref<1x8x1x8x129xf32, #tpu.memory_space<vmem>>
      %parallel_loop3A_790 = tpu.memref_squeeze %parallel_loop3A_789 : memref<1x8x1x8x129xf32, #tpu.memory_space<vmem>> -> memref<8x1x8x129xf32, #tpu.memory_space<vmem>>
      tpu.vector_store_idx %parallel_loop3A_790[%select_n3A_394, %broadcast_in_dim3A_358, %select_n3A_521, %parallel_loop3A_778], %parallel_loop3A_783 : memref<8x1x8x129xf32, #tpu.memory_space<vmem>>[vector<16xi32>, vector<16xi32>, vector<16xi32>, vector<16xi32>], vector<16xf32>,
      %parallel_loop3A_791 = arith.constant 1 : i32
      %parallel_loop3A_792 = arith.index_cast %parallel_loop3A_791 : i32 to index
      %parallel_loop3A_793 = arith.index_cast %parallel_loop3A_777 : i32 to index
      %parallel_loop3A_794 = arith.constant 16 : index
      %parallel_loop3A_795 = tpu.vector_load %arg6[%parallel_loop3A_792, %parallel_loop3A_793, %parallel_loop3A_794] {strides = array<i32>} : memref<2x128x64xf32, #tpu.memory_space<vmem>>, vector<16xf32>,
      %parallel_loop3A_796 = arith.constant 1 : i32
      %parallel_loop3A_797 = arith.constant 0 : i32
      %parallel_loop3A_798 = arith.constant 0 : i32
      %parallel_loop3A_799 = arith.constant 0 : i32
      %parallel_loop3A_800 = arith.constant 0 : i32
      %parallel_loop3A_801 = tpu.memref_slice %arg7[%parallel_loop3A_796, %parallel_loop3A_797, %parallel_loop3A_798, %parallel_loop3A_799, %parallel_loop3A_800] : memref<2x8x1x8x129xf32, #tpu.memory_space<vmem>> -> memref<1x8x1x8x129xf32, #tpu.memory_space<vmem>>
      %parallel_loop3A_802 = tpu.memref_squeeze %parallel_loop3A_801 : memref<1x8x1x8x129xf32, #tpu.memory_space<vmem>> -> memref<8x1x8x129xf32, #tpu.memory_space<vmem>>
      tpu.vector_store_idx %parallel_loop3A_802[%select_n3A_428, %broadcast_in_dim3A_358, %select_n3A_546, %parallel_loop3A_778], %parallel_loop3A_795 : memref<8x1x8x129xf32, #tpu.memory_space<vmem>>[vector<16xi32>, vector<16xi32>, vector<16xi32>, vector<16xi32>], vector<16xf32>,
      %parallel_loop3A_803 = arith.constant 1 : i32
      %parallel_loop3A_804 = arith.index_cast %parallel_loop3A_803 : i32 to index
      %parallel_loop3A_805 = arith.index_cast %parallel_loop3A_777 : i32 to index
      %parallel_loop3A_806 = arith.constant 32 : index
      %parallel_loop3A_807 = tpu.vector_load %arg6[%parallel_loop3A_804, %parallel_loop3A_805, %parallel_loop3A_806] {strides = array<i32>} : memref<2x128x64xf32, #tpu.memory_space<vmem>>, vector<16xf32>,
      %parallel_loop3A_808 = arith.constant 1 : i32
      %parallel_loop3A_809 = arith.constant 0 : i32
      %parallel_loop3A_810 = arith.constant 0 : i32
      %parallel_loop3A_811 = arith.constant 0 : i32
      %parallel_loop3A_812 = arith.constant 0 : i32
      %parallel_loop3A_813 = tpu.memref_slice %arg7[%parallel_loop3A_808, %parallel_loop3A_809, %parallel_loop3A_810, %parallel_loop3A_811, %parallel_loop3A_812] : memref<2x8x1x8x129xf32, #tpu.memory_space<vmem>> -> memref<1x8x1x8x129xf32, #tpu.memory_space<vmem>>
      %parallel_loop3A_814 = tpu.memref_squeeze %parallel_loop3A_813 : memref<1x8x1x8x129xf32, #tpu.memory_space<vmem>> -> memref<8x1x8x129xf32, #tpu.memory_space<vmem>>
      tpu.vector_store_idx %parallel_loop3A_814[%select_n3A_462, %broadcast_in_dim3A_358, %select_n3A_571, %parallel_loop3A_778], %parallel_loop3A_807 : memref<8x1x8x129xf32, #tpu.memory_space<vmem>>[vector<16xi32>, vector<16xi32>, vector<16xi32>, vector<16xi32>], vector<16xf32>,
      %parallel_loop3A_815 = arith.constant 1 : i32
      %parallel_loop3A_816 = arith.index_cast %parallel_loop3A_815 : i32 to index
      %parallel_loop3A_817 = arith.index_cast %parallel_loop3A_777 : i32 to index
      %parallel_loop3A_818 = arith.constant 48 : index
      %parallel_loop3A_819 = tpu.vector_load %arg6[%parallel_loop3A_816, %parallel_loop3A_817, %parallel_loop3A_818] {strides = array<i32>} : memref<2x128x64xf32, #tpu.memory_space<vmem>>, vector<16xf32>,
      %parallel_loop3A_820 = arith.constant 1 : i32
      %parallel_loop3A_821 = arith.constant 0 : i32
      %parallel_loop3A_822 = arith.constant 0 : i32
      %parallel_loop3A_823 = arith.constant 0 : i32
      %parallel_loop3A_824 = arith.constant 0 : i32
      %parallel_loop3A_825 = tpu.memref_slice %arg7[%parallel_loop3A_820, %parallel_loop3A_821, %parallel_loop3A_822, %parallel_loop3A_823, %parallel_loop3A_824] : memref<2x8x1x8x129xf32, #tpu.memory_space<vmem>> -> memref<1x8x1x8x129xf32, #tpu.memory_space<vmem>>
      %parallel_loop3A_826 = tpu.memref_squeeze %parallel_loop3A_825 : memref<1x8x1x8x129xf32, #tpu.memory_space<vmem>> -> memref<8x1x8x129xf32, #tpu.memory_space<vmem>>
      tpu.vector_store_idx %parallel_loop3A_826[%select_n3A_496, %broadcast_in_dim3A_358, %select_n3A_596, %parallel_loop3A_778], %parallel_loop3A_819 : memref<8x1x8x129xf32, #tpu.memory_space<vmem>>[vector<16xi32>, vector<16xi32>, vector<16xi32>, vector<16xi32>], vector<16xf32>,
      %parallel_loop3A_827 = arith.constant 4 : i32
      %parallel_loop3A_828 = arith.muli %parallel_loop3A_720, %parallel_loop3A_827 : i32
      %parallel_loop3A_829 = arith.constant 2 : i32
      %parallel_loop3A_830 = arith.addi %parallel_loop3A_828, %parallel_loop3A_829 : i32
      %parallel_loop3A_831 = vector.broadcast %parallel_loop3A_830 : i32 to vector<16xi32>
      %parallel_loop3A_832 = arith.constant 1 : i32
      %parallel_loop3A_833 = arith.index_cast %parallel_loop3A_832 : i32 to index
      %parallel_loop3A_834 = arith.index_cast %parallel_loop3A_830 : i32 to index
      %parallel_loop3A_835 = arith.constant 0 : index
      %parallel_loop3A_836 = tpu.vector_load %arg6[%parallel_loop3A_833, %parallel_loop3A_834, %parallel_loop3A_835] {strides = array<i32>} : memref<2x128x64xf32, #tpu.memory_space<vmem>>, vector<16xf32>,
      %parallel_loop3A_837 = arith.constant 1 : i32
      %parallel_loop3A_838 = arith.constant 0 : i32
      %parallel_loop3A_839 = arith.constant 0 : i32
      %parallel_loop3A_840 = arith.constant 0 : i32
      %parallel_loop3A_841 = arith.constant 0 : i32
      %parallel_loop3A_842 = tpu.memref_slice %arg7[%parallel_loop3A_837, %parallel_loop3A_838, %parallel_loop3A_839, %parallel_loop3A_840, %parallel_loop3A_841] : memref<2x8x1x8x129xf32, #tpu.memory_space<vmem>> -> memref<1x8x1x8x129xf32, #tpu.memory_space<vmem>>
      %parallel_loop3A_843 = tpu.memref_squeeze %parallel_loop3A_842 : memref<1x8x1x8x129xf32, #tpu.memory_space<vmem>> -> memref<8x1x8x129xf32, #tpu.memory_space<vmem>>
      tpu.vector_store_idx %parallel_loop3A_843[%select_n3A_394, %broadcast_in_dim3A_358, %select_n3A_521, %parallel_loop3A_831], %parallel_loop3A_836 : memref<8x1x8x129xf32, #tpu.memory_space<vmem>>[vector<16xi32>, vector<16xi32>, vector<16xi32>, vector<16xi32>], vector<16xf32>,
      %parallel_loop3A_844 = arith.constant 1 : i32
      %parallel_loop3A_845 = arith.index_cast %parallel_loop3A_844 : i32 to index
      %parallel_loop3A_846 = arith.index_cast %parallel_loop3A_830 : i32 to index
      %parallel_loop3A_847 = arith.constant 16 : index
      %parallel_loop3A_848 = tpu.vector_load %arg6[%parallel_loop3A_845, %parallel_loop3A_846, %parallel_loop3A_847] {strides = array<i32>} : memref<2x128x64xf32, #tpu.memory_space<vmem>>, vector<16xf32>,
      %parallel_loop3A_849 = arith.constant 1 : i32
      %parallel_loop3A_850 = arith.constant 0 : i32
      %parallel_loop3A_851 = arith.constant 0 : i32
      %parallel_loop3A_852 = arith.constant 0 : i32
      %parallel_loop3A_853 = arith.constant 0 : i32
      %parallel_loop3A_854 = tpu.memref_slice %arg7[%parallel_loop3A_849, %parallel_loop3A_850, %parallel_loop3A_851, %parallel_loop3A_852, %parallel_loop3A_853] : memref<2x8x1x8x129xf32, #tpu.memory_space<vmem>> -> memref<1x8x1x8x129xf32, #tpu.memory_space<vmem>>
      %parallel_loop3A_855 = tpu.memref_squeeze %parallel_loop3A_854 : memref<1x8x1x8x129xf32, #tpu.memory_space<vmem>> -> memref<8x1x8x129xf32, #tpu.memory_space<vmem>>
      tpu.vector_store_idx %parallel_loop3A_855[%select_n3A_428, %broadcast_in_dim3A_358, %select_n3A_546, %parallel_loop3A_831], %parallel_loop3A_848 : memref<8x1x8x129xf32, #tpu.memory_space<vmem>>[vector<16xi32>, vector<16xi32>, vector<16xi32>, vector<16xi32>], vector<16xf32>,
      %parallel_loop3A_856 = arith.constant 1 : i32
      %parallel_loop3A_857 = arith.index_cast %parallel_loop3A_856 : i32 to index
      %parallel_loop3A_858 = arith.index_cast %parallel_loop3A_830 : i32 to index
      %parallel_loop3A_859 = arith.constant 32 : index
      %parallel_loop3A_860 = tpu.vector_load %arg6[%parallel_loop3A_857, %parallel_loop3A_858, %parallel_loop3A_859] {strides = array<i32>} : memref<2x128x64xf32, #tpu.memory_space<vmem>>, vector<16xf32>,
      %parallel_loop3A_861 = arith.constant 1 : i32
      %parallel_loop3A_862 = arith.constant 0 : i32
      %parallel_loop3A_863 = arith.constant 0 : i32
      %parallel_loop3A_864 = arith.constant 0 : i32
      %parallel_loop3A_865 = arith.constant 0 : i32
      %parallel_loop3A_866 = tpu.memref_slice %arg7[%parallel_loop3A_861, %parallel_loop3A_862, %parallel_loop3A_863, %parallel_loop3A_864, %parallel_loop3A_865] : memref<2x8x1x8x129xf32, #tpu.memory_space<vmem>> -> memref<1x8x1x8x129xf32, #tpu.memory_space<vmem>>
      %parallel_loop3A_867 = tpu.memref_squeeze %parallel_loop3A_866 : memref<1x8x1x8x129xf32, #tpu.memory_space<vmem>> -> memref<8x1x8x129xf32, #tpu.memory_space<vmem>>
      tpu.vector_store_idx %parallel_loop3A_867[%select_n3A_462, %broadcast_in_dim3A_358, %select_n3A_571, %parallel_loop3A_831], %parallel_loop3A_860 : memref<8x1x8x129xf32, #tpu.memory_space<vmem>>[vector<16xi32>, vector<16xi32>, vector<16xi32>, vector<16xi32>], vector<16xf32>,
      %parallel_loop3A_868 = arith.constant 1 : i32
      %parallel_loop3A_869 = arith.index_cast %parallel_loop3A_868 : i32 to index
      %parallel_loop3A_870 = arith.index_cast %parallel_loop3A_830 : i32 to index
      %parallel_loop3A_871 = arith.constant 48 : index
      %parallel_loop3A_872 = tpu.vector_load %arg6[%parallel_loop3A_869, %parallel_loop3A_870, %parallel_loop3A_871] {strides = array<i32>} : memref<2x128x64xf32, #tpu.memory_space<vmem>>, vector<16xf32>,
      %parallel_loop3A_873 = arith.constant 1 : i32
      %parallel_loop3A_874 = arith.constant 0 : i32
      %parallel_loop3A_875 = arith.constant 0 : i32
      %parallel_loop3A_876 = arith.constant 0 : i32
      %parallel_loop3A_877 = arith.constant 0 : i32
      %parallel_loop3A_878 = tpu.memref_slice %arg7[%parallel_loop3A_873, %parallel_loop3A_874, %parallel_loop3A_875, %parallel_loop3A_876, %parallel_loop3A_877] : memref<2x8x1x8x129xf32, #tpu.memory_space<vmem>> -> memref<1x8x1x8x129xf32, #tpu.memory_space<vmem>>
      %parallel_loop3A_879 = tpu.memref_squeeze %parallel_loop3A_878 : memref<1x8x1x8x129xf32, #tpu.memory_space<vmem>> -> memref<8x1x8x129xf32, #tpu.memory_space<vmem>>
      tpu.vector_store_idx %parallel_loop3A_879[%select_n3A_496, %broadcast_in_dim3A_358, %select_n3A_596, %parallel_loop3A_831], %parallel_loop3A_872 : memref<8x1x8x129xf32, #tpu.memory_space<vmem>>[vector<16xi32>, vector<16xi32>, vector<16xi32>, vector<16xi32>], vector<16xf32>,
      %parallel_loop3A_880 = arith.constant 4 : i32
      %parallel_loop3A_881 = arith.muli %parallel_loop3A_720, %parallel_loop3A_880 : i32
      %parallel_loop3A_882 = arith.constant 3 : i32
      %parallel_loop3A_883 = arith.addi %parallel_loop3A_881, %parallel_loop3A_882 : i32
      %parallel_loop3A_884 = vector.broadcast %parallel_loop3A_883 : i32 to vector<16xi32>
      %parallel_loop3A_885 = arith.constant 1 : i32
      %parallel_loop3A_886 = arith.index_cast %parallel_loop3A_885 : i32 to index
      %parallel_loop3A_887 = arith.index_cast %parallel_loop3A_883 : i32 to index
      %parallel_loop3A_888 = arith.constant 0 : index
      %parallel_loop3A_889 = tpu.vector_load %arg6[%parallel_loop3A_886, %parallel_loop3A_887, %parallel_loop3A_888] {strides = array<i32>} : memref<2x128x64xf32, #tpu.memory_space<vmem>>, vector<16xf32>,
      %parallel_loop3A_890 = arith.constant 1 : i32
      %parallel_loop3A_891 = arith.constant 0 : i32
      %parallel_loop3A_892 = arith.constant 0 : i32
      %parallel_loop3A_893 = arith.constant 0 : i32
      %parallel_loop3A_894 = arith.constant 0 : i32
      %parallel_loop3A_895 = tpu.memref_slice %arg7[%parallel_loop3A_890, %parallel_loop3A_891, %parallel_loop3A_892, %parallel_loop3A_893, %parallel_loop3A_894] : memref<2x8x1x8x129xf32, #tpu.memory_space<vmem>> -> memref<1x8x1x8x129xf32, #tpu.memory_space<vmem>>
      %parallel_loop3A_896 = tpu.memref_squeeze %parallel_loop3A_895 : memref<1x8x1x8x129xf32, #tpu.memory_space<vmem>> -> memref<8x1x8x129xf32, #tpu.memory_space<vmem>>
      tpu.vector_store_idx %parallel_loop3A_896[%select_n3A_394, %broadcast_in_dim3A_358, %select_n3A_521, %parallel_loop3A_884], %parallel_loop3A_889 : memref<8x1x8x129xf32, #tpu.memory_space<vmem>>[vector<16xi32>, vector<16xi32>, vector<16xi32>, vector<16xi32>], vector<16xf32>,
      %parallel_loop3A_897 = arith.constant 1 : i32
      %parallel_loop3A_898 = arith.index_cast %parallel_loop3A_897 : i32 to index
      %parallel_loop3A_899 = arith.index_cast %parallel_loop3A_883 : i32 to index
      %parallel_loop3A_900 = arith.constant 16 : index
      %parallel_loop3A_901 = tpu.vector_load %arg6[%parallel_loop3A_898, %parallel_loop3A_899, %parallel_loop3A_900] {strides = array<i32>} : memref<2x128x64xf32, #tpu.memory_space<vmem>>, vector<16xf32>,
      %parallel_loop3A_902 = arith.constant 1 : i32
      %parallel_loop3A_903 = arith.constant 0 : i32
      %parallel_loop3A_904 = arith.constant 0 : i32
      %parallel_loop3A_905 = arith.constant 0 : i32
      %parallel_loop3A_906 = arith.constant 0 : i32
      %parallel_loop3A_907 = tpu.memref_slice %arg7[%parallel_loop3A_902, %parallel_loop3A_903, %parallel_loop3A_904, %parallel_loop3A_905, %parallel_loop3A_906] : memref<2x8x1x8x129xf32, #tpu.memory_space<vmem>> -> memref<1x8x1x8x129xf32, #tpu.memory_space<vmem>>
      %parallel_loop3A_908 = tpu.memref_squeeze %parallel_loop3A_907 : memref<1x8x1x8x129xf32, #tpu.memory_space<vmem>> -> memref<8x1x8x129xf32, #tpu.memory_space<vmem>>
      tpu.vector_store_idx %parallel_loop3A_908[%select_n3A_428, %broadcast_in_dim3A_358, %select_n3A_546, %parallel_loop3A_884], %parallel_loop3A_901 : memref<8x1x8x129xf32, #tpu.memory_space<vmem>>[vector<16xi32>, vector<16xi32>, vector<16xi32>, vector<16xi32>], vector<16xf32>,
      %parallel_loop3A_909 = arith.constant 1 : i32
      %parallel_loop3A_910 = arith.index_cast %parallel_loop3A_909 : i32 to index
      %parallel_loop3A_911 = arith.index_cast %parallel_loop3A_883 : i32 to index
      %parallel_loop3A_912 = arith.constant 32 : index
      %parallel_loop3A_913 = tpu.vector_load %arg6[%parallel_loop3A_910, %parallel_loop3A_911, %parallel_loop3A_912] {strides = array<i32>} : memref<2x128x64xf32, #tpu.memory_space<vmem>>, vector<16xf32>,
      %parallel_loop3A_914 = arith.constant 1 : i32
      %parallel_loop3A_915 = arith.constant 0 : i32
      %parallel_loop3A_916 = arith.constant 0 : i32
      %parallel_loop3A_917 = arith.constant 0 : i32
      %parallel_loop3A_918 = arith.constant 0 : i32
      %parallel_loop3A_919 = tpu.memref_slice %arg7[%parallel_loop3A_914, %parallel_loop3A_915, %parallel_loop3A_916, %parallel_loop3A_917, %parallel_loop3A_918] : memref<2x8x1x8x129xf32, #tpu.memory_space<vmem>> -> memref<1x8x1x8x129xf32, #tpu.memory_space<vmem>>
      %parallel_loop3A_920 = tpu.memref_squeeze %parallel_loop3A_919 : memref<1x8x1x8x129xf32, #tpu.memory_space<vmem>> -> memref<8x1x8x129xf32, #tpu.memory_space<vmem>>
      tpu.vector_store_idx %parallel_loop3A_920[%select_n3A_462, %broadcast_in_dim3A_358, %select_n3A_571, %parallel_loop3A_884], %parallel_loop3A_913 : memref<8x1x8x129xf32, #tpu.memory_space<vmem>>[vector<16xi32>, vector<16xi32>, vector<16xi32>, vector<16xi32>], vector<16xf32>,
      %parallel_loop3A_921 = arith.constant 1 : i32
      %parallel_loop3A_922 = arith.index_cast %parallel_loop3A_921 : i32 to index
      %parallel_loop3A_923 = arith.index_cast %parallel_loop3A_883 : i32 to index
      %parallel_loop3A_924 = arith.constant 48 : index
      %parallel_loop3A_925 = tpu.vector_load %arg6[%parallel_loop3A_922, %parallel_loop3A_923, %parallel_loop3A_924] {strides = array<i32>} : memref<2x128x64xf32, #tpu.memory_space<vmem>>, vector<16xf32>,
      %parallel_loop3A_926 = arith.constant 1 : i32
      %parallel_loop3A_927 = arith.constant 0 : i32
      %parallel_loop3A_928 = arith.constant 0 : i32
      %parallel_loop3A_929 = arith.constant 0 : i32
      %parallel_loop3A_930 = arith.constant 0 : i32
      %parallel_loop3A_931 = tpu.memref_slice %arg7[%parallel_loop3A_926, %parallel_loop3A_927, %parallel_loop3A_928, %parallel_loop3A_929, %parallel_loop3A_930] : memref<2x8x1x8x129xf32, #tpu.memory_space<vmem>> -> memref<1x8x1x8x129xf32, #tpu.memory_space<vmem>>
      %parallel_loop3A_932 = tpu.memref_squeeze %parallel_loop3A_931 : memref<1x8x1x8x129xf32, #tpu.memory_space<vmem>> -> memref<8x1x8x129xf32, #tpu.memory_space<vmem>>
      tpu.vector_store_idx %parallel_loop3A_932[%select_n3A_496, %broadcast_in_dim3A_358, %select_n3A_596, %parallel_loop3A_884], %parallel_loop3A_925 : memref<8x1x8x129xf32, #tpu.memory_space<vmem>>[vector<16xi32>, vector<16xi32>, vector<16xi32>, vector<16xi32>], vector<16xf32>,
    } {sc.loop_unroll_factor = 2 : i64, sc.parallel_access}
    %jit3A_600 = arith.constant 128 : i32
    %div3A_601 = arith.divsi %mul3A_2, %jit3A_600 : i32
    %sign3A_602 = arith.constant 0 : i32
    %sign3A_603 = arith.cmpi sgt, %mul3A_2, %sign3A_602 : i32
    %sign3A_604 = arith.extui %sign3A_603 : i1 to i32
    %sign3A_605 = arith.constant 0 : i32
    %sign3A_606 = arith.cmpi slt, %mul3A_2, %sign3A_605 : i32
    %sign3A_607 = arith.extui %sign3A_606 : i1 to i32
    %sign3A_608 = arith.subi %sign3A_604, %sign3A_607 : i32
    %sign3A_609 = arith.constant 0 : i32
    %sign3A_610 = arith.cmpi sgt, %jit3A_600, %sign3A_609 : i32
    %sign3A_611 = arith.extui %sign3A_610 : i1 to i32
    %sign3A_612 = arith.constant 0 : i32
    %sign3A_613 = arith.cmpi slt, %jit3A_600, %sign3A_612 : i32
    %sign3A_614 = arith.extui %sign3A_613 : i1 to i32
    %sign3A_615 = arith.subi %sign3A_611, %sign3A_614 : i32
    %ne3A_616 = arith.cmpi ne, %sign3A_608, %sign3A_615 : i32
    %rem3A_617 = arith.remsi %mul3A_2, %jit3A_600 : i32
    %ne3A_618 = arith.constant 0 : i32
    %ne3A_619 = arith.cmpi ne, %rem3A_617, %ne3A_618 : i32
    %and3A_620 = arith.andi %ne3A_616, %ne3A_619 : i1
    %sub3A_621 = arith.constant 1 : i32
    %sub3A_622 = arith.subi %div3A_601, %sub3A_621 : i32
    %select_n3A_623 = arith.select %and3A_620, %sub3A_622, %div3A_601 : i32
    %add3A_624 = arith.constant 1 : i32
    %add3A_625 = arith.addi %select_n3A_623, %add3A_624 : i32
    %dma_start3A_626 = arith.constant 1 : i32
    %dma_start3A_627 = arith.constant 0 : i32
    %dma_start3A_628 = arith.constant 0 : i32
    %dma_start3A_629 = arith.constant 0 : i32
    %dma_start3A_630 = arith.constant 0 : i32
    %dma_start3A_631 = arith.constant 0 : i32
    %dma_start3A_632 = tpu.memref_slice %arg7[%dma_start3A_626, %dma_start3A_628, %dma_start3A_629, %dma_start3A_630, %dma_start3A_631] : memref<2x8x1x8x129xf32, #tpu.memory_space<vmem>> -> memref<1x8x1x8x128xf32, #tpu.memory_space<vmem>>
    %dma_start3A_633 = tpu.memref_squeeze %dma_start3A_632 : memref<1x8x1x8x128xf32, #tpu.memory_space<vmem>> -> memref<8x1x8x128xf32, #tpu.memory_space<vmem>>
    %dma_start3A_634 = arith.constant 0 : i32
    %dma_start3A_635 = arith.constant 0 : i32
    %dma_start3A_636 = arith.constant 0 : i32
    %dma_start3A_637 = tpu.memref_slice %arg4[%dma_start3A_627, %dma_start3A_634, %add3A_625, %dma_start3A_635, %dma_start3A_636] : memref<50x8x128x8x128xf32, #tpu.memory_space<hbm>> -> memref<1x8x1x8x128xf32, #tpu.memory_space<hbm>>
    %dma_start3A_638 = tpu.memref_squeeze %dma_start3A_637 : memref<1x8x1x8x128xf32, #tpu.memory_space<hbm>> -> memref<8x1x8x128xf32, #tpu.memory_space<hbm>>
    %dma_start3A_639 = arith.constant 0 : i32
    %dma_start3A_640 = arith.constant 0 : i32
    %dma_start3A_641 = arith.constant 0 : i32
    %dma_start3A_642 = tpu.memref_slice %arg4[%dma_start3A_627, %dma_start3A_639, %add3A_625, %dma_start3A_640, %dma_start3A_641] : memref<50x8x128x8x128xf32, #tpu.memory_space<hbm>> -> memref<1x8x1x8x128xf32, #tpu.memory_space<hbm>>
    %dma_start3A_643 = tpu.memref_squeeze %dma_start3A_642 : memref<1x8x1x8x128xf32, #tpu.memory_space<hbm>> -> memref<8x1x8x128xf32, #tpu.memory_space<hbm>>
    %dma_start3A_644 = arith.constant 0 : i32
    %dma_start3A_645 = arith.constant 0 : i32
    %dma_start3A_646 = arith.constant 0 : i32
    %dma_start3A_647 = arith.constant 0 : i32
    %dma_start3A_648 = tpu.memref_slice %arg7[%dma_start3A_626, %dma_start3A_644, %dma_start3A_645, %dma_start3A_646, %dma_start3A_647] : memref<2x8x1x8x129xf32, #tpu.memory_space<vmem>> -> memref<1x8x1x8x128xf32, #tpu.memory_space<vmem>>
    %dma_start3A_649 = tpu.memref_squeeze %dma_start3A_648 : memref<1x8x1x8x128xf32, #tpu.memory_space<vmem>> -> memref<8x1x8x128xf32, #tpu.memory_space<vmem>>
    tpu.enqueue_dma source(%dma_start3A_649 : memref<8x1x8x128xf32, #tpu.memory_space<vmem>>) target(%dma_start3A_643 : memref<8x1x8x128xf32, #tpu.memory_space<hbm>>) target_semaphore(%arg12 : memref<!tpu.dma_semaphore, #tpu.memory_space<semaphore_mem>>)
    %dma_start3A_650 = arith.constant 0 : i32
    %dma_start3A_651 = arith.constant 3 : i32
    %dma_start3A_652 = arith.constant 1 : i32
    %dma_start3A_653 = arith.constant 0 : i32
    %dma_start3A_654 = arith.constant 0 : i32
    %dma_start3A_655 = tpu.memref_slice %arg6[%dma_start3A_652, %dma_start3A_653, %dma_start3A_654] : memref<2x128x64xf32, #tpu.memory_space<vmem>> -> memref<1x128x64xf32, #tpu.memory_space<vmem>>
    %dma_start3A_656 = tpu.memref_squeeze %dma_start3A_655 : memref<1x128x64xf32, #tpu.memory_space<vmem>> -> memref<128x64xf32, #tpu.memory_space<vmem>>
    %dma_start3A_657 = arith.constant 0 : i32
    %dma_start3A_658 = tpu.memref_slice %arg5[%dma_start3A_650, %dma_start3A_651, %dma_start3A_657] : memref<50x4x128xi32, #tpu.memory_space<vmem>> -> memref<1x1x128xi32, #tpu.memory_space<vmem>>
    %dma_start3A_659 = tpu.memref_squeeze %dma_start3A_658 : memref<1x1x128xi32, #tpu.memory_space<vmem>> -> memref<128xi32, #tpu.memory_space<vmem>>
    %dma_start3A_660 = arith.constant 0 : i32
    %dma_start3A_661 = arith.constant 0 : i32
    %dma_start3A_662 = tpu.memref_slice %arg8[%dma_start3A_660, %dma_start3A_661] : memref<512x64xf32, #tpu.memory_space<vmem_shared>> -> memref<512x64xf32, #tpu.memory_space<vmem_shared>>
    tpu.enqueue_indirect_dma source(%dma_start3A_662 : memref<512x64xf32, #tpu.memory_space<vmem_shared>>) target(%dma_start3A_656 : memref<128x64xf32, #tpu.memory_space<vmem>>) offsets(%dma_start3A_659 : memref<128xi32, #tpu.memory_space<vmem>>) semaphore(%arg10 : memref<!tpu.dma_semaphore, #tpu.memory_space<semaphore_mem>>)
    %scan3A = arith.constant 0 : i32
    %scan3A_663 = arith.constant 0 : i32
    %scan3A_664 = arith.constant 99 : i32
    %scan3A_665 = arith.addi %scan3A_663, %scan3A_664 : i32
    %scan3A_666 = arith.constant 1 : i32
    scf.for %scan3A_720 = %scan3A_663 to %scan3A_665 step %scan3A_666  : i32 {
      %mul3A_721 = arith.constant 2 : i32
      %mul3A_722 = arith.muli %mul3A_721, %scan3A_720 : i32
      %add3A_723 = arith.constant 2 : i32
      %add3A_724 = arith.addi %mul3A_722, %add3A_723 : i32
      %add3A_725 = arith.constant 0 : i32
      %add3A_726 = arith.addi %add3A_724, %add3A_725 : i32
      %dma_wait3A_727 = arith.constant 0 : i32
      %dma_wait3A_728 = arith.constant 0 : i32
      %dma_wait3A_729 = arith.constant 0 : i32
      %dma_wait3A_730 = tpu.memref_slice %arg6[%dma_wait3A_727, %dma_wait3A_728, %dma_wait3A_729] : memref<2x128x64xf32, #tpu.memory_space<vmem>> -> memref<1x128x64xf32, #tpu.memory_space<vmem>>
      %dma_wait3A_731 = tpu.memref_squeeze %dma_wait3A_730 : memref<1x128x64xf32, #tpu.memory_space<vmem>> -> memref<128x64xf32, #tpu.memory_space<vmem>>
      %dma_wait3A_732 = arith.constant 0 : i32
      %dma_wait3A_733 = arith.constant 0 : i32
      %dma_wait3A_734 = tpu.memref_slice %arg3[%dma_wait3A_732, %dma_wait3A_733] : memref<512x64xf32, #tpu.memory_space<hbm>> -> memref<128x64xf32, #tpu.memory_space<hbm>>
      %dma_wait3A_735 = arith.constant 0 : i32
      %dma_wait3A_736 = arith.constant 0 : i32
      %dma_wait3A_737 = tpu.memref_slice %arg6[%dma_wait3A_727, %dma_wait3A_735, %dma_wait3A_736] : memref<2x128x64xf32, #tpu.memory_space<vmem>> -> memref<1x128x64xf32, #tpu.memory_space<vmem>>
      %dma_wait3A_738 = tpu.memref_squeeze %dma_wait3A_737 : memref<1x128x64xf32, #tpu.memory_space<vmem>> -> memref<128x64xf32, #tpu.memory_space<vmem>>
      %dma_wait3A_739 = arith.constant 0 : i32
      %dma_wait3A_740 = arith.constant 0 : i32
      %dma_wait3A_741 = tpu.memref_slice %arg3[%dma_wait3A_739, %dma_wait3A_740] : memref<512x64xf32, #tpu.memory_space<hbm>> -> memref<128x64xf32, #tpu.memory_space<hbm>>
      tpu.wait_dma2 semaphore(%arg9 : memref<!tpu.dma_semaphore, #tpu.memory_space<semaphore_mem>>) src(%dma_wait3A_741 : memref<128x64xf32, #tpu.memory_space<hbm>>) dst(%dma_wait3A_738 : memref<128x64xf32, #tpu.memory_space<vmem>>)
      %dma_wait3A_742 = arith.constant 0 : i32
      %dma_wait3A_743 = arith.constant 0 : i32
      %dma_wait3A_744 = arith.constant 0 : i32
      %dma_wait3A_745 = arith.constant 0 : i32
      %dma_wait3A_746 = arith.constant 0 : i32
      %dma_wait3A_747 = arith.constant 0 : i32
      %dma_wait3A_748 = tpu.memref_slice %arg7[%dma_wait3A_743, %dma_wait3A_744, %dma_wait3A_745, %dma_wait3A_746, %dma_wait3A_747] : memref<2x8x1x8x129xf32, #tpu.memory_space<vmem>> -> memref<1x8x1x8x128xf32, #tpu.memory_space<vmem>>
      %dma_wait3A_749 = tpu.memref_squeeze %dma_wait3A_748 : memref<1x8x1x8x128xf32, #tpu.memory_space<vmem>> -> memref<8x1x8x128xf32, #tpu.memory_space<vmem>>
      %dma_wait3A_750 = arith.constant 0 : i32
      %dma_wait3A_751 = arith.constant 0 : i32
      %dma_wait3A_752 = arith.constant 0 : i32
      %dma_wait3A_753 = arith.constant 0 : i32
      %dma_wait3A_754 = tpu.memref_slice %arg4[%dma_wait3A_742, %dma_wait3A_750, %dma_wait3A_751, %dma_wait3A_752, %dma_wait3A_753] : memref<50x8x128x8x128xf32, #tpu.memory_space<hbm>> -> memref<1x8x1x8x128xf32, #tpu.memory_space<hbm>>
      %dma_wait3A_755 = tpu.memref_squeeze %dma_wait3A_754 : memref<1x8x1x8x128xf32, #tpu.memory_space<hbm>> -> memref<8x1x8x128xf32, #tpu.memory_space<hbm>>
      %dma_wait3A_756 = arith.constant 0 : i32
      %dma_wait3A_757 = arith.constant 0 : i32
      %dma_wait3A_758 = arith.constant 0 : i32
      %dma_wait3A_759 = arith.constant 0 : i32
      %dma_wait3A_760 = tpu.memref_slice %arg7[%dma_wait3A_743, %dma_wait3A_756, %dma_wait3A_757, %dma_wait3A_758, %dma_wait3A_759] : memref<2x8x1x8x129xf32, #tpu.memory_space<vmem>> -> memref<1x8x1x8x128xf32, #tpu.memory_space<vmem>>
      %dma_wait3A_761 = tpu.memref_squeeze %dma_wait3A_760 : memref<1x8x1x8x128xf32, #tpu.memory_space<vmem>> -> memref<8x1x8x128xf32, #tpu.memory_space<vmem>>
      %dma_wait3A_762 = arith.constant 0 : i32
      %dma_wait3A_763 = arith.constant 0 : i32
      %dma_wait3A_764 = arith.constant 0 : i32
      %dma_wait3A_765 = arith.constant 0 : i32
      %dma_wait3A_766 = tpu.memref_slice %arg4[%dma_wait3A_742, %dma_wait3A_762, %dma_wait3A_763, %dma_wait3A_764, %dma_wait3A_765] : memref<50x8x128x8x128xf32, #tpu.memory_space<hbm>> -> memref<1x8x1x8x128xf32, #tpu.memory_space<hbm>>
      %dma_wait3A_767 = tpu.memref_squeeze %dma_wait3A_766 : memref<1x8x1x8x128xf32, #tpu.memory_space<hbm>> -> memref<8x1x8x128xf32, #tpu.memory_space<hbm>>
      tpu.wait_dma2 semaphore(%arg11 : memref<!tpu.dma_semaphore, #tpu.memory_space<semaphore_mem>>) src(%dma_wait3A_767 : memref<8x1x8x128xf32, #tpu.memory_space<hbm>>) dst(%dma_wait3A_761 : memref<8x1x8x128xf32, #tpu.memory_space<vmem>>)
      %iota3A_768 = tpu.iota {dimensions = array<i32: 0>} : vector<16xi32>
      %broadcast_in_dim3A_769 = arith.constant 0 : i32
      %broadcast_in_dim3A_770 = vector.broadcast %broadcast_in_dim3A_769 : i32 to vector<16xi32>
      %broadcast_in_dim3A_771 = arith.constant 1 : i32
      %broadcast_in_dim3A_772 = vector.broadcast %broadcast_in_dim3A_771 : i32 to vector<16xi32>
      %add3A_773 = arith.constant 0 : i32
      %add3A_774 = vector.broadcast %add3A_773 : i32 to vector<16xi32>
      %add3A_775 = arith.addi %iota3A_768, %add3A_774 : vector<16xi32>
      %jit3A_776 = arith.constant 8 : i32
      %div3A_777 = vector.broadcast %jit3A_776 : i32 to vector<16xi32>
      %div3A_778 = arith.divsi %add3A_775, %div3A_777 : vector<16xi32>
      %sign3A_779 = arith.constant 0 : i32
      %sign3A_780 = vector.broadcast %sign3A_779 : i32 to vector<16xi32>
      %sign3A_781 = arith.cmpi sgt, %add3A_775, %sign3A_780 : vector<16xi32>
      %sign3A_782 = arith.extui %sign3A_781 : vector<16xi1> to vector<16xi32>
      %sign3A_783 = arith.constant 0 : i32
      %sign3A_784 = vector.broadcast %sign3A_783 : i32 to vector<16xi32>
      %sign3A_785 = arith.cmpi slt, %add3A_775, %sign3A_784 : vector<16xi32>
      %sign3A_786 = arith.extui %sign3A_785 : vector<16xi1> to vector<16xi32>
      %sign3A_787 = arith.subi %sign3A_782, %sign3A_786 : vector<16xi32>
      %sign3A_788 = arith.constant 0 : i32
      %sign3A_789 = arith.cmpi sgt, %jit3A_776, %sign3A_788 : i32
      %sign3A_790 = arith.extui %sign3A_789 : i1 to i32
      %sign3A_791 = arith.constant 0 : i32
      %sign3A_792 = arith.cmpi slt, %jit3A_776, %sign3A_791 : i32
      %sign3A_793 = arith.extui %sign3A_792 : i1 to i32
      %sign3A_794 = arith.subi %sign3A_790, %sign3A_793 : i32
      %ne3A_795 = vector.broadcast %sign3A_794 : i32 to vector<16xi32>
      %ne3A_796 = arith.cmpi ne, %sign3A_787, %ne3A_795 : vector<16xi32>
      %rem3A_797 = vector.broadcast %jit3A_776 : i32 to vector<16xi32>
      %rem3A_798 = arith.remsi %add3A_775, %rem3A_797 : vector<16xi32>
      %ne3A_799 = arith.constant 0 : i32
      %ne3A_800 = vector.broadcast %ne3A_799 : i32 to vector<16xi32>
      %ne3A_801 = arith.cmpi ne, %rem3A_798, %ne3A_800 : vector<16xi32>
      %and3A_802 = arith.andi %ne3A_796, %ne3A_801 : vector<16xi1>
      %sub3A_803 = arith.constant 1 : i32
      %sub3A_804 = vector.broadcast %sub3A_803 : i32 to vector<16xi32>
      %sub3A_805 = arith.subi %div3A_778, %sub3A_804 : vector<16xi32>
      %select_n3A_806 = arith.select %and3A_802, %sub3A_805, %div3A_778 : vector<16xi1>, vector<16xi32>
      %add3A_807 = arith.constant 16 : i32
      %add3A_808 = vector.broadcast %add3A_807 : i32 to vector<16xi32>
      %add3A_809 = arith.addi %iota3A_768, %add3A_808 : vector<16xi32>
      %jit3A_810 = arith.constant 8 : i32
      %div3A_811 = vector.broadcast %jit3A_810 : i32 to vector<16xi32>
      %div3A_812 = arith.divsi %add3A_809, %div3A_811 : vector<16xi32>
      %sign3A_813 = arith.constant 0 : i32
      %sign3A_814 = vector.broadcast %sign3A_813 : i32 to vector<16xi32>
      %sign3A_815 = arith.cmpi sgt, %add3A_809, %sign3A_814 : vector<16xi32>
      %sign3A_816 = arith.extui %sign3A_815 : vector<16xi1> to vector<16xi32>
      %sign3A_817 = arith.constant 0 : i32
      %sign3A_818 = vector.broadcast %sign3A_817 : i32 to vector<16xi32>
      %sign3A_819 = arith.cmpi slt, %add3A_809, %sign3A_818 : vector<16xi32>
      %sign3A_820 = arith.extui %sign3A_819 : vector<16xi1> to vector<16xi32>
      %sign3A_821 = arith.subi %sign3A_816, %sign3A_820 : vector<16xi32>
      %sign3A_822 = arith.constant 0 : i32
      %sign3A_823 = arith.cmpi sgt, %jit3A_810, %sign3A_822 : i32
      %sign3A_824 = arith.extui %sign3A_823 : i1 to i32
      %sign3A_825 = arith.constant 0 : i32
      %sign3A_826 = arith.cmpi slt, %jit3A_810, %sign3A_825 : i32
      %sign3A_827 = arith.extui %sign3A_826 : i1 to i32
      %sign3A_828 = arith.subi %sign3A_824, %sign3A_827 : i32
      %ne3A_829 = vector.broadcast %sign3A_828 : i32 to vector<16xi32>
      %ne3A_830 = arith.cmpi ne, %sign3A_821, %ne3A_829 : vector<16xi32>
      %rem3A_831 = vector.broadcast %jit3A_810 : i32 to vector<16xi32>
      %rem3A_832 = arith.remsi %add3A_809, %rem3A_831 : vector<16xi32>
      %ne3A_833 = arith.constant 0 : i32
      %ne3A_834 = vector.broadcast %ne3A_833 : i32 to vector<16xi32>
      %ne3A_835 = arith.cmpi ne, %rem3A_832, %ne3A_834 : vector<16xi32>
      %and3A_836 = arith.andi %ne3A_830, %ne3A_835 : vector<16xi1>
      %sub3A_837 = arith.constant 1 : i32
      %sub3A_838 = vector.broadcast %sub3A_837 : i32 to vector<16xi32>
      %sub3A_839 = arith.subi %div3A_812, %sub3A_838 : vector<16xi32>
      %select_n3A_840 = arith.select %and3A_836, %sub3A_839, %div3A_812 : vector<16xi1>, vector<16xi32>
      %add3A_841 = arith.constant 32 : i32
      %add3A_842 = vector.broadcast %add3A_841 : i32 to vector<16xi32>
      %add3A_843 = arith.addi %iota3A_768, %add3A_842 : vector<16xi32>
      %jit3A_844 = arith.constant 8 : i32
      %div3A_845 = vector.broadcast %jit3A_844 : i32 to vector<16xi32>
      %div3A_846 = arith.divsi %add3A_843, %div3A_845 : vector<16xi32>
      %sign3A_847 = arith.constant 0 : i32
      %sign3A_848 = vector.broadcast %sign3A_847 : i32 to vector<16xi32>
      %sign3A_849 = arith.cmpi sgt, %add3A_843, %sign3A_848 : vector<16xi32>
      %sign3A_850 = arith.extui %sign3A_849 : vector<16xi1> to vector<16xi32>
      %sign3A_851 = arith.constant 0 : i32
      %sign3A_852 = vector.broadcast %sign3A_851 : i32 to vector<16xi32>
      %sign3A_853 = arith.cmpi slt, %add3A_843, %sign3A_852 : vector<16xi32>
      %sign3A_854 = arith.extui %sign3A_853 : vector<16xi1> to vector<16xi32>
      %sign3A_855 = arith.subi %sign3A_850, %sign3A_854 : vector<16xi32>
      %sign3A_856 = arith.constant 0 : i32
      %sign3A_857 = arith.cmpi sgt, %jit3A_844, %sign3A_856 : i32
      %sign3A_858 = arith.extui %sign3A_857 : i1 to i32
      %sign3A_859 = arith.constant 0 : i32
      %sign3A_860 = arith.cmpi slt, %jit3A_844, %sign3A_859 : i32
      %sign3A_861 = arith.extui %sign3A_860 : i1 to i32
      %sign3A_862 = arith.subi %sign3A_858, %sign3A_861 : i32
      %ne3A_863 = vector.broadcast %sign3A_862 : i32 to vector<16xi32>
      %ne3A_864 = arith.cmpi ne, %sign3A_855, %ne3A_863 : vector<16xi32>
      %rem3A_865 = vector.broadcast %jit3A_844 : i32 to vector<16xi32>
      %rem3A_866 = arith.remsi %add3A_843, %rem3A_865 : vector<16xi32>
      %ne3A_867 = arith.constant 0 : i32
      %ne3A_868 = vector.broadcast %ne3A_867 : i32 to vector<16xi32>
      %ne3A_869 = arith.cmpi ne, %rem3A_866, %ne3A_868 : vector<16xi32>
      %and3A_870 = arith.andi %ne3A_864, %ne3A_869 : vector<16xi1>
      %sub3A_871 = arith.constant 1 : i32
      %sub3A_872 = vector.broadcast %sub3A_871 : i32 to vector<16xi32>
      %sub3A_873 = arith.subi %div3A_846, %sub3A_872 : vector<16xi32>
      %select_n3A_874 = arith.select %and3A_870, %sub3A_873, %div3A_846 : vector<16xi1>, vector<16xi32>
      %add3A_875 = arith.constant 48 : i32
      %add3A_876 = vector.broadcast %add3A_875 : i32 to vector<16xi32>
      %add3A_877 = arith.addi %iota3A_768, %add3A_876 : vector<16xi32>
      %jit3A_878 = arith.constant 8 : i32
      %div3A_879 = vector.broadcast %jit3A_878 : i32 to vector<16xi32>
      %div3A_880 = arith.divsi %add3A_877, %div3A_879 : vector<16xi32>
      %sign3A_881 = arith.constant 0 : i32
      %sign3A_882 = vector.broadcast %sign3A_881 : i32 to vector<16xi32>
      %sign3A_883 = arith.cmpi sgt, %add3A_877, %sign3A_882 : vector<16xi32>
      %sign3A_884 = arith.extui %sign3A_883 : vector<16xi1> to vector<16xi32>
      %sign3A_885 = arith.constant 0 : i32
      %sign3A_886 = vector.broadcast %sign3A_885 : i32 to vector<16xi32>
      %sign3A_887 = arith.cmpi slt, %add3A_877, %sign3A_886 : vector<16xi32>
      %sign3A_888 = arith.extui %sign3A_887 : vector<16xi1> to vector<16xi32>
      %sign3A_889 = arith.subi %sign3A_884, %sign3A_888 : vector<16xi32>
      %sign3A_890 = arith.constant 0 : i32
      %sign3A_891 = arith.cmpi sgt, %jit3A_878, %sign3A_890 : i32
      %sign3A_892 = arith.extui %sign3A_891 : i1 to i32
      %sign3A_893 = arith.constant 0 : i32
      %sign3A_894 = arith.cmpi slt, %jit3A_878, %sign3A_893 : i32
      %sign3A_895 = arith.extui %sign3A_894 : i1 to i32
      %sign3A_896 = arith.subi %sign3A_892, %sign3A_895 : i32
      %ne3A_897 = vector.broadcast %sign3A_896 : i32 to vector<16xi32>
      %ne3A_898 = arith.cmpi ne, %sign3A_889, %ne3A_897 : vector<16xi32>
      %rem3A_899 = vector.broadcast %jit3A_878 : i32 to vector<16xi32>
      %rem3A_900 = arith.remsi %add3A_877, %rem3A_899 : vector<16xi32>
      %ne3A_901 = arith.constant 0 : i32
      %ne3A_902 = vector.broadcast %ne3A_901 : i32 to vector<16xi32>
      %ne3A_903 = arith.cmpi ne, %rem3A_900, %ne3A_902 : vector<16xi32>
      %and3A_904 = arith.andi %ne3A_898, %ne3A_903 : vector<16xi1>
      %sub3A_905 = arith.constant 1 : i32
      %sub3A_906 = vector.broadcast %sub3A_905 : i32 to vector<16xi32>
      %sub3A_907 = arith.subi %div3A_880, %sub3A_906 : vector<16xi32>
      %select_n3A_908 = arith.select %and3A_904, %sub3A_907, %div3A_880 : vector<16xi1>, vector<16xi32>
      %add3A_909 = arith.constant 0 : i32
      %add3A_910 = vector.broadcast %add3A_909 : i32 to vector<16xi32>
      %add3A_911 = arith.addi %iota3A_768, %add3A_910 : vector<16xi32>
      %jit3A_912 = arith.constant 8 : i32
      %eq3A_913 = arith.constant 0 : i32
      %eq3A_914 = arith.cmpi eq, %jit3A_912, %eq3A_913 : i32
      %jit3A_915 = arith.constant 1 : i32
      %select_n3A_916 = arith.select %eq3A_914, %jit3A_915, %jit3A_912 : i32
      %rem3A_917 = vector.broadcast %select_n3A_916 : i32 to vector<16xi32>
      %rem3A_918 = arith.remsi %add3A_911, %rem3A_917 : vector<16xi32>
      %ne3A_919 = arith.constant 0 : i32
      %ne3A_920 = vector.broadcast %ne3A_919 : i32 to vector<16xi32>
      %ne3A_921 = arith.cmpi ne, %rem3A_918, %ne3A_920 : vector<16xi32>
      %lt3A_922 = arith.constant 0 : i32
      %lt3A_923 = vector.broadcast %lt3A_922 : i32 to vector<16xi32>
      %lt3A_924 = arith.cmpi slt, %rem3A_918, %lt3A_923 : vector<16xi32>
      %lt3A_925 = arith.constant 0 : i32
      %lt3A_926 = arith.cmpi slt, %select_n3A_916, %lt3A_925 : i32
      %ne3A_927 = vector.broadcast %lt3A_926 : i1 to vector<16xi1>
      %ne3A_928 = vector.broadcast %ne3A_927 : vector<16xi1> to vector<16xi1>
      %ne3A_929 = arith.xori %lt3A_924, %ne3A_928 : vector<16xi1>
      %and3A_930 = arith.andi %ne3A_929, %ne3A_921 : vector<16xi1>
      %add3A_931 = vector.broadcast %select_n3A_916 : i32 to vector<16xi32>
      %add3A_932 = arith.addi %rem3A_918, %add3A_931 : vector<16xi32>
      %select_n3A_933 = arith.select %and3A_930, %add3A_932, %rem3A_918 : vector<16xi1>, vector<16xi32>
      %add3A_934 = arith.constant 16 : i32
      %add3A_935 = vector.broadcast %add3A_934 : i32 to vector<16xi32>
      %add3A_936 = arith.addi %iota3A_768, %add3A_935 : vector<16xi32>
      %jit3A_937 = arith.constant 8 : i32
      %eq3A_938 = arith.constant 0 : i32
      %eq3A_939 = arith.cmpi eq, %jit3A_937, %eq3A_938 : i32
      %jit3A_940 = arith.constant 1 : i32
      %select_n3A_941 = arith.select %eq3A_939, %jit3A_940, %jit3A_937 : i32
      %rem3A_942 = vector.broadcast %select_n3A_941 : i32 to vector<16xi32>
      %rem3A_943 = arith.remsi %add3A_936, %rem3A_942 : vector<16xi32>
      %ne3A_944 = arith.constant 0 : i32
      %ne3A_945 = vector.broadcast %ne3A_944 : i32 to vector<16xi32>
      %ne3A_946 = arith.cmpi ne, %rem3A_943, %ne3A_945 : vector<16xi32>
      %lt3A_947 = arith.constant 0 : i32
      %lt3A_948 = vector.broadcast %lt3A_947 : i32 to vector<16xi32>
      %lt3A_949 = arith.cmpi slt, %rem3A_943, %lt3A_948 : vector<16xi32>
      %lt3A_950 = arith.constant 0 : i32
      %lt3A_951 = arith.cmpi slt, %select_n3A_941, %lt3A_950 : i32
      %ne3A_952 = vector.broadcast %lt3A_951 : i1 to vector<16xi1>
      %ne3A_953 = vector.broadcast %ne3A_952 : vector<16xi1> to vector<16xi1>
      %ne3A_954 = arith.xori %lt3A_949, %ne3A_953 : vector<16xi1>
      %and3A_955 = arith.andi %ne3A_954, %ne3A_946 : vector<16xi1>
      %add3A_956 = vector.broadcast %select_n3A_941 : i32 to vector<16xi32>
      %add3A_957 = arith.addi %rem3A_943, %add3A_956 : vector<16xi32>
      %select_n3A_958 = arith.select %and3A_955, %add3A_957, %rem3A_943 : vector<16xi1>, vector<16xi32>
      %add3A_959 = arith.constant 32 : i32
      %add3A_960 = vector.broadcast %add3A_959 : i32 to vector<16xi32>
      %add3A_961 = arith.addi %iota3A_768, %add3A_960 : vector<16xi32>
      %jit3A_962 = arith.constant 8 : i32
      %eq3A_963 = arith.constant 0 : i32
      %eq3A_964 = arith.cmpi eq, %jit3A_962, %eq3A_963 : i32
      %jit3A_965 = arith.constant 1 : i32
      %select_n3A_966 = arith.select %eq3A_964, %jit3A_965, %jit3A_962 : i32
      %rem3A_967 = vector.broadcast %select_n3A_966 : i32 to vector<16xi32>
      %rem3A_968 = arith.remsi %add3A_961, %rem3A_967 : vector<16xi32>
      %ne3A_969 = arith.constant 0 : i32
      %ne3A_970 = vector.broadcast %ne3A_969 : i32 to vector<16xi32>
      %ne3A_971 = arith.cmpi ne, %rem3A_968, %ne3A_970 : vector<16xi32>
      %lt3A_972 = arith.constant 0 : i32
      %lt3A_973 = vector.broadcast %lt3A_972 : i32 to vector<16xi32>
      %lt3A_974 = arith.cmpi slt, %rem3A_968, %lt3A_973 : vector<16xi32>
      %lt3A_975 = arith.constant 0 : i32
      %lt3A_976 = arith.cmpi slt, %select_n3A_966, %lt3A_975 : i32
      %ne3A_977 = vector.broadcast %lt3A_976 : i1 to vector<16xi1>
      %ne3A_978 = vector.broadcast %ne3A_977 : vector<16xi1> to vector<16xi1>
      %ne3A_979 = arith.xori %lt3A_974, %ne3A_978 : vector<16xi1>
      %and3A_980 = arith.andi %ne3A_979, %ne3A_971 : vector<16xi1>
      %add3A_981 = vector.broadcast %select_n3A_966 : i32 to vector<16xi32>
      %add3A_982 = arith.addi %rem3A_968, %add3A_981 : vector<16xi32>
      %select_n3A_983 = arith.select %and3A_980, %add3A_982, %rem3A_968 : vector<16xi1>, vector<16xi32>
      %add3A_984 = arith.constant 48 : i32
      %add3A_985 = vector.broadcast %add3A_984 : i32 to vector<16xi32>
      %add3A_986 = arith.addi %iota3A_768, %add3A_985 : vector<16xi32>
      %jit3A_987 = arith.constant 8 : i32
      %eq3A_988 = arith.constant 0 : i32
      %eq3A_989 = arith.cmpi eq, %jit3A_987, %eq3A_988 : i32
      %jit3A_990 = arith.constant 1 : i32
      %select_n3A_991 = arith.select %eq3A_989, %jit3A_990, %jit3A_987 : i32
      %rem3A_992 = vector.broadcast %select_n3A_991 : i32 to vector<16xi32>
      %rem3A_993 = arith.remsi %add3A_986, %rem3A_992 : vector<16xi32>
      %ne3A_994 = arith.constant 0 : i32
      %ne3A_995 = vector.broadcast %ne3A_994 : i32 to vector<16xi32>
      %ne3A_996 = arith.cmpi ne, %rem3A_993, %ne3A_995 : vector<16xi32>
      %lt3A_997 = arith.constant 0 : i32
      %lt3A_998 = vector.broadcast %lt3A_997 : i32 to vector<16xi32>
      %lt3A_999 = arith.cmpi slt, %rem3A_993, %lt3A_998 : vector<16xi32>
      %lt3A_1000 = arith.constant 0 : i32
      %lt3A_1001 = arith.cmpi slt, %select_n3A_991, %lt3A_1000 : i32
      %ne3A_1002 = vector.broadcast %lt3A_1001 : i1 to vector<16xi1>
      %ne3A_1003 = vector.broadcast %ne3A_1002 : vector<16xi1> to vector<16xi1>
      %ne3A_1004 = arith.xori %lt3A_999, %ne3A_1003 : vector<16xi1>
      %and3A_1005 = arith.andi %ne3A_1004, %ne3A_996 : vector<16xi1>
      %add3A_1006 = vector.broadcast %select_n3A_991 : i32 to vector<16xi32>
      %add3A_1007 = arith.addi %rem3A_993, %add3A_1006 : vector<16xi32>
      %select_n3A_1008 = arith.select %and3A_1005, %add3A_1007, %rem3A_993 : vector<16xi1>, vector<16xi32>
      %parallel_loop3A_1009 = arith.constant 0 : i32
      %parallel_loop3A_1010 = arith.constant 32 : i32
      %parallel_loop3A_1011 = arith.constant 1 : i32
      scf.for %parallel_loop3A_1493 = %parallel_loop3A_1009 to %parallel_loop3A_1010 step %parallel_loop3A_1011  : i32 {
        %parallel_loop3A_1494 = arith.constant 4 : i32
        %parallel_loop3A_1495 = arith.muli %parallel_loop3A_1493, %parallel_loop3A_1494 : i32
        %parallel_loop3A_1496 = arith.constant 0 : i32
        %parallel_loop3A_1497 = arith.addi %parallel_loop3A_1495, %parallel_loop3A_1496 : i32
        %parallel_loop3A_1498 = vector.broadcast %parallel_loop3A_1497 : i32 to vector<16xi32>
        %parallel_loop3A_1499 = arith.constant 0 : i32
        %parallel_loop3A_1500 = arith.index_cast %parallel_loop3A_1499 : i32 to index
        %parallel_loop3A_1501 = arith.index_cast %parallel_loop3A_1497 : i32 to index
        %parallel_loop3A_1502 = arith.constant 0 : index
        %parallel_loop3A_1503 = tpu.vector_load %arg6[%parallel_loop3A_1500, %parallel_loop3A_1501, %parallel_loop3A_1502] {strides = array<i32>} : memref<2x128x64xf32, #tpu.memory_space<vmem>>, vector<16xf32>,
        %parallel_loop3A_1504 = arith.constant 0 : i32
        %parallel_loop3A_1505 = arith.constant 0 : i32
        %parallel_loop3A_1506 = arith.constant 0 : i32
        %parallel_loop3A_1507 = arith.constant 0 : i32
        %parallel_loop3A_1508 = arith.constant 0 : i32
        %parallel_loop3A_1509 = tpu.memref_slice %arg7[%parallel_loop3A_1504, %parallel_loop3A_1505, %parallel_loop3A_1506, %parallel_loop3A_1507, %parallel_loop3A_1508] : memref<2x8x1x8x129xf32, #tpu.memory_space<vmem>> -> memref<1x8x1x8x129xf32, #tpu.memory_space<vmem>>
        %parallel_loop3A_1510 = tpu.memref_squeeze %parallel_loop3A_1509 : memref<1x8x1x8x129xf32, #tpu.memory_space<vmem>> -> memref<8x1x8x129xf32, #tpu.memory_space<vmem>>
        tpu.vector_store_idx %parallel_loop3A_1510[%select_n3A_806, %broadcast_in_dim3A_770, %select_n3A_933, %parallel_loop3A_1498], %parallel_loop3A_1503 : memref<8x1x8x129xf32, #tpu.memory_space<vmem>>[vector<16xi32>, vector<16xi32>, vector<16xi32>, vector<16xi32>], vector<16xf32>,
        %parallel_loop3A_1511 = arith.constant 0 : i32
        %parallel_loop3A_1512 = arith.index_cast %parallel_loop3A_1511 : i32 to index
        %parallel_loop3A_1513 = arith.index_cast %parallel_loop3A_1497 : i32 to index
        %parallel_loop3A_1514 = arith.constant 16 : index
        %parallel_loop3A_1515 = tpu.vector_load %arg6[%parallel_loop3A_1512, %parallel_loop3A_1513, %parallel_loop3A_1514] {strides = array<i32>} : memref<2x128x64xf32, #tpu.memory_space<vmem>>, vector<16xf32>,
        %parallel_loop3A_1516 = arith.constant 0 : i32
        %parallel_loop3A_1517 = arith.constant 0 : i32
        %parallel_loop3A_1518 = arith.constant 0 : i32
        %parallel_loop3A_1519 = arith.constant 0 : i32
        %parallel_loop3A_1520 = arith.constant 0 : i32
        %parallel_loop3A_1521 = tpu.memref_slice %arg7[%parallel_loop3A_1516, %parallel_loop3A_1517, %parallel_loop3A_1518, %parallel_loop3A_1519, %parallel_loop3A_1520] : memref<2x8x1x8x129xf32, #tpu.memory_space<vmem>> -> memref<1x8x1x8x129xf32, #tpu.memory_space<vmem>>
        %parallel_loop3A_1522 = tpu.memref_squeeze %parallel_loop3A_1521 : memref<1x8x1x8x129xf32, #tpu.memory_space<vmem>> -> memref<8x1x8x129xf32, #tpu.memory_space<vmem>>
        tpu.vector_store_idx %parallel_loop3A_1522[%select_n3A_840, %broadcast_in_dim3A_770, %select_n3A_958, %parallel_loop3A_1498], %parallel_loop3A_1515 : memref<8x1x8x129xf32, #tpu.memory_space<vmem>>[vector<16xi32>, vector<16xi32>, vector<16xi32>, vector<16xi32>], vector<16xf32>,
        %parallel_loop3A_1523 = arith.constant 0 : i32
        %parallel_loop3A_1524 = arith.index_cast %parallel_loop3A_1523 : i32 to index
        %parallel_loop3A_1525 = arith.index_cast %parallel_loop3A_1497 : i32 to index
        %parallel_loop3A_1526 = arith.constant 32 : index
        %parallel_loop3A_1527 = tpu.vector_load %arg6[%parallel_loop3A_1524, %parallel_loop3A_1525, %parallel_loop3A_1526] {strides = array<i32>} : memref<2x128x64xf32, #tpu.memory_space<vmem>>, vector<16xf32>,
        %parallel_loop3A_1528 = arith.constant 0 : i32
        %parallel_loop3A_1529 = arith.constant 0 : i32
        %parallel_loop3A_1530 = arith.constant 0 : i32
        %parallel_loop3A_1531 = arith.constant 0 : i32
        %parallel_loop3A_1532 = arith.constant 0 : i32
        %parallel_loop3A_1533 = tpu.memref_slice %arg7[%parallel_loop3A_1528, %parallel_loop3A_1529, %parallel_loop3A_1530, %parallel_loop3A_1531, %parallel_loop3A_1532] : memref<2x8x1x8x129xf32, #tpu.memory_space<vmem>> -> memref<1x8x1x8x129xf32, #tpu.memory_space<vmem>>
        %parallel_loop3A_1534 = tpu.memref_squeeze %parallel_loop3A_1533 : memref<1x8x1x8x129xf32, #tpu.memory_space<vmem>> -> memref<8x1x8x129xf32, #tpu.memory_space<vmem>>
        tpu.vector_store_idx %parallel_loop3A_1534[%select_n3A_874, %broadcast_in_dim3A_770, %select_n3A_983, %parallel_loop3A_1498], %parallel_loop3A_1527 : memref<8x1x8x129xf32, #tpu.memory_space<vmem>>[vector<16xi32>, vector<16xi32>, vector<16xi32>, vector<16xi32>], vector<16xf32>,
        %parallel_loop3A_1535 = arith.constant 0 : i32
        %parallel_loop3A_1536 = arith.index_cast %parallel_loop3A_1535 : i32 to index
        %parallel_loop3A_1537 = arith.index_cast %parallel_loop3A_1497 : i32 to index
        %parallel_loop3A_1538 = arith.constant 48 : index
        %parallel_loop3A_1539 = tpu.vector_load %arg6[%parallel_loop3A_1536, %parallel_loop3A_1537, %parallel_loop3A_1538] {strides = array<i32>} : memref<2x128x64xf32, #tpu.memory_space<vmem>>, vector<16xf32>,
        %parallel_loop3A_1540 = arith.constant 0 : i32
        %parallel_loop3A_1541 = arith.constant 0 : i32
        %parallel_loop3A_1542 = arith.constant 0 : i32
        %parallel_loop3A_1543 = arith.constant 0 : i32
        %parallel_loop3A_1544 = arith.constant 0 : i32
        %parallel_loop3A_1545 = tpu.memref_slice %arg7[%parallel_loop3A_1540, %parallel_loop3A_1541, %parallel_loop3A_1542, %parallel_loop3A_1543, %parallel_loop3A_1544] : memref<2x8x1x8x129xf32, #tpu.memory_space<vmem>> -> memref<1x8x1x8x129xf32, #tpu.memory_space<vmem>>
        %parallel_loop3A_1546 = tpu.memref_squeeze %parallel_loop3A_1545 : memref<1x8x1x8x129xf32, #tpu.memory_space<vmem>> -> memref<8x1x8x129xf32, #tpu.memory_space<vmem>>
        tpu.vector_store_idx %parallel_loop3A_1546[%select_n3A_908, %broadcast_in_dim3A_770, %select_n3A_1008, %parallel_loop3A_1498], %parallel_loop3A_1539 : memref<8x1x8x129xf32, #tpu.memory_space<vmem>>[vector<16xi32>, vector<16xi32>, vector<16xi32>, vector<16xi32>], vector<16xf32>,
        %parallel_loop3A_1547 = arith.constant 4 : i32
        %parallel_loop3A_1548 = arith.muli %parallel_loop3A_1493, %parallel_loop3A_1547 : i32
        %parallel_loop3A_1549 = arith.constant 1 : i32
        %parallel_loop3A_1550 = arith.addi %parallel_loop3A_1548, %parallel_loop3A_1549 : i32
        %parallel_loop3A_1551 = vector.broadcast %parallel_loop3A_1550 : i32 to vector<16xi32>
        %parallel_loop3A_1552 = arith.constant 0 : i32
        %parallel_loop3A_1553 = arith.index_cast %parallel_loop3A_1552 : i32 to index
        %parallel_loop3A_1554 = arith.index_cast %parallel_loop3A_1550 : i32 to index
        %parallel_loop3A_1555 = arith.constant 0 : index
        %parallel_loop3A_1556 = tpu.vector_load %arg6[%parallel_loop3A_1553, %parallel_loop3A_1554, %parallel_loop3A_1555] {strides = array<i32>} : memref<2x128x64xf32, #tpu.memory_space<vmem>>, vector<16xf32>,
        %parallel_loop3A_1557 = arith.constant 0 : i32
        %parallel_loop3A_1558 = arith.constant 0 : i32
        %parallel_loop3A_1559 = arith.constant 0 : i32
        %parallel_loop3A_1560 = arith.constant 0 : i32
        %parallel_loop3A_1561 = arith.constant 0 : i32
        %parallel_loop3A_1562 = tpu.memref_slice %arg7[%parallel_loop3A_1557, %parallel_loop3A_1558, %parallel_loop3A_1559, %parallel_loop3A_1560, %parallel_loop3A_1561] : memref<2x8x1x8x129xf32, #tpu.memory_space<vmem>> -> memref<1x8x1x8x129xf32, #tpu.memory_space<vmem>>
        %parallel_loop3A_1563 = tpu.memref_squeeze %parallel_loop3A_1562 : memref<1x8x1x8x129xf32, #tpu.memory_space<vmem>> -> memref<8x1x8x129xf32, #tpu.memory_space<vmem>>
        tpu.vector_store_idx %parallel_loop3A_1563[%select_n3A_806, %broadcast_in_dim3A_770, %select_n3A_933, %parallel_loop3A_1551], %parallel_loop3A_1556 : memref<8x1x8x129xf32, #tpu.memory_space<vmem>>[vector<16xi32>, vector<16xi32>, vector<16xi32>, vector<16xi32>], vector<16xf32>,
        %parallel_loop3A_1564 = arith.constant 0 : i32
        %parallel_loop3A_1565 = arith.index_cast %parallel_loop3A_1564 : i32 to index
        %parallel_loop3A_1566 = arith.index_cast %parallel_loop3A_1550 : i32 to index
        %parallel_loop3A_1567 = arith.constant 16 : index
        %parallel_loop3A_1568 = tpu.vector_load %arg6[%parallel_loop3A_1565, %parallel_loop3A_1566, %parallel_loop3A_1567] {strides = array<i32>} : memref<2x128x64xf32, #tpu.memory_space<vmem>>, vector<16xf32>,
        %parallel_loop3A_1569 = arith.constant 0 : i32
        %parallel_loop3A_1570 = arith.constant 0 : i32
        %parallel_loop3A_1571 = arith.constant 0 : i32
        %parallel_loop3A_1572 = arith.constant 0 : i32
        %parallel_loop3A_1573 = arith.constant 0 : i32
        %parallel_loop3A_1574 = tpu.memref_slice %arg7[%parallel_loop3A_1569, %parallel_loop3A_1570, %parallel_loop3A_1571, %parallel_loop3A_1572, %parallel_loop3A_1573] : memref<2x8x1x8x129xf32, #tpu.memory_space<vmem>> -> memref<1x8x1x8x129xf32, #tpu.memory_space<vmem>>
        %parallel_loop3A_1575 = tpu.memref_squeeze %parallel_loop3A_1574 : memref<1x8x1x8x129xf32, #tpu.memory_space<vmem>> -> memref<8x1x8x129xf32, #tpu.memory_space<vmem>>
        tpu.vector_store_idx %parallel_loop3A_1575[%select_n3A_840, %broadcast_in_dim3A_770, %select_n3A_958, %parallel_loop3A_1551], %parallel_loop3A_1568 : memref<8x1x8x129xf32, #tpu.memory_space<vmem>>[vector<16xi32>, vector<16xi32>, vector<16xi32>, vector<16xi32>], vector<16xf32>,
        %parallel_loop3A_1576 = arith.constant 0 : i32
        %parallel_loop3A_1577 = arith.index_cast %parallel_loop3A_1576 : i32 to index
        %parallel_loop3A_1578 = arith.index_cast %parallel_loop3A_1550 : i32 to index
        %parallel_loop3A_1579 = arith.constant 32 : index
        %parallel_loop3A_1580 = tpu.vector_load %arg6[%parallel_loop3A_1577, %parallel_loop3A_1578, %parallel_loop3A_1579] {strides = array<i32>} : memref<2x128x64xf32, #tpu.memory_space<vmem>>, vector<16xf32>,
        %parallel_loop3A_1581 = arith.constant 0 : i32
        %parallel_loop3A_1582 = arith.constant 0 : i32
        %parallel_loop3A_1583 = arith.constant 0 : i32
        %parallel_loop3A_1584 = arith.constant 0 : i32
        %parallel_loop3A_1585 = arith.constant 0 : i32
        %parallel_loop3A_1586 = tpu.memref_slice %arg7[%parallel_loop3A_1581, %parallel_loop3A_1582, %parallel_loop3A_1583, %parallel_loop3A_1584, %parallel_loop3A_1585] : memref<2x8x1x8x129xf32, #tpu.memory_space<vmem>> -> memref<1x8x1x8x129xf32, #tpu.memory_space<vmem>>
        %parallel_loop3A_1587 = tpu.memref_squeeze %parallel_loop3A_1586 : memref<1x8x1x8x129xf32, #tpu.memory_space<vmem>> -> memref<8x1x8x129xf32, #tpu.memory_space<vmem>>
        tpu.vector_store_idx %parallel_loop3A_1587[%select_n3A_874, %broadcast_in_dim3A_770, %select_n3A_983, %parallel_loop3A_1551], %parallel_loop3A_1580 : memref<8x1x8x129xf32, #tpu.memory_space<vmem>>[vector<16xi32>, vector<16xi32>, vector<16xi32>, vector<16xi32>], vector<16xf32>,
        %parallel_loop3A_1588 = arith.constant 0 : i32
        %parallel_loop3A_1589 = arith.index_cast %parallel_loop3A_1588 : i32 to index
        %parallel_loop3A_1590 = arith.index_cast %parallel_loop3A_1550 : i32 to index
        %parallel_loop3A_1591 = arith.constant 48 : index
        %parallel_loop3A_1592 = tpu.vector_load %arg6[%parallel_loop3A_1589, %parallel_loop3A_1590, %parallel_loop3A_1591] {strides = array<i32>} : memref<2x128x64xf32, #tpu.memory_space<vmem>>, vector<16xf32>,
        %parallel_loop3A_1593 = arith.constant 0 : i32
        %parallel_loop3A_1594 = arith.constant 0 : i32
        %parallel_loop3A_1595 = arith.constant 0 : i32
        %parallel_loop3A_1596 = arith.constant 0 : i32
        %parallel_loop3A_1597 = arith.constant 0 : i32
        %parallel_loop3A_1598 = tpu.memref_slice %arg7[%parallel_loop3A_1593, %parallel_loop3A_1594, %parallel_loop3A_1595, %parallel_loop3A_1596, %parallel_loop3A_1597] : memref<2x8x1x8x129xf32, #tpu.memory_space<vmem>> -> memref<1x8x1x8x129xf32, #tpu.memory_space<vmem>>
        %parallel_loop3A_1599 = tpu.memref_squeeze %parallel_loop3A_1598 : memref<1x8x1x8x129xf32, #tpu.memory_space<vmem>> -> memref<8x1x8x129xf32, #tpu.memory_space<vmem>>
        tpu.vector_store_idx %parallel_loop3A_1599[%select_n3A_908, %broadcast_in_dim3A_770, %select_n3A_1008, %parallel_loop3A_1551], %parallel_loop3A_1592 : memref<8x1x8x129xf32, #tpu.memory_space<vmem>>[vector<16xi32>, vector<16xi32>, vector<16xi32>, vector<16xi32>], vector<16xf32>,
        %parallel_loop3A_1600 = arith.constant 4 : i32
        %parallel_loop3A_1601 = arith.muli %parallel_loop3A_1493, %parallel_loop3A_1600 : i32
        %parallel_loop3A_1602 = arith.constant 2 : i32
        %parallel_loop3A_1603 = arith.addi %parallel_loop3A_1601, %parallel_loop3A_1602 : i32
        %parallel_loop3A_1604 = vector.broadcast %parallel_loop3A_1603 : i32 to vector<16xi32>
        %parallel_loop3A_1605 = arith.constant 0 : i32
        %parallel_loop3A_1606 = arith.index_cast %parallel_loop3A_1605 : i32 to index
        %parallel_loop3A_1607 = arith.index_cast %parallel_loop3A_1603 : i32 to index
        %parallel_loop3A_1608 = arith.constant 0 : index
        %parallel_loop3A_1609 = tpu.vector_load %arg6[%parallel_loop3A_1606, %parallel_loop3A_1607, %parallel_loop3A_1608] {strides = array<i32>} : memref<2x128x64xf32, #tpu.memory_space<vmem>>, vector<16xf32>,
        %parallel_loop3A_1610 = arith.constant 0 : i32
        %parallel_loop3A_1611 = arith.constant 0 : i32
        %parallel_loop3A_1612 = arith.constant 0 : i32
        %parallel_loop3A_1613 = arith.constant 0 : i32
        %parallel_loop3A_1614 = arith.constant 0 : i32
        %parallel_loop3A_1615 = tpu.memref_slice %arg7[%parallel_loop3A_1610, %parallel_loop3A_1611, %parallel_loop3A_1612, %parallel_loop3A_1613, %parallel_loop3A_1614] : memref<2x8x1x8x129xf32, #tpu.memory_space<vmem>> -> memref<1x8x1x8x129xf32, #tpu.memory_space<vmem>>
        %parallel_loop3A_1616 = tpu.memref_squeeze %parallel_loop3A_1615 : memref<1x8x1x8x129xf32, #tpu.memory_space<vmem>> -> memref<8x1x8x129xf32, #tpu.memory_space<vmem>>
        tpu.vector_store_idx %parallel_loop3A_1616[%select_n3A_806, %broadcast_in_dim3A_770, %select_n3A_933, %parallel_loop3A_1604], %parallel_loop3A_1609 : memref<8x1x8x129xf32, #tpu.memory_space<vmem>>[vector<16xi32>, vector<16xi32>, vector<16xi32>, vector<16xi32>], vector<16xf32>,
        %parallel_loop3A_1617 = arith.constant 0 : i32
        %parallel_loop3A_1618 = arith.index_cast %parallel_loop3A_1617 : i32 to index
        %parallel_loop3A_1619 = arith.index_cast %parallel_loop3A_1603 : i32 to index
        %parallel_loop3A_1620 = arith.constant 16 : index
        %parallel_loop3A_1621 = tpu.vector_load %arg6[%parallel_loop3A_1618, %parallel_loop3A_1619, %parallel_loop3A_1620] {strides = array<i32>} : memref<2x128x64xf32, #tpu.memory_space<vmem>>, vector<16xf32>,
        %parallel_loop3A_1622 = arith.constant 0 : i32
        %parallel_loop3A_1623 = arith.constant 0 : i32
        %parallel_loop3A_1624 = arith.constant 0 : i32
        %parallel_loop3A_1625 = arith.constant 0 : i32
        %parallel_loop3A_1626 = arith.constant 0 : i32
        %parallel_loop3A_1627 = tpu.memref_slice %arg7[%parallel_loop3A_1622, %parallel_loop3A_1623, %parallel_loop3A_1624, %parallel_loop3A_1625, %parallel_loop3A_1626] : memref<2x8x1x8x129xf32, #tpu.memory_space<vmem>> -> memref<1x8x1x8x129xf32, #tpu.memory_space<vmem>>
        %parallel_loop3A_1628 = tpu.memref_squeeze %parallel_loop3A_1627 : memref<1x8x1x8x129xf32, #tpu.memory_space<vmem>> -> memref<8x1x8x129xf32, #tpu.memory_space<vmem>>
        tpu.vector_store_idx %parallel_loop3A_1628[%select_n3A_840, %broadcast_in_dim3A_770, %select_n3A_958, %parallel_loop3A_1604], %parallel_loop3A_1621 : memref<8x1x8x129xf32, #tpu.memory_space<vmem>>[vector<16xi32>, vector<16xi32>, vector<16xi32>, vector<16xi32>], vector<16xf32>,
        %parallel_loop3A_1629 = arith.constant 0 : i32
        %parallel_loop3A_1630 = arith.index_cast %parallel_loop3A_1629 : i32 to index
        %parallel_loop3A_1631 = arith.index_cast %parallel_loop3A_1603 : i32 to index
        %parallel_loop3A_1632 = arith.constant 32 : index
        %parallel_loop3A_1633 = tpu.vector_load %arg6[%parallel_loop3A_1630, %parallel_loop3A_1631, %parallel_loop3A_1632] {strides = array<i32>} : memref<2x128x64xf32, #tpu.memory_space<vmem>>, vector<16xf32>,
        %parallel_loop3A_1634 = arith.constant 0 : i32
        %parallel_loop3A_1635 = arith.constant 0 : i32
        %parallel_loop3A_1636 = arith.constant 0 : i32
        %parallel_loop3A_1637 = arith.constant 0 : i32
        %parallel_loop3A_1638 = arith.constant 0 : i32
        %parallel_loop3A_1639 = tpu.memref_slice %arg7[%parallel_loop3A_1634, %parallel_loop3A_1635, %parallel_loop3A_1636, %parallel_loop3A_1637, %parallel_loop3A_1638] : memref<2x8x1x8x129xf32, #tpu.memory_space<vmem>> -> memref<1x8x1x8x129xf32, #tpu.memory_space<vmem>>
        %parallel_loop3A_1640 = tpu.memref_squeeze %parallel_loop3A_1639 : memref<1x8x1x8x129xf32, #tpu.memory_space<vmem>> -> memref<8x1x8x129xf32, #tpu.memory_space<vmem>>
        tpu.vector_store_idx %parallel_loop3A_1640[%select_n3A_874, %broadcast_in_dim3A_770, %select_n3A_983, %parallel_loop3A_1604], %parallel_loop3A_1633 : memref<8x1x8x129xf32, #tpu.memory_space<vmem>>[vector<16xi32>, vector<16xi32>, vector<16xi32>, vector<16xi32>], vector<16xf32>,
        %parallel_loop3A_1641 = arith.constant 0 : i32
        %parallel_loop3A_1642 = arith.index_cast %parallel_loop3A_1641 : i32 to index
        %parallel_loop3A_1643 = arith.index_cast %parallel_loop3A_1603 : i32 to index
        %parallel_loop3A_1644 = arith.constant 48 : index
        %parallel_loop3A_1645 = tpu.vector_load %arg6[%parallel_loop3A_1642, %parallel_loop3A_1643, %parallel_loop3A_1644] {strides = array<i32>} : memref<2x128x64xf32, #tpu.memory_space<vmem>>, vector<16xf32>,
        %parallel_loop3A_1646 = arith.constant 0 : i32
        %parallel_loop3A_1647 = arith.constant 0 : i32
        %parallel_loop3A_1648 = arith.constant 0 : i32
        %parallel_loop3A_1649 = arith.constant 0 : i32
        %parallel_loop3A_1650 = arith.constant 0 : i32
        %parallel_loop3A_1651 = tpu.memref_slice %arg7[%parallel_loop3A_1646, %parallel_loop3A_1647, %parallel_loop3A_1648, %parallel_loop3A_1649, %parallel_loop3A_1650] : memref<2x8x1x8x129xf32, #tpu.memory_space<vmem>> -> memref<1x8x1x8x129xf32, #tpu.memory_space<vmem>>
        %parallel_loop3A_1652 = tpu.memref_squeeze %parallel_loop3A_1651 : memref<1x8x1x8x129xf32, #tpu.memory_space<vmem>> -> memref<8x1x8x129xf32, #tpu.memory_space<vmem>>
        tpu.vector_store_idx %parallel_loop3A_1652[%select_n3A_908, %broadcast_in_dim3A_770, %select_n3A_1008, %parallel_loop3A_1604], %parallel_loop3A_1645 : memref<8x1x8x129xf32, #tpu.memory_space<vmem>>[vector<16xi32>, vector<16xi32>, vector<16xi32>, vector<16xi32>], vector<16xf32>,
        %parallel_loop3A_1653 = arith.constant 4 : i32
        %parallel_loop3A_1654 = arith.muli %parallel_loop3A_1493, %parallel_loop3A_1653 : i32
        %parallel_loop3A_1655 = arith.constant 3 : i32
        %parallel_loop3A_1656 = arith.addi %parallel_loop3A_1654, %parallel_loop3A_1655 : i32
        %parallel_loop3A_1657 = vector.broadcast %parallel_loop3A_1656 : i32 to vector<16xi32>
        %parallel_loop3A_1658 = arith.constant 0 : i32
        %parallel_loop3A_1659 = arith.index_cast %parallel_loop3A_1658 : i32 to index
        %parallel_loop3A_1660 = arith.index_cast %parallel_loop3A_1656 : i32 to index
        %parallel_loop3A_1661 = arith.constant 0 : index
        %parallel_loop3A_1662 = tpu.vector_load %arg6[%parallel_loop3A_1659, %parallel_loop3A_1660, %parallel_loop3A_1661] {strides = array<i32>} : memref<2x128x64xf32, #tpu.memory_space<vmem>>, vector<16xf32>,
        %parallel_loop3A_1663 = arith.constant 0 : i32
        %parallel_loop3A_1664 = arith.constant 0 : i32
        %parallel_loop3A_1665 = arith.constant 0 : i32
        %parallel_loop3A_1666 = arith.constant 0 : i32
        %parallel_loop3A_1667 = arith.constant 0 : i32
        %parallel_loop3A_1668 = tpu.memref_slice %arg7[%parallel_loop3A_1663, %parallel_loop3A_1664, %parallel_loop3A_1665, %parallel_loop3A_1666, %parallel_loop3A_1667] : memref<2x8x1x8x129xf32, #tpu.memory_space<vmem>> -> memref<1x8x1x8x129xf32, #tpu.memory_space<vmem>>
        %parallel_loop3A_1669 = tpu.memref_squeeze %parallel_loop3A_1668 : memref<1x8x1x8x129xf32, #tpu.memory_space<vmem>> -> memref<8x1x8x129xf32, #tpu.memory_space<vmem>>
        tpu.vector_store_idx %parallel_loop3A_1669[%select_n3A_806, %broadcast_in_dim3A_770, %select_n3A_933, %parallel_loop3A_1657], %parallel_loop3A_1662 : memref<8x1x8x129xf32, #tpu.memory_space<vmem>>[vector<16xi32>, vector<16xi32>, vector<16xi32>, vector<16xi32>], vector<16xf32>,
        %parallel_loop3A_1670 = arith.constant 0 : i32
        %parallel_loop3A_1671 = arith.index_cast %parallel_loop3A_1670 : i32 to index
        %parallel_loop3A_1672 = arith.index_cast %parallel_loop3A_1656 : i32 to index
        %parallel_loop3A_1673 = arith.constant 16 : index
        %parallel_loop3A_1674 = tpu.vector_load %arg6[%parallel_loop3A_1671, %parallel_loop3A_1672, %parallel_loop3A_1673] {strides = array<i32>} : memref<2x128x64xf32, #tpu.memory_space<vmem>>, vector<16xf32>,
        %parallel_loop3A_1675 = arith.constant 0 : i32
        %parallel_loop3A_1676 = arith.constant 0 : i32
        %parallel_loop3A_1677 = arith.constant 0 : i32
        %parallel_loop3A_1678 = arith.constant 0 : i32
        %parallel_loop3A_1679 = arith.constant 0 : i32
        %parallel_loop3A_1680 = tpu.memref_slice %arg7[%parallel_loop3A_1675, %parallel_loop3A_1676, %parallel_loop3A_1677, %parallel_loop3A_1678, %parallel_loop3A_1679] : memref<2x8x1x8x129xf32, #tpu.memory_space<vmem>> -> memref<1x8x1x8x129xf32, #tpu.memory_space<vmem>>
        %parallel_loop3A_1681 = tpu.memref_squeeze %parallel_loop3A_1680 : memref<1x8x1x8x129xf32, #tpu.memory_space<vmem>> -> memref<8x1x8x129xf32, #tpu.memory_space<vmem>>
        tpu.vector_store_idx %parallel_loop3A_1681[%select_n3A_840, %broadcast_in_dim3A_770, %select_n3A_958, %parallel_loop3A_1657], %parallel_loop3A_1674 : memref<8x1x8x129xf32, #tpu.memory_space<vmem>>[vector<16xi32>, vector<16xi32>, vector<16xi32>, vector<16xi32>], vector<16xf32>,
        %parallel_loop3A_1682 = arith.constant 0 : i32
        %parallel_loop3A_1683 = arith.index_cast %parallel_loop3A_1682 : i32 to index
        %parallel_loop3A_1684 = arith.index_cast %parallel_loop3A_1656 : i32 to index
        %parallel_loop3A_1685 = arith.constant 32 : index
        %parallel_loop3A_1686 = tpu.vector_load %arg6[%parallel_loop3A_1683, %parallel_loop3A_1684, %parallel_loop3A_1685] {strides = array<i32>} : memref<2x128x64xf32, #tpu.memory_space<vmem>>, vector<16xf32>,
        %parallel_loop3A_1687 = arith.constant 0 : i32
        %parallel_loop3A_1688 = arith.constant 0 : i32
        %parallel_loop3A_1689 = arith.constant 0 : i32
        %parallel_loop3A_1690 = arith.constant 0 : i32
        %parallel_loop3A_1691 = arith.constant 0 : i32
        %parallel_loop3A_1692 = tpu.memref_slice %arg7[%parallel_loop3A_1687, %parallel_loop3A_1688, %parallel_loop3A_1689, %parallel_loop3A_1690, %parallel_loop3A_1691] : memref<2x8x1x8x129xf32, #tpu.memory_space<vmem>> -> memref<1x8x1x8x129xf32, #tpu.memory_space<vmem>>
        %parallel_loop3A_1693 = tpu.memref_squeeze %parallel_loop3A_1692 : memref<1x8x1x8x129xf32, #tpu.memory_space<vmem>> -> memref<8x1x8x129xf32, #tpu.memory_space<vmem>>
        tpu.vector_store_idx %parallel_loop3A_1693[%select_n3A_874, %broadcast_in_dim3A_770, %select_n3A_983, %parallel_loop3A_1657], %parallel_loop3A_1686 : memref<8x1x8x129xf32, #tpu.memory_space<vmem>>[vector<16xi32>, vector<16xi32>, vector<16xi32>, vector<16xi32>], vector<16xf32>,
        %parallel_loop3A_1694 = arith.constant 0 : i32
        %parallel_loop3A_1695 = arith.index_cast %parallel_loop3A_1694 : i32 to index
        %parallel_loop3A_1696 = arith.index_cast %parallel_loop3A_1656 : i32 to index
        %parallel_loop3A_1697 = arith.constant 48 : index
        %parallel_loop3A_1698 = tpu.vector_load %arg6[%parallel_loop3A_1695, %parallel_loop3A_1696, %parallel_loop3A_1697] {strides = array<i32>} : memref<2x128x64xf32, #tpu.memory_space<vmem>>, vector<16xf32>,
        %parallel_loop3A_1699 = arith.constant 0 : i32
        %parallel_loop3A_1700 = arith.constant 0 : i32
        %parallel_loop3A_1701 = arith.constant 0 : i32
        %parallel_loop3A_1702 = arith.constant 0 : i32
        %parallel_loop3A_1703 = arith.constant 0 : i32
        %parallel_loop3A_1704 = tpu.memref_slice %arg7[%parallel_loop3A_1699, %parallel_loop3A_1700, %parallel_loop3A_1701, %parallel_loop3A_1702, %parallel_loop3A_1703] : memref<2x8x1x8x129xf32, #tpu.memory_space<vmem>> -> memref<1x8x1x8x129xf32, #tpu.memory_space<vmem>>
        %parallel_loop3A_1705 = tpu.memref_squeeze %parallel_loop3A_1704 : memref<1x8x1x8x129xf32, #tpu.memory_space<vmem>> -> memref<8x1x8x129xf32, #tpu.memory_space<vmem>>
        tpu.vector_store_idx %parallel_loop3A_1705[%select_n3A_908, %broadcast_in_dim3A_770, %select_n3A_1008, %parallel_loop3A_1657], %parallel_loop3A_1698 : memref<8x1x8x129xf32, #tpu.memory_space<vmem>>[vector<16xi32>, vector<16xi32>, vector<16xi32>, vector<16xi32>], vector<16xf32>,
      } {sc.loop_unroll_factor = 2 : i64, sc.parallel_access}
      %jit3A_1012 = arith.constant 4 : i32
      %div3A_1013 = arith.divsi %add3A_726, %jit3A_1012 : i32
      %sign3A_1014 = arith.constant 0 : i32
      %sign3A_1015 = arith.cmpi sgt, %add3A_726, %sign3A_1014 : i32
      %sign3A_1016 = arith.extui %sign3A_1015 : i1 to i32
      %sign3A_1017 = arith.constant 0 : i32
      %sign3A_1018 = arith.cmpi slt, %add3A_726, %sign3A_1017 : i32
      %sign3A_1019 = arith.extui %sign3A_1018 : i1 to i32
      %sign3A_1020 = arith.subi %sign3A_1016, %sign3A_1019 : i32
      %sign3A_1021 = arith.constant 0 : i32
      %sign3A_1022 = arith.cmpi sgt, %jit3A_1012, %sign3A_1021 : i32
      %sign3A_1023 = arith.extui %sign3A_1022 : i1 to i32
      %sign3A_1024 = arith.constant 0 : i32
      %sign3A_1025 = arith.cmpi slt, %jit3A_1012, %sign3A_1024 : i32
      %sign3A_1026 = arith.extui %sign3A_1025 : i1 to i32
      %sign3A_1027 = arith.subi %sign3A_1023, %sign3A_1026 : i32
      %ne3A_1028 = arith.cmpi ne, %sign3A_1020, %sign3A_1027 : i32
      %rem3A_1029 = arith.remsi %add3A_726, %jit3A_1012 : i32
      %ne3A_1030 = arith.constant 0 : i32
      %ne3A_1031 = arith.cmpi ne, %rem3A_1029, %ne3A_1030 : i32
      %and3A_1032 = arith.andi %ne3A_1028, %ne3A_1031 : i1
      %sub3A_1033 = arith.constant 1 : i32
      %sub3A_1034 = arith.subi %div3A_1013, %sub3A_1033 : i32
      %select_n3A_1035 = arith.select %and3A_1032, %sub3A_1034, %div3A_1013 : i32
      %jit3A_1036 = arith.constant 128 : i32
      %div3A_1037 = arith.divsi %mul3A_2, %jit3A_1036 : i32
      %sign3A_1038 = arith.constant 0 : i32
      %sign3A_1039 = arith.cmpi sgt, %mul3A_2, %sign3A_1038 : i32
      %sign3A_1040 = arith.extui %sign3A_1039 : i1 to i32
      %sign3A_1041 = arith.constant 0 : i32
      %sign3A_1042 = arith.cmpi slt, %mul3A_2, %sign3A_1041 : i32
      %sign3A_1043 = arith.extui %sign3A_1042 : i1 to i32
      %sign3A_1044 = arith.subi %sign3A_1040, %sign3A_1043 : i32
      %sign3A_1045 = arith.constant 0 : i32
      %sign3A_1046 = arith.cmpi sgt, %jit3A_1036, %sign3A_1045 : i32
      %sign3A_1047 = arith.extui %sign3A_1046 : i1 to i32
      %sign3A_1048 = arith.constant 0 : i32
      %sign3A_1049 = arith.cmpi slt, %jit3A_1036, %sign3A_1048 : i32
      %sign3A_1050 = arith.extui %sign3A_1049 : i1 to i32
      %sign3A_1051 = arith.subi %sign3A_1047, %sign3A_1050 : i32
      %ne3A_1052 = arith.cmpi ne, %sign3A_1044, %sign3A_1051 : i32
      %rem3A_1053 = arith.remsi %mul3A_2, %jit3A_1036 : i32
      %ne3A_1054 = arith.constant 0 : i32
      %ne3A_1055 = arith.cmpi ne, %rem3A_1053, %ne3A_1054 : i32
      %and3A_1056 = arith.andi %ne3A_1052, %ne3A_1055 : i1
      %sub3A_1057 = arith.constant 1 : i32
      %sub3A_1058 = arith.subi %div3A_1037, %sub3A_1057 : i32
      %select_n3A_1059 = arith.select %and3A_1056, %sub3A_1058, %div3A_1037 : i32
      %jit3A_1060 = arith.constant 4 : i32
      %eq3A_1061 = arith.constant 0 : i32
      %eq3A_1062 = arith.cmpi eq, %jit3A_1060, %eq3A_1061 : i32
      %jit3A_1063 = arith.constant 1 : i32
      %select_n3A_1064 = arith.select %eq3A_1062, %jit3A_1063, %jit3A_1060 : i32
      %rem3A_1065 = arith.remsi %add3A_726, %select_n3A_1064 : i32
      %ne3A_1066 = arith.constant 0 : i32
      %ne3A_1067 = arith.cmpi ne, %rem3A_1065, %ne3A_1066 : i32
      %lt3A_1068 = arith.constant 0 : i32
      %lt3A_1069 = arith.cmpi slt, %rem3A_1065, %lt3A_1068 : i32
      %lt3A_1070 = arith.constant 0 : i32
      %lt3A_1071 = arith.cmpi slt, %select_n3A_1064, %lt3A_1070 : i32
      %ne3A_1072 = arith.xori %lt3A_1069, %lt3A_1071 : i1
      %and3A_1073 = arith.andi %ne3A_1072, %ne3A_1067 : i1
      %add3A_1074 = arith.addi %rem3A_1065, %select_n3A_1064 : i32
      %select_n3A_1075 = arith.select %and3A_1073, %add3A_1074, %rem3A_1065 : i32
      %add3A_1076 = arith.addi %select_n3A_1059, %select_n3A_1075 : i32
      %dma_start3A_1077 = arith.constant 0 : i32
      %dma_start3A_1078 = arith.constant 0 : i32
      %dma_start3A_1079 = arith.constant 0 : i32
      %dma_start3A_1080 = arith.constant 0 : i32
      %dma_start3A_1081 = arith.constant 0 : i32
      %dma_start3A_1082 = tpu.memref_slice %arg7[%dma_start3A_1077, %dma_start3A_1078, %dma_start3A_1079, %dma_start3A_1080, %dma_start3A_1081] : memref<2x8x1x8x129xf32, #tpu.memory_space<vmem>> -> memref<1x8x1x8x128xf32, #tpu.memory_space<vmem>>
      %dma_start3A_1083 = tpu.memref_squeeze %dma_start3A_1082 : memref<1x8x1x8x128xf32, #tpu.memory_space<vmem>> -> memref<8x1x8x128xf32, #tpu.memory_space<vmem>>
      %dma_start3A_1084 = arith.constant 0 : i32
      %dma_start3A_1085 = arith.constant 0 : i32
      %dma_start3A_1086 = arith.constant 0 : i32
      %dma_start3A_1087 = tpu.memref_slice %arg4[%select_n3A_1035, %dma_start3A_1084, %add3A_1076, %dma_start3A_1085, %dma_start3A_1086] : memref<50x8x128x8x128xf32, #tpu.memory_space<hbm>> -> memref<1x8x1x8x128xf32, #tpu.memory_space<hbm>>
      %dma_start3A_1088 = tpu.memref_squeeze %dma_start3A_1087 : memref<1x8x1x8x128xf32, #tpu.memory_space<hbm>> -> memref<8x1x8x128xf32, #tpu.memory_space<hbm>>
      %dma_start3A_1089 = arith.constant 0 : i32
      %dma_start3A_1090 = arith.constant 0 : i32
      %dma_start3A_1091 = arith.constant 0 : i32
      %dma_start3A_1092 = tpu.memref_slice %arg4[%select_n3A_1035, %dma_start3A_1089, %add3A_1076, %dma_start3A_1090, %dma_start3A_1091] : memref<50x8x128x8x128xf32, #tpu.memory_space<hbm>> -> memref<1x8x1x8x128xf32, #tpu.memory_space<hbm>>
      %dma_start3A_1093 = tpu.memref_squeeze %dma_start3A_1092 : memref<1x8x1x8x128xf32, #tpu.memory_space<hbm>> -> memref<8x1x8x128xf32, #tpu.memory_space<hbm>>
      %dma_start3A_1094 = arith.constant 0 : i32
      %dma_start3A_1095 = arith.constant 0 : i32
      %dma_start3A_1096 = arith.constant 0 : i32
      %dma_start3A_1097 = arith.constant 0 : i32
      %dma_start3A_1098 = tpu.memref_slice %arg7[%dma_start3A_1077, %dma_start3A_1094, %dma_start3A_1095, %dma_start3A_1096, %dma_start3A_1097] : memref<2x8x1x8x129xf32, #tpu.memory_space<vmem>> -> memref<1x8x1x8x128xf32, #tpu.memory_space<vmem>>
      %dma_start3A_1099 = tpu.memref_squeeze %dma_start3A_1098 : memref<1x8x1x8x128xf32, #tpu.memory_space<vmem>> -> memref<8x1x8x128xf32, #tpu.memory_space<vmem>>
      tpu.enqueue_dma source(%dma_start3A_1099 : memref<8x1x8x128xf32, #tpu.memory_space<vmem>>) target(%dma_start3A_1093 : memref<8x1x8x128xf32, #tpu.memory_space<hbm>>) target_semaphore(%arg11 : memref<!tpu.dma_semaphore, #tpu.memory_space<semaphore_mem>>)
      %add3A_1100 = arith.constant 2 : i32
      %add3A_1101 = arith.addi %add3A_726, %add3A_1100 : i32
      %lt3A_1102 = arith.constant 200 : i32
      %lt3A_1103 = arith.cmpi slt, %add3A_1101, %lt3A_1102 : i32
      %convert_element_type3A_1104 = arith.extui %lt3A_1103 : i1 to i32
      %cond3A_1105 = arith.constant 0 : i32
      %cond3A_1106 = arith.cmpi ne, %convert_element_type3A_1104, %cond3A_1105 : i32
      scf.if %cond3A_1106 {
        %add3A_1493 = arith.constant 2 : i32
        %add3A_1494 = arith.addi %add3A_726, %add3A_1493 : i32
        %jit3A_1495 = arith.constant 4 : i32
        %div3A_1496 = arith.divsi %add3A_1494, %jit3A_1495 : i32
        %sign3A_1497 = arith.constant 0 : i32
        %sign3A_1498 = arith.cmpi sgt, %add3A_1494, %sign3A_1497 : i32
        %sign3A_1499 = arith.extui %sign3A_1498 : i1 to i32
        %sign3A_1500 = arith.constant 0 : i32
        %sign3A_1501 = arith.cmpi slt, %add3A_1494, %sign3A_1500 : i32
        %sign3A_1502 = arith.extui %sign3A_1501 : i1 to i32
        %sign3A_1503 = arith.subi %sign3A_1499, %sign3A_1502 : i32
        %sign3A_1504 = arith.constant 0 : i32
        %sign3A_1505 = arith.cmpi sgt, %jit3A_1495, %sign3A_1504 : i32
        %sign3A_1506 = arith.extui %sign3A_1505 : i1 to i32
        %sign3A_1507 = arith.constant 0 : i32
        %sign3A_1508 = arith.cmpi slt, %jit3A_1495, %sign3A_1507 : i32
        %sign3A_1509 = arith.extui %sign3A_1508 : i1 to i32
        %sign3A_1510 = arith.subi %sign3A_1506, %sign3A_1509 : i32
        %ne3A_1511 = arith.cmpi ne, %sign3A_1503, %sign3A_1510 : i32
        %rem3A_1512 = arith.remsi %add3A_1494, %jit3A_1495 : i32
        %ne3A_1513 = arith.constant 0 : i32
        %ne3A_1514 = arith.cmpi ne, %rem3A_1512, %ne3A_1513 : i32
        %and3A_1515 = arith.andi %ne3A_1511, %ne3A_1514 : i1
        %sub3A_1516 = arith.constant 1 : i32
        %sub3A_1517 = arith.subi %div3A_1496, %sub3A_1516 : i32
        %select_n3A_1518 = arith.select %and3A_1515, %sub3A_1517, %div3A_1496 : i32
        %jit3A_1519 = arith.constant 4 : i32
        %eq3A_1520 = arith.constant 0 : i32
        %eq3A_1521 = arith.cmpi eq, %jit3A_1519, %eq3A_1520 : i32
        %jit3A_1522 = arith.constant 1 : i32
        %select_n3A_1523 = arith.select %eq3A_1521, %jit3A_1522, %jit3A_1519 : i32
        %rem3A_1524 = arith.remsi %add3A_1494, %select_n3A_1523 : i32
        %ne3A_1525 = arith.constant 0 : i32
        %ne3A_1526 = arith.cmpi ne, %rem3A_1524, %ne3A_1525 : i32
        %lt3A_1527 = arith.constant 0 : i32
        %lt3A_1528 = arith.cmpi slt, %rem3A_1524, %lt3A_1527 : i32
        %lt3A_1529 = arith.constant 0 : i32
        %lt3A_1530 = arith.cmpi slt, %select_n3A_1523, %lt3A_1529 : i32
        %ne3A_1531 = arith.xori %lt3A_1528, %lt3A_1530 : i1
        %and3A_1532 = arith.andi %ne3A_1531, %ne3A_1526 : i1
        %add3A_1533 = arith.addi %rem3A_1524, %select_n3A_1523 : i32
        %select_n3A_1534 = arith.select %and3A_1532, %add3A_1533, %rem3A_1524 : i32
        %dma_start3A_1535 = arith.constant 0 : i32
        %dma_start3A_1536 = arith.constant 0 : i32
        %dma_start3A_1537 = arith.constant 0 : i32
        %dma_start3A_1538 = tpu.memref_slice %arg6[%dma_start3A_1535, %dma_start3A_1536, %dma_start3A_1537] : memref<2x128x64xf32, #tpu.memory_space<vmem>> -> memref<1x128x64xf32, #tpu.memory_space<vmem>>
        %dma_start3A_1539 = tpu.memref_squeeze %dma_start3A_1538 : memref<1x128x64xf32, #tpu.memory_space<vmem>> -> memref<128x64xf32, #tpu.memory_space<vmem>>
        %dma_start3A_1540 = arith.constant 0 : i32
        %dma_start3A_1541 = tpu.memref_slice %arg5[%select_n3A_1518, %select_n3A_1534, %dma_start3A_1540] : memref<50x4x128xi32, #tpu.memory_space<vmem>> -> memref<1x1x128xi32, #tpu.memory_space<vmem>>
        %dma_start3A_1542 = tpu.memref_squeeze %dma_start3A_1541 : memref<1x1x128xi32, #tpu.memory_space<vmem>> -> memref<128xi32, #tpu.memory_space<vmem>>
        %dma_start3A_1543 = arith.constant 0 : i32
        %dma_start3A_1544 = arith.constant 0 : i32
        %dma_start3A_1545 = tpu.memref_slice %arg8[%dma_start3A_1543, %dma_start3A_1544] : memref<512x64xf32, #tpu.memory_space<vmem_shared>> -> memref<512x64xf32, #tpu.memory_space<vmem_shared>>
        tpu.enqueue_indirect_dma source(%dma_start3A_1545 : memref<512x64xf32, #tpu.memory_space<vmem_shared>>) target(%dma_start3A_1539 : memref<128x64xf32, #tpu.memory_space<vmem>>) offsets(%dma_start3A_1542 : memref<128xi32, #tpu.memory_space<vmem>>) semaphore(%arg9 : memref<!tpu.dma_semaphore, #tpu.memory_space<semaphore_mem>>)
      } else {
      }
      %mul3A_1107 = arith.constant 2 : i32
      %mul3A_1108 = arith.muli %mul3A_1107, %scan3A_720 : i32
      %add3A_1109 = arith.constant 2 : i32
      %add3A_1110 = arith.addi %mul3A_1108, %add3A_1109 : i32
      %add3A_1111 = arith.constant 1 : i32
      %add3A_1112 = arith.addi %add3A_1110, %add3A_1111 : i32
      %dma_wait3A_1113 = arith.constant 1 : i32
      %dma_wait3A_1114 = arith.constant 0 : i32
      %dma_wait3A_1115 = arith.constant 0 : i32
      %dma_wait3A_1116 = tpu.memref_slice %arg6[%dma_wait3A_1113, %dma_wait3A_1114, %dma_wait3A_1115] : memref<2x128x64xf32, #tpu.memory_space<vmem>> -> memref<1x128x64xf32, #tpu.memory_space<vmem>>
      %dma_wait3A_1117 = tpu.memref_squeeze %dma_wait3A_1116 : memref<1x128x64xf32, #tpu.memory_space<vmem>> -> memref<128x64xf32, #tpu.memory_space<vmem>>
      %dma_wait3A_1118 = arith.constant 0 : i32
      %dma_wait3A_1119 = arith.constant 0 : i32
      %dma_wait3A_1120 = tpu.memref_slice %arg3[%dma_wait3A_1118, %dma_wait3A_1119] : memref<512x64xf32, #tpu.memory_space<hbm>> -> memref<128x64xf32, #tpu.memory_space<hbm>>
      %dma_wait3A_1121 = arith.constant 0 : i32
      %dma_wait3A_1122 = arith.constant 0 : i32
      %dma_wait3A_1123 = tpu.memref_slice %arg6[%dma_wait3A_1113, %dma_wait3A_1121, %dma_wait3A_1122] : memref<2x128x64xf32, #tpu.memory_space<vmem>> -> memref<1x128x64xf32, #tpu.memory_space<vmem>>
      %dma_wait3A_1124 = tpu.memref_squeeze %dma_wait3A_1123 : memref<1x128x64xf32, #tpu.memory_space<vmem>> -> memref<128x64xf32, #tpu.memory_space<vmem>>
      %dma_wait3A_1125 = arith.constant 0 : i32
      %dma_wait3A_1126 = arith.constant 0 : i32
      %dma_wait3A_1127 = tpu.memref_slice %arg3[%dma_wait3A_1125, %dma_wait3A_1126] : memref<512x64xf32, #tpu.memory_space<hbm>> -> memref<128x64xf32, #tpu.memory_space<hbm>>
      tpu.wait_dma2 semaphore(%arg10 : memref<!tpu.dma_semaphore, #tpu.memory_space<semaphore_mem>>) src(%dma_wait3A_1127 : memref<128x64xf32, #tpu.memory_space<hbm>>) dst(%dma_wait3A_1124 : memref<128x64xf32, #tpu.memory_space<vmem>>)
      %dma_wait3A_1128 = arith.constant 0 : i32
      %dma_wait3A_1129 = arith.constant 1 : i32
      %dma_wait3A_1130 = arith.constant 0 : i32
      %dma_wait3A_1131 = arith.constant 0 : i32
      %dma_wait3A_1132 = arith.constant 0 : i32
      %dma_wait3A_1133 = arith.constant 0 : i32
      %dma_wait3A_1134 = tpu.memref_slice %arg7[%dma_wait3A_1129, %dma_wait3A_1130, %dma_wait3A_1131, %dma_wait3A_1132, %dma_wait3A_1133] : memref<2x8x1x8x129xf32, #tpu.memory_space<vmem>> -> memref<1x8x1x8x128xf32, #tpu.memory_space<vmem>>
      %dma_wait3A_1135 = tpu.memref_squeeze %dma_wait3A_1134 : memref<1x8x1x8x128xf32, #tpu.memory_space<vmem>> -> memref<8x1x8x128xf32, #tpu.memory_space<vmem>>
      %dma_wait3A_1136 = arith.constant 0 : i32
      %dma_wait3A_1137 = arith.constant 0 : i32
      %dma_wait3A_1138 = arith.constant 0 : i32
      %dma_wait3A_1139 = arith.constant 0 : i32
      %dma_wait3A_1140 = tpu.memref_slice %arg4[%dma_wait3A_1128, %dma_wait3A_1136, %dma_wait3A_1137, %dma_wait3A_1138, %dma_wait3A_1139] : memref<50x8x128x8x128xf32, #tpu.memory_space<hbm>> -> memref<1x8x1x8x128xf32, #tpu.memory_space<hbm>>
      %dma_wait3A_1141 = tpu.memref_squeeze %dma_wait3A_1140 : memref<1x8x1x8x128xf32, #tpu.memory_space<hbm>> -> memref<8x1x8x128xf32, #tpu.memory_space<hbm>>
      %dma_wait3A_1142 = arith.constant 0 : i32
      %dma_wait3A_1143 = arith.constant 0 : i32
      %dma_wait3A_1144 = arith.constant 0 : i32
      %dma_wait3A_1145 = arith.constant 0 : i32
      %dma_wait3A_1146 = tpu.memref_slice %arg7[%dma_wait3A_1129, %dma_wait3A_1142, %dma_wait3A_1143, %dma_wait3A_1144, %dma_wait3A_1145] : memref<2x8x1x8x129xf32, #tpu.memory_space<vmem>> -> memref<1x8x1x8x128xf32, #tpu.memory_space<vmem>>
      %dma_wait3A_1147 = tpu.memref_squeeze %dma_wait3A_1146 : memref<1x8x1x8x128xf32, #tpu.memory_space<vmem>> -> memref<8x1x8x128xf32, #tpu.memory_space<vmem>>
      %dma_wait3A_1148 = arith.constant 0 : i32
      %dma_wait3A_1149 = arith.constant 0 : i32
      %dma_wait3A_1150 = arith.constant 0 : i32
      %dma_wait3A_1151 = arith.constant 0 : i32
      %dma_wait3A_1152 = tpu.memref_slice %arg4[%dma_wait3A_1128, %dma_wait3A_1148, %dma_wait3A_1149, %dma_wait3A_1150, %dma_wait3A_1151] : memref<50x8x128x8x128xf32, #tpu.memory_space<hbm>> -> memref<1x8x1x8x128xf32, #tpu.memory_space<hbm>>
      %dma_wait3A_1153 = tpu.memref_squeeze %dma_wait3A_1152 : memref<1x8x1x8x128xf32, #tpu.memory_space<hbm>> -> memref<8x1x8x128xf32, #tpu.memory_space<hbm>>
      tpu.wait_dma2 semaphore(%arg12 : memref<!tpu.dma_semaphore, #tpu.memory_space<semaphore_mem>>) src(%dma_wait3A_1153 : memref<8x1x8x128xf32, #tpu.memory_space<hbm>>) dst(%dma_wait3A_1147 : memref<8x1x8x128xf32, #tpu.memory_space<vmem>>)
      %iota3A_1154 = tpu.iota {dimensions = array<i32: 0>} : vector<16xi32>
      %broadcast_in_dim3A_1155 = arith.constant 0 : i32
      %broadcast_in_dim3A_1156 = vector.broadcast %broadcast_in_dim3A_1155 : i32 to vector<16xi32>
      %broadcast_in_dim3A_1157 = arith.constant 1 : i32
      %broadcast_in_dim3A_1158 = vector.broadcast %broadcast_in_dim3A_1157 : i32 to vector<16xi32>
      %add3A_1159 = arith.constant 0 : i32
      %add3A_1160 = vector.broadcast %add3A_1159 : i32 to vector<16xi32>
      %add3A_1161 = arith.addi %iota3A_1154, %add3A_1160 : vector<16xi32>
      %jit3A_1162 = arith.constant 8 : i32
      %div3A_1163 = vector.broadcast %jit3A_1162 : i32 to vector<16xi32>
      %div3A_1164 = arith.divsi %add3A_1161, %div3A_1163 : vector<16xi32>
      %sign3A_1165 = arith.constant 0 : i32
      %sign3A_1166 = vector.broadcast %sign3A_1165 : i32 to vector<16xi32>
      %sign3A_1167 = arith.cmpi sgt, %add3A_1161, %sign3A_1166 : vector<16xi32>
      %sign3A_1168 = arith.extui %sign3A_1167 : vector<16xi1> to vector<16xi32>
      %sign3A_1169 = arith.constant 0 : i32
      %sign3A_1170 = vector.broadcast %sign3A_1169 : i32 to vector<16xi32>
      %sign3A_1171 = arith.cmpi slt, %add3A_1161, %sign3A_1170 : vector<16xi32>
      %sign3A_1172 = arith.extui %sign3A_1171 : vector<16xi1> to vector<16xi32>
      %sign3A_1173 = arith.subi %sign3A_1168, %sign3A_1172 : vector<16xi32>
      %sign3A_1174 = arith.constant 0 : i32
      %sign3A_1175 = arith.cmpi sgt, %jit3A_1162, %sign3A_1174 : i32
      %sign3A_1176 = arith.extui %sign3A_1175 : i1 to i32
      %sign3A_1177 = arith.constant 0 : i32
      %sign3A_1178 = arith.cmpi slt, %jit3A_1162, %sign3A_1177 : i32
      %sign3A_1179 = arith.extui %sign3A_1178 : i1 to i32
      %sign3A_1180 = arith.subi %sign3A_1176, %sign3A_1179 : i32
      %ne3A_1181 = vector.broadcast %sign3A_1180 : i32 to vector<16xi32>
      %ne3A_1182 = arith.cmpi ne, %sign3A_1173, %ne3A_1181 : vector<16xi32>
      %rem3A_1183 = vector.broadcast %jit3A_1162 : i32 to vector<16xi32>
      %rem3A_1184 = arith.remsi %add3A_1161, %rem3A_1183 : vector<16xi32>
      %ne3A_1185 = arith.constant 0 : i32
      %ne3A_1186 = vector.broadcast %ne3A_1185 : i32 to vector<16xi32>
      %ne3A_1187 = arith.cmpi ne, %rem3A_1184, %ne3A_1186 : vector<16xi32>
      %and3A_1188 = arith.andi %ne3A_1182, %ne3A_1187 : vector<16xi1>
      %sub3A_1189 = arith.constant 1 : i32
      %sub3A_1190 = vector.broadcast %sub3A_1189 : i32 to vector<16xi32>
      %sub3A_1191 = arith.subi %div3A_1164, %sub3A_1190 : vector<16xi32>
      %select_n3A_1192 = arith.select %and3A_1188, %sub3A_1191, %div3A_1164 : vector<16xi1>, vector<16xi32>
      %add3A_1193 = arith.constant 16 : i32
      %add3A_1194 = vector.broadcast %add3A_1193 : i32 to vector<16xi32>
      %add3A_1195 = arith.addi %iota3A_1154, %add3A_1194 : vector<16xi32>
      %jit3A_1196 = arith.constant 8 : i32
      %div3A_1197 = vector.broadcast %jit3A_1196 : i32 to vector<16xi32>
      %div3A_1198 = arith.divsi %add3A_1195, %div3A_1197 : vector<16xi32>
      %sign3A_1199 = arith.constant 0 : i32
      %sign3A_1200 = vector.broadcast %sign3A_1199 : i32 to vector<16xi32>
      %sign3A_1201 = arith.cmpi sgt, %add3A_1195, %sign3A_1200 : vector<16xi32>
      %sign3A_1202 = arith.extui %sign3A_1201 : vector<16xi1> to vector<16xi32>
      %sign3A_1203 = arith.constant 0 : i32
      %sign3A_1204 = vector.broadcast %sign3A_1203 : i32 to vector<16xi32>
      %sign3A_1205 = arith.cmpi slt, %add3A_1195, %sign3A_1204 : vector<16xi32>
      %sign3A_1206 = arith.extui %sign3A_1205 : vector<16xi1> to vector<16xi32>
      %sign3A_1207 = arith.subi %sign3A_1202, %sign3A_1206 : vector<16xi32>
      %sign3A_1208 = arith.constant 0 : i32
      %sign3A_1209 = arith.cmpi sgt, %jit3A_1196, %sign3A_1208 : i32
      %sign3A_1210 = arith.extui %sign3A_1209 : i1 to i32
      %sign3A_1211 = arith.constant 0 : i32
      %sign3A_1212 = arith.cmpi slt, %jit3A_1196, %sign3A_1211 : i32
      %sign3A_1213 = arith.extui %sign3A_1212 : i1 to i32
      %sign3A_1214 = arith.subi %sign3A_1210, %sign3A_1213 : i32
      %ne3A_1215 = vector.broadcast %sign3A_1214 : i32 to vector<16xi32>
      %ne3A_1216 = arith.cmpi ne, %sign3A_1207, %ne3A_1215 : vector<16xi32>
      %rem3A_1217 = vector.broadcast %jit3A_1196 : i32 to vector<16xi32>
      %rem3A_1218 = arith.remsi %add3A_1195, %rem3A_1217 : vector<16xi32>
      %ne3A_1219 = arith.constant 0 : i32
      %ne3A_1220 = vector.broadcast %ne3A_1219 : i32 to vector<16xi32>
      %ne3A_1221 = arith.cmpi ne, %rem3A_1218, %ne3A_1220 : vector<16xi32>
      %and3A_1222 = arith.andi %ne3A_1216, %ne3A_1221 : vector<16xi1>
      %sub3A_1223 = arith.constant 1 : i32
      %sub3A_1224 = vector.broadcast %sub3A_1223 : i32 to vector<16xi32>
      %sub3A_1225 = arith.subi %div3A_1198, %sub3A_1224 : vector<16xi32>
      %select_n3A_1226 = arith.select %and3A_1222, %sub3A_1225, %div3A_1198 : vector<16xi1>, vector<16xi32>
      %add3A_1227 = arith.constant 32 : i32
      %add3A_1228 = vector.broadcast %add3A_1227 : i32 to vector<16xi32>
      %add3A_1229 = arith.addi %iota3A_1154, %add3A_1228 : vector<16xi32>
      %jit3A_1230 = arith.constant 8 : i32
      %div3A_1231 = vector.broadcast %jit3A_1230 : i32 to vector<16xi32>
      %div3A_1232 = arith.divsi %add3A_1229, %div3A_1231 : vector<16xi32>
      %sign3A_1233 = arith.constant 0 : i32
      %sign3A_1234 = vector.broadcast %sign3A_1233 : i32 to vector<16xi32>
      %sign3A_1235 = arith.cmpi sgt, %add3A_1229, %sign3A_1234 : vector<16xi32>
      %sign3A_1236 = arith.extui %sign3A_1235 : vector<16xi1> to vector<16xi32>
      %sign3A_1237 = arith.constant 0 : i32
      %sign3A_1238 = vector.broadcast %sign3A_1237 : i32 to vector<16xi32>
      %sign3A_1239 = arith.cmpi slt, %add3A_1229, %sign3A_1238 : vector<16xi32>
      %sign3A_1240 = arith.extui %sign3A_1239 : vector<16xi1> to vector<16xi32>
      %sign3A_1241 = arith.subi %sign3A_1236, %sign3A_1240 : vector<16xi32>
      %sign3A_1242 = arith.constant 0 : i32
      %sign3A_1243 = arith.cmpi sgt, %jit3A_1230, %sign3A_1242 : i32
      %sign3A_1244 = arith.extui %sign3A_1243 : i1 to i32
      %sign3A_1245 = arith.constant 0 : i32
      %sign3A_1246 = arith.cmpi slt, %jit3A_1230, %sign3A_1245 : i32
      %sign3A_1247 = arith.extui %sign3A_1246 : i1 to i32
      %sign3A_1248 = arith.subi %sign3A_1244, %sign3A_1247 : i32
      %ne3A_1249 = vector.broadcast %sign3A_1248 : i32 to vector<16xi32>
      %ne3A_1250 = arith.cmpi ne, %sign3A_1241, %ne3A_1249 : vector<16xi32>
      %rem3A_1251 = vector.broadcast %jit3A_1230 : i32 to vector<16xi32>
      %rem3A_1252 = arith.remsi %add3A_1229, %rem3A_1251 : vector<16xi32>
      %ne3A_1253 = arith.constant 0 : i32
      %ne3A_1254 = vector.broadcast %ne3A_1253 : i32 to vector<16xi32>
      %ne3A_1255 = arith.cmpi ne, %rem3A_1252, %ne3A_1254 : vector<16xi32>
      %and3A_1256 = arith.andi %ne3A_1250, %ne3A_1255 : vector<16xi1>
      %sub3A_1257 = arith.constant 1 : i32
      %sub3A_1258 = vector.broadcast %sub3A_1257 : i32 to vector<16xi32>
      %sub3A_1259 = arith.subi %div3A_1232, %sub3A_1258 : vector<16xi32>
      %select_n3A_1260 = arith.select %and3A_1256, %sub3A_1259, %div3A_1232 : vector<16xi1>, vector<16xi32>
      %add3A_1261 = arith.constant 48 : i32
      %add3A_1262 = vector.broadcast %add3A_1261 : i32 to vector<16xi32>
      %add3A_1263 = arith.addi %iota3A_1154, %add3A_1262 : vector<16xi32>
      %jit3A_1264 = arith.constant 8 : i32
      %div3A_1265 = vector.broadcast %jit3A_1264 : i32 to vector<16xi32>
      %div3A_1266 = arith.divsi %add3A_1263, %div3A_1265 : vector<16xi32>
      %sign3A_1267 = arith.constant 0 : i32
      %sign3A_1268 = vector.broadcast %sign3A_1267 : i32 to vector<16xi32>
      %sign3A_1269 = arith.cmpi sgt, %add3A_1263, %sign3A_1268 : vector<16xi32>
      %sign3A_1270 = arith.extui %sign3A_1269 : vector<16xi1> to vector<16xi32>
      %sign3A_1271 = arith.constant 0 : i32
      %sign3A_1272 = vector.broadcast %sign3A_1271 : i32 to vector<16xi32>
      %sign3A_1273 = arith.cmpi slt, %add3A_1263, %sign3A_1272 : vector<16xi32>
      %sign3A_1274 = arith.extui %sign3A_1273 : vector<16xi1> to vector<16xi32>
      %sign3A_1275 = arith.subi %sign3A_1270, %sign3A_1274 : vector<16xi32>
      %sign3A_1276 = arith.constant 0 : i32
      %sign3A_1277 = arith.cmpi sgt, %jit3A_1264, %sign3A_1276 : i32
      %sign3A_1278 = arith.extui %sign3A_1277 : i1 to i32
      %sign3A_1279 = arith.constant 0 : i32
      %sign3A_1280 = arith.cmpi slt, %jit3A_1264, %sign3A_1279 : i32
      %sign3A_1281 = arith.extui %sign3A_1280 : i1 to i32
      %sign3A_1282 = arith.subi %sign3A_1278, %sign3A_1281 : i32
      %ne3A_1283 = vector.broadcast %sign3A_1282 : i32 to vector<16xi32>
      %ne3A_1284 = arith.cmpi ne, %sign3A_1275, %ne3A_1283 : vector<16xi32>
      %rem3A_1285 = vector.broadcast %jit3A_1264 : i32 to vector<16xi32>
      %rem3A_1286 = arith.remsi %add3A_1263, %rem3A_1285 : vector<16xi32>
      %ne3A_1287 = arith.constant 0 : i32
      %ne3A_1288 = vector.broadcast %ne3A_1287 : i32 to vector<16xi32>
      %ne3A_1289 = arith.cmpi ne, %rem3A_1286, %ne3A_1288 : vector<16xi32>
      %and3A_1290 = arith.andi %ne3A_1284, %ne3A_1289 : vector<16xi1>
      %sub3A_1291 = arith.constant 1 : i32
      %sub3A_1292 = vector.broadcast %sub3A_1291 : i32 to vector<16xi32>
      %sub3A_1293 = arith.subi %div3A_1266, %sub3A_1292 : vector<16xi32>
      %select_n3A_1294 = arith.select %and3A_1290, %sub3A_1293, %div3A_1266 : vector<16xi1>, vector<16xi32>
      %add3A_1295 = arith.constant 0 : i32
      %add3A_1296 = vector.broadcast %add3A_1295 : i32 to vector<16xi32>
      %add3A_1297 = arith.addi %iota3A_1154, %add3A_1296 : vector<16xi32>
      %jit3A_1298 = arith.constant 8 : i32
      %eq3A_1299 = arith.constant 0 : i32
      %eq3A_1300 = arith.cmpi eq, %jit3A_1298, %eq3A_1299 : i32
      %jit3A_1301 = arith.constant 1 : i32
      %select_n3A_1302 = arith.select %eq3A_1300, %jit3A_1301, %jit3A_1298 : i32
      %rem3A_1303 = vector.broadcast %select_n3A_1302 : i32 to vector<16xi32>
      %rem3A_1304 = arith.remsi %add3A_1297, %rem3A_1303 : vector<16xi32>
      %ne3A_1305 = arith.constant 0 : i32
      %ne3A_1306 = vector.broadcast %ne3A_1305 : i32 to vector<16xi32>
      %ne3A_1307 = arith.cmpi ne, %rem3A_1304, %ne3A_1306 : vector<16xi32>
      %lt3A_1308 = arith.constant 0 : i32
      %lt3A_1309 = vector.broadcast %lt3A_1308 : i32 to vector<16xi32>
      %lt3A_1310 = arith.cmpi slt, %rem3A_1304, %lt3A_1309 : vector<16xi32>
      %lt3A_1311 = arith.constant 0 : i32
      %lt3A_1312 = arith.cmpi slt, %select_n3A_1302, %lt3A_1311 : i32
      %ne3A_1313 = vector.broadcast %lt3A_1312 : i1 to vector<16xi1>
      %ne3A_1314 = vector.broadcast %ne3A_1313 : vector<16xi1> to vector<16xi1>
      %ne3A_1315 = arith.xori %lt3A_1310, %ne3A_1314 : vector<16xi1>
      %and3A_1316 = arith.andi %ne3A_1315, %ne3A_1307 : vector<16xi1>
      %add3A_1317 = vector.broadcast %select_n3A_1302 : i32 to vector<16xi32>
      %add3A_1318 = arith.addi %rem3A_1304, %add3A_1317 : vector<16xi32>
      %select_n3A_1319 = arith.select %and3A_1316, %add3A_1318, %rem3A_1304 : vector<16xi1>, vector<16xi32>
      %add3A_1320 = arith.constant 16 : i32
      %add3A_1321 = vector.broadcast %add3A_1320 : i32 to vector<16xi32>
      %add3A_1322 = arith.addi %iota3A_1154, %add3A_1321 : vector<16xi32>
      %jit3A_1323 = arith.constant 8 : i32
      %eq3A_1324 = arith.constant 0 : i32
      %eq3A_1325 = arith.cmpi eq, %jit3A_1323, %eq3A_1324 : i32
      %jit3A_1326 = arith.constant 1 : i32
      %select_n3A_1327 = arith.select %eq3A_1325, %jit3A_1326, %jit3A_1323 : i32
      %rem3A_1328 = vector.broadcast %select_n3A_1327 : i32 to vector<16xi32>
      %rem3A_1329 = arith.remsi %add3A_1322, %rem3A_1328 : vector<16xi32>
      %ne3A_1330 = arith.constant 0 : i32
      %ne3A_1331 = vector.broadcast %ne3A_1330 : i32 to vector<16xi32>
      %ne3A_1332 = arith.cmpi ne, %rem3A_1329, %ne3A_1331 : vector<16xi32>
      %lt3A_1333 = arith.constant 0 : i32
      %lt3A_1334 = vector.broadcast %lt3A_1333 : i32 to vector<16xi32>
      %lt3A_1335 = arith.cmpi slt, %rem3A_1329, %lt3A_1334 : vector<16xi32>
      %lt3A_1336 = arith.constant 0 : i32
      %lt3A_1337 = arith.cmpi slt, %select_n3A_1327, %lt3A_1336 : i32
      %ne3A_1338 = vector.broadcast %lt3A_1337 : i1 to vector<16xi1>
      %ne3A_1339 = vector.broadcast %ne3A_1338 : vector<16xi1> to vector<16xi1>
      %ne3A_1340 = arith.xori %lt3A_1335, %ne3A_1339 : vector<16xi1>
      %and3A_1341 = arith.andi %ne3A_1340, %ne3A_1332 : vector<16xi1>
      %add3A_1342 = vector.broadcast %select_n3A_1327 : i32 to vector<16xi32>
      %add3A_1343 = arith.addi %rem3A_1329, %add3A_1342 : vector<16xi32>
      %select_n3A_1344 = arith.select %and3A_1341, %add3A_1343, %rem3A_1329 : vector<16xi1>, vector<16xi32>
      %add3A_1345 = arith.constant 32 : i32
      %add3A_1346 = vector.broadcast %add3A_1345 : i32 to vector<16xi32>
      %add3A_1347 = arith.addi %iota3A_1154, %add3A_1346 : vector<16xi32>
      %jit3A_1348 = arith.constant 8 : i32
      %eq3A_1349 = arith.constant 0 : i32
      %eq3A_1350 = arith.cmpi eq, %jit3A_1348, %eq3A_1349 : i32
      %jit3A_1351 = arith.constant 1 : i32
      %select_n3A_1352 = arith.select %eq3A_1350, %jit3A_1351, %jit3A_1348 : i32
      %rem3A_1353 = vector.broadcast %select_n3A_1352 : i32 to vector<16xi32>
      %rem3A_1354 = arith.remsi %add3A_1347, %rem3A_1353 : vector<16xi32>
      %ne3A_1355 = arith.constant 0 : i32
      %ne3A_1356 = vector.broadcast %ne3A_1355 : i32 to vector<16xi32>
      %ne3A_1357 = arith.cmpi ne, %rem3A_1354, %ne3A_1356 : vector<16xi32>
      %lt3A_1358 = arith.constant 0 : i32
      %lt3A_1359 = vector.broadcast %lt3A_1358 : i32 to vector<16xi32>
      %lt3A_1360 = arith.cmpi slt, %rem3A_1354, %lt3A_1359 : vector<16xi32>
      %lt3A_1361 = arith.constant 0 : i32
      %lt3A_1362 = arith.cmpi slt, %select_n3A_1352, %lt3A_1361 : i32
      %ne3A_1363 = vector.broadcast %lt3A_1362 : i1 to vector<16xi1>
      %ne3A_1364 = vector.broadcast %ne3A_1363 : vector<16xi1> to vector<16xi1>
      %ne3A_1365 = arith.xori %lt3A_1360, %ne3A_1364 : vector<16xi1>
      %and3A_1366 = arith.andi %ne3A_1365, %ne3A_1357 : vector<16xi1>
      %add3A_1367 = vector.broadcast %select_n3A_1352 : i32 to vector<16xi32>
      %add3A_1368 = arith.addi %rem3A_1354, %add3A_1367 : vector<16xi32>
      %select_n3A_1369 = arith.select %and3A_1366, %add3A_1368, %rem3A_1354 : vector<16xi1>, vector<16xi32>
      %add3A_1370 = arith.constant 48 : i32
      %add3A_1371 = vector.broadcast %add3A_1370 : i32 to vector<16xi32>
      %add3A_1372 = arith.addi %iota3A_1154, %add3A_1371 : vector<16xi32>
      %jit3A_1373 = arith.constant 8 : i32
      %eq3A_1374 = arith.constant 0 : i32
      %eq3A_1375 = arith.cmpi eq, %jit3A_1373, %eq3A_1374 : i32
      %jit3A_1376 = arith.constant 1 : i32
      %select_n3A_1377 = arith.select %eq3A_1375, %jit3A_1376, %jit3A_1373 : i32
      %rem3A_1378 = vector.broadcast %select_n3A_1377 : i32 to vector<16xi32>
      %rem3A_1379 = arith.remsi %add3A_1372, %rem3A_1378 : vector<16xi32>
      %ne3A_1380 = arith.constant 0 : i32
      %ne3A_1381 = vector.broadcast %ne3A_1380 : i32 to vector<16xi32>
      %ne3A_1382 = arith.cmpi ne, %rem3A_1379, %ne3A_1381 : vector<16xi32>
      %lt3A_1383 = arith.constant 0 : i32
      %lt3A_1384 = vector.broadcast %lt3A_1383 : i32 to vector<16xi32>
      %lt3A_1385 = arith.cmpi slt, %rem3A_1379, %lt3A_1384 : vector<16xi32>
      %lt3A_1386 = arith.constant 0 : i32
      %lt3A_1387 = arith.cmpi slt, %select_n3A_1377, %lt3A_1386 : i32
      %ne3A_1388 = vector.broadcast %lt3A_1387 : i1 to vector<16xi1>
      %ne3A_1389 = vector.broadcast %ne3A_1388 : vector<16xi1> to vector<16xi1>
      %ne3A_1390 = arith.xori %lt3A_1385, %ne3A_1389 : vector<16xi1>
      %and3A_1391 = arith.andi %ne3A_1390, %ne3A_1382 : vector<16xi1>
      %add3A_1392 = vector.broadcast %select_n3A_1377 : i32 to vector<16xi32>
      %add3A_1393 = arith.addi %rem3A_1379, %add3A_1392 : vector<16xi32>
      %select_n3A_1394 = arith.select %and3A_1391, %add3A_1393, %rem3A_1379 : vector<16xi1>, vector<16xi32>
      %parallel_loop3A_1395 = arith.constant 0 : i32
      %parallel_loop3A_1396 = arith.constant 32 : i32
      %parallel_loop3A_1397 = arith.constant 1 : i32
      scf.for %parallel_loop3A_1493 = %parallel_loop3A_1395 to %parallel_loop3A_1396 step %parallel_loop3A_1397  : i32 {
        %parallel_loop3A_1494 = arith.constant 4 : i32
        %parallel_loop3A_1495 = arith.muli %parallel_loop3A_1493, %parallel_loop3A_1494 : i32
        %parallel_loop3A_1496 = arith.constant 0 : i32
        %parallel_loop3A_1497 = arith.addi %parallel_loop3A_1495, %parallel_loop3A_1496 : i32
        %parallel_loop3A_1498 = vector.broadcast %parallel_loop3A_1497 : i32 to vector<16xi32>
        %parallel_loop3A_1499 = arith.constant 1 : i32
        %parallel_loop3A_1500 = arith.index_cast %parallel_loop3A_1499 : i32 to index
        %parallel_loop3A_1501 = arith.index_cast %parallel_loop3A_1497 : i32 to index
        %parallel_loop3A_1502 = arith.constant 0 : index
        %parallel_loop3A_1503 = tpu.vector_load %arg6[%parallel_loop3A_1500, %parallel_loop3A_1501, %parallel_loop3A_1502] {strides = array<i32>} : memref<2x128x64xf32, #tpu.memory_space<vmem>>, vector<16xf32>,
        %parallel_loop3A_1504 = arith.constant 1 : i32
        %parallel_loop3A_1505 = arith.constant 0 : i32
        %parallel_loop3A_1506 = arith.constant 0 : i32
        %parallel_loop3A_1507 = arith.constant 0 : i32
        %parallel_loop3A_1508 = arith.constant 0 : i32
        %parallel_loop3A_1509 = tpu.memref_slice %arg7[%parallel_loop3A_1504, %parallel_loop3A_1505, %parallel_loop3A_1506, %parallel_loop3A_1507, %parallel_loop3A_1508] : memref<2x8x1x8x129xf32, #tpu.memory_space<vmem>> -> memref<1x8x1x8x129xf32, #tpu.memory_space<vmem>>
        %parallel_loop3A_1510 = tpu.memref_squeeze %parallel_loop3A_1509 : memref<1x8x1x8x129xf32, #tpu.memory_space<vmem>> -> memref<8x1x8x129xf32, #tpu.memory_space<vmem>>
        tpu.vector_store_idx %parallel_loop3A_1510[%select_n3A_1192, %broadcast_in_dim3A_1156, %select_n3A_1319, %parallel_loop3A_1498], %parallel_loop3A_1503 : memref<8x1x8x129xf32, #tpu.memory_space<vmem>>[vector<16xi32>, vector<16xi32>, vector<16xi32>, vector<16xi32>], vector<16xf32>,
        %parallel_loop3A_1511 = arith.constant 1 : i32
        %parallel_loop3A_1512 = arith.index_cast %parallel_loop3A_1511 : i32 to index
        %parallel_loop3A_1513 = arith.index_cast %parallel_loop3A_1497 : i32 to index
        %parallel_loop3A_1514 = arith.constant 16 : index
        %parallel_loop3A_1515 = tpu.vector_load %arg6[%parallel_loop3A_1512, %parallel_loop3A_1513, %parallel_loop3A_1514] {strides = array<i32>} : memref<2x128x64xf32, #tpu.memory_space<vmem>>, vector<16xf32>,
        %parallel_loop3A_1516 = arith.constant 1 : i32
        %parallel_loop3A_1517 = arith.constant 0 : i32
        %parallel_loop3A_1518 = arith.constant 0 : i32
        %parallel_loop3A_1519 = arith.constant 0 : i32
        %parallel_loop3A_1520 = arith.constant 0 : i32
        %parallel_loop3A_1521 = tpu.memref_slice %arg7[%parallel_loop3A_1516, %parallel_loop3A_1517, %parallel_loop3A_1518, %parallel_loop3A_1519, %parallel_loop3A_1520] : memref<2x8x1x8x129xf32, #tpu.memory_space<vmem>> -> memref<1x8x1x8x129xf32, #tpu.memory_space<vmem>>
        %parallel_loop3A_1522 = tpu.memref_squeeze %parallel_loop3A_1521 : memref<1x8x1x8x129xf32, #tpu.memory_space<vmem>> -> memref<8x1x8x129xf32, #tpu.memory_space<vmem>>
        tpu.vector_store_idx %parallel_loop3A_1522[%select_n3A_1226, %broadcast_in_dim3A_1156, %select_n3A_1344, %parallel_loop3A_1498], %parallel_loop3A_1515 : memref<8x1x8x129xf32, #tpu.memory_space<vmem>>[vector<16xi32>, vector<16xi32>, vector<16xi32>, vector<16xi32>], vector<16xf32>,
        %parallel_loop3A_1523 = arith.constant 1 : i32
        %parallel_loop3A_1524 = arith.index_cast %parallel_loop3A_1523 : i32 to index
        %parallel_loop3A_1525 = arith.index_cast %parallel_loop3A_1497 : i32 to index
        %parallel_loop3A_1526 = arith.constant 32 : index
        %parallel_loop3A_1527 = tpu.vector_load %arg6[%parallel_loop3A_1524, %parallel_loop3A_1525, %parallel_loop3A_1526] {strides = array<i32>} : memref<2x128x64xf32, #tpu.memory_space<vmem>>, vector<16xf32>,
        %parallel_loop3A_1528 = arith.constant 1 : i32
        %parallel_loop3A_1529 = arith.constant 0 : i32
        %parallel_loop3A_1530 = arith.constant 0 : i32
        %parallel_loop3A_1531 = arith.constant 0 : i32
        %parallel_loop3A_1532 = arith.constant 0 : i32
        %parallel_loop3A_1533 = tpu.memref_slice %arg7[%parallel_loop3A_1528, %parallel_loop3A_1529, %parallel_loop3A_1530, %parallel_loop3A_1531, %parallel_loop3A_1532] : memref<2x8x1x8x129xf32, #tpu.memory_space<vmem>> -> memref<1x8x1x8x129xf32, #tpu.memory_space<vmem>>
        %parallel_loop3A_1534 = tpu.memref_squeeze %parallel_loop3A_1533 : memref<1x8x1x8x129xf32, #tpu.memory_space<vmem>> -> memref<8x1x8x129xf32, #tpu.memory_space<vmem>>
        tpu.vector_store_idx %parallel_loop3A_1534[%select_n3A_1260, %broadcast_in_dim3A_1156, %select_n3A_1369, %parallel_loop3A_1498], %parallel_loop3A_1527 : memref<8x1x8x129xf32, #tpu.memory_space<vmem>>[vector<16xi32>, vector<16xi32>, vector<16xi32>, vector<16xi32>], vector<16xf32>,
        %parallel_loop3A_1535 = arith.constant 1 : i32
        %parallel_loop3A_1536 = arith.index_cast %parallel_loop3A_1535 : i32 to index
        %parallel_loop3A_1537 = arith.index_cast %parallel_loop3A_1497 : i32 to index
        %parallel_loop3A_1538 = arith.constant 48 : index
        %parallel_loop3A_1539 = tpu.vector_load %arg6[%parallel_loop3A_1536, %parallel_loop3A_1537, %parallel_loop3A_1538] {strides = array<i32>} : memref<2x128x64xf32, #tpu.memory_space<vmem>>, vector<16xf32>,
        %parallel_loop3A_1540 = arith.constant 1 : i32
        %parallel_loop3A_1541 = arith.constant 0 : i32
        %parallel_loop3A_1542 = arith.constant 0 : i32
        %parallel_loop3A_1543 = arith.constant 0 : i32
        %parallel_loop3A_1544 = arith.constant 0 : i32
        %parallel_loop3A_1545 = tpu.memref_slice %arg7[%parallel_loop3A_1540, %parallel_loop3A_1541, %parallel_loop3A_1542, %parallel_loop3A_1543, %parallel_loop3A_1544] : memref<2x8x1x8x129xf32, #tpu.memory_space<vmem>> -> memref<1x8x1x8x129xf32, #tpu.memory_space<vmem>>
        %parallel_loop3A_1546 = tpu.memref_squeeze %parallel_loop3A_1545 : memref<1x8x1x8x129xf32, #tpu.memory_space<vmem>> -> memref<8x1x8x129xf32, #tpu.memory_space<vmem>>
        tpu.vector_store_idx %parallel_loop3A_1546[%select_n3A_1294, %broadcast_in_dim3A_1156, %select_n3A_1394, %parallel_loop3A_1498], %parallel_loop3A_1539 : memref<8x1x8x129xf32, #tpu.memory_space<vmem>>[vector<16xi32>, vector<16xi32>, vector<16xi32>, vector<16xi32>], vector<16xf32>,
        %parallel_loop3A_1547 = arith.constant 4 : i32
        %parallel_loop3A_1548 = arith.muli %parallel_loop3A_1493, %parallel_loop3A_1547 : i32
        %parallel_loop3A_1549 = arith.constant 1 : i32
        %parallel_loop3A_1550 = arith.addi %parallel_loop3A_1548, %parallel_loop3A_1549 : i32
        %parallel_loop3A_1551 = vector.broadcast %parallel_loop3A_1550 : i32 to vector<16xi32>
        %parallel_loop3A_1552 = arith.constant 1 : i32
        %parallel_loop3A_1553 = arith.index_cast %parallel_loop3A_1552 : i32 to index
        %parallel_loop3A_1554 = arith.index_cast %parallel_loop3A_1550 : i32 to index
        %parallel_loop3A_1555 = arith.constant 0 : index
        %parallel_loop3A_1556 = tpu.vector_load %arg6[%parallel_loop3A_1553, %parallel_loop3A_1554, %parallel_loop3A_1555] {strides = array<i32>} : memref<2x128x64xf32, #tpu.memory_space<vmem>>, vector<16xf32>,
        %parallel_loop3A_1557 = arith.constant 1 : i32
        %parallel_loop3A_1558 = arith.constant 0 : i32
        %parallel_loop3A_1559 = arith.constant 0 : i32
        %parallel_loop3A_1560 = arith.constant 0 : i32
        %parallel_loop3A_1561 = arith.constant 0 : i32
        %parallel_loop3A_1562 = tpu.memref_slice %arg7[%parallel_loop3A_1557, %parallel_loop3A_1558, %parallel_loop3A_1559, %parallel_loop3A_1560, %parallel_loop3A_1561] : memref<2x8x1x8x129xf32, #tpu.memory_space<vmem>> -> memref<1x8x1x8x129xf32, #tpu.memory_space<vmem>>
        %parallel_loop3A_1563 = tpu.memref_squeeze %parallel_loop3A_1562 : memref<1x8x1x8x129xf32, #tpu.memory_space<vmem>> -> memref<8x1x8x129xf32, #tpu.memory_space<vmem>>
        tpu.vector_store_idx %parallel_loop3A_1563[%select_n3A_1192, %broadcast_in_dim3A_1156, %select_n3A_1319, %parallel_loop3A_1551], %parallel_loop3A_1556 : memref<8x1x8x129xf32, #tpu.memory_space<vmem>>[vector<16xi32>, vector<16xi32>, vector<16xi32>, vector<16xi32>], vector<16xf32>,
        %parallel_loop3A_1564 = arith.constant 1 : i32
        %parallel_loop3A_1565 = arith.index_cast %parallel_loop3A_1564 : i32 to index
        %parallel_loop3A_1566 = arith.index_cast %parallel_loop3A_1550 : i32 to index
        %parallel_loop3A_1567 = arith.constant 16 : index
        %parallel_loop3A_1568 = tpu.vector_load %arg6[%parallel_loop3A_1565, %parallel_loop3A_1566, %parallel_loop3A_1567] {strides = array<i32>} : memref<2x128x64xf32, #tpu.memory_space<vmem>>, vector<16xf32>,
        %parallel_loop3A_1569 = arith.constant 1 : i32
        %parallel_loop3A_1570 = arith.constant 0 : i32
        %parallel_loop3A_1571 = arith.constant 0 : i32
        %parallel_loop3A_1572 = arith.constant 0 : i32
        %parallel_loop3A_1573 = arith.constant 0 : i32
        %parallel_loop3A_1574 = tpu.memref_slice %arg7[%parallel_loop3A_1569, %parallel_loop3A_1570, %parallel_loop3A_1571, %parallel_loop3A_1572, %parallel_loop3A_1573] : memref<2x8x1x8x129xf32, #tpu.memory_space<vmem>> -> memref<1x8x1x8x129xf32, #tpu.memory_space<vmem>>
        %parallel_loop3A_1575 = tpu.memref_squeeze %parallel_loop3A_1574 : memref<1x8x1x8x129xf32, #tpu.memory_space<vmem>> -> memref<8x1x8x129xf32, #tpu.memory_space<vmem>>
        tpu.vector_store_idx %parallel_loop3A_1575[%select_n3A_1226, %broadcast_in_dim3A_1156, %select_n3A_1344, %parallel_loop3A_1551], %parallel_loop3A_1568 : memref<8x1x8x129xf32, #tpu.memory_space<vmem>>[vector<16xi32>, vector<16xi32>, vector<16xi32>, vector<16xi32>], vector<16xf32>,
        %parallel_loop3A_1576 = arith.constant 1 : i32
        %parallel_loop3A_1577 = arith.index_cast %parallel_loop3A_1576 : i32 to index
        %parallel_loop3A_1578 = arith.index_cast %parallel_loop3A_1550 : i32 to index
        %parallel_loop3A_1579 = arith.constant 32 : index
        %parallel_loop3A_1580 = tpu.vector_load %arg6[%parallel_loop3A_1577, %parallel_loop3A_1578, %parallel_loop3A_1579] {strides = array<i32>} : memref<2x128x64xf32, #tpu.memory_space<vmem>>, vector<16xf32>,
        %parallel_loop3A_1581 = arith.constant 1 : i32
        %parallel_loop3A_1582 = arith.constant 0 : i32
        %parallel_loop3A_1583 = arith.constant 0 : i32
        %parallel_loop3A_1584 = arith.constant 0 : i32
        %parallel_loop3A_1585 = arith.constant 0 : i32
        %parallel_loop3A_1586 = tpu.memref_slice %arg7[%parallel_loop3A_1581, %parallel_loop3A_1582, %parallel_loop3A_1583, %parallel_loop3A_1584, %parallel_loop3A_1585] : memref<2x8x1x8x129xf32, #tpu.memory_space<vmem>> -> memref<1x8x1x8x129xf32, #tpu.memory_space<vmem>>
        %parallel_loop3A_1587 = tpu.memref_squeeze %parallel_loop3A_1586 : memref<1x8x1x8x129xf32, #tpu.memory_space<vmem>> -> memref<8x1x8x129xf32, #tpu.memory_space<vmem>>
        tpu.vector_store_idx %parallel_loop3A_1587[%select_n3A_1260, %broadcast_in_dim3A_1156, %select_n3A_1369, %parallel_loop3A_1551], %parallel_loop3A_1580 : memref<8x1x8x129xf32, #tpu.memory_space<vmem>>[vector<16xi32>, vector<16xi32>, vector<16xi32>, vector<16xi32>], vector<16xf32>,
        %parallel_loop3A_1588 = arith.constant 1 : i32
        %parallel_loop3A_1589 = arith.index_cast %parallel_loop3A_1588 : i32 to index
        %parallel_loop3A_1590 = arith.index_cast %parallel_loop3A_1550 : i32 to index
        %parallel_loop3A_1591 = arith.constant 48 : index
        %parallel_loop3A_1592 = tpu.vector_load %arg6[%parallel_loop3A_1589, %parallel_loop3A_1590, %parallel_loop3A_1591] {strides = array<i32>} : memref<2x128x64xf32, #tpu.memory_space<vmem>>, vector<16xf32>,
        %parallel_loop3A_1593 = arith.constant 1 : i32
        %parallel_loop3A_1594 = arith.constant 0 : i32
        %parallel_loop3A_1595 = arith.constant 0 : i32
        %parallel_loop3A_1596 = arith.constant 0 : i32
        %parallel_loop3A_1597 = arith.constant 0 : i32
        %parallel_loop3A_1598 = tpu.memref_slice %arg7[%parallel_loop3A_1593, %parallel_loop3A_1594, %parallel_loop3A_1595, %parallel_loop3A_1596, %parallel_loop3A_1597] : memref<2x8x1x8x129xf32, #tpu.memory_space<vmem>> -> memref<1x8x1x8x129xf32, #tpu.memory_space<vmem>>
        %parallel_loop3A_1599 = tpu.memref_squeeze %parallel_loop3A_1598 : memref<1x8x1x8x129xf32, #tpu.memory_space<vmem>> -> memref<8x1x8x129xf32, #tpu.memory_space<vmem>>
        tpu.vector_store_idx %parallel_loop3A_1599[%select_n3A_1294, %broadcast_in_dim3A_1156, %select_n3A_1394, %parallel_loop3A_1551], %parallel_loop3A_1592 : memref<8x1x8x129xf32, #tpu.memory_space<vmem>>[vector<16xi32>, vector<16xi32>, vector<16xi32>, vector<16xi32>], vector<16xf32>,
        %parallel_loop3A_1600 = arith.constant 4 : i32
        %parallel_loop3A_1601 = arith.muli %parallel_loop3A_1493, %parallel_loop3A_1600 : i32
        %parallel_loop3A_1602 = arith.constant 2 : i32
        %parallel_loop3A_1603 = arith.addi %parallel_loop3A_1601, %parallel_loop3A_1602 : i32
        %parallel_loop3A_1604 = vector.broadcast %parallel_loop3A_1603 : i32 to vector<16xi32>
        %parallel_loop3A_1605 = arith.constant 1 : i32
        %parallel_loop3A_1606 = arith.index_cast %parallel_loop3A_1605 : i32 to index
        %parallel_loop3A_1607 = arith.index_cast %parallel_loop3A_1603 : i32 to index
        %parallel_loop3A_1608 = arith.constant 0 : index
        %parallel_loop3A_1609 = tpu.vector_load %arg6[%parallel_loop3A_1606, %parallel_loop3A_1607, %parallel_loop3A_1608] {strides = array<i32>} : memref<2x128x64xf32, #tpu.memory_space<vmem>>, vector<16xf32>,
        %parallel_loop3A_1610 = arith.constant 1 : i32
        %parallel_loop3A_1611 = arith.constant 0 : i32
        %parallel_loop3A_1612 = arith.constant 0 : i32
        %parallel_loop3A_1613 = arith.constant 0 : i32
        %parallel_loop3A_1614 = arith.constant 0 : i32
        %parallel_loop3A_1615 = tpu.memref_slice %arg7[%parallel_loop3A_1610, %parallel_loop3A_1611, %parallel_loop3A_1612, %parallel_loop3A_1613, %parallel_loop3A_1614] : memref<2x8x1x8x129xf32, #tpu.memory_space<vmem>> -> memref<1x8x1x8x129xf32, #tpu.memory_space<vmem>>
        %parallel_loop3A_1616 = tpu.memref_squeeze %parallel_loop3A_1615 : memref<1x8x1x8x129xf32, #tpu.memory_space<vmem>> -> memref<8x1x8x129xf32, #tpu.memory_space<vmem>>
        tpu.vector_store_idx %parallel_loop3A_1616[%select_n3A_1192, %broadcast_in_dim3A_1156, %select_n3A_1319, %parallel_loop3A_1604], %parallel_loop3A_1609 : memref<8x1x8x129xf32, #tpu.memory_space<vmem>>[vector<16xi32>, vector<16xi32>, vector<16xi32>, vector<16xi32>], vector<16xf32>,
        %parallel_loop3A_1617 = arith.constant 1 : i32
        %parallel_loop3A_1618 = arith.index_cast %parallel_loop3A_1617 : i32 to index
        %parallel_loop3A_1619 = arith.index_cast %parallel_loop3A_1603 : i32 to index
        %parallel_loop3A_1620 = arith.constant 16 : index
        %parallel_loop3A_1621 = tpu.vector_load %arg6[%parallel_loop3A_1618, %parallel_loop3A_1619, %parallel_loop3A_1620] {strides = array<i32>} : memref<2x128x64xf32, #tpu.memory_space<vmem>>, vector<16xf32>,
        %parallel_loop3A_1622 = arith.constant 1 : i32
        %parallel_loop3A_1623 = arith.constant 0 : i32
        %parallel_loop3A_1624 = arith.constant 0 : i32
        %parallel_loop3A_1625 = arith.constant 0 : i32
        %parallel_loop3A_1626 = arith.constant 0 : i32
        %parallel_loop3A_1627 = tpu.memref_slice %arg7[%parallel_loop3A_1622, %parallel_loop3A_1623, %parallel_loop3A_1624, %parallel_loop3A_1625, %parallel_loop3A_1626] : memref<2x8x1x8x129xf32, #tpu.memory_space<vmem>> -> memref<1x8x1x8x129xf32, #tpu.memory_space<vmem>>
        %parallel_loop3A_1628 = tpu.memref_squeeze %parallel_loop3A_1627 : memref<1x8x1x8x129xf32, #tpu.memory_space<vmem>> -> memref<8x1x8x129xf32, #tpu.memory_space<vmem>>
        tpu.vector_store_idx %parallel_loop3A_1628[%select_n3A_1226, %broadcast_in_dim3A_1156, %select_n3A_1344, %parallel_loop3A_1604], %parallel_loop3A_1621 : memref<8x1x8x129xf32, #tpu.memory_space<vmem>>[vector<16xi32>, vector<16xi32>, vector<16xi32>, vector<16xi32>], vector<16xf32>,
        %parallel_loop3A_1629 = arith.constant 1 : i32
        %parallel_loop3A_1630 = arith.index_cast %parallel_loop3A_1629 : i32 to index
        %parallel_loop3A_1631 = arith.index_cast %parallel_loop3A_1603 : i32 to index
        %parallel_loop3A_1632 = arith.constant 32 : index
        %parallel_loop3A_1633 = tpu.vector_load %arg6[%parallel_loop3A_1630, %parallel_loop3A_1631, %parallel_loop3A_1632] {strides = array<i32>} : memref<2x128x64xf32, #tpu.memory_space<vmem>>, vector<16xf32>,
        %parallel_loop3A_1634 = arith.constant 1 : i32
        %parallel_loop3A_1635 = arith.constant 0 : i32
        %parallel_loop3A_1636 = arith.constant 0 : i32
        %parallel_loop3A_1637 = arith.constant 0 : i32
        %parallel_loop3A_1638 = arith.constant 0 : i32
        %parallel_loop3A_1639 = tpu.memref_slice %arg7[%parallel_loop3A_1634, %parallel_loop3A_1635, %parallel_loop3A_1636, %parallel_loop3A_1637, %parallel_loop3A_1638] : memref<2x8x1x8x129xf32, #tpu.memory_space<vmem>> -> memref<1x8x1x8x129xf32, #tpu.memory_space<vmem>>
        %parallel_loop3A_1640 = tpu.memref_squeeze %parallel_loop3A_1639 : memref<1x8x1x8x129xf32, #tpu.memory_space<vmem>> -> memref<8x1x8x129xf32, #tpu.memory_space<vmem>>
        tpu.vector_store_idx %parallel_loop3A_1640[%select_n3A_1260, %broadcast_in_dim3A_1156, %select_n3A_1369, %parallel_loop3A_1604], %parallel_loop3A_1633 : memref<8x1x8x129xf32, #tpu.memory_space<vmem>>[vector<16xi32>, vector<16xi32>, vector<16xi32>, vector<16xi32>], vector<16xf32>,
        %parallel_loop3A_1641 = arith.constant 1 : i32
        %parallel_loop3A_1642 = arith.index_cast %parallel_loop3A_1641 : i32 to index
        %parallel_loop3A_1643 = arith.index_cast %parallel_loop3A_1603 : i32 to index
        %parallel_loop3A_1644 = arith.constant 48 : index
        %parallel_loop3A_1645 = tpu.vector_load %arg6[%parallel_loop3A_1642, %parallel_loop3A_1643, %parallel_loop3A_1644] {strides = array<i32>} : memref<2x128x64xf32, #tpu.memory_space<vmem>>, vector<16xf32>,
        %parallel_loop3A_1646 = arith.constant 1 : i32
        %parallel_loop3A_1647 = arith.constant 0 : i32
        %parallel_loop3A_1648 = arith.constant 0 : i32
        %parallel_loop3A_1649 = arith.constant 0 : i32
        %parallel_loop3A_1650 = arith.constant 0 : i32
        %parallel_loop3A_1651 = tpu.memref_slice %arg7[%parallel_loop3A_1646, %parallel_loop3A_1647, %parallel_loop3A_1648, %parallel_loop3A_1649, %parallel_loop3A_1650] : memref<2x8x1x8x129xf32, #tpu.memory_space<vmem>> -> memref<1x8x1x8x129xf32, #tpu.memory_space<vmem>>
        %parallel_loop3A_1652 = tpu.memref_squeeze %parallel_loop3A_1651 : memref<1x8x1x8x129xf32, #tpu.memory_space<vmem>> -> memref<8x1x8x129xf32, #tpu.memory_space<vmem>>
        tpu.vector_store_idx %parallel_loop3A_1652[%select_n3A_1294, %broadcast_in_dim3A_1156, %select_n3A_1394, %parallel_loop3A_1604], %parallel_loop3A_1645 : memref<8x1x8x129xf32, #tpu.memory_space<vmem>>[vector<16xi32>, vector<16xi32>, vector<16xi32>, vector<16xi32>], vector<16xf32>,
        %parallel_loop3A_1653 = arith.constant 4 : i32
        %parallel_loop3A_1654 = arith.muli %parallel_loop3A_1493, %parallel_loop3A_1653 : i32
        %parallel_loop3A_1655 = arith.constant 3 : i32
        %parallel_loop3A_1656 = arith.addi %parallel_loop3A_1654, %parallel_loop3A_1655 : i32
        %parallel_loop3A_1657 = vector.broadcast %parallel_loop3A_1656 : i32 to vector<16xi32>
        %parallel_loop3A_1658 = arith.constant 1 : i32
        %parallel_loop3A_1659 = arith.index_cast %parallel_loop3A_1658 : i32 to index
        %parallel_loop3A_1660 = arith.index_cast %parallel_loop3A_1656 : i32 to index
        %parallel_loop3A_1661 = arith.constant 0 : index
        %parallel_loop3A_1662 = tpu.vector_load %arg6[%parallel_loop3A_1659, %parallel_loop3A_1660, %parallel_loop3A_1661] {strides = array<i32>} : memref<2x128x64xf32, #tpu.memory_space<vmem>>, vector<16xf32>,
        %parallel_loop3A_1663 = arith.constant 1 : i32
        %parallel_loop3A_1664 = arith.constant 0 : i32
        %parallel_loop3A_1665 = arith.constant 0 : i32
        %parallel_loop3A_1666 = arith.constant 0 : i32
        %parallel_loop3A_1667 = arith.constant 0 : i32
        %parallel_loop3A_1668 = tpu.memref_slice %arg7[%parallel_loop3A_1663, %parallel_loop3A_1664, %parallel_loop3A_1665, %parallel_loop3A_1666, %parallel_loop3A_1667] : memref<2x8x1x8x129xf32, #tpu.memory_space<vmem>> -> memref<1x8x1x8x129xf32, #tpu.memory_space<vmem>>
        %parallel_loop3A_1669 = tpu.memref_squeeze %parallel_loop3A_1668 : memref<1x8x1x8x129xf32, #tpu.memory_space<vmem>> -> memref<8x1x8x129xf32, #tpu.memory_space<vmem>>
        tpu.vector_store_idx %parallel_loop3A_1669[%select_n3A_1192, %broadcast_in_dim3A_1156, %select_n3A_1319, %parallel_loop3A_1657], %parallel_loop3A_1662 : memref<8x1x8x129xf32, #tpu.memory_space<vmem>>[vector<16xi32>, vector<16xi32>, vector<16xi32>, vector<16xi32>], vector<16xf32>,
        %parallel_loop3A_1670 = arith.constant 1 : i32
        %parallel_loop3A_1671 = arith.index_cast %parallel_loop3A_1670 : i32 to index
        %parallel_loop3A_1672 = arith.index_cast %parallel_loop3A_1656 : i32 to index
        %parallel_loop3A_1673 = arith.constant 16 : index
        %parallel_loop3A_1674 = tpu.vector_load %arg6[%parallel_loop3A_1671, %parallel_loop3A_1672, %parallel_loop3A_1673] {strides = array<i32>} : memref<2x128x64xf32, #tpu.memory_space<vmem>>, vector<16xf32>,
        %parallel_loop3A_1675 = arith.constant 1 : i32
        %parallel_loop3A_1676 = arith.constant 0 : i32
        %parallel_loop3A_1677 = arith.constant 0 : i32
        %parallel_loop3A_1678 = arith.constant 0 : i32
        %parallel_loop3A_1679 = arith.constant 0 : i32
        %parallel_loop3A_1680 = tpu.memref_slice %arg7[%parallel_loop3A_1675, %parallel_loop3A_1676, %parallel_loop3A_1677, %parallel_loop3A_1678, %parallel_loop3A_1679] : memref<2x8x1x8x129xf32, #tpu.memory_space<vmem>> -> memref<1x8x1x8x129xf32, #tpu.memory_space<vmem>>
        %parallel_loop3A_1681 = tpu.memref_squeeze %parallel_loop3A_1680 : memref<1x8x1x8x129xf32, #tpu.memory_space<vmem>> -> memref<8x1x8x129xf32, #tpu.memory_space<vmem>>
        tpu.vector_store_idx %parallel_loop3A_1681[%select_n3A_1226, %broadcast_in_dim3A_1156, %select_n3A_1344, %parallel_loop3A_1657], %parallel_loop3A_1674 : memref<8x1x8x129xf32, #tpu.memory_space<vmem>>[vector<16xi32>, vector<16xi32>, vector<16xi32>, vector<16xi32>], vector<16xf32>,
        %parallel_loop3A_1682 = arith.constant 1 : i32
        %parallel_loop3A_1683 = arith.index_cast %parallel_loop3A_1682 : i32 to index
        %parallel_loop3A_1684 = arith.index_cast %parallel_loop3A_1656 : i32 to index
        %parallel_loop3A_1685 = arith.constant 32 : index
        %parallel_loop3A_1686 = tpu.vector_load %arg6[%parallel_loop3A_1683, %parallel_loop3A_1684, %parallel_loop3A_1685] {strides = array<i32>} : memref<2x128x64xf32, #tpu.memory_space<vmem>>, vector<16xf32>,
        %parallel_loop3A_1687 = arith.constant 1 : i32
        %parallel_loop3A_1688 = arith.constant 0 : i32
        %parallel_loop3A_1689 = arith.constant 0 : i32
        %parallel_loop3A_1690 = arith.constant 0 : i32
        %parallel_loop3A_1691 = arith.constant 0 : i32
        %parallel_loop3A_1692 = tpu.memref_slice %arg7[%parallel_loop3A_1687, %parallel_loop3A_1688, %parallel_loop3A_1689, %parallel_loop3A_1690, %parallel_loop3A_1691] : memref<2x8x1x8x129xf32, #tpu.memory_space<vmem>> -> memref<1x8x1x8x129xf32, #tpu.memory_space<vmem>>
        %parallel_loop3A_1693 = tpu.memref_squeeze %parallel_loop3A_1692 : memref<1x8x1x8x129xf32, #tpu.memory_space<vmem>> -> memref<8x1x8x129xf32, #tpu.memory_space<vmem>>
        tpu.vector_store_idx %parallel_loop3A_1693[%select_n3A_1260, %broadcast_in_dim3A_1156, %select_n3A_1369, %parallel_loop3A_1657], %parallel_loop3A_1686 : memref<8x1x8x129xf32, #tpu.memory_space<vmem>>[vector<16xi32>, vector<16xi32>, vector<16xi32>, vector<16xi32>], vector<16xf32>,
        %parallel_loop3A_1694 = arith.constant 1 : i32
        %parallel_loop3A_1695 = arith.index_cast %parallel_loop3A_1694 : i32 to index
        %parallel_loop3A_1696 = arith.index_cast %parallel_loop3A_1656 : i32 to index
        %parallel_loop3A_1697 = arith.constant 48 : index
        %parallel_loop3A_1698 = tpu.vector_load %arg6[%parallel_loop3A_1695, %parallel_loop3A_1696, %parallel_loop3A_1697] {strides = array<i32>} : memref<2x128x64xf32, #tpu.memory_space<vmem>>, vector<16xf32>,
        %parallel_loop3A_1699 = arith.constant 1 : i32
        %parallel_loop3A_1700 = arith.constant 0 : i32
        %parallel_loop3A_1701 = arith.constant 0 : i32
        %parallel_loop3A_1702 = arith.constant 0 : i32
        %parallel_loop3A_1703 = arith.constant 0 : i32
        %parallel_loop3A_1704 = tpu.memref_slice %arg7[%parallel_loop3A_1699, %parallel_loop3A_1700, %parallel_loop3A_1701, %parallel_loop3A_1702, %parallel_loop3A_1703] : memref<2x8x1x8x129xf32, #tpu.memory_space<vmem>> -> memref<1x8x1x8x129xf32, #tpu.memory_space<vmem>>
        %parallel_loop3A_1705 = tpu.memref_squeeze %parallel_loop3A_1704 : memref<1x8x1x8x129xf32, #tpu.memory_space<vmem>> -> memref<8x1x8x129xf32, #tpu.memory_space<vmem>>
        tpu.vector_store_idx %parallel_loop3A_1705[%select_n3A_1294, %broadcast_in_dim3A_1156, %select_n3A_1394, %parallel_loop3A_1657], %parallel_loop3A_1698 : memref<8x1x8x129xf32, #tpu.memory_space<vmem>>[vector<16xi32>, vector<16xi32>, vector<16xi32>, vector<16xi32>], vector<16xf32>,
      } {sc.loop_unroll_factor = 2 : i64, sc.parallel_access}
      %jit3A_1398 = arith.constant 4 : i32
      %div3A_1399 = arith.divsi %add3A_1112, %jit3A_1398 : i32
      %sign3A_1400 = arith.constant 0 : i32
      %sign3A_1401 = arith.cmpi sgt, %add3A_1112, %sign3A_1400 : i32
      %sign3A_1402 = arith.extui %sign3A_1401 : i1 to i32
      %sign3A_1403 = arith.constant 0 : i32
      %sign3A_1404 = arith.cmpi slt, %add3A_1112, %sign3A_1403 : i32
      %sign3A_1405 = arith.extui %sign3A_1404 : i1 to i32
      %sign3A_1406 = arith.subi %sign3A_1402, %sign3A_1405 : i32
      %sign3A_1407 = arith.constant 0 : i32
      %sign3A_1408 = arith.cmpi sgt, %jit3A_1398, %sign3A_1407 : i32
      %sign3A_1409 = arith.extui %sign3A_1408 : i1 to i32
      %sign3A_1410 = arith.constant 0 : i32
      %sign3A_1411 = arith.cmpi slt, %jit3A_1398, %sign3A_1410 : i32
      %sign3A_1412 = arith.extui %sign3A_1411 : i1 to i32
      %sign3A_1413 = arith.subi %sign3A_1409, %sign3A_1412 : i32
      %ne3A_1414 = arith.cmpi ne, %sign3A_1406, %sign3A_1413 : i32
      %rem3A_1415 = arith.remsi %add3A_1112, %jit3A_1398 : i32
      %ne3A_1416 = arith.constant 0 : i32
      %ne3A_1417 = arith.cmpi ne, %rem3A_1415, %ne3A_1416 : i32
      %and3A_1418 = arith.andi %ne3A_1414, %ne3A_1417 : i1
      %sub3A_1419 = arith.constant 1 : i32
      %sub3A_1420 = arith.subi %div3A_1399, %sub3A_1419 : i32
      %select_n3A_1421 = arith.select %and3A_1418, %sub3A_1420, %div3A_1399 : i32
      %jit3A_1422 = arith.constant 128 : i32
      %div3A_1423 = arith.divsi %mul3A_2, %jit3A_1422 : i32
      %sign3A_1424 = arith.constant 0 : i32
      %sign3A_1425 = arith.cmpi sgt, %mul3A_2, %sign3A_1424 : i32
      %sign3A_1426 = arith.extui %sign3A_1425 : i1 to i32
      %sign3A_1427 = arith.constant 0 : i32
      %sign3A_1428 = arith.cmpi slt, %mul3A_2, %sign3A_1427 : i32
      %sign3A_1429 = arith.extui %sign3A_1428 : i1 to i32
      %sign3A_1430 = arith.subi %sign3A_1426, %sign3A_1429 : i32
      %sign3A_1431 = arith.constant 0 : i32
      %sign3A_1432 = arith.cmpi sgt, %jit3A_1422, %sign3A_1431 : i32
      %sign3A_1433 = arith.extui %sign3A_1432 : i1 to i32
      %sign3A_1434 = arith.constant 0 : i32
      %sign3A_1435 = arith.cmpi slt, %jit3A_1422, %sign3A_1434 : i32
      %sign3A_1436 = arith.extui %sign3A_1435 : i1 to i32
      %sign3A_1437 = arith.subi %sign3A_1433, %sign3A_1436 : i32
      %ne3A_1438 = arith.cmpi ne, %sign3A_1430, %sign3A_1437 : i32
      %rem3A_1439 = arith.remsi %mul3A_2, %jit3A_1422 : i32
      %ne3A_1440 = arith.constant 0 : i32
      %ne3A_1441 = arith.cmpi ne, %rem3A_1439, %ne3A_1440 : i32
      %and3A_1442 = arith.andi %ne3A_1438, %ne3A_1441 : i1
      %sub3A_1443 = arith.constant 1 : i32
      %sub3A_1444 = arith.subi %div3A_1423, %sub3A_1443 : i32
      %select_n3A_1445 = arith.select %and3A_1442, %sub3A_1444, %div3A_1423 : i32
      %jit3A_1446 = arith.constant 4 : i32
      %eq3A_1447 = arith.constant 0 : i32
      %eq3A_1448 = arith.cmpi eq, %jit3A_1446, %eq3A_1447 : i32
      %jit3A_1449 = arith.constant 1 : i32
      %select_n3A_1450 = arith.select %eq3A_1448, %jit3A_1449, %jit3A_1446 : i32
      %rem3A_1451 = arith.remsi %add3A_1112, %select_n3A_1450 : i32
      %ne3A_1452 = arith.constant 0 : i32
      %ne3A_1453 = arith.cmpi ne, %rem3A_1451, %ne3A_1452 : i32
      %lt3A_1454 = arith.constant 0 : i32
      %lt3A_1455 = arith.cmpi slt, %rem3A_1451, %lt3A_1454 : i32
      %lt3A_1456 = arith.constant 0 : i32
      %lt3A_1457 = arith.cmpi slt, %select_n3A_1450, %lt3A_1456 : i32
      %ne3A_1458 = arith.xori %lt3A_1455, %lt3A_1457 : i1
      %and3A_1459 = arith.andi %ne3A_1458, %ne3A_1453 : i1
      %add3A_1460 = arith.addi %rem3A_1451, %select_n3A_1450 : i32
      %select_n3A_1461 = arith.select %and3A_1459, %add3A_1460, %rem3A_1451 : i32
      %add3A_1462 = arith.addi %select_n3A_1445, %select_n3A_1461 : i32
      %dma_start3A_1463 = arith.constant 1 : i32
      %dma_start3A_1464 = arith.constant 0 : i32
      %dma_start3A_1465 = arith.constant 0 : i32
      %dma_start3A_1466 = arith.constant 0 : i32
      %dma_start3A_1467 = arith.constant 0 : i32
      %dma_start3A_1468 = tpu.memref_slice %arg7[%dma_start3A_1463, %dma_start3A_1464, %dma_start3A_1465, %dma_start3A_1466, %dma_start3A_1467] : memref<2x8x1x8x129xf32, #tpu.memory_space<vmem>> -> memref<1x8x1x8x128xf32, #tpu.memory_space<vmem>>
      %dma_start3A_1469 = tpu.memref_squeeze %dma_start3A_1468 : memref<1x8x1x8x128xf32, #tpu.memory_space<vmem>> -> memref<8x1x8x128xf32, #tpu.memory_space<vmem>>
      %dma_start3A_1470 = arith.constant 0 : i32
      %dma_start3A_1471 = arith.constant 0 : i32
      %dma_start3A_1472 = arith.constant 0 : i32
      %dma_start3A_1473 = tpu.memref_slice %arg4[%select_n3A_1421, %dma_start3A_1470, %add3A_1462, %dma_start3A_1471, %dma_start3A_1472] : memref<50x8x128x8x128xf32, #tpu.memory_space<hbm>> -> memref<1x8x1x8x128xf32, #tpu.memory_space<hbm>>
      %dma_start3A_1474 = tpu.memref_squeeze %dma_start3A_1473 : memref<1x8x1x8x128xf32, #tpu.memory_space<hbm>> -> memref<8x1x8x128xf32, #tpu.memory_space<hbm>>
      %dma_start3A_1475 = arith.constant 0 : i32
      %dma_start3A_1476 = arith.constant 0 : i32
      %dma_start3A_1477 = arith.constant 0 : i32
      %dma_start3A_1478 = tpu.memref_slice %arg4[%select_n3A_1421, %dma_start3A_1475, %add3A_1462, %dma_start3A_1476, %dma_start3A_1477] : memref<50x8x128x8x128xf32, #tpu.memory_space<hbm>> -> memref<1x8x1x8x128xf32, #tpu.memory_space<hbm>>
      %dma_start3A_1479 = tpu.memref_squeeze %dma_start3A_1478 : memref<1x8x1x8x128xf32, #tpu.memory_space<hbm>> -> memref<8x1x8x128xf32, #tpu.memory_space<hbm>>
      %dma_start3A_1480 = arith.constant 0 : i32
      %dma_start3A_1481 = arith.constant 0 : i32
      %dma_start3A_1482 = arith.constant 0 : i32
      %dma_start3A_1483 = arith.constant 0 : i32
      %dma_start3A_1484 = tpu.memref_slice %arg7[%dma_start3A_1463, %dma_start3A_1480, %dma_start3A_1481, %dma_start3A_1482, %dma_start3A_1483] : memref<2x8x1x8x129xf32, #tpu.memory_space<vmem>> -> memref<1x8x1x8x128xf32, #tpu.memory_space<vmem>>
      %dma_start3A_1485 = tpu.memref_squeeze %dma_start3A_1484 : memref<1x8x1x8x128xf32, #tpu.memory_space<vmem>> -> memref<8x1x8x128xf32, #tpu.memory_space<vmem>>
      tpu.enqueue_dma source(%dma_start3A_1485 : memref<8x1x8x128xf32, #tpu.memory_space<vmem>>) target(%dma_start3A_1479 : memref<8x1x8x128xf32, #tpu.memory_space<hbm>>) target_semaphore(%arg12 : memref<!tpu.dma_semaphore, #tpu.memory_space<semaphore_mem>>)
      %add3A_1486 = arith.constant 2 : i32
      %add3A_1487 = arith.addi %add3A_1112, %add3A_1486 : i32
      %lt3A_1488 = arith.constant 200 : i32
      %lt3A_1489 = arith.cmpi slt, %add3A_1487, %lt3A_1488 : i32
      %convert_element_type3A_1490 = arith.extui %lt3A_1489 : i1 to i32
      %cond3A_1491 = arith.constant 0 : i32
      %cond3A_1492 = arith.cmpi ne, %convert_element_type3A_1490, %cond3A_1491 : i32
      scf.if %cond3A_1492 {
        %add3A_1493 = arith.constant 2 : i32
        %add3A_1494 = arith.addi %add3A_1112, %add3A_1493 : i32
        %jit3A_1495 = arith.constant 4 : i32
        %div3A_1496 = arith.divsi %add3A_1494, %jit3A_1495 : i32
        %sign3A_1497 = arith.constant 0 : i32
        %sign3A_1498 = arith.cmpi sgt, %add3A_1494, %sign3A_1497 : i32
        %sign3A_1499 = arith.extui %sign3A_1498 : i1 to i32
        %sign3A_1500 = arith.constant 0 : i32
        %sign3A_1501 = arith.cmpi slt, %add3A_1494, %sign3A_1500 : i32
        %sign3A_1502 = arith.extui %sign3A_1501 : i1 to i32
        %sign3A_1503 = arith.subi %sign3A_1499, %sign3A_1502 : i32
        %sign3A_1504 = arith.constant 0 : i32
        %sign3A_1505 = arith.cmpi sgt, %jit3A_1495, %sign3A_1504 : i32
        %sign3A_1506 = arith.extui %sign3A_1505 : i1 to i32
        %sign3A_1507 = arith.constant 0 : i32
        %sign3A_1508 = arith.cmpi slt, %jit3A_1495, %sign3A_1507 : i32
        %sign3A_1509 = arith.extui %sign3A_1508 : i1 to i32
        %sign3A_1510 = arith.subi %sign3A_1506, %sign3A_1509 : i32
        %ne3A_1511 = arith.cmpi ne, %sign3A_1503, %sign3A_1510 : i32
        %rem3A_1512 = arith.remsi %add3A_1494, %jit3A_1495 : i32
        %ne3A_1513 = arith.constant 0 : i32
        %ne3A_1514 = arith.cmpi ne, %rem3A_1512, %ne3A_1513 : i32
        %and3A_1515 = arith.andi %ne3A_1511, %ne3A_1514 : i1
        %sub3A_1516 = arith.constant 1 : i32
        %sub3A_1517 = arith.subi %div3A_1496, %sub3A_1516 : i32
        %select_n3A_1518 = arith.select %and3A_1515, %sub3A_1517, %div3A_1496 : i32
        %jit3A_1519 = arith.constant 4 : i32
        %eq3A_1520 = arith.constant 0 : i32
        %eq3A_1521 = arith.cmpi eq, %jit3A_1519, %eq3A_1520 : i32
        %jit3A_1522 = arith.constant 1 : i32
        %select_n3A_1523 = arith.select %eq3A_1521, %jit3A_1522, %jit3A_1519 : i32
        %rem3A_1524 = arith.remsi %add3A_1494, %select_n3A_1523 : i32
        %ne3A_1525 = arith.constant 0 : i32
        %ne3A_1526 = arith.cmpi ne, %rem3A_1524, %ne3A_1525 : i32
        %lt3A_1527 = arith.constant 0 : i32
        %lt3A_1528 = arith.cmpi slt, %rem3A_1524, %lt3A_1527 : i32
        %lt3A_1529 = arith.constant 0 : i32
        %lt3A_1530 = arith.cmpi slt, %select_n3A_1523, %lt3A_1529 : i32
        %ne3A_1531 = arith.xori %lt3A_1528, %lt3A_1530 : i1
        %and3A_1532 = arith.andi %ne3A_1531, %ne3A_1526 : i1
        %add3A_1533 = arith.addi %rem3A_1524, %select_n3A_1523 : i32
        %select_n3A_1534 = arith.select %and3A_1532, %add3A_1533, %rem3A_1524 : i32
        %dma_start3A_1535 = arith.constant 1 : i32
        %dma_start3A_1536 = arith.constant 0 : i32
        %dma_start3A_1537 = arith.constant 0 : i32
        %dma_start3A_1538 = tpu.memref_slice %arg6[%dma_start3A_1535, %dma_start3A_1536, %dma_start3A_1537] : memref<2x128x64xf32, #tpu.memory_space<vmem>> -> memref<1x128x64xf32, #tpu.memory_space<vmem>>
        %dma_start3A_1539 = tpu.memref_squeeze %dma_start3A_1538 : memref<1x128x64xf32, #tpu.memory_space<vmem>> -> memref<128x64xf32, #tpu.memory_space<vmem>>
        %dma_start3A_1540 = arith.constant 0 : i32
        %dma_start3A_1541 = tpu.memref_slice %arg5[%select_n3A_1518, %select_n3A_1534, %dma_start3A_1540] : memref<50x4x128xi32, #tpu.memory_space<vmem>> -> memref<1x1x128xi32, #tpu.memory_space<vmem>>
        %dma_start3A_1542 = tpu.memref_squeeze %dma_start3A_1541 : memref<1x1x128xi32, #tpu.memory_space<vmem>> -> memref<128xi32, #tpu.memory_space<vmem>>
        %dma_start3A_1543 = arith.constant 0 : i32
        %dma_start3A_1544 = arith.constant 0 : i32
        %dma_start3A_1545 = tpu.memref_slice %arg8[%dma_start3A_1543, %dma_start3A_1544] : memref<512x64xf32, #tpu.memory_space<vmem_shared>> -> memref<512x64xf32, #tpu.memory_space<vmem_shared>>
        tpu.enqueue_indirect_dma source(%dma_start3A_1545 : memref<512x64xf32, #tpu.memory_space<vmem_shared>>) target(%dma_start3A_1539 : memref<128x64xf32, #tpu.memory_space<vmem>>) offsets(%dma_start3A_1542 : memref<128xi32, #tpu.memory_space<vmem>>) semaphore(%arg10 : memref<!tpu.dma_semaphore, #tpu.memory_space<semaphore_mem>>)
      } else {
      }
    }
    %scan3A_667 = arith.constant 99 : i32
    %dma_wait3A_668 = arith.constant 0 : i32
    %dma_wait3A_669 = arith.constant 0 : i32
    %dma_wait3A_670 = arith.constant 0 : i32
    %dma_wait3A_671 = arith.constant 0 : i32
    %dma_wait3A_672 = arith.constant 0 : i32
    %dma_wait3A_673 = arith.constant 0 : i32
    %dma_wait3A_674 = tpu.memref_slice %arg7[%dma_wait3A_669, %dma_wait3A_670, %dma_wait3A_671, %dma_wait3A_672, %dma_wait3A_673] : memref<2x8x1x8x129xf32, #tpu.memory_space<vmem>> -> memref<1x8x1x8x128xf32, #tpu.memory_space<vmem>>
    %dma_wait3A_675 = tpu.memref_squeeze %dma_wait3A_674 : memref<1x8x1x8x128xf32, #tpu.memory_space<vmem>> -> memref<8x1x8x128xf32, #tpu.memory_space<vmem>>
    %dma_wait3A_676 = arith.constant 0 : i32
    %dma_wait3A_677 = arith.constant 0 : i32
    %dma_wait3A_678 = arith.constant 0 : i32
    %dma_wait3A_679 = arith.constant 0 : i32
    %dma_wait3A_680 = tpu.memref_slice %arg4[%dma_wait3A_668, %dma_wait3A_676, %dma_wait3A_677, %dma_wait3A_678, %dma_wait3A_679] : memref<50x8x128x8x128xf32, #tpu.memory_space<hbm>> -> memref<1x8x1x8x128xf32, #tpu.memory_space<hbm>>
    %dma_wait3A_681 = tpu.memref_squeeze %dma_wait3A_680 : memref<1x8x1x8x128xf32, #tpu.memory_space<hbm>> -> memref<8x1x8x128xf32, #tpu.memory_space<hbm>>
    %dma_wait3A_682 = arith.constant 0 : i32
    %dma_wait3A_683 = arith.constant 0 : i32
    %dma_wait3A_684 = arith.constant 0 : i32
    %dma_wait3A_685 = arith.constant 0 : i32
    %dma_wait3A_686 = tpu.memref_slice %arg7[%dma_wait3A_669, %dma_wait3A_682, %dma_wait3A_683, %dma_wait3A_684, %dma_wait3A_685] : memref<2x8x1x8x129xf32, #tpu.memory_space<vmem>> -> memref<1x8x1x8x128xf32, #tpu.memory_space<vmem>>
    %dma_wait3A_687 = tpu.memref_squeeze %dma_wait3A_686 : memref<1x8x1x8x128xf32, #tpu.memory_space<vmem>> -> memref<8x1x8x128xf32, #tpu.memory_space<vmem>>
    %dma_wait3A_688 = arith.constant 0 : i32
    %dma_wait3A_689 = arith.constant 0 : i32
    %dma_wait3A_690 = arith.constant 0 : i32
    %dma_wait3A_691 = arith.constant 0 : i32
    %dma_wait3A_692 = tpu.memref_slice %arg4[%dma_wait3A_668, %dma_wait3A_688, %dma_wait3A_689, %dma_wait3A_690, %dma_wait3A_691] : memref<50x8x128x8x128xf32, #tpu.memory_space<hbm>> -> memref<1x8x1x8x128xf32, #tpu.memory_space<hbm>>
    %dma_wait3A_693 = tpu.memref_squeeze %dma_wait3A_692 : memref<1x8x1x8x128xf32, #tpu.memory_space<hbm>> -> memref<8x1x8x128xf32, #tpu.memory_space<hbm>>
    tpu.wait_dma2 semaphore(%arg11 : memref<!tpu.dma_semaphore, #tpu.memory_space<semaphore_mem>>) src(%dma_wait3A_693 : memref<8x1x8x128xf32, #tpu.memory_space<hbm>>) dst(%dma_wait3A_687 : memref<8x1x8x128xf32, #tpu.memory_space<vmem>>)
    %dma_wait3A_694 = arith.constant 0 : i32
    %dma_wait3A_695 = arith.constant 1 : i32
    %dma_wait3A_696 = arith.constant 0 : i32
    %dma_wait3A_697 = arith.constant 0 : i32
    %dma_wait3A_698 = arith.constant 0 : i32
    %dma_wait3A_699 = arith.constant 0 : i32
    %dma_wait3A_700 = tpu.memref_slice %arg7[%dma_wait3A_695, %dma_wait3A_696, %dma_wait3A_697, %dma_wait3A_698, %dma_wait3A_699] : memref<2x8x1x8x129xf32, #tpu.memory_space<vmem>> -> memref<1x8x1x8x128xf32, #tpu.memory_space<vmem>>
    %dma_wait3A_701 = tpu.memref_squeeze %dma_wait3A_700 : memref<1x8x1x8x128xf32, #tpu.memory_space<vmem>> -> memref<8x1x8x128xf32, #tpu.memory_space<vmem>>
    %dma_wait3A_702 = arith.constant 0 : i32
    %dma_wait3A_703 = arith.constant 0 : i32
    %dma_wait3A_704 = arith.constant 0 : i32
    %dma_wait3A_705 = arith.constant 0 : i32
    %dma_wait3A_706 = tpu.memref_slice %arg4[%dma_wait3A_694, %dma_wait3A_702, %dma_wait3A_703, %dma_wait3A_704, %dma_wait3A_705] : memref<50x8x128x8x128xf32, #tpu.memory_space<hbm>> -> memref<1x8x1x8x128xf32, #tpu.memory_space<hbm>>
    %dma_wait3A_707 = tpu.memref_squeeze %dma_wait3A_706 : memref<1x8x1x8x128xf32, #tpu.memory_space<hbm>> -> memref<8x1x8x128xf32, #tpu.memory_space<hbm>>
    %dma_wait3A_708 = arith.constant 0 : i32
    %dma_wait3A_709 = arith.constant 0 : i32
    %dma_wait3A_710 = arith.constant 0 : i32
    %dma_wait3A_711 = arith.constant 0 : i32
    %dma_wait3A_712 = tpu.memref_slice %arg7[%dma_wait3A_695, %dma_wait3A_708, %dma_wait3A_709, %dma_wait3A_710, %dma_wait3A_711] : memref<2x8x1x8x129xf32, #tpu.memory_space<vmem>> -> memref<1x8x1x8x128xf32, #tpu.memory_space<vmem>>
    %dma_wait3A_713 = tpu.memref_squeeze %dma_wait3A_712 : memref<1x8x1x8x128xf32, #tpu.memory_space<vmem>> -> memref<8x1x8x128xf32, #tpu.memory_space<vmem>>
    %dma_wait3A_714 = arith.constant 0 : i32
    %dma_wait3A_715 = arith.constant 0 : i32
    %dma_wait3A_716 = arith.constant 0 : i32
    %dma_wait3A_717 = arith.constant 0 : i32
    %dma_wait3A_718 = tpu.memref_slice %arg4[%dma_wait3A_694, %dma_wait3A_714, %dma_wait3A_715, %dma_wait3A_716, %dma_wait3A_717] : memref<50x8x128x8x128xf32, #tpu.memory_space<hbm>> -> memref<1x8x1x8x128xf32, #tpu.memory_space<hbm>>
    %dma_wait3A_719 = tpu.memref_squeeze %dma_wait3A_718 : memref<1x8x1x8x128xf32, #tpu.memory_space<hbm>> -> memref<8x1x8x128xf32, #tpu.memory_space<hbm>>
    tpu.wait_dma2 semaphore(%arg12 : memref<!tpu.dma_semaphore, #tpu.memory_space<semaphore_mem>>) src(%dma_wait3A_719 : memref<8x1x8x128xf32, #tpu.memory_space<hbm>>) dst(%dma_wait3A_713 : memref<8x1x8x128xf32, #tpu.memory_space<vmem>>)
    return
  }
}

</mosaic_0001>

<sc_bundles>
// kernel: kernel.3.cloned.1.call-start
scs
__scs_entry_jumppad:
0x0: {  	(pc) =	sbr.rel $0x88, $3  }
0x1: {  	(tag) =	ssettag $0x0;
	lr =	simm.s32 $0x1  }
0x2: {  	[smem:$0x3F9F] =	sst lr;
	_ =	strace $0xD0000000  }
0x3: {  	_ = 	snop  }
0x4: {  	_ = 	snop  }
0x5: {  	_ = 	snop  }
0x6: {  	_ = 	snop  }
0x7: {  	_ = 	snop  }
__scs_overlays_trampoline_lowered:
0x8: {  	[smem:$0x3FAE] =	sst s0  }
0x9: {  	[smem:$0x3FAF] =	sst s1  }
0xa: {  	[smem:$0x3FB0] =	sst s2  }
0xb: {  	[smem:$0x3FB1] =	sst s3  }
0xc: {  	[smem:$0x3FB2] =	sst s4  }
0xd: {  	[smem:$0x3FB3] =	sst s5  }
0xe: {  	[smem:$0x3FB4] =	sst s6  }
0xf: {  	[smem:$0x3FB5] =	sst s7  }
0x10: {  	[smem:$0x3FB6] =	sst s8  }
0x11: {  	[smem:$0x3FB7] =	sst s9;
	s0 =	simm.s32 @!p0 $0x0  }
0x12: {  	s1 =	sld [smem:$0x3F9D];
	s0 =	simm.s32 @p0 $0x1  }
0x13: {  	[smem:$0x3FB8] =	sst s0;
	s0 =	simm.s32 @!p1 $0x0  }
0x14: {  	s2 =	sld [smem:$0x3F9C];
	s0 =	simm.s32 @p1 $0x1  }
0x15: {  	[smem:$0x3FB9] =	sst s0;
	s0 =	simm.s32 @!p2 $0x0  }
0x16: {  	s3 =	sld [smem:$0x3FDB];
	s0 =	simm.s32 @p2 $0x1  }
0x17: {  	s4 =	simm.s32 $0x1BF5;
	[smem:$0x3FBB] =	sst s0  }
0x18: {  	s0 =	sld [smem:$0x3F9E];
	_ =	swait.ge [sflag:s4], $0x0  }
0x19: {  	s7 =	sld [smem:$0x3F9F]  }
0x1a: {  	s8 =	sadd.s32 $0xFFFFE003, lr  }
0x1b: {  	s9 =	sadd.s32 $0xFFFFFEF7, lr;
	s5 =	simm.s32 $0xFFFFFFFF;
	p2 =	slt.u32 s8, $0xFFFFF086  }
0x1c: {  	p1 =	slt.u32 s9, $0xF7A;
	s5 =	simm.s32 @!p2 $0x0  }
0x1d: {  	s5 =	simm.s32 @p1 $0x1;
	p0 =	seq.s32 s7, s2  }
0x1e: {  	s7 =	smul.u32 @!p0 $0xF7A, s2;
	p2 =	seq.s32 @!p0 s5, $0x0  }
0x1f: {  	s9 =	smul.u32 $0xF7A, s1;
	s8 =	simm.s32 @!p0 $0x1BF5;
	p2 =	por !p2, p0  }
0x20: {  	[sflag:s8] =	ssyncset.s32 @!p0 $0xFFFFF086;
	s6 =	sadd.s32 @!p0 s3, s7;
	s7 =	simm.s32 @!p0 $0x108  }
0x21: {  	s3 =	sadd.s32 s3, s9;
	s6 =	sadd.s32 @!p0 $0x88, s6;
	s7 =	simm.s32 @p2 $0x1082  }
0x22: {  	[simem:s7], [sflag:s8] =	dma.local @!p0 [hbm:s6], $0xF7A  }
0x23: {  	s9 =	sor.u32 $0xD0000000, s2;
	s6 =	simm.s32 $0x108;
	_ =	swait.ge @!p0 [sflag:s8], $0x0  }
0x24: {  	s3 =	sadd.s32 $0x88, s3;
	s6 =	simm.s32 @!p1 $0x1082;
	[sflag:s4] =	ssyncset.s32 $0xFFFFF086  }
0x25: {  	[simem:s6], [sflag:s4] =	dma.local [hbm:s3], $0xF7A  }
0x26: {  	[smem:$0x3F9F] =	sst s1;
	(tag) =	ssettag s2;
	_ =	strace s9  }
0x27: {  	s1 =	sld [smem:$0x3FAF]  }
0x28: {  	s2 =	sld [smem:$0x3FB0]  }
0x29: {  	s4 =	sld [smem:$0x3FB2]  }
0x2a: {  	p0 =	seq.s32 s5, $0x0;
	s5 =	sld [smem:$0x3FB3]  }
0x2b: {  	s6 =	sld [smem:$0x3FB4]  }
0x2c: {  	s7 =	sld [smem:$0x3FB5]  }
0x2d: {  	s3 =	simm.s32 $0x108;
	s8 =	sld [smem:$0x3FB6]  }
0x2e: {  	s3 =	simm.s32 @!p0 $0x1082;
	s9 =	sld [smem:$0x3FB7]  }
0x2f: {  	lr =	sadd.s32 s0, s3;
	s0 =	sld [smem:$0x3FAE]  }
0x30: {  	s3 =	sld [smem:$0x3FB1]  }
0x31: {  	[smem:$0x3FBA] =	sst s10  }
0x32: {  	s10 =	sld [smem:$0x3FB8];
	_ =	sdelay $0x3  }
0x33: {  	p0 =	seq.s32 s10, $0x1;
	s10 =	sld [smem:$0x3FBA];
	_ =	sdelay $0x3  }
0x34: {  	[smem:$0x3FBA] =	sst s10  }
0x35: {  	s10 =	sld [smem:$0x3FB9];
	_ =	sdelay $0x3  }
0x36: {  	p1 =	seq.s32 s10, $0x1;
	s10 =	sld [smem:$0x3FBA];
	_ =	sdelay $0x3  }
0x37: {  	[smem:$0x3FBA] =	sst s10  }
0x38: {  	s10 =	sld [smem:$0x3FBB]  }
0x39: {  	_ = 	snop;
	(pc) =	sbr.ind lr, $3  }
0x3a: {  	_ = 	snop  }
0x3b: {  	_ = 	snop  }
0x3c: {  	p2 =	seq.s32 s10, $0x1;
	s10 =	sld [smem:$0x3FBA]  }
0x3d: {  	_ =	shalt  }
0x3e: {  	_ =	shalt  }
0x3f: {  	_ =	shalt  }
0x40: {  	_ =	shalt  }
0x41: {  	_ =	shalt  }
0x42: {  	_ =	shalt  }
0x43: {  	_ =	shalt  }
0x44: {  	_ =	shalt  }
0x45: {  	_ =	shalt  }
0x46: {  	_ =	shalt  }
0x47: {  	_ =	shalt  }
0x48: {  	_ =	shalt  }
0x49: {  	_ =	shalt  }
0x4a: {  	_ =	shalt  }
0x4b: {  	_ =	shalt  }
0x4c: {  	_ =	shalt  }
0x4d: {  	_ =	shalt  }
0x4e: {  	_ =	shalt  }
0x4f: {  	_ =	shalt  }
0x50: {  	_ =	shalt  }
0x51: {  	_ =	shalt  }
0x52: {  	_ =	shalt  }
0x53: {  	_ =	shalt  }
0x54: {  	_ =	shalt  }
0x55: {  	_ =	shalt  }
0x56: {  	_ =	shalt  }
0x57: {  	_ =	shalt  }
0x58: {  	_ =	shalt  }
0x59: {  	_ =	shalt  }
0x5a: {  	_ =	shalt  }
0x5b: {  	_ =	shalt  }
0x5c: {  	_ =	shalt  }
0x5d: {  	_ =	shalt  }
0x5e: {  	_ =	shalt  }
0x5f: {  	_ =	shalt  }
0x60: {  	_ =	shalt  }
0x61: {  	_ =	shalt  }
0x62: {  	_ =	shalt  }
0x63: {  	_ =	shalt  }
0x64: {  	_ =	shalt  }
0x65: {  	_ =	shalt  }
0x66: {  	_ =	shalt  }
0x67: {  	_ =	shalt  }
0x68: {  	_ =	shalt  }
0x69: {  	_ =	shalt  }
0x6a: {  	_ =	shalt  }
0x6b: {  	_ =	shalt  }
0x6c: {  	_ =	shalt  }
0x6d: {  	_ =	shalt  }
0x6e: {  	_ =	shalt  }
0x6f: {  	_ =	shalt  }
0x70: {  	_ =	shalt  }
0x71: {  	_ =	shalt  }
0x72: {  	_ =	shalt  }
0x73: {  	_ =	shalt  }
0x74: {  	_ =	shalt  }
0x75: {  	_ =	shalt  }
0x76: {  	_ =	shalt  }
0x77: {  	_ =	shalt  }
0x78: {  	_ =	shalt  }
0x79: {  	_ =	shalt  }
0x7a: {  	_ =	shalt  }
0x7b: {  	_ =	shalt  }
0x7c: {  	_ =	shalt  }
0x7d: {  	_ =	shalt  }
0x7e: {  	_ =	shalt  }
0x7f: {  	_ =	shalt  }
0x80: {  	_ =	shalt  }
0x81: {  	_ =	shalt  }
0x82: {  	_ =	shalt  }
0x83: {  	_ =	shalt  }
0x84: {  	_ =	shalt  }
0x85: {  	_ =	shalt  }
0x86: {  	_ =	shalt  }
0x87: {  	_ =	shalt  }
.Lfunc_end0:
.L_simem_size_0:
called_computation_lowered:
.L_overlay_start_0:
0x88: {  	s2 =	sld [smem:$0x3FD9]  }
0x89: {  	s3 =	sld [smem:$0x3FFE];
	_ =	sdelay $0x1  }
0x8a: {  	s1 =	srdreg.scid  }
0x8b: {  	s0 =	sand.u32 $0x1, s1  }
0x8c: {  	s17 =	sshll.u32 s0, $0xA;
	s2 =	sadd.s32 s3, s2  }
0x8d: {  	s2 =	sadd.s32 s2, s17  }
0x8e: {  	[smem:$0x3FC6] =	sst s2  }
0x8f: {  	_ = 	snop  }
0x90: {  	s2 =	sld [smem:$0x3FD0];
	(tm) =	ssettm $0x1  }
0x91: {  	s18 =	sld [smem:$0x3FFB];
	_ =	sdelay $0x3  }
0x92: {  	_ =	strace s18  }
0x93: {  	s3 =	sld [smem:$0x3FFC];
	_ =	sdelay $0x3  }
0x94: {  	_ =	strace s3  }
0x95: {  	s3 =	sld [smem:$0x3FFD];
	_ =	sdelay $0x3  }
0x96: {  	_ =	strace s3  }
0x97: {  	_ =	strace $0x8FFFFFFF  }
0x98: {  	s19 =	sld [smem:$0x3FDB];
	_ =	sdelay $0x1  }
0x99: {  	s4 =	simm.s32 $_scs_section_size  }
0x9a: {  	s5 =	simm.s32 $_size__tile_overlayer_lowered;
	s6 =	simm.s32 $_tile_overlayer_lowered  }
0x9b: {  	s22 =	simm.s32 $0x1BFF;
	s21 =	sshll.u32 s6, $0x1;
	s3 =	sadd.s32 s4, s19  }
0x9c: {  	s7 =	simm.s32 $0x0;
	s20 =	sshll.u32 s5, $0x1;
	s5 =	sadd.s32 s21, s3  }
0x9d: {  	[timem:s7], [sflag:s22] =	dma.local [hbm:s5], s20  }
0x9e: {  	_ =	swait.ge [sflag:s22], s20  }
0x9f: {  	s4 =	ssub.s32 $0x0, s20;
	[sflag:s22] =	ssyncset.done $0x0  }
0xa0: {  	[sflag:s22] =	ssyncadd.s32 s4;
	_ =	sdelay $0x1  }
0xa1: {  	s23 =	simm.s32 $0x1B8B  }
0xa2: {  	_ =	swait.ge [sflag:s23], $0x1  }
0xa3: {  	[sflag:s23] =	ssyncset.done $0x0  }
0xa4: {  	s25 =	simm.s32 $0x1B8E;
	s24 =	sld [smem:$0x3FFE];
	[sflag:s23] =	ssyncadd.s32 $0xFFFFFFFF  }
0xa5: {  	s26 =	simm.s32 $execute0_lowered;
	[smem:$0x3FD2] =	sst s25  }
0xa6: {  	s5 =	sshll.u32 s26, $0x1;
	_ =	strace $0x80000046;
	[dreg:$0x1] =	wrdreg $0xFFFFFFFF  }
0xa7: {  	s28 =	simm.s32 $_size_execute0_lowered;
	s3 =	sadd.s32 s3, s5;
	[dreg:$0x0] =	wrdreg $0x0  }
0xa8: {  	s5 =	sshll.u32 s28, $0x1;
	[dreg:$0x2] =	wrdreg s3  }
0xa9: {  	[dreg:$0x3] =	wrdreg s5  }
0xaa: {  	[dreg:$0x4] =	wrdreg $0xC0  }
0xab: {  	_ =	task [dreg:s7], $0x5FFFF  }
0xac: {  	[dreg:$0x1] =	wrdreg $0xFFFFFFFF  }
0xad: {  	[dreg:$0x0] =	wrdreg $0x60  }
0xae: {  	[dreg:$0x2] =	wrdreg s24  }
0xaf: {  	[dreg:$0x3] =	wrdreg s2  }
0xb0: {  	[dreg:$0x4] =	wrdreg $0xE8000  }
0xb1: {  	[dreg:$0x5] =	wrdreg $0x9  }
0xb2: {  	_ =	task.clear_ibuf [dreg:s7], $0x6FFFF;
	_ =	strace $0x90000046  }
0xb3: {  	s29 =	simm.s32 $0x9;
	_ =	strace $0x80000048  }
0xb4: {  	_ =	swait.ge [sflag:s29], $0x1  }
0xb5: {  	[sflag:s29] =	ssyncadd.s32 $0xFFFFFFFF  }
0xb6: {  	_ =	strace $0x90000048  }
0xb7: {  	_ =	sfence  }
0xb8: {  	s30 =	sld [smem:$0x0];
	_ =	sdelay $0x2  }
0xb9: {  	s31 =	sshll.u32 s1, $0xD;
	s1 =	sshrl.u32 s1, $0x2  }
0xba: {  	s3 =	sand.u32 $0x4000, s31;
	s1 =	sadd.s32 s1, s30  }
0xbb: {  	s0 =	sor.u32 s3, s0;
	s1 =	sshll.u32 s1, $0x11  }
0xbc: {  	s0 =	sor.u32 s1, s0  }
0xbd: {  	s0 =	sadd.s32 $0x8F2B, s0  }
0xbe: {  	[sflag:s0] =	ssyncadd.remote.s32 $0x1  }
0xbf: {  	_ =	sfence.sel $0xFFFF  }
0xc0: {  	[dreg:$0x0] =	wrdreg $0xFFFFFFFF;
	(pc) =	sbr.abs _section_cstart, $3  }
0xc1: {  	[dreg:$0x1] =	wrdreg $0xFFFFFFFF  }
0xc2: {  	_ =	task.clear_ibuf [dreg:s7], $0x2FFFF;
	_ =	strace $0x9FFFFFFF  }
0xc3: {  	(tm) =	ssettm $0x7FFFFFFF  }
tec
execute0_lowered:
.L_overlay_start_1:
0x0: {  	(tag) =	ssettag $0x1  }
0x1: {  	s0 =	rddreg [dreg:$0x0];
	v0 =	vlaneseq.u32  }
0x2: {  	s1 =	rddreg [dreg:$0x1];
	v0 =	vmul.u32 $0x88, v0  }
0x3: {  	s2 =	rddreg [dreg:$0x2];
	s4 =	srdreg.scid;
	v1 =	vimm.s32 $0x0;
	vm0 =	vcmask $0x300  }
0x4: {  	s8 =	stileid.u32;
	s3 =	simm.s32 $0x0;
	s13 =	simm.s32 $0x5;
	v1 =	vsel vm0, $0x3, v1;
	v2 =	vadd.s32 $0x880, v0  }
0x5: {  	s14 =	simm.s32 $0x80;
	s16 =	simm.s32 $0x8400;
	s17 =	simm.s32 $0x1;
	v3 =	vadd.s32 $0x1100, v0;
	v4 =	vadd.s32 $0x1980, v0;
	v5 =	vor.u32 $0x1, v0  }
0x6: {  	s18 =	simm.s32 $0xA400;
	s20 =	simm.s32 $0x2;
	s21 =	simm.s32 $0xC600;
	v6 =	vadd.s32 $0x881, v0;
	v7 =	vadd.s32 $0x1101, v0;
	v8 =	vadd.s32 $0x1981, v0  }
0x7: {  	s23 =	simm.s32 $0x3;
	s24 =	simm.s32 $0x4;
	s25 =	simm.s32 $0x0;
	v9 =	vor.u32 $0x2, v0;
	v10 =	vadd.s32 $0x882, v0;
	v11 =	vadd.s32 $0x1102, v0  }
0x8: {  	s4 =	sand.u32 $0x1, s4;
	s5 =	sshll.u32 s8, $0x1;
	[smem:$0x7FF] =	sst s3;
	v12 =	vadd.s32 $0x1982, v0;
	v13 =	vor.u32 $0x3, v0;
	v14 =	vadd.s32 $0x883, v0  }
0x9: {  	p0 =	sne.s32 s8, $0x0;
	s6 =	sor.u32 s4, s5;
	_ =	strace $0x80000047;
	v15 =	vadd.s32 $0x1103, v0;
	v16 =	vadd.s32 $0x1983, v0;
	v17 =	vor.u32 $0x4, v0  }
.Ltmp0:
0xa: {  	s7 =	ssub.s32 $0x2, s4;
	s10 =	sshrl.u32 @!p0 s2, $0x3;
	v18 =	vadd.s32 $0x884, v0;
	v19 =	vadd.s32 $0x1104, v0;
	v20 =	vadd.s32 $0x1984, v0;
	(pc) =	sbr.rel .LBB2_1-.Ltmp0, $4  }
0xb: {  	s5 =	sshll.u32 s6, $0x6;
	s30 =	sshrl.u32 s7, $0x1;
	s31 =	sshll.u32 s6, $0x9;
	v21 =	vor.u32 $0x5, v0;
	v22 =	vadd.s32 $0x885, v0;
	v23 =	vadd.s32 $0x1105, v0  }
0xc: {  	s6 =	sshll.u32 s6, $0x2;
	v24 =	vadd.s32 $0x1985, v0;
	v25 =	vor.u32 $0x6, v0;
	v26 =	vadd.s32 $0x886, v0;
	s5 =	sadd.s32 s5, s0;
	s0 =	sadd.s32 $0x400, s0  }
0xd: {  	v27 =	vadd.s32 $0x1106, v0;
	v28 =	vadd.s32 $0x1986, v0;
	v29 =	vor.u32 $0x7, v0;
	[dreg:$0x4] =	wrdreg s0;
	s0 =	ssub.s32 s7, s30;
	s7 =	sadd.s32 s1, s31  }
0xe: {  	v30 =	vadd.s32 $0x887, v0;
	v31 =	vadd.s32 $0x1107, v0;
	v32 =	vadd.s32 $0x1987, v0;
	s5 =	sadd.s32 $0x1400, s5;
	s8 =	sadd.s32 $0x80, s7;
	s9 =	smax.u32 s0, $0x1  }
.LBB2_20:
0xf: {  	s25 =	sadd.s32 $0x1, s25  }
0x10: {  	_ =	swait.ge [sflag:s23], $0x2000;
	p1 =	sne.s32 s25, s9  }
.Ltmp1:
0x11: {  	[sflag:s23] =	ssyncset.done $0x0;
	(pc) =	sbr.rel @!p1 .LBB2_21-.Ltmp1, $4  }
0x12: {  	[sflag:s23] =	ssyncadd.s32 $0xFFFFE000  }
0x13: {  	_ =	swait.ge [sflag:s24], $0x2000  }
0x14: {  	[sflag:s24] =	ssyncset.done $0x0  }
0x15: {  	[sflag:s24] =	ssyncadd.s32 $0xFFFFE000  }
.LBB2_1:
0x16: {  	s0 =	simm.s32 @!p0 $0x1C05;
	s4 =	rddreg [dreg:$0x4]  }
0x17: {  	[spmem:s10], [sflag:s0] =	dma.local @!p0 [hbm:s4], $0x1000  }
0x18: {  	s0 =	simm.s32 @!p0 $0x5  }
0x19: {  	_ =	swait.ge @!p0 [sflag:s0], $0x1000  }
0x1a: {  	[sflag:s0] =	ssyncset.done @!p0 $0x0  }
0x1b: {  	s15 =	simm.s32 $0x200;
	s19 =	simm.s32 $0x4000;
	[sflag:s0] =	ssyncadd.s32 @!p0 $0xFFFFF000  }
0x1c: {  	[tilespmem:s3], [sflag:$0x5] =	stream.strided.gather [hbm4b:s5+s15], $0x6400, s19, s15, $0x38;
	[tilespmem:$0xF000] =	vst v63  }
0x1d: {  	_ =	swait.ge [sflag:s13], $0x6400  }
0x1e: {  	[sflag:s13] =	ssyncset.done $0x0  }
0x1f: {  	[sflag:s13] =	ssyncadd.s32 $0xFFFF9C00  }
0x20: {  	s22 =	simm.s32 $0x6400;
	s26 =	simm.s32 $0x4;
	[bflag:$0x0] =	sbarrier.arrive $0xFFFF  }
0x21: {  	[tilespmem:s22], [sflag:$0x1] =	stream.indirect.gather [spmem:s2], $0x40, s3, s14, $0xb8;
	[tilespmem:$0xF000] =	vst v63  }
0x22: {  	v33 =	vmov s26  }
0x23: {  	v33 =	vshrl.u32 v33, $0x3;
	[tilespmem:s16], [sflag:$0x2] =	stream.indirect.gather [spmem:s2], $0x40, s14, s14, $0xb8;
	[tilespmem:$0xF000] =	vst v63  }
0x24: {  	v33 =	vshll.u32 v33, v1;
	_ =	swait.ge [sflag:s17], $0x2000  }
0x25: {  	v33 =	vbroadcast v33, $0x0;
	[sflag:s17] =	ssyncset.done $0x0  }
0x26: {  	s11 =	simm.s32 $0x6500;
	[sflag:s17] =	ssyncadd.s32 $0xFFFFE000  }
0x27: {  	v35 =	vadd.s32 v17, v33;
	v34 =	vld [tilespmem:s11+$0x0];
	_ =	sdelay $0x3  }
0x28: {  	v41 =	vmov s3  }
0x29: {  	[tilespmem:v35+s18+$0x0] =	vst.idx.msk $0xffff, v34;
	v34 =	vshrl.u32 v41, $0x3  }
0x2a: {  	v36 =	vadd.s32 v18, v33;
	v35 =	vld [tilespmem:s11+$0x10];
	v34 =	vshll.u32 v34, v1  }
0x2b: {  	v34 =	vbroadcast v34, $0x0;
	_ =	sdelay $0x1  }
0x2c: {  	v37 =	vld [tilespmem:s11+$0xFFFFFF00];
	v38 =	vadd.s32 v0, v34;
	_ =	sdelay $0x1  }
0x2d: {  	[tilespmem:v36+s18+$0x0] =	vst.idx.msk $0xffff, v35  }
0x2e: {  	v42 =	vadd.s32 v19, v33;
	v35 =	vld [tilespmem:s11+$0x20];
	_ =	sdelay $0x1  }
0x2f: {  	[tilespmem:v38+s18+$0x0] =	vst.idx.msk $0xffff, v37  }
0x30: {  	v43 =	vadd.s32 v2, v34;
	v37 =	vld [tilespmem:s11+$0xFFFFFF10];
	_ =	sdelay $0x1  }
0x31: {  	[tilespmem:v42+s18+$0x0] =	vst.idx.msk $0xffff, v35  }
0x32: {  	s30 =	simm.s32 $0x5;
	v33 =	vadd.s32 v20, v33;
	v35 =	vld [tilespmem:s11+$0x30]  }
0x33: {  	v44 =	vmov s30  }
0x34: {  	v36 =	vshrl.u32 v44, $0x3;
	[tilespmem:v43+s18+$0x0] =	vst.idx.msk $0xffff, v37  }
0x35: {  	s31 =	simm.s32 $0xC;
	v45 =	vadd.s32 v3, v34;
	v36 =	vshll.u32 v36, v1;
	v37 =	vld [tilespmem:s11+$0xFFFFFF20]  }
0x36: {  	v39 =	vmov s31;
	v36 =	vbroadcast v36, $0x0  }
0x37: {  	s4 =	simm.s32 $0x8;
	v39 =	vshrl.u32 v39, $0x3;
	[tilespmem:v33+s18+$0x0] =	vst.idx.msk $0xffff, v35  }
0x38: {  	v48 =	vmov s4;
	v47 =	vshll.u32 v39, v1;
	v46 =	vadd.s32 v21, v36;
	v33 =	vld [tilespmem:s11+$0x40]  }
0x39: {  	v51 =	vshrl.u32 v48, $0x3;
	v49 =	vbroadcast v47, $0x0  }
0x3a: {  	s26 =	simm.s32 $0x6700;
	[tilespmem:v45+s18+$0x0] =	vst.idx.msk $0xffff, v37;
	v37 =	vshll.u32 v51, v1  }
0x3b: {  	v41 =	vld [tilespmem:s26+$0x0];
	v42 =	vadd.s32 v17, v49;
	v37 =	vbroadcast v37, $0x0  }
0x3c: {  	s12 =	simm.s32 $0x1;
	v34 =	vadd.s32 v4, v34;
	v38 =	vld [tilespmem:s11+$0xFFFFFF30]  }
0x3d: {  	v50 =	vmov s12;
	v53 =	vld [tilespmem:s26+$0xFFFFFF00];
	[tilespmem:v46+s18+$0x0] =	vst.idx.msk $0xffff, v33;
	v54 =	vadd.s32 v0, v37  }
0x3e: {  	v40 =	vadd.s32 v22, v36;
	v35 =	vshrl.u32 v50, $0x3;
	v52 =	vld [tilespmem:s11+$0x50]  }
0x3f: {  	v35 =	vshll.u32 v35, v1  }
0x40: {  	[tilespmem:v42+s18+$0x0] =	vst.idx.msk $0xffff, v41;
	v35 =	vbroadcast v35, $0x0  }
0x41: {  	v56 =	vadd.s32 v18, v49;
	v41 =	vld [tilespmem:s26+$0x10];
	[tilespmem:v34+s18+$0x0] =	vst.idx.msk $0xffff, v38  }
0x42: {  	v44 =	vadd.s32 v5, v35;
	v43 =	vld [tilespmem:s11+$0xFFFFFF40];
	[tilespmem:v54+s18+$0x0] =	vst.idx.msk $0xffff, v53  }
0x43: {  	v57 =	vadd.s32 v2, v37;
	[tilespmem:v40+s18+$0x0] =	vst.idx.msk $0xffff, v52;
	v34 =	vld [tilespmem:s26+$0xFFFFFF10]  }
0x44: {  	v55 =	vadd.s32 v23, v36;
	v39 =	vld [tilespmem:s11+$0x60];
	_ =	sdelay $0x1  }
0x45: {  	[tilespmem:v56+s18+$0x0] =	vst.idx.msk $0xffff, v41  }
0x46: {  	v60 =	vadd.s32 v19, v49;
	v41 =	vld [tilespmem:s26+$0x20];
	[tilespmem:v44+s18+$0x0] =	vst.idx.msk $0xffff, v43  }
0x47: {  	v58 =	vadd.s32 v6, v35;
	v43 =	vld [tilespmem:s11+$0xFFFFFF50];
	[tilespmem:v57+s18+$0x0] =	vst.idx.msk $0xffff, v34  }
0x48: {  	v62 =	vadd.s32 v3, v37;
	[tilespmem:v55+s18+$0x0] =	vst.idx.msk $0xffff, v39;
	v38 =	vld [tilespmem:s26+$0xFFFFFF20]  }
0x49: {  	s15 =	simm.s32 $0x6;
	v36 =	vadd.s32 v24, v36;
	v39 =	vld [tilespmem:s11+$0x70]  }
0x4a: {  	v59 =	vmov s15  }
0x4b: {  	[tilespmem:v60+s18+$0x0] =	vst.idx.msk $0xffff, v41;
	v40 =	vshrl.u32 v59, $0x3  }
0x4c: {  	v33 =	vadd.s32 v20, v49;
	v41 =	vld [tilespmem:s26+$0x30];
	v61 =	vshll.u32 v40, v1;
	[tilespmem:v58+s18+$0x0] =	vst.idx.msk $0xffff, v43  }
0x4d: {  	v63 =	vadd.s32 v7, v35;
	v34 =	vbroadcast v61, $0x0;
	v43 =	vld [tilespmem:s11+$0xFFFFFF60];
	[tilespmem:v62+s18+$0x0] =	vst.idx.msk $0xffff, v38  }
0x4e: {  	v37 =	vadd.s32 v4, v37;
	[tilespmem:v36+s18+$0x0] =	vst.idx.msk $0xffff, v39;
	v40 =	vld [tilespmem:s26+$0xFFFFFF30]  }
0x4f: {  	s30 =	simm.s32 $0x2;
	v45 =	vadd.s32 v25, v34;
	v36 =	vld [tilespmem:s11+$0x80]  }
0x50: {  	s19 =	simm.s32 $0xD;
	s22 =	simm.s32 $0x9;
	v50 =	vmov s30;
	v35 =	vadd.s32 v8, v35  }
0x51: {  	v46 =	vmov s19;
	v49 =	vmov s22;
	v54 =	vshrl.u32 v50, $0x3;
	[tilespmem:v33+s18+$0x0] =	vst.idx.msk $0xffff, v41  }
0x52: {  	s29 =	simm.s32 $0x10;
	s31 =	simm.s32 $0x14;
	v47 =	vshrl.u32 v46, $0x3;
	v51 =	vshrl.u32 v49, $0x3;
	v33 =	vshll.u32 v54, v1;
	[tilespmem:v63+s18+$0x0] =	vst.idx.msk $0xffff, v43  }
0x53: {  	v61 =	vmov s31;
	v58 =	vmov s29;
	v38 =	vshll.u32 v47, v1;
	v48 =	vld [tilespmem:s11+$0xFFFFFF70];
	[tilespmem:v37+s18+$0x0] =	vst.idx.msk $0xffff, v40  }
0x54: {  	v55 =	vshll.u32 v51, v1;
	v37 =	vshrl.u32 v58, $0x3;
	[tilespmem:v45+s18+$0x0] =	vst.idx.msk $0xffff, v36;
	v36 =	vbroadcast v38, $0x0  }
0x55: {  	v53 =	vadd.s32 v26, v34;
	v38 =	vbroadcast v55, $0x0;
	v37 =	vshll.u32 v37, v1;
	v52 =	vld [tilespmem:s11+$0x90]  }
0x56: {  	v56 =	vld [tilespmem:s26+$0x40];
	v42 =	vshrl.u32 v61, $0x3;
	v37 =	vbroadcast v37, $0x0;
	v57 =	vadd.s32 v21, v36  }
0x57: {  	s28 =	simm.s32 $0x6900;
	v33 =	vbroadcast v33, $0x0;
	v42 =	vshll.u32 v42, v1;
	v59 =	vld [tilespmem:s26+$0xFFFFFF40];
	v60 =	vadd.s32 v5, v38  }
0x58: {  	v41 =	vbroadcast v42, $0x0;
	v47 =	vld [tilespmem:s28+$0xFFFFFF00];
	[tilespmem:v35+s18+$0x0] =	vst.idx.msk $0xffff, v48;
	v48 =	vadd.s32 v0, v37  }
0x59: {  	v46 =	vadd.s32 v9, v33;
	v45 =	vld [tilespmem:s11+$0xFFFFFF80]  }
0x5a: {  	[tilespmem:v53+s18+$0x0] =	vst.idx.msk $0xffff, v52;
	v52 =	vld [tilespmem:s28+$0x0];
	v53 =	vadd.s32 v17, v41  }
0x5b: {  	v62 =	vadd.s32 v27, v34;
	v43 =	vld [tilespmem:s11+$0xA0];
	[tilespmem:v57+s18+$0x0] =	vst.idx.msk $0xffff, v56  }
0x5c: {  	v63 =	vadd.s32 v22, v36;
	[tilespmem:v60+s18+$0x0] =	vst.idx.msk $0xffff, v59;
	v39 =	vld [tilespmem:s26+$0x50]  }
0x5d: {  	v55 =	vadd.s32 v6, v38;
	v54 =	vld [tilespmem:s26+$0xFFFFFF50];
	[tilespmem:v48+s18+$0x0] =	vst.idx.msk $0xffff, v47  }
0x5e: {  	v58 =	vadd.s32 v2, v37;
	[tilespmem:v46+s18+$0x0] =	vst.idx.msk $0xffff, v45;
	v47 =	vld [tilespmem:s28+$0xFFFFFF10]  }
0x5f: {  	v50 =	vadd.s32 v10, v33;
	v49 =	vld [tilespmem:s11+$0xFFFFFF90];
	[tilespmem:v53+s18+$0x0] =	vst.idx.msk $0xffff, v52  }
0x60: {  	v60 =	vadd.s32 v18, v41;
	[tilespmem:v62+s18+$0x0] =	vst.idx.msk $0xffff, v43;
	v40 =	vld [tilespmem:s28+$0x10]  }
0x61: {  	s4 =	simm.s32 $0x7;
	v34 =	vadd.s32 v28, v34;
	v43 =	vld [tilespmem:s11+$0xB0];
	[tilespmem:v63+s18+$0x0] =	vst.idx.msk $0xffff, v39  }
0x62: {  	v56 =	vmov s4;
	v57 =	vadd.s32 v23, v36;
	[tilespmem:v55+s18+$0x0] =	vst.idx.msk $0xffff, v54;
	v42 =	vld [tilespmem:s26+$0x60]  }
0x63: {  	v61 =	vadd.s32 v7, v38;
	v39 =	vshrl.u32 v56, $0x3;
	v46 =	vld [tilespmem:s26+$0xFFFFFF60];
	[tilespmem:v58+s18+$0x0] =	vst.idx.msk $0xffff, v47  }
0x64: {  	v59 =	vshll.u32 v39, v1;
	v47 =	vadd.s32 v3, v37;
	[tilespmem:v50+s18+$0x0] =	vst.idx.msk $0xffff, v49;
	v44 =	vld [tilespmem:s28+$0xFFFFFF20]  }
0x65: {  	v63 =	vadd.s32 v11, v33;
	v39 =	vbroadcast v59, $0x0;
	v62 =	vld [tilespmem:s11+$0xFFFFFFA0];
	[tilespmem:v60+s18+$0x0] =	vst.idx.msk $0xffff, v40  }
0x66: {  	v54 =	vadd.s32 v19, v41;
	[tilespmem:v34+s18+$0x0] =	vst.idx.msk $0xffff, v43;
	v45 =	vld [tilespmem:s28+$0x20]  }
0x67: {  	v52 =	vadd.s32 v29, v39;
	v34 =	vld [tilespmem:s11+$0xC0];
	[tilespmem:v57+s18+$0x0] =	vst.idx.msk $0xffff, v42  }
0x68: {  	v36 =	vadd.s32 v24, v36;
	[tilespmem:v61+s18+$0x0] =	vst.idx.msk $0xffff, v46;
	v42 =	vld [tilespmem:s26+$0x70]  }
0x69: {  	s12 =	simm.s32 $0xE;
	v56 =	vadd.s32 v8, v38;
	v55 =	vld [tilespmem:s26+$0xFFFFFF70];
	[tilespmem:v47+s18+$0x0] =	vst.idx.msk $0xffff, v44  }
0x6a: {  	s15 =	simm.s32 $0xA;
	v53 =	vmov s12;
	v33 =	vadd.s32 v12, v33;
	v41 =	vadd.s32 v20, v41;
	[tilespmem:v63+s18+$0x0] =	vst.idx.msk $0xffff, v62  }
0x6b: {  	s19 =	simm.s32 $0x3;
	v37 =	vadd.s32 v4, v37;
	v59 =	vmov s15;
	v40 =	vshrl.u32 v53, $0x3;
	v58 =	vld [tilespmem:s11+$0xFFFFFFB0];
	[tilespmem:v54+s18+$0x0] =	vst.idx.msk $0xffff, v45  }
0x6c: {  	v60 =	vmov s19;
	v57 =	vshll.u32 v40, v1;
	v61 =	vshrl.u32 v59, $0x3;
	v47 =	vld [tilespmem:s28+$0xFFFFFF30];
	[tilespmem:v52+s18+$0x0] =	vst.idx.msk $0xffff, v34  }
0x6d: {  	s22 =	simm.s32 $0x11;
	v63 =	vadd.s32 v30, v39;
	v34 =	vbroadcast v57, $0x0;
	v52 =	vshll.u32 v61, v1;
	v62 =	vld [tilespmem:s11+$0xD0];
	[tilespmem:v36+s18+$0x0] =	vst.idx.msk $0xffff, v42  }
0x6e: {  	v51 =	vshrl.u32 v60, $0x3;
	v54 =	vmov s22;
	v44 =	vbroadcast v52, $0x0;
	[tilespmem:v56+s18+$0x0] =	vst.idx.msk $0xffff, v55;
	v55 =	vld [tilespmem:s28+$0x30]  }
0x6f: {  	v35 =	vshrl.u32 v54, $0x3;
	v36 =	vshll.u32 v51, v1;
	v42 =	vld [tilespmem:s26+$0x80];
	v53 =	vadd.s32 v25, v34  }
0x70: {  	s30 =	simm.s32 $0x15;
	v35 =	vshll.u32 v35, v1;
	v38 =	vbroadcast v36, $0x0;
	v57 =	vld [tilespmem:s26+$0xFFFFFF80];
	[tilespmem:v33+s18+$0x0] =	vst.idx.msk $0xffff, v58;
	v58 =	vadd.s32 v9, v44  }
0x71: {  	v59 =	vmov s30;
	v35 =	vbroadcast v35, $0x0;
	[tilespmem:v37+s18+$0x0] =	vst.idx.msk $0xffff, v47  }
0x72: {  	v45 =	vshrl.u32 v59, $0x3;
	v60 =	vld [tilespmem:s11+$0xFFFFFFC0];
	v61 =	vadd.s32 v13, v38;
	[tilespmem:v63+s18+$0x0] =	vst.idx.msk $0xffff, v62  }
0x73: {  	v45 =	vshll.u32 v45, v1;
	v56 =	vadd.s32 v5, v35;
	v63 =	vld [tilespmem:s28+$0xFFFFFF40];
	[tilespmem:v41+s18+$0x0] =	vst.idx.msk $0xffff, v55  }
0x74: {  	s0 =	simm.s32 $0x18;
	v37 =	vbroadcast v45, $0x0;
	[tilespmem:v53+s18+$0x0] =	vst.idx.msk $0xffff, v42  }
0x75: {  	v62 =	vadd.s32 v26, v34;
	v42 =	vld [tilespmem:s26+$0x90];
	[tilespmem:v58+s18+$0x0] =	vst.idx.msk $0xffff, v57;
	v58 =	vmov s0  }
0x76: {  	v33 =	vld [tilespmem:s28+$0x40];
	v57 =	vadd.s32 v21, v37;
	v48 =	vshrl.u32 v58, $0x3  }
0x77: {  	v41 =	vadd.s32 v10, v44;
	[tilespmem:v61+s18+$0x0] =	vst.idx.msk $0xffff, v60;
	v40 =	vld [tilespmem:s26+$0xFFFFFF90];
	v60 =	vshll.u32 v48, v1  }
0x78: {  	s15 =	simm.s32 $0x1C;
	v46 =	vadd.s32 v14, v38;
	v59 =	vld [tilespmem:s11+$0xFFFFFFD0];
	[tilespmem:v56+s18+$0x0] =	vst.idx.msk $0xffff, v63;
	v43 =	vbroadcast v60, $0x0  }
0x79: {  	s12 =	simm.s32 $0x6B00;
	v52 =	vmov s15;
	v53 =	vadd.s32 v6, v35;
	v56 =	vld [tilespmem:s28+$0xFFFFFF50]  }
0x7a: {  	v51 =	vld [tilespmem:s12+$0xFFFFFF00];
	v61 =	vshrl.u32 v52, $0x3;
	[tilespmem:v62+s18+$0x0] =	vst.idx.msk $0xffff, v42;
	v58 =	vadd.s32 v0, v43  }
0x7b: {  	v48 =	vshll.u32 v61, v1;
	v63 =	vadd.s32 v27, v34;
	[tilespmem:v57+s18+$0x0] =	vst.idx.msk $0xffff, v33;
	v62 =	vld [tilespmem:s26+$0xA0]  }
0x7c: {  	v48 =	vbroadcast v48, $0x0;
	v57 =	vadd.s32 v22, v37;
	v33 =	vld [tilespmem:s28+$0x50];
	[tilespmem:v41+s18+$0x0] =	vst.idx.msk $0xffff, v40  }
0x7d: {  	[tilespmem:v46+s18+$0x0] =	vst.idx.msk $0xffff, v59  }
0x7e: {  	v60 =	vadd.s32 v17, v48;
	v59 =	vld [tilespmem:s12+$0x0];
	[tilespmem:v53+s18+$0x0] =	vst.idx.msk $0xffff, v56  }
0x7f: {  	v61 =	vadd.s32 v11, v44;
	v41 =	vld [tilespmem:s26+$0xFFFFFFA0];
	[tilespmem:v58+s18+$0x0] =	vst.idx.msk $0xffff, v51  }
0x80: {  	[tilespmem:v63+s18+$0x0] =	vst.idx.msk $0xffff, v62;
	v62 =	vld [tilespmem:s28+$0xFFFFFF60];
	v63 =	vadd.s32 v7, v35  }
0x81: {  	[tilespmem:v57+s18+$0x0] =	vst.idx.msk $0xffff, v33;
	v51 =	vld [tilespmem:s12+$0xFFFFFF10];
	v57 =	vadd.s32 v2, v43  }
0x82: {  	v34 =	vadd.s32 v28, v34;
	v47 =	vld [tilespmem:s26+$0xB0]  }
0x83: {  	s31 =	simm.s32 $0xF;
	v56 =	vadd.s32 v23, v37;
	v36 =	vld [tilespmem:s28+$0x60];
	[tilespmem:v60+s18+$0x0] =	vst.idx.msk $0xffff, v59  }
0x84: {  	v55 =	vmov s31;
	v49 =	vld [tilespmem:s11+$0xE0];
	v42 =	vadd.s32 v31, v39;
	[tilespmem:v61+s18+$0x0] =	vst.idx.msk $0xffff, v41  }
0x85: {  	v58 =	vadd.s32 v18, v48;
	v33 =	vshrl.u32 v55, $0x3;
	v46 =	vld [tilespmem:s12+$0x10];
	[tilespmem:v63+s18+$0x0] =	vst.idx.msk $0xffff, v62  }
0x86: {  	v33 =	vshll.u32 v33, v1;
	v59 =	vadd.s32 v12, v44;
	v41 =	vld [tilespmem:s26+$0xFFFFFFB0];
	[tilespmem:v57+s18+$0x0] =	vst.idx.msk $0xffff, v51  }
0x87: {  	s4 =	simm.s32 $0x12;
	v33 =	vbroadcast v33, $0x0;
	v62 =	vadd.s32 v8, v35;
	[tilespmem:v34+s18+$0x0] =	vst.idx.msk $0xffff, v47;
	v61 =	vld [tilespmem:s28+$0xFFFFFF70]  }
0x88: {  	v63 =	vmov s4;
	[tilespmem:v56+s18+$0x0] =	vst.idx.msk $0xffff, v36;
	v51 =	vld [tilespmem:s12+$0xFFFFFF20];
	v56 =	vadd.s32 v3, v43  }
0x89: {  	[tilespmem:v42+s18+$0x0] =	vst.idx.msk $0xffff, v49;
	v60 =	vadd.s32 v29, v33;
	v35 =	vshrl.u32 v63, $0x3;
	v34 =	vld [tilespmem:s26+$0xC0]  }
0x8a: {  	s19 =	simm.s32 $0x16;
	v37 =	vadd.s32 v24, v37;
	v40 =	vld [tilespmem:s28+$0x70];
	[tilespmem:v58+s18+$0x0] =	vst.idx.msk $0xffff, v46;
	v35 =	vshll.u32 v35, v1  }
0x8b: {  	v45 =	vld [tilespmem:s11+$0xFFFFFFE0];
	v57 =	vmov s19;
	[tilespmem:v59+s18+$0x0] =	vst.idx.msk $0xffff, v41;
	v59 =	vadd.s32 v15, v38;
	v35 =	vbroadcast v35, $0x0  }
0x8c: {  	v36 =	vshrl.u32 v57, $0x3;
	v58 =	vadd.s32 v19, v48;
	v46 =	vld [tilespmem:s12+$0x20];
	[tilespmem:v62+s18+$0x0] =	vst.idx.msk $0xffff, v61  }
0x8d: {  	v36 =	vshll.u32 v36, v1;
	v63 =	vadd.s32 v9, v35;
	[tilespmem:v56+s18+$0x0] =	vst.idx.msk $0xffff, v51;
	v47 =	vld [tilespmem:s28+$0xFFFFFF80]  }
0x8e: {  	v43 =	vadd.s32 v4, v43;
	v36 =	vbroadcast v36, $0x0;
	[tilespmem:v60+s18+$0x0] =	vst.idx.msk $0xffff, v34;
	v52 =	vld [tilespmem:s12+$0xFFFFFF30]  }
0x8f: {  	s22 =	simm.s32 $0xB;
	v62 =	vadd.s32 v30, v33;
	[tilespmem:v37+s18+$0x0] =	vst.idx.msk $0xffff, v40;
	v61 =	vld [tilespmem:s26+$0xD0]  }
0x90: {  	v57 =	vadd.s32 v25, v36;
	v60 =	vmov s22;
	[tilespmem:v59+s18+$0x0] =	vst.idx.msk $0xffff, v45;
	v40 =	vld [tilespmem:s28+$0x80]  }
0x91: {  	v34 =	vshrl.u32 v60, $0x3;
	[tilespmem:v58+s18+$0x0] =	vst.idx.msk $0xffff, v46  }
0x92: {  	s30 =	simm.s32 $0x19;
	v53 =	vld [tilespmem:s26+$0xFFFFFFC0];
	v34 =	vshll.u32 v34, v1;
	[tilespmem:v63+s18+$0x0] =	vst.idx.msk $0xffff, v47  }
0x93: {  	s31 =	simm.s32 $0x1D;
	v59 =	vmov s30;
	v58 =	vadd.s32 v20, v48;
	v46 =	vld [tilespmem:s12+$0x30];
	v34 =	vbroadcast v34, $0x0;
	[tilespmem:v43+s18+$0x0] =	vst.idx.msk $0xffff, v52  }
0x94: {  	v55 =	vadd.s32 v16, v38;
	v54 =	vld [tilespmem:s11+$0xFFFFFFF0];
	[tilespmem:v62+s18+$0x0] =	vst.idx.msk $0xffff, v61;
	v61 =	vshrl.u32 v59, $0x3;
	v62 =	vmov s31  }
0x95: {  	v60 =	vadd.s32 v13, v34;
	[tilespmem:v57+s18+$0x0] =	vst.idx.msk $0xffff, v40;
	v40 =	vld [tilespmem:s11+$0xF0];
	v63 =	vshll.u32 v61, v1;
	v42 =	vshrl.u32 v62, $0x3  }
0x96: {  	v39 =	vadd.s32 v32, v39;
	v48 =	vld [tilespmem:s12+$0xFFFFFF40];
	v41 =	vbroadcast v63, $0x0;
	v42 =	vshll.u32 v42, v1  }
0x97: {  	v44 =	vadd.s32 v26, v36;
	v43 =	vld [tilespmem:s28+$0x90];
	v42 =	vbroadcast v42, $0x0  }
0x98: {  	v45 =	vld [tilespmem:s28+$0xFFFFFF90];
	[tilespmem:v58+s18+$0x0] =	vst.idx.msk $0xffff, v46;
	v50 =	vadd.s32 v5, v41  }
0x99: {  	[tilespmem:v55+s18+$0x0] =	vst.idx.msk $0xffff, v54;
	v47 =	vld [tilespmem:s12+$0x40];
	v49 =	vadd.s32 v21, v42  }
0x9a: {  	s19 =	simm.s32 $0x6;
	s22 =	simm.s32 $0x20;
	v38 =	vadd.s32 v14, v34;
	s11 =	simm.s32 $0x6B00;
	v37 =	vld [tilespmem:s26+$0xE0];
	v46 =	vadd.s32 v10, v35;
	[tilespmem:v60+s18+$0x0] =	vst.idx.msk $0xffff, v53  }
.LBB2_2:
0x9b: {  	v51 =	vmov s22;
	s15 =	sadd.s32 $0x4, s22;
	s19 =	sadd.s32 $0x2, s19;
	s12 =	sadd.s32 $0x200, s12;
	v52 =	vld [tilespmem:s26+$0xFFFFFFD0];
	[tilespmem:v39+s18+$0x0] =	vst.idx.msk $0xffff, v40  }
0x9c: {  	v39 =	vld [tilespmem:s12+$0xFFFFFF00];
	v40 =	vshrl.u32 v51, $0x3;
	v51 =	vmov s15;
	p1 =	slt.u32 s19, $0x1E;
	[tilespmem:v44+s18+$0x0] =	vst.idx.msk $0xffff, v43;
	v43 =	vadd.s32 v31, v33  }
0x9d: {  	v40 =	vshll.u32 v40, v1;
	v44 =	vshrl.u32 v51, $0x3;
	[tilespmem:v50+s18+$0x0] =	vst.idx.msk $0xffff, v48;
	v48 =	vld [tilespmem:s28+$0xA0];
	v50 =	vadd.s32 v27, v36  }
0x9e: {  	v53 =	vadd.s32 v6, v41;
	v40 =	vbroadcast v40, $0x0;
	v44 =	vshll.u32 v44, v1;
	v51 =	vld [tilespmem:s11+$0xFFFFFF50];
	[tilespmem:v49+s18+$0x0] =	vst.idx.msk $0xffff, v47  }
0x9f: {  	v49 =	vadd.s32 v22, v42;
	v44 =	vbroadcast v44, $0x0;
	v47 =	vld [tilespmem:s11+$0x50];
	[tilespmem:v46+s18+$0x0] =	vst.idx.msk $0xffff, v45  }
0xa0: {  	v45 =	vadd.s32 v0, v40;
	v46 =	vld [tilespmem:s28+$0xFFFFFFA0];
	[tilespmem:v38+s18+$0x0] =	vst.idx.msk $0xffff, v52  }
0xa1: {  	v38 =	vld [tilespmem:s12+$0x0];
	v52 =	vadd.s32 v17, v44;
	[tilespmem:v43+s18+$0x0] =	vst.idx.msk $0xffff, v37  }
0xa2: {  	v37 =	vadd.s32 v11, v35;
	[tilespmem:v50+s18+$0x0] =	vst.idx.msk $0xffff, v48;
	v43 =	vld [tilespmem:s26+$0xFFFFFFE0]  }
0xa3: {  	s15 =	sadd.s32 $0x7, s29;
	v36 =	vadd.s32 v28, v36;
	[tilespmem:v53+s18+$0x0] =	vst.idx.msk $0xffff, v51;
	v48 =	vld [tilespmem:s28+$0xB0]  }
0xa4: {  	v51 =	vadd.s32 v7, v41;
	v50 =	vld [tilespmem:s11+$0xFFFFFF60];
	[tilespmem:v49+s18+$0x0] =	vst.idx.msk $0xffff, v47;
	v47 =	vmov s15  }
0xa5: {  	[tilespmem:v45+s18+$0x0] =	vst.idx.msk $0xffff, v39;
	v39 =	vld [tilespmem:s11+$0x60];
	v45 =	vadd.s32 v23, v42;
	v47 =	vshrl.u32 v47, $0x3  }
0xa6: {  	v53 =	vadd.s32 v2, v40;
	v49 =	vld [tilespmem:s12+$0xFFFFFF10];
	[tilespmem:v52+s18+$0x0] =	vst.idx.msk $0xffff, v38;
	v38 =	vshll.u32 v47, v1  }
0xa7: {  	v52 =	vadd.s32 v18, v44;
	v47 =	vld [tilespmem:s12+$0x10];
	[tilespmem:v37+s18+$0x0] =	vst.idx.msk $0xffff, v46;
	v46 =	vbroadcast v38, $0x0  }
0xa8: {  	v35 =	vadd.s32 v12, v35;
	s15 =	sadd.s32 $0x3, s29;
	s29 =	smov.u32 s0;
	s0 =	smov.u32 s22;
	v37 =	vld [tilespmem:s28+$0xFFFFFFB0];
	[tilespmem:v36+s18+$0x0] =	vst.idx.msk $0xffff, v48  }
0xa9: {  	v36 =	vmov s15;
	[tilespmem:v51+s18+$0x0] =	vst.idx.msk $0xffff, v50;
	v38 =	vld [tilespmem:s28+$0xC0];
	v48 =	vadd.s32 v29, v46  }
0xaa: {  	v41 =	vadd.s32 v8, v41;
	s15 =	sadd.s32 $0x2, s29;
	v36 =	vshrl.u32 v36, $0x3;
	v50 =	vld [tilespmem:s11+$0xFFFFFF70];
	[tilespmem:v45+s18+$0x0] =	vst.idx.msk $0xffff, v39;
	v39 =	vadd.s32 v15, v34  }
0xab: {  	v42 =	vadd.s32 v24, v42;
	v45 =	vmov s15;
	s15 =	sadd.s32 $0x6, s29;
	v36 =	vshll.u32 v36, v1;
	[tilespmem:v53+s18+$0x0] =	vst.idx.msk $0xffff, v49;
	v49 =	vld [tilespmem:s11+$0x70]  }
0xac: {  	v53 =	vadd.s32 v3, v40;
	v45 =	vshrl.u32 v45, $0x3;
	v51 =	vld [tilespmem:s12+$0xFFFFFF20];
	[tilespmem:v52+s18+$0x0] =	vst.idx.msk $0xffff, v47;
	v47 =	vmov s15  }
0xad: {  	v54 =	vadd.s32 v19, v44;
	v45 =	vshll.u32 v45, v1;
	v52 =	vld [tilespmem:s12+$0x20];
	v47 =	vshrl.u32 v47, $0x3;
	[tilespmem:v35+s18+$0x0] =	vst.idx.msk $0xffff, v37  }
0xae: {  	v35 =	vbroadcast v45, $0x0;
	v37 =	vshll.u32 v47, v1;
	v45 =	vld [tilespmem:s28+$0xFFFFFFC0];
	v47 =	vbroadcast v36, $0x0;
	[tilespmem:v48+s18+$0x0] =	vst.idx.msk $0xffff, v38  }
0xaf: {  	[tilespmem:v41+s18+$0x0] =	vst.idx.msk $0xffff, v50;
	v36 =	vbroadcast v37, $0x0;
	v37 =	vld [tilespmem:s28+$0xD0];
	v41 =	vadd.s32 v30, v46  }
0xb0: {  	v50 =	vadd.s32 v9, v35;
	v48 =	vld [tilespmem:s11+$0xFFFFFF80];
	[tilespmem:v42+s18+$0x0] =	vst.idx.msk $0xffff, v49;
	v38 =	vadd.s32 v14, v47  }
0xb1: {  	[tilespmem:v53+s18+$0x0] =	vst.idx.msk $0xffff, v51;
	v42 =	vld [tilespmem:s11+$0x80];
	v49 =	vadd.s32 v25, v36  }
0xb2: {  	s15 =	sadd.s32 $0x1, s22;
	v53 =	vadd.s32 v4, v40;
	v51 =	vld [tilespmem:s12+$0xFFFFFF30];
	[tilespmem:v54+s18+$0x0] =	vst.idx.msk $0xffff, v52  }
0xb3: {  	v40 =	vmov s15;
	s15 =	sadd.s32 $0x5, s22;
	v54 =	vadd.s32 v20, v44;
	v52 =	vld [tilespmem:s12+$0x30];
	[tilespmem:v39+s18+$0x0] =	vst.idx.msk $0xffff, v43  }
0xb4: {  	v55 =	vadd.s32 v13, v47;
	v39 =	vshrl.u32 v40, $0x3;
	v40 =	vmov s15;
	[tilespmem:v41+s18+$0x0] =	vst.idx.msk $0xffff, v37;
	v56 =	vld [tilespmem:s26+$0xFFFFFFF0]  }
0xb5: {  	v57 =	vadd.s32 v16, v34;
	v39 =	vshll.u32 v39, v1;
	v40 =	vshrl.u32 v40, $0x3;
	[tilespmem:v50+s18+$0x0] =	vst.idx.msk $0xffff, v48;
	v37 =	vld [tilespmem:s28+$0xE0]  }
.Ltmp2:
0xb6: {  	v41 =	vbroadcast v39, $0x0;
	v48 =	vshll.u32 v40, v1;
	v39 =	vadd.s32 v32, v33;
	[tilespmem:v49+s18+$0x0] =	vst.idx.msk $0xffff, v42;
	v40 =	vld [tilespmem:s26+$0xF0];
	s26 =	smov.u32 s28;
	s28 =	smov.u32 s11;
	(pc) =	sbr.rel @p1 .LBB2_2-.Ltmp2, $4  }
0xb7: {  	v34 =	vmovc v47;
	v44 =	vadd.s32 v26, v36;
	v33 =	vmov v46;
	v42 =	vbroadcast v48, $0x0;
	s11 =	smov.u32 s12;
	[tilespmem:v53+s18+$0x0] =	vst.idx.msk $0xffff, v51;
	v43 =	vld [tilespmem:s28+$0x90]  }
0xb8: {  	v50 =	vadd.s32 v5, v41;
	v48 =	vld [tilespmem:s12+$0xFFFFFF40];
	[tilespmem:v54+s18+$0x0] =	vst.idx.msk $0xffff, v52  }
0xb9: {  	v49 =	vadd.s32 v21, v42;
	v47 =	vld [tilespmem:s12+$0x40];
	[tilespmem:v55+s18+$0x0] =	vst.idx.msk $0xffff, v45  }
0xba: {  	s22 =	sadd.s32 $0x8, s22;
	v46 =	vadd.s32 v10, v35;
	v45 =	vld [tilespmem:s28+$0xFFFFFF90];
	[tilespmem:v57+s18+$0x0] =	vst.idx.msk $0xffff, v56  }
0xbb: {  	_ =	sdelay $0x3  }
0xbc: {  	[tilespmem:v50+s18+$0x0] =	vst.idx.msk $0xffff, v48  }
0xbd: {  	v62 =	vadd.s32 v6, v41;
	v48 =	vld [tilespmem:s11+$0xFFFFFF50];
	[tilespmem:v49+s18+$0x0] =	vst.idx.msk $0xffff, v47  }
0xbe: {  	v63 =	vadd.s32 v22, v42;
	v47 =	vld [tilespmem:s11+$0x50];
	_ =	sdelay $0x3  }
0xbf: {  	[tilespmem:v62+s18+$0x0] =	vst.idx.msk $0xffff, v48  }
0xc0: {  	v52 =	vadd.s32 v7, v41;
	v48 =	vld [tilespmem:s11+$0xFFFFFF60];
	[tilespmem:v63+s18+$0x0] =	vst.idx.msk $0xffff, v47  }
0xc1: {  	v53 =	vadd.s32 v23, v42;
	v47 =	vld [tilespmem:s11+$0x60];
	_ =	sdelay $0x3  }
0xc2: {  	[tilespmem:v52+s18+$0x0] =	vst.idx.msk $0xffff, v48  }
0xc3: {  	v54 =	vadd.s32 v8, v41;
	s12 =	sadd.s32 $0x2, s0;
	v48 =	vld [tilespmem:s11+$0xFFFFFF70];
	[tilespmem:v53+s18+$0x0] =	vst.idx.msk $0xffff, v47  }
0xc4: {  	v56 =	vadd.s32 v24, v42;
	s4 =	sadd.s32 $0x6, s0;
	v55 =	vmov s12;
	v49 =	vld [tilespmem:s11+$0x70]  }
0xc5: {  	v57 =	vmov s4;
	v47 =	vshrl.u32 v55, $0x3  }
0xc6: {  	v50 =	vshrl.u32 v57, $0x3;
	v47 =	vshll.u32 v47, v1  }
0xc7: {  	v50 =	vshll.u32 v50, v1;
	v47 =	vbroadcast v47, $0x0  }
0xc8: {  	v41 =	vbroadcast v50, $0x0;
	[tilespmem:v54+s18+$0x0] =	vst.idx.msk $0xffff, v48  }
0xc9: {  	v58 =	vadd.s32 v9, v47;
	v48 =	vld [tilespmem:s11+$0xFFFFFF80];
	[tilespmem:v56+s18+$0x0] =	vst.idx.msk $0xffff, v49  }
0xca: {  	v59 =	vadd.s32 v25, v41;
	v42 =	vld [tilespmem:s11+$0x80];
	_ =	sdelay $0x3  }
0xcb: {  	[tilespmem:v58+s18+$0x0] =	vst.idx.msk $0xffff, v48  }
0xcc: {  	v61 =	vadd.s32 v10, v47;
	[tilespmem:v59+s18+$0x0] =	vst.idx.msk $0xffff, v42;
	v60 =	vld [tilespmem:s11+$0xFFFFFF90]  }
0xcd: {  	v62 =	vadd.s32 v26, v41;
	v49 =	vld [tilespmem:s11+$0x90];
	_ =	sdelay $0x1  }
0xce: {  	[tilespmem:v46+s18+$0x0] =	vst.idx.msk $0xffff, v45  }
0xcf: {  	[tilespmem:v44+s18+$0x0] =	vst.idx.msk $0xffff, v43;
	v63 =	vld [tilespmem:s28+$0xFFFFFFA0];
	v52 =	vadd.s32 v11, v35  }
0xd0: {  	v53 =	vld [tilespmem:s28+$0xA0];
	v54 =	vadd.s32 v27, v36;
	[tilespmem:v61+s18+$0x0] =	vst.idx.msk $0xffff, v60  }
0xd1: {  	v55 =	vadd.s32 v11, v47;
	[tilespmem:v62+s18+$0x0] =	vst.idx.msk $0xffff, v49;
	v42 =	vld [tilespmem:s11+$0xFFFFFFA0]  }
0xd2: {  	v56 =	vadd.s32 v27, v41;
	v49 =	vld [tilespmem:s11+$0xA0];
	_ =	sdelay $0x1  }
0xd3: {  	s15 =	sadd.s32 $0x7, s29;
	[tilespmem:v52+s18+$0x0] =	vst.idx.msk $0xffff, v63  }
0xd4: {  	s19 =	sadd.s32 $0x3, s29;
	v57 =	vmov s15;
	v44 =	vld [tilespmem:s28+$0xFFFFFFB0];
	[tilespmem:v54+s18+$0x0] =	vst.idx.msk $0xffff, v53;
	v58 =	vadd.s32 v12, v35  }
0xd5: {  	v43 =	vshrl.u32 v57, $0x3;
	v45 =	vld [tilespmem:s28+$0xB0];
	v59 =	vadd.s32 v28, v36;
	v60 =	vmov s19;
	[tilespmem:v55+s18+$0x0] =	vst.idx.msk $0xffff, v42  }
0xd6: {  	s22 =	sadd.s32 $0x3, s0;
	v47 =	vadd.s32 v12, v47;
	v41 =	vadd.s32 v28, v41;
	v62 =	vshrl.u32 v60, $0x3;
	[tilespmem:v56+s18+$0x0] =	vst.idx.msk $0xffff, v49;
	v63 =	vld [tilespmem:s11+$0xFFFFFFB0]  }
0xd7: {  	s29 =	sadd.s32 $0x7, s0;
	v53 =	vmov s22;
	v61 =	vshll.u32 v43, v1;
	v43 =	vshll.u32 v62, v1;
	v52 =	vld [tilespmem:s11+$0xB0]  }
0xd8: {  	v54 =	vmov s29;
	v43 =	vbroadcast v43, $0x0;
	v49 =	vshrl.u32 v53, $0x3  }
0xd9: {  	[tilespmem:v58+s18+$0x0] =	vst.idx.msk $0xffff, v44;
	v42 =	vbroadcast v61, $0x0;
	v55 =	vshrl.u32 v54, $0x3;
	v56 =	vshll.u32 v49, v1  }
0xda: {  	[tilespmem:v59+s18+$0x0] =	vst.idx.msk $0xffff, v45;
	v57 =	vld [tilespmem:s28+$0xFFFFFFC0];
	v58 =	vadd.s32 v13, v43;
	v35 =	vshll.u32 v55, v1;
	v44 =	vbroadcast v56, $0x0  }
0xdb: {  	v59 =	vld [tilespmem:s28+$0xC0];
	v60 =	vadd.s32 v29, v42;
	v35 =	vbroadcast v35, $0x0;
	[tilespmem:v47+s18+$0x0] =	vst.idx.msk $0xffff, v63  }
0xdc: {  	v62 =	vadd.s32 v13, v44;
	[tilespmem:v41+s18+$0x0] =	vst.idx.msk $0xffff, v52;
	v61 =	vld [tilespmem:s11+$0xFFFFFFC0]  }
0xdd: {  	v54 =	vadd.s32 v29, v35;
	v63 =	vld [tilespmem:s11+$0xC0]  }
0xde: {  	v51 =	vld [tilespmem:s26+$0xFFFFFFD0]  }
0xdf: {  	[tilespmem:v58+s18+$0x0] =	vst.idx.msk $0xffff, v57  }
0xe0: {  	v55 =	vadd.s32 v14, v43;
	v45 =	vld [tilespmem:s28+$0xFFFFFFD0];
	[tilespmem:v60+s18+$0x0] =	vst.idx.msk $0xffff, v59  }
0xe1: {  	v56 =	vadd.s32 v30, v42;
	v49 =	vld [tilespmem:s28+$0xD0];
	[tilespmem:v62+s18+$0x0] =	vst.idx.msk $0xffff, v61  }
0xe2: {  	v57 =	vadd.s32 v14, v44;
	[tilespmem:v54+s18+$0x0] =	vst.idx.msk $0xffff, v63;
	v46 =	vld [tilespmem:s11+$0xFFFFFFD0]  }
0xe3: {  	[tilespmem:v38+s18+$0x0] =	vst.idx.msk $0xffff, v51;
	v59 =	vadd.s32 v30, v35;
	v58 =	vld [tilespmem:s11+$0xD0]  }
0xe4: {  	[tilespmem:v39+s18+$0x0] =	vst.idx.msk $0xffff, v40;
	v60 =	vld [tilespmem:s26+$0xFFFFFFE0];
	v61 =	vadd.s32 v15, v34  }
0xe5: {  	[tilespmem:v55+s18+$0x0] =	vst.idx.msk $0xffff, v45;
	v62 =	vadd.s32 v31, v33  }
0xe6: {  	v36 =	vld [tilespmem:s28+$0xFFFFFFE0];
	[tilespmem:v56+s18+$0x0] =	vst.idx.msk $0xffff, v49;
	v63 =	vadd.s32 v15, v43  }
0xe7: {  	v52 =	vadd.s32 v31, v42;
	v49 =	vld [tilespmem:s28+$0xE0];
	[tilespmem:v57+s18+$0x0] =	vst.idx.msk $0xffff, v46  }
0xe8: {  	v54 =	vadd.s32 v15, v44;
	[tilespmem:v59+s18+$0x0] =	vst.idx.msk $0xffff, v58;
	v53 =	vld [tilespmem:s11+$0xFFFFFFE0]  }
0xe9: {  	v56 =	vadd.s32 v31, v35;
	[tilespmem:v61+s18+$0x0] =	vst.idx.msk $0xffff, v60;
	v55 =	vld [tilespmem:s11+$0xE0]  }
0xea: {  	[tilespmem:v62+s18+$0x0] =	vst.idx.msk $0xffff, v37;
	v57 =	vld [tilespmem:s26+$0xFFFFFFF0];
	v58 =	vadd.s32 v16, v34  }
0xeb: {  	v60 =	vadd.s32 v32, v33;
	[tilespmem:v63+s18+$0x0] =	vst.idx.msk $0xffff, v36;
	v59 =	vld [tilespmem:s26+$0xF0]  }
0xec: {  	v43 =	vadd.s32 v16, v43;
	[tilespmem:v52+s18+$0x0] =	vst.idx.msk $0xffff, v49;
	v36 =	vld [tilespmem:s28+$0xFFFFFFF0]  }
0xed: {  	v42 =	vadd.s32 v32, v42;
	v61 =	vld [tilespmem:s28+$0xF0];
	[tilespmem:v54+s18+$0x0] =	vst.idx.msk $0xffff, v53  }
0xee: {  	v62 =	vadd.s32 v16, v44;
	[tilespmem:v56+s18+$0x0] =	vst.idx.msk $0xffff, v55;
	v38 =	vld [tilespmem:s11+$0xFFFFFFF0]  }
0xef: {  	v35 =	vadd.s32 v32, v35;
	[tilespmem:v58+s18+$0x0] =	vst.idx.msk $0xffff, v57;
	v63 =	vld [tilespmem:s11+$0xF0]  }
0xf0: {  	[tilespmem:v60+s18+$0x0] =	vst.idx.msk $0xffff, v59  }
0xf1: {  	[tilespmem:v43+s18+$0x0] =	vst.idx.msk $0xffff, v36  }
0xf2: {  	[tilespmem:v42+s18+$0x0] =	vst.idx.msk $0xffff, v61  }
0xf3: {  	[tilespmem:v62+s18+$0x0] =	vst.idx.msk $0xffff, v38  }
0xf4: {  	s30 =	simm.s32 $0xA400;
	[tilespmem:v35+s18+$0x0] =	vst.idx.msk $0xffff, v63  }
0xf5: {  	[hbm4b:s7+s3] =	stream.linear.scatter [tilespmem:s30], [sflag:$0x3], $0x80, $0x38;
	[tilespmem:$0xF000] =	vst v63  }
0xf6: {  	s31 =	simm.s32 $0xA488;
	s4 =	sadd.s32 $0x10, s7  }
0xf7: {  	[hbm4b:s4+s3] =	stream.linear.scatter [tilespmem:s31], [sflag:$0x3], $0x80, $0x38;
	[tilespmem:$0xF000] =	vst v63  }
0xf8: {  	s0 =	simm.s32 $0x440;
	s12 =	sadd.s32 $0x20, s7;
	s11 =	simm.s32 $0xA510  }
0xf9: {  	[hbm4b:s12+s3] =	stream.linear.scatter [tilespmem:s11], [sflag:$0x3], $0x80, $0x38;
	[tilespmem:$0xF000] =	vst v63  }
0xfa: {  	s15 =	simm.s32 $0xA598;
	s22 =	simm.s32 $0xA620;
	s19 =	sadd.s32 $0x30, s7  }
0xfb: {  	[hbm4b:s19+s3] =	stream.linear.scatter [tilespmem:s15], [sflag:$0x3], $0x80, $0x38;
	[tilespmem:$0xF000] =	vst v63  }
0xfc: {  	s29 =	sadd.s32 $0x50, s7;
	s26 =	sadd.s32 $0x40, s7;
	s28 =	simm.s32 $0xA6A8  }
0xfd: {  	[hbm4b:s26+s3] =	stream.linear.scatter [tilespmem:s22], [sflag:$0x3], $0x80, $0x38;
	[tilespmem:$0xF000] =	vst v63  }
0xfe: {  	s30 =	simm.s32 $0xA730;
	s31 =	sadd.s32 $0x60, s7;
	s12 =	simm.s32 $0x2200  }
0xff: {  	[hbm4b:s29+s3] =	stream.linear.scatter [tilespmem:s28], [sflag:$0x3], $0x80, $0x38;
	[tilespmem:$0xF000] =	vst v63  }
0x100: {  	s11 =	sadd.s32 $0x4000, s7;
	s15 =	simm.s32 $0xA7B8;
	s19 =	sadd.s32 $0x70, s7  }
0x101: {  	[hbm4b:s31+s3] =	stream.linear.scatter [tilespmem:s30], [sflag:$0x3], $0x80, $0x38;
	[tilespmem:$0xF000] =	vst v63  }
.LBB2_4:
0x102: {  	[hbm4b:s19+s3] =	stream.linear.scatter [tilespmem:s15], [sflag:$0x3], $0x80, $0x38;
	[tilespmem:$0xF000] =	vst v63  }
0x103: {  	s15 =	smov.u32 s0;
	s0 =	smov.u32 s12  }
0x104: {  	s22 =	sadd.s32 $0x1100, s12;
	s0 =	sshra.s32 s0, $0x2;
	s19 =	sadd.s32 $0xA400, s15  }
0x105: {  	[hbm4b:s11+s3] =	stream.linear.scatter [tilespmem:s19], [sflag:$0x3], $0x80, $0x38;
	[tilespmem:$0xF000] =	vst v63  }
0x106: {  	p1 =	sne.s32 s12, $0x7700;
	s12 =	sadd.s32 $0xA488, s15;
	s19 =	sadd.s32 $0x10, s11  }
0x107: {  	[hbm4b:s19+s3] =	stream.linear.scatter [tilespmem:s12], [sflag:$0x3], $0x80, $0x38;
	[tilespmem:$0xF000] =	vst v63  }
0x108: {  	s12 =	sadd.s32 $0xA510, s15;
	s19 =	sadd.s32 $0x20, s11  }
0x109: {  	[hbm4b:s19+s3] =	stream.linear.scatter [tilespmem:s12], [sflag:$0x3], $0x80, $0x38;
	[tilespmem:$0xF000] =	vst v63  }
0x10a: {  	s12 =	sadd.s32 $0xA598, s15;
	s19 =	sadd.s32 $0x30, s11  }
0x10b: {  	[hbm4b:s19+s3] =	stream.linear.scatter [tilespmem:s12], [sflag:$0x3], $0x80, $0x38;
	[tilespmem:$0xF000] =	vst v63  }
0x10c: {  	s12 =	sadd.s32 $0xA620, s15;
	s19 =	sadd.s32 $0x40, s11  }
0x10d: {  	[hbm4b:s19+s3] =	stream.linear.scatter [tilespmem:s12], [sflag:$0x3], $0x80, $0x38;
	[tilespmem:$0xF000] =	vst v63  }
.Ltmp3:
0x10e: {  	s12 =	sadd.s32 $0xA6A8, s15;
	s19 =	sadd.s32 $0x50, s11;
	(pc) =	sbr.rel @p1 .LBB2_4-.Ltmp3, $4  }
0x10f: {  	[hbm4b:s19+s3] =	stream.linear.scatter [tilespmem:s12], [sflag:$0x3], $0x80, $0x38;
	[tilespmem:$0xF000] =	vst v63  }
0x110: {  	s12 =	sadd.s32 $0xA730, s15;
	s19 =	sadd.s32 $0x60, s11;
	s15 =	sadd.s32 $0xA7B8, s15  }
0x111: {  	[hbm4b:s19+s3] =	stream.linear.scatter [tilespmem:s12], [sflag:$0x3], $0x80, $0x38;
	[tilespmem:$0xF000] =	vst v63  }
0x112: {  	s19 =	sadd.s32 $0x70, s11;
	s11 =	sadd.s32 $0x4000, s11;
	s12 =	smov.u32 s22  }
0x113: {  	[hbm4b:s19+s3] =	stream.linear.scatter [tilespmem:s15], [sflag:$0x3], $0x80, $0x38;
	[tilespmem:$0xF000] =	vst v63  }
0x114: {  	s12 =	sadd.s32 $0xA400, s0  }
0x115: {  	[hbm4b:s11+s3] =	stream.linear.scatter [tilespmem:s12], [sflag:$0x3], $0x80, $0x38;
	[tilespmem:$0xF000] =	vst v63  }
0x116: {  	s19 =	sadd.s32 $0xA488, s0;
	s22 =	sadd.s32 $0x10, s11  }
0x117: {  	[hbm4b:s22+s3] =	stream.linear.scatter [tilespmem:s19], [sflag:$0x3], $0x80, $0x38;
	[tilespmem:$0xF000] =	vst v63  }
0x118: {  	s26 =	sadd.s32 $0xA510, s0;
	s30 =	sadd.s32 $0x20, s11  }
0x119: {  	[hbm4b:s30+s3] =	stream.linear.scatter [tilespmem:s26], [sflag:$0x3], $0x80, $0x38;
	[tilespmem:$0xF000] =	vst v63  }
0x11a: {  	s31 =	sadd.s32 $0xA598, s0;
	s4 =	sadd.s32 $0x30, s11  }
0x11b: {  	[hbm4b:s4+s3] =	stream.linear.scatter [tilespmem:s31], [sflag:$0x3], $0x80, $0x38;
	[tilespmem:$0xF000] =	vst v63  }
0x11c: {  	s15 =	sadd.s32 $0xA620, s0;
	s19 =	sadd.s32 $0x40, s11  }
0x11d: {  	[hbm4b:s19+s3] =	stream.linear.scatter [tilespmem:s15], [sflag:$0x3], $0x80, $0x38;
	[tilespmem:$0xF000] =	vst v63  }
0x11e: {  	s22 =	sadd.s32 $0xA6A8, s0;
	s26 =	sadd.s32 $0x50, s11  }
0x11f: {  	[hbm4b:s26+s3] =	stream.linear.scatter [tilespmem:s22], [sflag:$0x3], $0x80, $0x38;
	[tilespmem:$0xF000] =	vst v63  }
0x120: {  	s30 =	sadd.s32 $0xA730, s0;
	s31 =	sadd.s32 $0x60, s11  }
0x121: {  	[hbm4b:s31+s3] =	stream.linear.scatter [tilespmem:s30], [sflag:$0x3], $0x80, $0x38;
	[tilespmem:$0xF000] =	vst v63  }
0x122: {  	s12 =	sadd.s32 $0x70, s11;
	s4 =	sadd.s32 $0xA7B8, s0;
	s15 =	simm.s32 $0x4  }
0x123: {  	[hbm4b:s12+s3] =	stream.linear.scatter [tilespmem:s4], [sflag:$0x3], $0x80, $0x38;
	[tilespmem:$0xF000] =	vst v63  }
0x124: {  	s19 =	simm.s32 $0x6400;
	v33 =	vmov s15;
	s4 =	simm.s32 $0x100  }
0x125: {  	v33 =	vshrl.u32 v33, $0x3;
	[tilespmem:s19], [sflag:$0x1] =	stream.indirect.gather [spmem:s2], $0x40, s4, s14, $0xb8;
	[tilespmem:$0xF000] =	vst v63  }
0x126: {  	v33 =	vshll.u32 v33, v1;
	_ =	swait.ge [sflag:s20], $0x2000  }
0x127: {  	v33 =	vbroadcast v33, $0x0;
	[sflag:s20] =	ssyncset.done $0x0  }
0x128: {  	s11 =	simm.s32 $0x85F0;
	[sflag:s20] =	ssyncadd.s32 $0xFFFFE000  }
0x129: {  	v35 =	vadd.s32 v17, v33;
	v34 =	vld [tilespmem:s11+$0xFFFFFF10];
	_ =	sdelay $0x2  }
0x12a: {  	s22 =	simm.s32 $0x0  }
0x12b: {  	v41 =	vmov s22  }
0x12c: {  	[tilespmem:v35+s21+$0x0] =	vst.idx.msk $0xffff, v34;
	v34 =	vshrl.u32 v41, $0x3  }
0x12d: {  	v36 =	vadd.s32 v18, v33;
	v35 =	vld [tilespmem:s11+$0xFFFFFF20];
	v34 =	vshll.u32 v34, v1  }
0x12e: {  	v34 =	vbroadcast v34, $0x0;
	_ =	sdelay $0x1  }
0x12f: {  	v37 =	vld [tilespmem:s11+$0xFFFFFE10];
	v38 =	vadd.s32 v0, v34;
	_ =	sdelay $0x1  }
0x130: {  	[tilespmem:v36+s21+$0x0] =	vst.idx.msk $0xffff, v35  }
0x131: {  	v42 =	vadd.s32 v19, v33;
	v35 =	vld [tilespmem:s11+$0xFFFFFF30];
	_ =	sdelay $0x1  }
0x132: {  	[tilespmem:v38+s21+$0x0] =	vst.idx.msk $0xffff, v37  }
0x133: {  	v43 =	vadd.s32 v2, v34;
	v37 =	vld [tilespmem:s11+$0xFFFFFE20];
	_ =	sdelay $0x1  }
0x134: {  	[tilespmem:v42+s21+$0x0] =	vst.idx.msk $0xffff, v35  }
0x135: {  	s26 =	simm.s32 $0x5;
	v33 =	vadd.s32 v20, v33;
	v35 =	vld [tilespmem:s11+$0xFFFFFF40]  }
0x136: {  	v44 =	vmov s26  }
0x137: {  	v36 =	vshrl.u32 v44, $0x3;
	[tilespmem:v43+s21+$0x0] =	vst.idx.msk $0xffff, v37  }
0x138: {  	s30 =	simm.s32 $0xC;
	v45 =	vadd.s32 v3, v34;
	v36 =	vshll.u32 v36, v1;
	v37 =	vld [tilespmem:s11+$0xFFFFFE30]  }
0x139: {  	v39 =	vmov s30;
	v36 =	vbroadcast v36, $0x0  }
0x13a: {  	s31 =	simm.s32 $0x8;
	v39 =	vshrl.u32 v39, $0x3;
	[tilespmem:v33+s21+$0x0] =	vst.idx.msk $0xffff, v35  }
0x13b: {  	v48 =	vmov s31;
	v47 =	vshll.u32 v39, v1;
	v46 =	vadd.s32 v21, v36;
	v33 =	vld [tilespmem:s11+$0xFFFFFF50]  }
0x13c: {  	v51 =	vshrl.u32 v48, $0x3;
	v49 =	vbroadcast v47, $0x0  }
0x13d: {  	s26 =	simm.s32 $0x87F0;
	[tilespmem:v45+s21+$0x0] =	vst.idx.msk $0xffff, v37;
	v37 =	vshll.u32 v51, v1  }
0x13e: {  	v41 =	vld [tilespmem:s26+$0xFFFFFF10];
	v42 =	vadd.s32 v17, v49;
	v37 =	vbroadcast v37, $0x0  }
0x13f: {  	s4 =	simm.s32 $0x1;
	v34 =	vadd.s32 v4, v34;
	v38 =	vld [tilespmem:s11+$0xFFFFFE40]  }
0x140: {  	v50 =	vmov s4;
	v53 =	vld [tilespmem:s26+$0xFFFFFE10];
	[tilespmem:v46+s21+$0x0] =	vst.idx.msk $0xffff, v33;
	v54 =	vadd.s32 v0, v37  }
0x141: {  	v40 =	vadd.s32 v22, v36;
	v35 =	vshrl.u32 v50, $0x3;
	v52 =	vld [tilespmem:s11+$0xFFFFFF60]  }
0x142: {  	v35 =	vshll.u32 v35, v1  }
0x143: {  	[tilespmem:v42+s21+$0x0] =	vst.idx.msk $0xffff, v41;
	v35 =	vbroadcast v35, $0x0  }
0x144: {  	v56 =	vadd.s32 v18, v49;
	v41 =	vld [tilespmem:s26+$0xFFFFFF20];
	[tilespmem:v34+s21+$0x0] =	vst.idx.msk $0xffff, v38  }
0x145: {  	v44 =	vadd.s32 v5, v35;
	v43 =	vld [tilespmem:s11+$0xFFFFFE50];
	[tilespmem:v54+s21+$0x0] =	vst.idx.msk $0xffff, v53  }
0x146: {  	v57 =	vadd.s32 v2, v37;
	[tilespmem:v40+s21+$0x0] =	vst.idx.msk $0xffff, v52;
	v34 =	vld [tilespmem:s26+$0xFFFFFE20]  }
0x147: {  	v55 =	vadd.s32 v23, v36;
	v39 =	vld [tilespmem:s11+$0xFFFFFF70];
	_ =	sdelay $0x1  }
0x148: {  	[tilespmem:v56+s21+$0x0] =	vst.idx.msk $0xffff, v41  }
0x149: {  	v60 =	vadd.s32 v19, v49;
	v41 =	vld [tilespmem:s26+$0xFFFFFF30];
	[tilespmem:v44+s21+$0x0] =	vst.idx.msk $0xffff, v43  }
0x14a: {  	v58 =	vadd.s32 v6, v35;
	v43 =	vld [tilespmem:s11+$0xFFFFFE60];
	[tilespmem:v57+s21+$0x0] =	vst.idx.msk $0xffff, v34  }
0x14b: {  	v62 =	vadd.s32 v3, v37;
	[tilespmem:v55+s21+$0x0] =	vst.idx.msk $0xffff, v39;
	v38 =	vld [tilespmem:s26+$0xFFFFFE30]  }
0x14c: {  	s12 =	simm.s32 $0x6;
	v36 =	vadd.s32 v24, v36;
	v39 =	vld [tilespmem:s11+$0xFFFFFF80]  }
0x14d: {  	v59 =	vmov s12  }
0x14e: {  	[tilespmem:v60+s21+$0x0] =	vst.idx.msk $0xffff, v41;
	v40 =	vshrl.u32 v59, $0x3  }
0x14f: {  	v33 =	vadd.s32 v20, v49;
	v41 =	vld [tilespmem:s26+$0xFFFFFF40];
	v61 =	vshll.u32 v40, v1;
	[tilespmem:v58+s21+$0x0] =	vst.idx.msk $0xffff, v43  }
0x150: {  	v63 =	vadd.s32 v7, v35;
	v34 =	vbroadcast v61, $0x0;
	v43 =	vld [tilespmem:s11+$0xFFFFFE70];
	[tilespmem:v62+s21+$0x0] =	vst.idx.msk $0xffff, v38  }
0x151: {  	v37 =	vadd.s32 v4, v37;
	[tilespmem:v36+s21+$0x0] =	vst.idx.msk $0xffff, v39;
	v40 =	vld [tilespmem:s26+$0xFFFFFE40]  }
0x152: {  	s22 =	simm.s32 $0x2;
	v45 =	vadd.s32 v25, v34;
	v36 =	vld [tilespmem:s11+$0xFFFFFF90]  }
0x153: {  	s15 =	simm.s32 $0xD;
	s19 =	simm.s32 $0x9;
	v50 =	vmov s22;
	v35 =	vadd.s32 v8, v35  }
0x154: {  	v46 =	vmov s15;
	v49 =	vmov s19;
	v54 =	vshrl.u32 v50, $0x3;
	[tilespmem:v33+s21+$0x0] =	vst.idx.msk $0xffff, v41  }
0x155: {  	s29 =	simm.s32 $0x10;
	s30 =	simm.s32 $0x14;
	v47 =	vshrl.u32 v46, $0x3;
	v51 =	vshrl.u32 v49, $0x3;
	v33 =	vshll.u32 v54, v1;
	[tilespmem:v63+s21+$0x0] =	vst.idx.msk $0xffff, v43  }
0x156: {  	v61 =	vmov s30;
	v58 =	vmov s29;
	v38 =	vshll.u32 v47, v1;
	v48 =	vld [tilespmem:s11+$0xFFFFFE80];
	[tilespmem:v37+s21+$0x0] =	vst.idx.msk $0xffff, v40  }
0x157: {  	v55 =	vshll.u32 v51, v1;
	v37 =	vshrl.u32 v58, $0x3;
	[tilespmem:v45+s21+$0x0] =	vst.idx.msk $0xffff, v36;
	v36 =	vbroadcast v38, $0x0  }
0x158: {  	v53 =	vadd.s32 v26, v34;
	v38 =	vbroadcast v55, $0x0;
	v37 =	vshll.u32 v37, v1;
	v52 =	vld [tilespmem:s11+$0xFFFFFFA0]  }
0x159: {  	v56 =	vld [tilespmem:s26+$0xFFFFFF50];
	v42 =	vshrl.u32 v61, $0x3;
	v37 =	vbroadcast v37, $0x0;
	v57 =	vadd.s32 v21, v36  }
0x15a: {  	s28 =	simm.s32 $0x89F0;
	v33 =	vbroadcast v33, $0x0;
	v42 =	vshll.u32 v42, v1;
	v59 =	vld [tilespmem:s26+$0xFFFFFE50];
	v60 =	vadd.s32 v5, v38  }
0x15b: {  	v41 =	vbroadcast v42, $0x0;
	v47 =	vld [tilespmem:s28+$0xFFFFFE10];
	[tilespmem:v35+s21+$0x0] =	vst.idx.msk $0xffff, v48;
	v48 =	vadd.s32 v0, v37  }
0x15c: {  	v46 =	vadd.s32 v9, v33;
	v45 =	vld [tilespmem:s11+$0xFFFFFE90]  }
0x15d: {  	[tilespmem:v53+s21+$0x0] =	vst.idx.msk $0xffff, v52;
	v52 =	vld [tilespmem:s28+$0xFFFFFF10];
	v53 =	vadd.s32 v17, v41  }
0x15e: {  	v62 =	vadd.s32 v27, v34;
	v43 =	vld [tilespmem:s11+$0xFFFFFFB0];
	[tilespmem:v57+s21+$0x0] =	vst.idx.msk $0xffff, v56  }
0x15f: {  	v63 =	vadd.s32 v22, v36;
	[tilespmem:v60+s21+$0x0] =	vst.idx.msk $0xffff, v59;
	v39 =	vld [tilespmem:s26+$0xFFFFFF60]  }
0x160: {  	v55 =	vadd.s32 v6, v38;
	v54 =	vld [tilespmem:s26+$0xFFFFFE60];
	[tilespmem:v48+s21+$0x0] =	vst.idx.msk $0xffff, v47  }
0x161: {  	v58 =	vadd.s32 v2, v37;
	[tilespmem:v46+s21+$0x0] =	vst.idx.msk $0xffff, v45;
	v47 =	vld [tilespmem:s28+$0xFFFFFE20]  }
0x162: {  	v50 =	vadd.s32 v10, v33;
	v49 =	vld [tilespmem:s11+$0xFFFFFEA0];
	[tilespmem:v53+s21+$0x0] =	vst.idx.msk $0xffff, v52  }
0x163: {  	v60 =	vadd.s32 v18, v41;
	[tilespmem:v62+s21+$0x0] =	vst.idx.msk $0xffff, v43;
	v40 =	vld [tilespmem:s28+$0xFFFFFF20]  }
0x164: {  	s31 =	simm.s32 $0x7;
	v34 =	vadd.s32 v28, v34;
	v43 =	vld [tilespmem:s11+$0xFFFFFFC0];
	[tilespmem:v63+s21+$0x0] =	vst.idx.msk $0xffff, v39  }
0x165: {  	v56 =	vmov s31;
	v57 =	vadd.s32 v23, v36;
	[tilespmem:v55+s21+$0x0] =	vst.idx.msk $0xffff, v54;
	v42 =	vld [tilespmem:s26+$0xFFFFFF70]  }
0x166: {  	v61 =	vadd.s32 v7, v38;
	v39 =	vshrl.u32 v56, $0x3;
	v46 =	vld [tilespmem:s26+$0xFFFFFE70];
	[tilespmem:v58+s21+$0x0] =	vst.idx.msk $0xffff, v47  }
0x167: {  	v59 =	vshll.u32 v39, v1;
	v47 =	vadd.s32 v3, v37;
	[tilespmem:v50+s21+$0x0] =	vst.idx.msk $0xffff, v49;
	v44 =	vld [tilespmem:s28+$0xFFFFFE30]  }
0x168: {  	v63 =	vadd.s32 v11, v33;
	v39 =	vbroadcast v59, $0x0;
	v62 =	vld [tilespmem:s11+$0xFFFFFEB0];
	[tilespmem:v60+s21+$0x0] =	vst.idx.msk $0xffff, v40  }
0x169: {  	v54 =	vadd.s32 v19, v41;
	[tilespmem:v34+s21+$0x0] =	vst.idx.msk $0xffff, v43;
	v45 =	vld [tilespmem:s28+$0xFFFFFF30]  }
0x16a: {  	v52 =	vadd.s32 v29, v39;
	v34 =	vld [tilespmem:s11+$0xFFFFFFD0];
	[tilespmem:v57+s21+$0x0] =	vst.idx.msk $0xffff, v42  }
0x16b: {  	v36 =	vadd.s32 v24, v36;
	[tilespmem:v61+s21+$0x0] =	vst.idx.msk $0xffff, v46;
	v42 =	vld [tilespmem:s26+$0xFFFFFF80]  }
0x16c: {  	s4 =	simm.s32 $0xE;
	v56 =	vadd.s32 v8, v38;
	v55 =	vld [tilespmem:s26+$0xFFFFFE80];
	[tilespmem:v47+s21+$0x0] =	vst.idx.msk $0xffff, v44  }
0x16d: {  	s12 =	simm.s32 $0xA;
	v53 =	vmov s4;
	v33 =	vadd.s32 v12, v33;
	v41 =	vadd.s32 v20, v41;
	[tilespmem:v63+s21+$0x0] =	vst.idx.msk $0xffff, v62  }
0x16e: {  	s15 =	simm.s32 $0x3;
	v37 =	vadd.s32 v4, v37;
	v59 =	vmov s12;
	v40 =	vshrl.u32 v53, $0x3;
	v58 =	vld [tilespmem:s11+$0xFFFFFEC0];
	[tilespmem:v54+s21+$0x0] =	vst.idx.msk $0xffff, v45  }
0x16f: {  	v60 =	vmov s15;
	v57 =	vshll.u32 v40, v1;
	v61 =	vshrl.u32 v59, $0x3;
	v47 =	vld [tilespmem:s28+$0xFFFFFE40];
	[tilespmem:v52+s21+$0x0] =	vst.idx.msk $0xffff, v34  }
0x170: {  	s19 =	simm.s32 $0x11;
	v63 =	vadd.s32 v30, v39;
	v34 =	vbroadcast v57, $0x0;
	v52 =	vshll.u32 v61, v1;
	v62 =	vld [tilespmem:s11+$0xFFFFFFE0];
	[tilespmem:v36+s21+$0x0] =	vst.idx.msk $0xffff, v42  }
0x171: {  	v51 =	vshrl.u32 v60, $0x3;
	v54 =	vmov s19;
	v44 =	vbroadcast v52, $0x0;
	[tilespmem:v56+s21+$0x0] =	vst.idx.msk $0xffff, v55;
	v55 =	vld [tilespmem:s28+$0xFFFFFF40]  }
0x172: {  	v35 =	vshrl.u32 v54, $0x3;
	v36 =	vshll.u32 v51, v1;
	v42 =	vld [tilespmem:s26+$0xFFFFFF90];
	v53 =	vadd.s32 v25, v34  }
0x173: {  	s22 =	simm.s32 $0x15;
	v35 =	vshll.u32 v35, v1;
	v38 =	vbroadcast v36, $0x0;
	v57 =	vld [tilespmem:s26+$0xFFFFFE90];
	[tilespmem:v33+s21+$0x0] =	vst.idx.msk $0xffff, v58;
	v58 =	vadd.s32 v9, v44  }
0x174: {  	v59 =	vmov s22;
	v35 =	vbroadcast v35, $0x0;
	[tilespmem:v37+s21+$0x0] =	vst.idx.msk $0xffff, v47  }
0x175: {  	v45 =	vshrl.u32 v59, $0x3;
	v60 =	vld [tilespmem:s11+$0xFFFFFED0];
	v61 =	vadd.s32 v13, v38;
	[tilespmem:v63+s21+$0x0] =	vst.idx.msk $0xffff, v62  }
0x176: {  	v45 =	vshll.u32 v45, v1;
	v56 =	vadd.s32 v5, v35;
	v63 =	vld [tilespmem:s28+$0xFFFFFE50];
	[tilespmem:v41+s21+$0x0] =	vst.idx.msk $0xffff, v55  }
0x177: {  	s0 =	simm.s32 $0x18;
	v37 =	vbroadcast v45, $0x0;
	[tilespmem:v53+s21+$0x0] =	vst.idx.msk $0xffff, v42  }
0x178: {  	v62 =	vadd.s32 v26, v34;
	v42 =	vld [tilespmem:s26+$0xFFFFFFA0];
	[tilespmem:v58+s21+$0x0] =	vst.idx.msk $0xffff, v57;
	v58 =	vmov s0  }
0x179: {  	v33 =	vld [tilespmem:s28+$0xFFFFFF50];
	v57 =	vadd.s32 v21, v37;
	v48 =	vshrl.u32 v58, $0x3  }
0x17a: {  	v41 =	vadd.s32 v10, v44;
	[tilespmem:v61+s21+$0x0] =	vst.idx.msk $0xffff, v60;
	v40 =	vld [tilespmem:s26+$0xFFFFFEA0];
	v60 =	vshll.u32 v48, v1  }
0x17b: {  	s30 =	simm.s32 $0x1C;
	v46 =	vadd.s32 v14, v38;
	v59 =	vld [tilespmem:s11+$0xFFFFFEE0];
	[tilespmem:v56+s21+$0x0] =	vst.idx.msk $0xffff, v63;
	v43 =	vbroadcast v60, $0x0  }
0x17c: {  	s12 =	simm.s32 $0x8BF0;
	v52 =	vmov s30;
	v53 =	vadd.s32 v6, v35;
	v56 =	vld [tilespmem:s28+$0xFFFFFE60]  }
0x17d: {  	v51 =	vld [tilespmem:s12+$0xFFFFFE10];
	v61 =	vshrl.u32 v52, $0x3;
	[tilespmem:v62+s21+$0x0] =	vst.idx.msk $0xffff, v42;
	v58 =	vadd.s32 v0, v43  }
0x17e: {  	v48 =	vshll.u32 v61, v1;
	v63 =	vadd.s32 v27, v34;
	[tilespmem:v57+s21+$0x0] =	vst.idx.msk $0xffff, v33;
	v62 =	vld [tilespmem:s26+$0xFFFFFFB0]  }
0x17f: {  	v48 =	vbroadcast v48, $0x0;
	v57 =	vadd.s32 v22, v37;
	v33 =	vld [tilespmem:s28+$0xFFFFFF60];
	[tilespmem:v41+s21+$0x0] =	vst.idx.msk $0xffff, v40  }
0x180: {  	[tilespmem:v46+s21+$0x0] =	vst.idx.msk $0xffff, v59  }
0x181: {  	v60 =	vadd.s32 v17, v48;
	v59 =	vld [tilespmem:s12+$0xFFFFFF10];
	[tilespmem:v53+s21+$0x0] =	vst.idx.msk $0xffff, v56  }
0x182: {  	v61 =	vadd.s32 v11, v44;
	v41 =	vld [tilespmem:s26+$0xFFFFFEB0];
	[tilespmem:v58+s21+$0x0] =	vst.idx.msk $0xffff, v51  }
0x183: {  	[tilespmem:v63+s21+$0x0] =	vst.idx.msk $0xffff, v62;
	v62 =	vld [tilespmem:s28+$0xFFFFFE70];
	v63 =	vadd.s32 v7, v35  }
0x184: {  	[tilespmem:v57+s21+$0x0] =	vst.idx.msk $0xffff, v33;
	v51 =	vld [tilespmem:s12+$0xFFFFFE20];
	v57 =	vadd.s32 v2, v43  }
0x185: {  	v34 =	vadd.s32 v28, v34;
	v47 =	vld [tilespmem:s26+$0xFFFFFFC0]  }
0x186: {  	s31 =	simm.s32 $0xF;
	v56 =	vadd.s32 v23, v37;
	v36 =	vld [tilespmem:s28+$0xFFFFFF70];
	[tilespmem:v60+s21+$0x0] =	vst.idx.msk $0xffff, v59  }
0x187: {  	v55 =	vmov s31;
	v49 =	vld [tilespmem:s11+$0xFFFFFFF0];
	v42 =	vadd.s32 v31, v39;
	[tilespmem:v61+s21+$0x0] =	vst.idx.msk $0xffff, v41  }
0x188: {  	v58 =	vadd.s32 v18, v48;
	v33 =	vshrl.u32 v55, $0x3;
	v46 =	vld [tilespmem:s12+$0xFFFFFF20];
	[tilespmem:v63+s21+$0x0] =	vst.idx.msk $0xffff, v62  }
0x189: {  	v33 =	vshll.u32 v33, v1;
	v59 =	vadd.s32 v12, v44;
	v41 =	vld [tilespmem:s26+$0xFFFFFEC0];
	[tilespmem:v57+s21+$0x0] =	vst.idx.msk $0xffff, v51  }
0x18a: {  	s4 =	simm.s32 $0x12;
	v33 =	vbroadcast v33, $0x0;
	v62 =	vadd.s32 v8, v35;
	[tilespmem:v34+s21+$0x0] =	vst.idx.msk $0xffff, v47;
	v61 =	vld [tilespmem:s28+$0xFFFFFE80]  }
0x18b: {  	v63 =	vmov s4;
	[tilespmem:v56+s21+$0x0] =	vst.idx.msk $0xffff, v36;
	v51 =	vld [tilespmem:s12+$0xFFFFFE30];
	v56 =	vadd.s32 v3, v43  }
0x18c: {  	[tilespmem:v42+s21+$0x0] =	vst.idx.msk $0xffff, v49;
	v60 =	vadd.s32 v29, v33;
	v35 =	vshrl.u32 v63, $0x3;
	v34 =	vld [tilespmem:s26+$0xFFFFFFD0]  }
0x18d: {  	s19 =	simm.s32 $0x16;
	v37 =	vadd.s32 v24, v37;
	v40 =	vld [tilespmem:s28+$0xFFFFFF80];
	[tilespmem:v58+s21+$0x0] =	vst.idx.msk $0xffff, v46;
	v35 =	vshll.u32 v35, v1  }
0x18e: {  	v45 =	vld [tilespmem:s11+$0xFFFFFEF0];
	v57 =	vmov s19;
	[tilespmem:v59+s21+$0x0] =	vst.idx.msk $0xffff, v41;
	v59 =	vadd.s32 v15, v38;
	v35 =	vbroadcast v35, $0x0  }
0x18f: {  	v36 =	vshrl.u32 v57, $0x3;
	v58 =	vadd.s32 v19, v48;
	v46 =	vld [tilespmem:s12+$0xFFFFFF30];
	[tilespmem:v62+s21+$0x0] =	vst.idx.msk $0xffff, v61  }
0x190: {  	v36 =	vshll.u32 v36, v1;
	v63 =	vadd.s32 v9, v35;
	[tilespmem:v56+s21+$0x0] =	vst.idx.msk $0xffff, v51;
	v47 =	vld [tilespmem:s28+$0xFFFFFE90]  }
0x191: {  	v43 =	vadd.s32 v4, v43;
	v36 =	vbroadcast v36, $0x0;
	[tilespmem:v60+s21+$0x0] =	vst.idx.msk $0xffff, v34;
	v52 =	vld [tilespmem:s12+$0xFFFFFE40]  }
0x192: {  	s22 =	simm.s32 $0xB;
	v62 =	vadd.s32 v30, v33;
	[tilespmem:v37+s21+$0x0] =	vst.idx.msk $0xffff, v40;
	v61 =	vld [tilespmem:s26+$0xFFFFFFE0]  }
0x193: {  	v57 =	vadd.s32 v25, v36;
	v60 =	vmov s22;
	[tilespmem:v59+s21+$0x0] =	vst.idx.msk $0xffff, v45;
	v40 =	vld [tilespmem:s28+$0xFFFFFF90]  }
0x194: {  	v34 =	vshrl.u32 v60, $0x3;
	[tilespmem:v58+s21+$0x0] =	vst.idx.msk $0xffff, v46  }
0x195: {  	s30 =	simm.s32 $0x19;
	v53 =	vld [tilespmem:s26+$0xFFFFFED0];
	v34 =	vshll.u32 v34, v1;
	[tilespmem:v63+s21+$0x0] =	vst.idx.msk $0xffff, v47  }
0x196: {  	s31 =	simm.s32 $0x1D;
	v59 =	vmov s30;
	v58 =	vadd.s32 v20, v48;
	v46 =	vld [tilespmem:s12+$0xFFFFFF40];
	v34 =	vbroadcast v34, $0x0;
	[tilespmem:v43+s21+$0x0] =	vst.idx.msk $0xffff, v52  }
0x197: {  	v55 =	vadd.s32 v16, v38;
	v54 =	vld [tilespmem:s11+$0xFFFFFF00];
	[tilespmem:v62+s21+$0x0] =	vst.idx.msk $0xffff, v61;
	v61 =	vshrl.u32 v59, $0x3;
	v62 =	vmov s31  }
0x198: {  	v60 =	vadd.s32 v13, v34;
	[tilespmem:v57+s21+$0x0] =	vst.idx.msk $0xffff, v40;
	v40 =	vld [tilespmem:s11+$0x0];
	v63 =	vshll.u32 v61, v1;
	v42 =	vshrl.u32 v62, $0x3  }
0x199: {  	v39 =	vadd.s32 v32, v39;
	v48 =	vld [tilespmem:s12+$0xFFFFFE50];
	v41 =	vbroadcast v63, $0x0;
	v42 =	vshll.u32 v42, v1  }
0x19a: {  	v44 =	vadd.s32 v26, v36;
	v43 =	vld [tilespmem:s28+$0xFFFFFFA0];
	v42 =	vbroadcast v42, $0x0  }
0x19b: {  	v45 =	vld [tilespmem:s28+$0xFFFFFEA0];
	[tilespmem:v58+s21+$0x0] =	vst.idx.msk $0xffff, v46;
	v50 =	vadd.s32 v5, v41  }
0x19c: {  	[tilespmem:v55+s21+$0x0] =	vst.idx.msk $0xffff, v54;
	v47 =	vld [tilespmem:s12+$0xFFFFFF50];
	v49 =	vadd.s32 v21, v42  }
0x19d: {  	s19 =	simm.s32 $0x6;
	s22 =	simm.s32 $0x20;
	v38 =	vadd.s32 v14, v34;
	s11 =	simm.s32 $0x8BF0;
	v37 =	vld [tilespmem:s26+$0xFFFFFFF0];
	v46 =	vadd.s32 v10, v35;
	[tilespmem:v60+s21+$0x0] =	vst.idx.msk $0xffff, v53  }
.LBB2_6:
0x19e: {  	v51 =	vmov s22;
	s15 =	sadd.s32 $0x4, s22;
	s19 =	sadd.s32 $0x2, s19;
	s12 =	sadd.s32 $0x200, s12;
	v52 =	vld [tilespmem:s26+$0xFFFFFEE0];
	[tilespmem:v39+s21+$0x0] =	vst.idx.msk $0xffff, v40  }
0x19f: {  	v39 =	vld [tilespmem:s12+$0xFFFFFE10];
	v40 =	vshrl.u32 v51, $0x3;
	v51 =	vmov s15;
	p1 =	slt.u32 s19, $0x1E;
	[tilespmem:v44+s21+$0x0] =	vst.idx.msk $0xffff, v43;
	v43 =	vadd.s32 v31, v33  }
0x1a0: {  	v40 =	vshll.u32 v40, v1;
	v44 =	vshrl.u32 v51, $0x3;
	[tilespmem:v50+s21+$0x0] =	vst.idx.msk $0xffff, v48;
	v48 =	vld [tilespmem:s28+$0xFFFFFFB0];
	v50 =	vadd.s32 v27, v36  }
0x1a1: {  	v53 =	vadd.s32 v6, v41;
	v40 =	vbroadcast v40, $0x0;
	v44 =	vshll.u32 v44, v1;
	v51 =	vld [tilespmem:s11+$0xFFFFFE60];
	[tilespmem:v49+s21+$0x0] =	vst.idx.msk $0xffff, v47  }
0x1a2: {  	v49 =	vadd.s32 v22, v42;
	v44 =	vbroadcast v44, $0x0;
	v47 =	vld [tilespmem:s11+$0xFFFFFF60];
	[tilespmem:v46+s21+$0x0] =	vst.idx.msk $0xffff, v45  }
0x1a3: {  	v45 =	vadd.s32 v0, v40;
	v46 =	vld [tilespmem:s28+$0xFFFFFEB0];
	[tilespmem:v38+s21+$0x0] =	vst.idx.msk $0xffff, v52  }
0x1a4: {  	v38 =	vld [tilespmem:s12+$0xFFFFFF10];
	v52 =	vadd.s32 v17, v44;
	[tilespmem:v43+s21+$0x0] =	vst.idx.msk $0xffff, v37  }
0x1a5: {  	v37 =	vadd.s32 v11, v35;
	[tilespmem:v50+s21+$0x0] =	vst.idx.msk $0xffff, v48;
	v43 =	vld [tilespmem:s26+$0xFFFFFEF0]  }
0x1a6: {  	s15 =	sadd.s32 $0x7, s29;
	v36 =	vadd.s32 v28, v36;
	[tilespmem:v53+s21+$0x0] =	vst.idx.msk $0xffff, v51;
	v48 =	vld [tilespmem:s28+$0xFFFFFFC0]  }
0x1a7: {  	v51 =	vadd.s32 v7, v41;
	v50 =	vld [tilespmem:s11+$0xFFFFFE70];
	[tilespmem:v49+s21+$0x0] =	vst.idx.msk $0xffff, v47;
	v47 =	vmov s15  }
0x1a8: {  	[tilespmem:v45+s21+$0x0] =	vst.idx.msk $0xffff, v39;
	v39 =	vld [tilespmem:s11+$0xFFFFFF70];
	v45 =	vadd.s32 v23, v42;
	v47 =	vshrl.u32 v47, $0x3  }
0x1a9: {  	v53 =	vadd.s32 v2, v40;
	v49 =	vld [tilespmem:s12+$0xFFFFFE20];
	[tilespmem:v52+s21+$0x0] =	vst.idx.msk $0xffff, v38;
	v38 =	vshll.u32 v47, v1  }
0x1aa: {  	v52 =	vadd.s32 v18, v44;
	v47 =	vld [tilespmem:s12+$0xFFFFFF20];
	[tilespmem:v37+s21+$0x0] =	vst.idx.msk $0xffff, v46;
	v46 =	vbroadcast v38, $0x0  }
0x1ab: {  	v35 =	vadd.s32 v12, v35;
	s15 =	sadd.s32 $0x3, s29;
	s29 =	smov.u32 s0;
	s0 =	smov.u32 s22;
	v37 =	vld [tilespmem:s28+$0xFFFFFEC0];
	[tilespmem:v36+s21+$0x0] =	vst.idx.msk $0xffff, v48  }
0x1ac: {  	v36 =	vmov s15;
	[tilespmem:v51+s21+$0x0] =	vst.idx.msk $0xffff, v50;
	v38 =	vld [tilespmem:s28+$0xFFFFFFD0];
	v48 =	vadd.s32 v29, v46  }
0x1ad: {  	v41 =	vadd.s32 v8, v41;
	s15 =	sadd.s32 $0x2, s29;
	v36 =	vshrl.u32 v36, $0x3;
	v50 =	vld [tilespmem:s11+$0xFFFFFE80];
	[tilespmem:v45+s21+$0x0] =	vst.idx.msk $0xffff, v39;
	v39 =	vadd.s32 v15, v34  }
0x1ae: {  	v42 =	vadd.s32 v24, v42;
	v45 =	vmov s15;
	s15 =	sadd.s32 $0x6, s29;
	v36 =	vshll.u32 v36, v1;
	[tilespmem:v53+s21+$0x0] =	vst.idx.msk $0xffff, v49;
	v49 =	vld [tilespmem:s11+$0xFFFFFF80]  }
0x1af: {  	v53 =	vadd.s32 v3, v40;
	v45 =	vshrl.u32 v45, $0x3;
	v51 =	vld [tilespmem:s12+$0xFFFFFE30];
	[tilespmem:v52+s21+$0x0] =	vst.idx.msk $0xffff, v47;
	v47 =	vmov s15  }
0x1b0: {  	v54 =	vadd.s32 v19, v44;
	v45 =	vshll.u32 v45, v1;
	v52 =	vld [tilespmem:s12+$0xFFFFFF30];
	v47 =	vshrl.u32 v47, $0x3;
	[tilespmem:v35+s21+$0x0] =	vst.idx.msk $0xffff, v37  }
0x1b1: {  	v35 =	vbroadcast v45, $0x0;
	v37 =	vshll.u32 v47, v1;
	v45 =	vld [tilespmem:s28+$0xFFFFFED0];
	v47 =	vbroadcast v36, $0x0;
	[tilespmem:v48+s21+$0x0] =	vst.idx.msk $0xffff, v38  }
0x1b2: {  	[tilespmem:v41+s21+$0x0] =	vst.idx.msk $0xffff, v50;
	v36 =	vbroadcast v37, $0x0;
	v37 =	vld [tilespmem:s28+$0xFFFFFFE0];
	v41 =	vadd.s32 v30, v46  }
0x1b3: {  	v50 =	vadd.s32 v9, v35;
	v48 =	vld [tilespmem:s11+$0xFFFFFE90];
	[tilespmem:v42+s21+$0x0] =	vst.idx.msk $0xffff, v49;
	v38 =	vadd.s32 v14, v47  }
0x1b4: {  	[tilespmem:v53+s21+$0x0] =	vst.idx.msk $0xffff, v51;
	v42 =	vld [tilespmem:s11+$0xFFFFFF90];
	v49 =	vadd.s32 v25, v36  }
0x1b5: {  	s15 =	sadd.s32 $0x1, s22;
	v53 =	vadd.s32 v4, v40;
	v51 =	vld [tilespmem:s12+$0xFFFFFE40];
	[tilespmem:v54+s21+$0x0] =	vst.idx.msk $0xffff, v52  }
0x1b6: {  	v40 =	vmov s15;
	s15 =	sadd.s32 $0x5, s22;
	v54 =	vadd.s32 v20, v44;
	v52 =	vld [tilespmem:s12+$0xFFFFFF40];
	[tilespmem:v39+s21+$0x0] =	vst.idx.msk $0xffff, v43  }
0x1b7: {  	v55 =	vadd.s32 v13, v47;
	v39 =	vshrl.u32 v40, $0x3;
	v40 =	vmov s15;
	[tilespmem:v41+s21+$0x0] =	vst.idx.msk $0xffff, v37;
	v56 =	vld [tilespmem:s26+$0xFFFFFF00]  }
0x1b8: {  	v57 =	vadd.s32 v16, v34;
	v39 =	vshll.u32 v39, v1;
	v40 =	vshrl.u32 v40, $0x3;
	[tilespmem:v50+s21+$0x0] =	vst.idx.msk $0xffff, v48;
	v37 =	vld [tilespmem:s28+$0xFFFFFFF0]  }
.Ltmp4:
0x1b9: {  	v41 =	vbroadcast v39, $0x0;
	v48 =	vshll.u32 v40, v1;
	v39 =	vadd.s32 v32, v33;
	[tilespmem:v49+s21+$0x0] =	vst.idx.msk $0xffff, v42;
	v40 =	vld [tilespmem:s26+$0x0];
	s26 =	smov.u32 s28;
	s28 =	smov.u32 s11;
	(pc) =	sbr.rel @p1 .LBB2_6-.Ltmp4, $4  }
0x1ba: {  	v34 =	vmovc v47;
	v44 =	vadd.s32 v26, v36;
	v33 =	vmov v46;
	v42 =	vbroadcast v48, $0x0;
	s11 =	smov.u32 s12;
	[tilespmem:v53+s21+$0x0] =	vst.idx.msk $0xffff, v51;
	v43 =	vld [tilespmem:s28+$0xFFFFFFA0]  }
0x1bb: {  	v50 =	vadd.s32 v5, v41;
	v48 =	vld [tilespmem:s12+$0xFFFFFE50];
	[tilespmem:v54+s21+$0x0] =	vst.idx.msk $0xffff, v52  }
0x1bc: {  	v49 =	vadd.s32 v21, v42;
	v47 =	vld [tilespmem:s12+$0xFFFFFF50];
	[tilespmem:v55+s21+$0x0] =	vst.idx.msk $0xffff, v45  }
0x1bd: {  	s22 =	sadd.s32 $0x8, s22;
	v46 =	vadd.s32 v10, v35;
	v45 =	vld [tilespmem:s28+$0xFFFFFEA0];
	[tilespmem:v57+s21+$0x0] =	vst.idx.msk $0xffff, v56  }
0x1be: {  	_ =	sdelay $0x3  }
0x1bf: {  	[tilespmem:v50+s21+$0x0] =	vst.idx.msk $0xffff, v48  }
0x1c0: {  	v62 =	vadd.s32 v6, v41;
	v48 =	vld [tilespmem:s11+$0xFFFFFE60];
	[tilespmem:v49+s21+$0x0] =	vst.idx.msk $0xffff, v47  }
0x1c1: {  	v63 =	vadd.s32 v22, v42;
	v47 =	vld [tilespmem:s11+$0xFFFFFF60];
	_ =	sdelay $0x3  }
0x1c2: {  	[tilespmem:v62+s21+$0x0] =	vst.idx.msk $0xffff, v48  }
0x1c3: {  	v52 =	vadd.s32 v7, v41;
	v48 =	vld [tilespmem:s11+$0xFFFFFE70];
	[tilespmem:v63+s21+$0x0] =	vst.idx.msk $0xffff, v47  }
0x1c4: {  	v53 =	vadd.s32 v23, v42;
	v47 =	vld [tilespmem:s11+$0xFFFFFF70];
	_ =	sdelay $0x3  }
0x1c5: {  	[tilespmem:v52+s21+$0x0] =	vst.idx.msk $0xffff, v48  }
0x1c6: {  	v54 =	vadd.s32 v8, v41;
	s12 =	sadd.s32 $0x2, s0;
	v48 =	vld [tilespmem:s11+$0xFFFFFE80];
	[tilespmem:v53+s21+$0x0] =	vst.idx.msk $0xffff, v47  }
0x1c7: {  	v56 =	vadd.s32 v24, v42;
	s4 =	sadd.s32 $0x6, s0;
	v55 =	vmov s12;
	v49 =	vld [tilespmem:s11+$0xFFFFFF80]  }
0x1c8: {  	v57 =	vmov s4;
	v47 =	vshrl.u32 v55, $0x3  }
0x1c9: {  	v50 =	vshrl.u32 v57, $0x3;
	v47 =	vshll.u32 v47, v1  }
0x1ca: {  	v50 =	vshll.u32 v50, v1;
	v47 =	vbroadcast v47, $0x0  }
0x1cb: {  	v41 =	vbroadcast v50, $0x0;
	[tilespmem:v54+s21+$0x0] =	vst.idx.msk $0xffff, v48  }
0x1cc: {  	v58 =	vadd.s32 v9, v47;
	v48 =	vld [tilespmem:s11+$0xFFFFFE90];
	[tilespmem:v56+s21+$0x0] =	vst.idx.msk $0xffff, v49  }
0x1cd: {  	v59 =	vadd.s32 v25, v41;
	v42 =	vld [tilespmem:s11+$0xFFFFFF90];
	_ =	sdelay $0x3  }
0x1ce: {  	[tilespmem:v58+s21+$0x0] =	vst.idx.msk $0xffff, v48  }
0x1cf: {  	v61 =	vadd.s32 v10, v47;
	[tilespmem:v59+s21+$0x0] =	vst.idx.msk $0xffff, v42;
	v60 =	vld [tilespmem:s11+$0xFFFFFEA0]  }
0x1d0: {  	v62 =	vadd.s32 v26, v41;
	v49 =	vld [tilespmem:s11+$0xFFFFFFA0];
	_ =	sdelay $0x1  }
0x1d1: {  	[tilespmem:v46+s21+$0x0] =	vst.idx.msk $0xffff, v45  }
0x1d2: {  	[tilespmem:v44+s21+$0x0] =	vst.idx.msk $0xffff, v43;
	v63 =	vld [tilespmem:s28+$0xFFFFFEB0];
	v52 =	vadd.s32 v11, v35  }
0x1d3: {  	v53 =	vld [tilespmem:s28+$0xFFFFFFB0];
	v54 =	vadd.s32 v27, v36;
	[tilespmem:v61+s21+$0x0] =	vst.idx.msk $0xffff, v60  }
0x1d4: {  	v55 =	vadd.s32 v11, v47;
	[tilespmem:v62+s21+$0x0] =	vst.idx.msk $0xffff, v49;
	v42 =	vld [tilespmem:s11+$0xFFFFFEB0]  }
0x1d5: {  	v56 =	vadd.s32 v27, v41;
	v49 =	vld [tilespmem:s11+$0xFFFFFFB0];
	_ =	sdelay $0x1  }
0x1d6: {  	s15 =	sadd.s32 $0x7, s29;
	[tilespmem:v52+s21+$0x0] =	vst.idx.msk $0xffff, v63  }
0x1d7: {  	s19 =	sadd.s32 $0x3, s29;
	v57 =	vmov s15;
	v44 =	vld [tilespmem:s28+$0xFFFFFEC0];
	[tilespmem:v54+s21+$0x0] =	vst.idx.msk $0xffff, v53;
	v58 =	vadd.s32 v12, v35  }
0x1d8: {  	v43 =	vshrl.u32 v57, $0x3;
	v45 =	vld [tilespmem:s28+$0xFFFFFFC0];
	v59 =	vadd.s32 v28, v36;
	v60 =	vmov s19;
	[tilespmem:v55+s21+$0x0] =	vst.idx.msk $0xffff, v42  }
0x1d9: {  	s22 =	sadd.s32 $0x3, s0;
	v47 =	vadd.s32 v12, v47;
	v41 =	vadd.s32 v28, v41;
	v62 =	vshrl.u32 v60, $0x3;
	[tilespmem:v56+s21+$0x0] =	vst.idx.msk $0xffff, v49;
	v63 =	vld [tilespmem:s11+$0xFFFFFEC0]  }
0x1da: {  	s29 =	sadd.s32 $0x7, s0;
	v53 =	vmov s22;
	v61 =	vshll.u32 v43, v1;
	v43 =	vshll.u32 v62, v1;
	v52 =	vld [tilespmem:s11+$0xFFFFFFC0]  }
0x1db: {  	v54 =	vmov s29;
	v43 =	vbroadcast v43, $0x0;
	v49 =	vshrl.u32 v53, $0x3  }
0x1dc: {  	[tilespmem:v58+s21+$0x0] =	vst.idx.msk $0xffff, v44;
	v42 =	vbroadcast v61, $0x0;
	v55 =	vshrl.u32 v54, $0x3;
	v56 =	vshll.u32 v49, v1  }
0x1dd: {  	[tilespmem:v59+s21+$0x0] =	vst.idx.msk $0xffff, v45;
	v57 =	vld [tilespmem:s28+$0xFFFFFED0];
	v58 =	vadd.s32 v13, v43;
	v35 =	vshll.u32 v55, v1;
	v44 =	vbroadcast v56, $0x0  }
0x1de: {  	v59 =	vld [tilespmem:s28+$0xFFFFFFD0];
	v60 =	vadd.s32 v29, v42;
	v35 =	vbroadcast v35, $0x0;
	[tilespmem:v47+s21+$0x0] =	vst.idx.msk $0xffff, v63  }
0x1df: {  	v62 =	vadd.s32 v13, v44;
	[tilespmem:v41+s21+$0x0] =	vst.idx.msk $0xffff, v52;
	v61 =	vld [tilespmem:s11+$0xFFFFFED0]  }
0x1e0: {  	v54 =	vadd.s32 v29, v35;
	v63 =	vld [tilespmem:s11+$0xFFFFFFD0]  }
0x1e1: {  	v51 =	vld [tilespmem:s26+$0xFFFFFEE0]  }
0x1e2: {  	[tilespmem:v58+s21+$0x0] =	vst.idx.msk $0xffff, v57  }
0x1e3: {  	v55 =	vadd.s32 v14, v43;
	v45 =	vld [tilespmem:s28+$0xFFFFFEE0];
	[tilespmem:v60+s21+$0x0] =	vst.idx.msk $0xffff, v59  }
0x1e4: {  	v56 =	vadd.s32 v30, v42;
	v49 =	vld [tilespmem:s28+$0xFFFFFFE0];
	[tilespmem:v62+s21+$0x0] =	vst.idx.msk $0xffff, v61  }
0x1e5: {  	v57 =	vadd.s32 v14, v44;
	[tilespmem:v54+s21+$0x0] =	vst.idx.msk $0xffff, v63;
	v46 =	vld [tilespmem:s11+$0xFFFFFEE0]  }
0x1e6: {  	[tilespmem:v38+s21+$0x0] =	vst.idx.msk $0xffff, v51;
	v59 =	vadd.s32 v30, v35;
	v58 =	vld [tilespmem:s11+$0xFFFFFFE0]  }
0x1e7: {  	[tilespmem:v39+s21+$0x0] =	vst.idx.msk $0xffff, v40;
	v60 =	vld [tilespmem:s26+$0xFFFFFEF0];
	v61 =	vadd.s32 v15, v34  }
0x1e8: {  	[tilespmem:v55+s21+$0x0] =	vst.idx.msk $0xffff, v45;
	v62 =	vadd.s32 v31, v33  }
0x1e9: {  	v36 =	vld [tilespmem:s28+$0xFFFFFEF0];
	[tilespmem:v56+s21+$0x0] =	vst.idx.msk $0xffff, v49;
	v63 =	vadd.s32 v15, v43  }
0x1ea: {  	v52 =	vadd.s32 v31, v42;
	v49 =	vld [tilespmem:s28+$0xFFFFFFF0];
	[tilespmem:v57+s21+$0x0] =	vst.idx.msk $0xffff, v46  }
0x1eb: {  	v54 =	vadd.s32 v15, v44;
	[tilespmem:v59+s21+$0x0] =	vst.idx.msk $0xffff, v58;
	v53 =	vld [tilespmem:s11+$0xFFFFFEF0]  }
0x1ec: {  	v56 =	vadd.s32 v31, v35;
	[tilespmem:v61+s21+$0x0] =	vst.idx.msk $0xffff, v60;
	v55 =	vld [tilespmem:s11+$0xFFFFFFF0]  }
0x1ed: {  	[tilespmem:v62+s21+$0x0] =	vst.idx.msk $0xffff, v37;
	v57 =	vld [tilespmem:s26+$0xFFFFFF00];
	v58 =	vadd.s32 v16, v34  }
0x1ee: {  	v60 =	vadd.s32 v32, v33;
	[tilespmem:v63+s21+$0x0] =	vst.idx.msk $0xffff, v36;
	v59 =	vld [tilespmem:s26+$0x0]  }
0x1ef: {  	v43 =	vadd.s32 v16, v43;
	[tilespmem:v52+s21+$0x0] =	vst.idx.msk $0xffff, v49;
	v36 =	vld [tilespmem:s28+$0xFFFFFF00]  }
0x1f0: {  	v42 =	vadd.s32 v32, v42;
	v61 =	vld [tilespmem:s28+$0x0];
	[tilespmem:v54+s21+$0x0] =	vst.idx.msk $0xffff, v53  }
0x1f1: {  	v62 =	vadd.s32 v16, v44;
	[tilespmem:v56+s21+$0x0] =	vst.idx.msk $0xffff, v55;
	v38 =	vld [tilespmem:s11+$0xFFFFFF00]  }
0x1f2: {  	v35 =	vadd.s32 v32, v35;
	[tilespmem:v58+s21+$0x0] =	vst.idx.msk $0xffff, v57;
	v63 =	vld [tilespmem:s11+$0x0]  }
0x1f3: {  	[tilespmem:v60+s21+$0x0] =	vst.idx.msk $0xffff, v59  }
0x1f4: {  	[tilespmem:v43+s21+$0x0] =	vst.idx.msk $0xffff, v36  }
0x1f5: {  	[tilespmem:v42+s21+$0x0] =	vst.idx.msk $0xffff, v61  }
0x1f6: {  	[tilespmem:v62+s21+$0x0] =	vst.idx.msk $0xffff, v38  }
0x1f7: {  	s30 =	simm.s32 $0xC600;
	[tilespmem:v35+s21+$0x0] =	vst.idx.msk $0xffff, v63  }
0x1f8: {  	[hbm4b:s8+s3] =	stream.linear.scatter [tilespmem:s30], [sflag:$0x4], $0x80, $0x38;
	[tilespmem:$0xF000] =	vst v63  }
0x1f9: {  	s31 =	simm.s32 $0xC688;
	s4 =	sadd.s32 $0x10, s8  }
0x1fa: {  	[hbm4b:s4+s3] =	stream.linear.scatter [tilespmem:s31], [sflag:$0x4], $0x80, $0x38;
	[tilespmem:$0xF000] =	vst v63  }
0x1fb: {  	s0 =	simm.s32 $0x440;
	s12 =	sadd.s32 $0x20, s8;
	s11 =	simm.s32 $0xC710  }
0x1fc: {  	[hbm4b:s12+s3] =	stream.linear.scatter [tilespmem:s11], [sflag:$0x4], $0x80, $0x38;
	[tilespmem:$0xF000] =	vst v63  }
0x1fd: {  	s15 =	simm.s32 $0xC798;
	s22 =	simm.s32 $0xC820;
	s19 =	sadd.s32 $0x30, s8  }
0x1fe: {  	[hbm4b:s19+s3] =	stream.linear.scatter [tilespmem:s15], [sflag:$0x4], $0x80, $0x38;
	[tilespmem:$0xF000] =	vst v63  }
0x1ff: {  	s29 =	sadd.s32 $0x50, s8;
	s26 =	sadd.s32 $0x40, s8;
	s28 =	simm.s32 $0xC8A8  }
0x200: {  	[hbm4b:s26+s3] =	stream.linear.scatter [tilespmem:s22], [sflag:$0x4], $0x80, $0x38;
	[tilespmem:$0xF000] =	vst v63  }
0x201: {  	s30 =	simm.s32 $0xC930;
	s31 =	sadd.s32 $0x60, s8;
	s12 =	simm.s32 $0x2200  }
0x202: {  	[hbm4b:s29+s3] =	stream.linear.scatter [tilespmem:s28], [sflag:$0x4], $0x80, $0x38;
	[tilespmem:$0xF000] =	vst v63  }
0x203: {  	s11 =	sadd.s32 $0x4000, s8;
	s15 =	simm.s32 $0xC9B8;
	s19 =	sadd.s32 $0x70, s8  }
0x204: {  	[hbm4b:s31+s3] =	stream.linear.scatter [tilespmem:s30], [sflag:$0x4], $0x80, $0x38;
	[tilespmem:$0xF000] =	vst v63  }
.LBB2_8:
0x205: {  	[hbm4b:s19+s3] =	stream.linear.scatter [tilespmem:s15], [sflag:$0x4], $0x80, $0x38;
	[tilespmem:$0xF000] =	vst v63  }
0x206: {  	s15 =	smov.u32 s0;
	s0 =	smov.u32 s12  }
0x207: {  	s22 =	sadd.s32 $0x1100, s12;
	s0 =	sshra.s32 s0, $0x2;
	s19 =	sadd.s32 $0xC600, s15  }
0x208: {  	[hbm4b:s11+s3] =	stream.linear.scatter [tilespmem:s19], [sflag:$0x4], $0x80, $0x38;
	[tilespmem:$0xF000] =	vst v63  }
0x209: {  	p1 =	sne.s32 s12, $0x7700;
	s12 =	sadd.s32 $0xC688, s15;
	s19 =	sadd.s32 $0x10, s11  }
0x20a: {  	[hbm4b:s19+s3] =	stream.linear.scatter [tilespmem:s12], [sflag:$0x4], $0x80, $0x38;
	[tilespmem:$0xF000] =	vst v63  }
0x20b: {  	s12 =	sadd.s32 $0xC710, s15;
	s19 =	sadd.s32 $0x20, s11  }
0x20c: {  	[hbm4b:s19+s3] =	stream.linear.scatter [tilespmem:s12], [sflag:$0x4], $0x80, $0x38;
	[tilespmem:$0xF000] =	vst v63  }
0x20d: {  	s12 =	sadd.s32 $0xC798, s15;
	s19 =	sadd.s32 $0x30, s11  }
0x20e: {  	[hbm4b:s19+s3] =	stream.linear.scatter [tilespmem:s12], [sflag:$0x4], $0x80, $0x38;
	[tilespmem:$0xF000] =	vst v63  }
0x20f: {  	s12 =	sadd.s32 $0xC820, s15;
	s19 =	sadd.s32 $0x40, s11  }
0x210: {  	[hbm4b:s19+s3] =	stream.linear.scatter [tilespmem:s12], [sflag:$0x4], $0x80, $0x38;
	[tilespmem:$0xF000] =	vst v63  }
.Ltmp5:
0x211: {  	s12 =	sadd.s32 $0xC8A8, s15;
	s19 =	sadd.s32 $0x50, s11;
	(pc) =	sbr.rel @p1 .LBB2_8-.Ltmp5, $4  }
0x212: {  	[hbm4b:s19+s3] =	stream.linear.scatter [tilespmem:s12], [sflag:$0x4], $0x80, $0x38;
	[tilespmem:$0xF000] =	vst v63  }
0x213: {  	s12 =	sadd.s32 $0xC930, s15;
	s19 =	sadd.s32 $0x60, s11;
	s15 =	sadd.s32 $0xC9B8, s15  }
0x214: {  	[hbm4b:s19+s3] =	stream.linear.scatter [tilespmem:s12], [sflag:$0x4], $0x80, $0x38;
	[tilespmem:$0xF000] =	vst v63  }
0x215: {  	s19 =	sadd.s32 $0x70, s11;
	s11 =	sadd.s32 $0x4000, s11;
	s12 =	smov.u32 s22  }
0x216: {  	[hbm4b:s19+s3] =	stream.linear.scatter [tilespmem:s15], [sflag:$0x4], $0x80, $0x38;
	[tilespmem:$0xF000] =	vst v63  }
0x217: {  	s12 =	sadd.s32 $0xC600, s0  }
0x218: {  	[hbm4b:s11+s3] =	stream.linear.scatter [tilespmem:s12], [sflag:$0x4], $0x80, $0x38;
	[tilespmem:$0xF000] =	vst v63  }
0x219: {  	s15 =	sadd.s32 $0xC688, s0;
	s19 =	sadd.s32 $0x10, s11  }
0x21a: {  	[hbm4b:s19+s3] =	stream.linear.scatter [tilespmem:s15], [sflag:$0x4], $0x80, $0x38;
	[tilespmem:$0xF000] =	vst v63  }
0x21b: {  	s22 =	sadd.s32 $0xC710, s0;
	s26 =	sadd.s32 $0x20, s11  }
0x21c: {  	[hbm4b:s26+s3] =	stream.linear.scatter [tilespmem:s22], [sflag:$0x4], $0x80, $0x38;
	[tilespmem:$0xF000] =	vst v63  }
0x21d: {  	s29 =	sadd.s32 $0xC798, s0;
	s30 =	sadd.s32 $0x30, s11  }
0x21e: {  	[hbm4b:s30+s3] =	stream.linear.scatter [tilespmem:s29], [sflag:$0x4], $0x80, $0x38;
	[tilespmem:$0xF000] =	vst v63  }
0x21f: {  	s31 =	sadd.s32 $0xC820, s0;
	s4 =	sadd.s32 $0x40, s11  }
0x220: {  	[hbm4b:s4+s3] =	stream.linear.scatter [tilespmem:s31], [sflag:$0x4], $0x80, $0x38;
	[tilespmem:$0xF000] =	vst v63  }
0x221: {  	s15 =	sadd.s32 $0xC8A8, s0;
	s19 =	sadd.s32 $0x50, s11  }
0x222: {  	[hbm4b:s19+s3] =	stream.linear.scatter [tilespmem:s15], [sflag:$0x4], $0x80, $0x38;
	[tilespmem:$0xF000] =	vst v63  }
0x223: {  	s22 =	sadd.s32 $0xC930, s0;
	s26 =	sadd.s32 $0x60, s11  }
0x224: {  	[hbm4b:s26+s3] =	stream.linear.scatter [tilespmem:s22], [sflag:$0x4], $0x80, $0x38;
	[tilespmem:$0xF000] =	vst v63  }
0x225: {  	s29 =	sadd.s32 $0xC9B8, s0;
	s30 =	sadd.s32 $0x70, s11  }
0x226: {  	[hbm4b:s30+s3] =	stream.linear.scatter [tilespmem:s29], [sflag:$0x4], $0x80, $0x38;
	[tilespmem:$0xF000] =	vst v63  }
0x227: {  	s28 =	simm.s32 $0x0;
	s31 =	simm.s32 $0x180;
	s26 =	simm.s32 $0x0  }
0x228: {  	[tilespmem:s16], [sflag:$0x2] =	stream.indirect.gather [spmem:s2], $0x40, s31, s14, $0xb8;
	[tilespmem:$0xF000] =	vst v63  }
.LBB2_10:
0x229: {  	_ =	swait.ge [sflag:s17], $0x2000;
	s0 =	simm.s32 $0x4  }
0x22a: {  	[sflag:s17] =	ssyncset.done $0x0;
	v33 =	vmov s0  }
0x22b: {  	[sflag:s17] =	ssyncadd.s32 $0xFFFFE000;
	v33 =	vshrl.u32 v33, $0x3  }
0x22c: {  	_ =	swait.ge [sflag:s23], $0x2000;
	v33 =	vshll.u32 v33, v1  }
0x22d: {  	[sflag:s23] =	ssyncset.done $0x0;
	v33 =	vbroadcast v33, $0x0  }
0x22e: {  	s11 =	simm.s32 $0x6500;
	[sflag:s23] =	ssyncadd.s32 $0xFFFFE000  }
0x22f: {  	v34 =	vld [tilespmem:s11+$0x0];
	v35 =	vadd.s32 v17, v33;
	_ =	sdelay $0x3  }
0x230: {  	v41 =	vmov s26  }
0x231: {  	[tilespmem:v35+s18+$0x0] =	vst.idx.msk $0xffff, v34;
	v34 =	vshrl.u32 v41, $0x3  }
0x232: {  	v36 =	vadd.s32 v18, v33;
	v35 =	vld [tilespmem:s11+$0x10];
	v34 =	vshll.u32 v34, v1  }
0x233: {  	v34 =	vbroadcast v34, $0x0;
	_ =	sdelay $0x1  }
0x234: {  	v37 =	vld [tilespmem:s11+$0xFFFFFF00];
	v38 =	vadd.s32 v0, v34;
	_ =	sdelay $0x1  }
0x235: {  	[tilespmem:v36+s18+$0x0] =	vst.idx.msk $0xffff, v35  }
0x236: {  	v42 =	vadd.s32 v19, v33;
	v35 =	vld [tilespmem:s11+$0x20];
	_ =	sdelay $0x1  }
0x237: {  	[tilespmem:v38+s18+$0x0] =	vst.idx.msk $0xffff, v37  }
0x238: {  	v43 =	vadd.s32 v2, v34;
	v37 =	vld [tilespmem:s11+$0xFFFFFF10];
	_ =	sdelay $0x1  }
0x239: {  	[tilespmem:v42+s18+$0x0] =	vst.idx.msk $0xffff, v35  }
0x23a: {  	s12 =	simm.s32 $0x5;
	v33 =	vadd.s32 v20, v33;
	v35 =	vld [tilespmem:s11+$0x30]  }
0x23b: {  	v44 =	vmov s12  }
0x23c: {  	v36 =	vshrl.u32 v44, $0x3;
	[tilespmem:v43+s18+$0x0] =	vst.idx.msk $0xffff, v37  }
0x23d: {  	s15 =	simm.s32 $0xC;
	v45 =	vadd.s32 v3, v34;
	v36 =	vshll.u32 v36, v1;
	v37 =	vld [tilespmem:s11+$0xFFFFFF20]  }
0x23e: {  	v39 =	vmov s15;
	v36 =	vbroadcast v36, $0x0  }
0x23f: {  	s19 =	simm.s32 $0x8;
	v39 =	vshrl.u32 v39, $0x3;
	[tilespmem:v33+s18+$0x0] =	vst.idx.msk $0xffff, v35  }
0x240: {  	v48 =	vmov s19;
	v47 =	vshll.u32 v39, v1;
	v46 =	vadd.s32 v21, v36;
	v33 =	vld [tilespmem:s11+$0x40]  }
0x241: {  	v51 =	vshrl.u32 v48, $0x3;
	v49 =	vbroadcast v47, $0x0  }
0x242: {  	s29 =	simm.s32 $0x6700;
	[tilespmem:v45+s18+$0x0] =	vst.idx.msk $0xffff, v37;
	v37 =	vshll.u32 v51, v1  }
0x243: {  	v41 =	vld [tilespmem:s29+$0x0];
	v42 =	vadd.s32 v17, v49;
	v37 =	vbroadcast v37, $0x0  }
0x244: {  	s12 =	simm.s32 $0x1;
	v34 =	vadd.s32 v4, v34;
	v38 =	vld [tilespmem:s11+$0xFFFFFF30]  }
0x245: {  	v50 =	vmov s12;
	v53 =	vld [tilespmem:s29+$0xFFFFFF00];
	[tilespmem:v46+s18+$0x0] =	vst.idx.msk $0xffff, v33;
	v54 =	vadd.s32 v0, v37  }
0x246: {  	v40 =	vadd.s32 v22, v36;
	v35 =	vshrl.u32 v50, $0x3;
	v52 =	vld [tilespmem:s11+$0x50]  }
0x247: {  	v35 =	vshll.u32 v35, v1  }
0x248: {  	[tilespmem:v42+s18+$0x0] =	vst.idx.msk $0xffff, v41;
	v35 =	vbroadcast v35, $0x0  }
0x249: {  	v56 =	vadd.s32 v18, v49;
	v41 =	vld [tilespmem:s29+$0x10];
	[tilespmem:v34+s18+$0x0] =	vst.idx.msk $0xffff, v38  }
0x24a: {  	v44 =	vadd.s32 v5, v35;
	v43 =	vld [tilespmem:s11+$0xFFFFFF40];
	[tilespmem:v54+s18+$0x0] =	vst.idx.msk $0xffff, v53  }
0x24b: {  	v57 =	vadd.s32 v2, v37;
	[tilespmem:v40+s18+$0x0] =	vst.idx.msk $0xffff, v52;
	v34 =	vld [tilespmem:s29+$0xFFFFFF10]  }
0x24c: {  	v55 =	vadd.s32 v23, v36;
	v39 =	vld [tilespmem:s11+$0x60];
	_ =	sdelay $0x1  }
0x24d: {  	[tilespmem:v56+s18+$0x0] =	vst.idx.msk $0xffff, v41  }
0x24e: {  	v60 =	vadd.s32 v19, v49;
	v41 =	vld [tilespmem:s29+$0x20];
	[tilespmem:v44+s18+$0x0] =	vst.idx.msk $0xffff, v43  }
0x24f: {  	v58 =	vadd.s32 v6, v35;
	v43 =	vld [tilespmem:s11+$0xFFFFFF50];
	[tilespmem:v57+s18+$0x0] =	vst.idx.msk $0xffff, v34  }
0x250: {  	v62 =	vadd.s32 v3, v37;
	[tilespmem:v55+s18+$0x0] =	vst.idx.msk $0xffff, v39;
	v38 =	vld [tilespmem:s29+$0xFFFFFF20]  }
0x251: {  	s22 =	simm.s32 $0x6;
	v36 =	vadd.s32 v24, v36;
	v39 =	vld [tilespmem:s11+$0x70]  }
0x252: {  	v59 =	vmov s22  }
0x253: {  	[tilespmem:v60+s18+$0x0] =	vst.idx.msk $0xffff, v41;
	v40 =	vshrl.u32 v59, $0x3  }
0x254: {  	v33 =	vadd.s32 v20, v49;
	v41 =	vld [tilespmem:s29+$0x30];
	v61 =	vshll.u32 v40, v1;
	[tilespmem:v58+s18+$0x0] =	vst.idx.msk $0xffff, v43  }
0x255: {  	v63 =	vadd.s32 v7, v35;
	v34 =	vbroadcast v61, $0x0;
	v43 =	vld [tilespmem:s11+$0xFFFFFF60];
	[tilespmem:v62+s18+$0x0] =	vst.idx.msk $0xffff, v38  }
0x256: {  	v37 =	vadd.s32 v4, v37;
	[tilespmem:v36+s18+$0x0] =	vst.idx.msk $0xffff, v39;
	v40 =	vld [tilespmem:s29+$0xFFFFFF30]  }
0x257: {  	s15 =	simm.s32 $0x2;
	v45 =	vadd.s32 v25, v34;
	v36 =	vld [tilespmem:s11+$0x80]  }
0x258: {  	s4 =	simm.s32 $0xD;
	s12 =	simm.s32 $0x9;
	v50 =	vmov s15;
	v35 =	vadd.s32 v8, v35  }
0x259: {  	v46 =	vmov s4;
	v49 =	vmov s12;
	v54 =	vshrl.u32 v50, $0x3;
	[tilespmem:v33+s18+$0x0] =	vst.idx.msk $0xffff, v41  }
0x25a: {  	s31 =	simm.s32 $0x10;
	s19 =	simm.s32 $0x14;
	v47 =	vshrl.u32 v46, $0x3;
	v51 =	vshrl.u32 v49, $0x3;
	v33 =	vshll.u32 v54, v1;
	[tilespmem:v63+s18+$0x0] =	vst.idx.msk $0xffff, v43  }
0x25b: {  	v61 =	vmov s19;
	v58 =	vmov s31;
	v38 =	vshll.u32 v47, v1;
	v48 =	vld [tilespmem:s11+$0xFFFFFF70];
	[tilespmem:v37+s18+$0x0] =	vst.idx.msk $0xffff, v40  }
0x25c: {  	v55 =	vshll.u32 v51, v1;
	v37 =	vshrl.u32 v58, $0x3;
	[tilespmem:v45+s18+$0x0] =	vst.idx.msk $0xffff, v36;
	v36 =	vbroadcast v38, $0x0  }
0x25d: {  	v53 =	vadd.s32 v26, v34;
	v38 =	vbroadcast v55, $0x0;
	v37 =	vshll.u32 v37, v1;
	v52 =	vld [tilespmem:s11+$0x90]  }
0x25e: {  	v56 =	vld [tilespmem:s29+$0x40];
	v42 =	vshrl.u32 v61, $0x3;
	v37 =	vbroadcast v37, $0x0;
	v57 =	vadd.s32 v21, v36  }
0x25f: {  	s30 =	simm.s32 $0x6900;
	v33 =	vbroadcast v33, $0x0;
	v42 =	vshll.u32 v42, v1;
	v59 =	vld [tilespmem:s29+$0xFFFFFF40];
	v60 =	vadd.s32 v5, v38  }
0x260: {  	v41 =	vbroadcast v42, $0x0;
	v47 =	vld [tilespmem:s30+$0xFFFFFF00];
	[tilespmem:v35+s18+$0x0] =	vst.idx.msk $0xffff, v48;
	v48 =	vadd.s32 v0, v37  }
0x261: {  	v46 =	vadd.s32 v9, v33;
	v45 =	vld [tilespmem:s11+$0xFFFFFF80]  }
0x262: {  	[tilespmem:v53+s18+$0x0] =	vst.idx.msk $0xffff, v52;
	v52 =	vld [tilespmem:s30+$0x0];
	v53 =	vadd.s32 v17, v41  }
0x263: {  	v62 =	vadd.s32 v27, v34;
	v43 =	vld [tilespmem:s11+$0xA0];
	[tilespmem:v57+s18+$0x0] =	vst.idx.msk $0xffff, v56  }
0x264: {  	v63 =	vadd.s32 v22, v36;
	[tilespmem:v60+s18+$0x0] =	vst.idx.msk $0xffff, v59;
	v39 =	vld [tilespmem:s29+$0x50]  }
0x265: {  	v55 =	vadd.s32 v6, v38;
	v54 =	vld [tilespmem:s29+$0xFFFFFF50];
	[tilespmem:v48+s18+$0x0] =	vst.idx.msk $0xffff, v47  }
0x266: {  	v58 =	vadd.s32 v2, v37;
	[tilespmem:v46+s18+$0x0] =	vst.idx.msk $0xffff, v45;
	v47 =	vld [tilespmem:s30+$0xFFFFFF10]  }
0x267: {  	v50 =	vadd.s32 v10, v33;
	v49 =	vld [tilespmem:s11+$0xFFFFFF90];
	[tilespmem:v53+s18+$0x0] =	vst.idx.msk $0xffff, v52  }
0x268: {  	v60 =	vadd.s32 v18, v41;
	[tilespmem:v62+s18+$0x0] =	vst.idx.msk $0xffff, v43;
	v40 =	vld [tilespmem:s30+$0x10]  }
0x269: {  	s22 =	simm.s32 $0x7;
	v34 =	vadd.s32 v28, v34;
	v43 =	vld [tilespmem:s11+$0xB0];
	[tilespmem:v63+s18+$0x0] =	vst.idx.msk $0xffff, v39  }
0x26a: {  	v56 =	vmov s22;
	v57 =	vadd.s32 v23, v36;
	[tilespmem:v55+s18+$0x0] =	vst.idx.msk $0xffff, v54;
	v42 =	vld [tilespmem:s29+$0x60]  }
0x26b: {  	v61 =	vadd.s32 v7, v38;
	v39 =	vshrl.u32 v56, $0x3;
	v46 =	vld [tilespmem:s29+$0xFFFFFF60];
	[tilespmem:v58+s18+$0x0] =	vst.idx.msk $0xffff, v47  }
0x26c: {  	v59 =	vshll.u32 v39, v1;
	v47 =	vadd.s32 v3, v37;
	[tilespmem:v50+s18+$0x0] =	vst.idx.msk $0xffff, v49;
	v44 =	vld [tilespmem:s30+$0xFFFFFF20]  }
0x26d: {  	v63 =	vadd.s32 v11, v33;
	v39 =	vbroadcast v59, $0x0;
	v62 =	vld [tilespmem:s11+$0xFFFFFFA0];
	[tilespmem:v60+s18+$0x0] =	vst.idx.msk $0xffff, v40  }
0x26e: {  	v54 =	vadd.s32 v19, v41;
	[tilespmem:v34+s18+$0x0] =	vst.idx.msk $0xffff, v43;
	v45 =	vld [tilespmem:s30+$0x20]  }
0x26f: {  	v52 =	vadd.s32 v29, v39;
	v34 =	vld [tilespmem:s11+$0xC0];
	[tilespmem:v57+s18+$0x0] =	vst.idx.msk $0xffff, v42  }
0x270: {  	v36 =	vadd.s32 v24, v36;
	[tilespmem:v61+s18+$0x0] =	vst.idx.msk $0xffff, v46;
	v42 =	vld [tilespmem:s29+$0x70]  }
0x271: {  	s4 =	simm.s32 $0xE;
	v56 =	vadd.s32 v8, v38;
	v55 =	vld [tilespmem:s29+$0xFFFFFF70];
	[tilespmem:v47+s18+$0x0] =	vst.idx.msk $0xffff, v44  }
0x272: {  	s12 =	simm.s32 $0xA;
	v53 =	vmov s4;
	v33 =	vadd.s32 v12, v33;
	v41 =	vadd.s32 v20, v41;
	[tilespmem:v63+s18+$0x0] =	vst.idx.msk $0xffff, v62  }
0x273: {  	s15 =	simm.s32 $0x3;
	v37 =	vadd.s32 v4, v37;
	v59 =	vmov s12;
	v40 =	vshrl.u32 v53, $0x3;
	v58 =	vld [tilespmem:s11+$0xFFFFFFB0];
	[tilespmem:v54+s18+$0x0] =	vst.idx.msk $0xffff, v45  }
0x274: {  	v60 =	vmov s15;
	v57 =	vshll.u32 v40, v1;
	v61 =	vshrl.u32 v59, $0x3;
	v47 =	vld [tilespmem:s30+$0xFFFFFF30];
	[tilespmem:v52+s18+$0x0] =	vst.idx.msk $0xffff, v34  }
0x275: {  	s19 =	simm.s32 $0x11;
	v63 =	vadd.s32 v30, v39;
	v34 =	vbroadcast v57, $0x0;
	v52 =	vshll.u32 v61, v1;
	v62 =	vld [tilespmem:s11+$0xD0];
	[tilespmem:v36+s18+$0x0] =	vst.idx.msk $0xffff, v42  }
0x276: {  	v51 =	vshrl.u32 v60, $0x3;
	v54 =	vmov s19;
	v44 =	vbroadcast v52, $0x0;
	[tilespmem:v56+s18+$0x0] =	vst.idx.msk $0xffff, v55;
	v55 =	vld [tilespmem:s30+$0x30]  }
0x277: {  	v35 =	vshrl.u32 v54, $0x3;
	v36 =	vshll.u32 v51, v1;
	v42 =	vld [tilespmem:s29+$0x80];
	v53 =	vadd.s32 v25, v34  }
0x278: {  	s22 =	simm.s32 $0x15;
	v35 =	vshll.u32 v35, v1;
	v38 =	vbroadcast v36, $0x0;
	v57 =	vld [tilespmem:s29+$0xFFFFFF80];
	[tilespmem:v33+s18+$0x0] =	vst.idx.msk $0xffff, v58;
	v58 =	vadd.s32 v9, v44  }
0x279: {  	v59 =	vmov s22;
	v35 =	vbroadcast v35, $0x0;
	[tilespmem:v37+s18+$0x0] =	vst.idx.msk $0xffff, v47  }
0x27a: {  	v45 =	vshrl.u32 v59, $0x3;
	v60 =	vld [tilespmem:s11+$0xFFFFFFC0];
	v61 =	vadd.s32 v13, v38;
	[tilespmem:v63+s18+$0x0] =	vst.idx.msk $0xffff, v62  }
0x27b: {  	v45 =	vshll.u32 v45, v1;
	v56 =	vadd.s32 v5, v35;
	v63 =	vld [tilespmem:s30+$0xFFFFFF40];
	[tilespmem:v41+s18+$0x0] =	vst.idx.msk $0xffff, v55  }
0x27c: {  	s0 =	simm.s32 $0x18;
	v37 =	vbroadcast v45, $0x0;
	[tilespmem:v53+s18+$0x0] =	vst.idx.msk $0xffff, v42  }
0x27d: {  	v62 =	vadd.s32 v26, v34;
	v42 =	vld [tilespmem:s29+$0x90];
	[tilespmem:v58+s18+$0x0] =	vst.idx.msk $0xffff, v57;
	v58 =	vmov s0  }
0x27e: {  	v33 =	vld [tilespmem:s30+$0x40];
	v57 =	vadd.s32 v21, v37;
	v48 =	vshrl.u32 v58, $0x3  }
0x27f: {  	v41 =	vadd.s32 v10, v44;
	[tilespmem:v61+s18+$0x0] =	vst.idx.msk $0xffff, v60;
	v40 =	vld [tilespmem:s29+$0xFFFFFF90];
	v60 =	vshll.u32 v48, v1  }
0x280: {  	s15 =	simm.s32 $0x1C;
	v46 =	vadd.s32 v14, v38;
	v59 =	vld [tilespmem:s11+$0xFFFFFFD0];
	[tilespmem:v56+s18+$0x0] =	vst.idx.msk $0xffff, v63;
	v43 =	vbroadcast v60, $0x0  }
0x281: {  	s12 =	simm.s32 $0x6B00;
	v52 =	vmov s15;
	v53 =	vadd.s32 v6, v35;
	v56 =	vld [tilespmem:s30+$0xFFFFFF50]  }
0x282: {  	v51 =	vld [tilespmem:s12+$0xFFFFFF00];
	v61 =	vshrl.u32 v52, $0x3;
	[tilespmem:v62+s18+$0x0] =	vst.idx.msk $0xffff, v42;
	v58 =	vadd.s32 v0, v43  }
0x283: {  	v48 =	vshll.u32 v61, v1;
	v63 =	vadd.s32 v27, v34;
	[tilespmem:v57+s18+$0x0] =	vst.idx.msk $0xffff, v33;
	v62 =	vld [tilespmem:s29+$0xA0]  }
0x284: {  	v48 =	vbroadcast v48, $0x0;
	v57 =	vadd.s32 v22, v37;
	v33 =	vld [tilespmem:s30+$0x50];
	[tilespmem:v41+s18+$0x0] =	vst.idx.msk $0xffff, v40  }
0x285: {  	[tilespmem:v46+s18+$0x0] =	vst.idx.msk $0xffff, v59  }
0x286: {  	v60 =	vadd.s32 v17, v48;
	v59 =	vld [tilespmem:s12+$0x0];
	[tilespmem:v53+s18+$0x0] =	vst.idx.msk $0xffff, v56  }
0x287: {  	v61 =	vadd.s32 v11, v44;
	v41 =	vld [tilespmem:s29+$0xFFFFFFA0];
	[tilespmem:v58+s18+$0x0] =	vst.idx.msk $0xffff, v51  }
0x288: {  	[tilespmem:v63+s18+$0x0] =	vst.idx.msk $0xffff, v62;
	v62 =	vld [tilespmem:s30+$0xFFFFFF60];
	v63 =	vadd.s32 v7, v35  }
0x289: {  	[tilespmem:v57+s18+$0x0] =	vst.idx.msk $0xffff, v33;
	v51 =	vld [tilespmem:s12+$0xFFFFFF10];
	v57 =	vadd.s32 v2, v43  }
0x28a: {  	v34 =	vadd.s32 v28, v34;
	v47 =	vld [tilespmem:s29+$0xB0]  }
0x28b: {  	s4 =	simm.s32 $0xF;
	v56 =	vadd.s32 v23, v37;
	v36 =	vld [tilespmem:s30+$0x60];
	[tilespmem:v60+s18+$0x0] =	vst.idx.msk $0xffff, v59  }
0x28c: {  	v55 =	vmov s4;
	v49 =	vld [tilespmem:s11+$0xE0];
	v42 =	vadd.s32 v31, v39;
	[tilespmem:v61+s18+$0x0] =	vst.idx.msk $0xffff, v41  }
0x28d: {  	v58 =	vadd.s32 v18, v48;
	v33 =	vshrl.u32 v55, $0x3;
	v46 =	vld [tilespmem:s12+$0x10];
	[tilespmem:v63+s18+$0x0] =	vst.idx.msk $0xffff, v62  }
0x28e: {  	v33 =	vshll.u32 v33, v1;
	v59 =	vadd.s32 v12, v44;
	v41 =	vld [tilespmem:s29+$0xFFFFFFB0];
	[tilespmem:v57+s18+$0x0] =	vst.idx.msk $0xffff, v51  }
0x28f: {  	s19 =	simm.s32 $0x12;
	v33 =	vbroadcast v33, $0x0;
	v62 =	vadd.s32 v8, v35;
	[tilespmem:v34+s18+$0x0] =	vst.idx.msk $0xffff, v47;
	v61 =	vld [tilespmem:s30+$0xFFFFFF70]  }
0x290: {  	v63 =	vmov s19;
	[tilespmem:v56+s18+$0x0] =	vst.idx.msk $0xffff, v36;
	v51 =	vld [tilespmem:s12+$0xFFFFFF20];
	v56 =	vadd.s32 v3, v43  }
0x291: {  	[tilespmem:v42+s18+$0x0] =	vst.idx.msk $0xffff, v49;
	v60 =	vadd.s32 v29, v33;
	v35 =	vshrl.u32 v63, $0x3;
	v34 =	vld [tilespmem:s29+$0xC0]  }
0x292: {  	s22 =	simm.s32 $0x16;
	v37 =	vadd.s32 v24, v37;
	v40 =	vld [tilespmem:s30+$0x70];
	[tilespmem:v58+s18+$0x0] =	vst.idx.msk $0xffff, v46;
	v35 =	vshll.u32 v35, v1  }
0x293: {  	v45 =	vld [tilespmem:s11+$0xFFFFFFE0];
	v57 =	vmov s22;
	[tilespmem:v59+s18+$0x0] =	vst.idx.msk $0xffff, v41;
	v59 =	vadd.s32 v15, v38;
	v35 =	vbroadcast v35, $0x0  }
0x294: {  	v36 =	vshrl.u32 v57, $0x3;
	v58 =	vadd.s32 v19, v48;
	v46 =	vld [tilespmem:s12+$0x20];
	[tilespmem:v62+s18+$0x0] =	vst.idx.msk $0xffff, v61  }
0x295: {  	v36 =	vshll.u32 v36, v1;
	v63 =	vadd.s32 v9, v35;
	[tilespmem:v56+s18+$0x0] =	vst.idx.msk $0xffff, v51;
	v47 =	vld [tilespmem:s30+$0xFFFFFF80]  }
0x296: {  	v43 =	vadd.s32 v4, v43;
	v36 =	vbroadcast v36, $0x0;
	[tilespmem:v60+s18+$0x0] =	vst.idx.msk $0xffff, v34;
	v52 =	vld [tilespmem:s12+$0xFFFFFF30]  }
0x297: {  	s4 =	simm.s32 $0xB;
	v62 =	vadd.s32 v30, v33;
	[tilespmem:v37+s18+$0x0] =	vst.idx.msk $0xffff, v40;
	v61 =	vld [tilespmem:s29+$0xD0]  }
0x298: {  	v57 =	vadd.s32 v25, v36;
	v60 =	vmov s4;
	[tilespmem:v59+s18+$0x0] =	vst.idx.msk $0xffff, v45;
	v40 =	vld [tilespmem:s30+$0x80]  }
0x299: {  	v34 =	vshrl.u32 v60, $0x3;
	[tilespmem:v58+s18+$0x0] =	vst.idx.msk $0xffff, v46  }
0x29a: {  	s19 =	simm.s32 $0x19;
	v53 =	vld [tilespmem:s29+$0xFFFFFFC0];
	v34 =	vshll.u32 v34, v1;
	[tilespmem:v63+s18+$0x0] =	vst.idx.msk $0xffff, v47  }
0x29b: {  	s22 =	simm.s32 $0x1D;
	v59 =	vmov s19;
	v58 =	vadd.s32 v20, v48;
	v46 =	vld [tilespmem:s12+$0x30];
	v34 =	vbroadcast v34, $0x0;
	[tilespmem:v43+s18+$0x0] =	vst.idx.msk $0xffff, v52  }
0x29c: {  	v55 =	vadd.s32 v16, v38;
	v54 =	vld [tilespmem:s11+$0xFFFFFFF0];
	[tilespmem:v62+s18+$0x0] =	vst.idx.msk $0xffff, v61;
	v61 =	vshrl.u32 v59, $0x3;
	v62 =	vmov s22  }
0x29d: {  	v60 =	vadd.s32 v13, v34;
	[tilespmem:v57+s18+$0x0] =	vst.idx.msk $0xffff, v40;
	v40 =	vld [tilespmem:s11+$0xF0];
	v63 =	vshll.u32 v61, v1;
	v42 =	vshrl.u32 v62, $0x3  }
0x29e: {  	v39 =	vadd.s32 v32, v39;
	v48 =	vld [tilespmem:s12+$0xFFFFFF40];
	v41 =	vbroadcast v63, $0x0;
	v42 =	vshll.u32 v42, v1  }
0x29f: {  	v44 =	vadd.s32 v26, v36;
	v43 =	vld [tilespmem:s30+$0x90];
	v42 =	vbroadcast v42, $0x0  }
0x2a0: {  	v45 =	vld [tilespmem:s30+$0xFFFFFF90];
	[tilespmem:v58+s18+$0x0] =	vst.idx.msk $0xffff, v46;
	v50 =	vadd.s32 v5, v41  }
0x2a1: {  	[tilespmem:v55+s18+$0x0] =	vst.idx.msk $0xffff, v54;
	v47 =	vld [tilespmem:s12+$0x40];
	v49 =	vadd.s32 v21, v42  }
0x2a2: {  	s19 =	simm.s32 $0x6;
	v38 =	vadd.s32 v14, v34;
	s22 =	simm.s32 $0x20;
	s11 =	simm.s32 $0x6B00;
	v37 =	vld [tilespmem:s29+$0xE0];
	v46 =	vadd.s32 v10, v35;
	[tilespmem:v60+s18+$0x0] =	vst.idx.msk $0xffff, v53  }
.LBB2_11:
0x2a3: {  	v51 =	vmov s22;
	s15 =	sadd.s32 $0x4, s22;
	s19 =	sadd.s32 $0x2, s19;
	s12 =	sadd.s32 $0x200, s12;
	v52 =	vld [tilespmem:s29+$0xFFFFFFD0];
	[tilespmem:v39+s18+$0x0] =	vst.idx.msk $0xffff, v40  }
0x2a4: {  	v39 =	vld [tilespmem:s12+$0xFFFFFF00];
	v40 =	vshrl.u32 v51, $0x3;
	v51 =	vmov s15;
	p1 =	slt.u32 s19, $0x1E;
	[tilespmem:v44+s18+$0x0] =	vst.idx.msk $0xffff, v43;
	v43 =	vadd.s32 v31, v33  }
0x2a5: {  	v40 =	vshll.u32 v40, v1;
	v44 =	vshrl.u32 v51, $0x3;
	[tilespmem:v50+s18+$0x0] =	vst.idx.msk $0xffff, v48;
	v48 =	vld [tilespmem:s30+$0xA0];
	v50 =	vadd.s32 v27, v36  }
0x2a6: {  	v53 =	vadd.s32 v6, v41;
	v40 =	vbroadcast v40, $0x0;
	v44 =	vshll.u32 v44, v1;
	v51 =	vld [tilespmem:s11+$0xFFFFFF50];
	[tilespmem:v49+s18+$0x0] =	vst.idx.msk $0xffff, v47  }
0x2a7: {  	v49 =	vadd.s32 v22, v42;
	v44 =	vbroadcast v44, $0x0;
	v47 =	vld [tilespmem:s11+$0x50];
	[tilespmem:v46+s18+$0x0] =	vst.idx.msk $0xffff, v45  }
0x2a8: {  	v45 =	vadd.s32 v0, v40;
	v46 =	vld [tilespmem:s30+$0xFFFFFFA0];
	[tilespmem:v38+s18+$0x0] =	vst.idx.msk $0xffff, v52  }
0x2a9: {  	v38 =	vld [tilespmem:s12+$0x0];
	v52 =	vadd.s32 v17, v44;
	[tilespmem:v43+s18+$0x0] =	vst.idx.msk $0xffff, v37  }
0x2aa: {  	v37 =	vadd.s32 v11, v35;
	[tilespmem:v50+s18+$0x0] =	vst.idx.msk $0xffff, v48;
	v43 =	vld [tilespmem:s29+$0xFFFFFFE0]  }
0x2ab: {  	s15 =	sadd.s32 $0x7, s31;
	v36 =	vadd.s32 v28, v36;
	[tilespmem:v53+s18+$0x0] =	vst.idx.msk $0xffff, v51;
	v48 =	vld [tilespmem:s30+$0xB0]  }
0x2ac: {  	v51 =	vadd.s32 v7, v41;
	v50 =	vld [tilespmem:s11+$0xFFFFFF60];
	[tilespmem:v49+s18+$0x0] =	vst.idx.msk $0xffff, v47;
	v47 =	vmov s15  }
0x2ad: {  	[tilespmem:v45+s18+$0x0] =	vst.idx.msk $0xffff, v39;
	v39 =	vld [tilespmem:s11+$0x60];
	v45 =	vadd.s32 v23, v42;
	v47 =	vshrl.u32 v47, $0x3  }
0x2ae: {  	v53 =	vadd.s32 v2, v40;
	v49 =	vld [tilespmem:s12+$0xFFFFFF10];
	[tilespmem:v52+s18+$0x0] =	vst.idx.msk $0xffff, v38;
	v38 =	vshll.u32 v47, v1  }
0x2af: {  	v52 =	vadd.s32 v18, v44;
	v47 =	vld [tilespmem:s12+$0x10];
	[tilespmem:v37+s18+$0x0] =	vst.idx.msk $0xffff, v46;
	v46 =	vbroadcast v38, $0x0  }
0x2b0: {  	v35 =	vadd.s32 v12, v35;
	s15 =	sadd.s32 $0x3, s31;
	s31 =	smov.u32 s0;
	s0 =	smov.u32 s22;
	v37 =	vld [tilespmem:s30+$0xFFFFFFB0];
	[tilespmem:v36+s18+$0x0] =	vst.idx.msk $0xffff, v48  }
0x2b1: {  	v36 =	vmov s15;
	[tilespmem:v51+s18+$0x0] =	vst.idx.msk $0xffff, v50;
	v38 =	vld [tilespmem:s30+$0xC0];
	v48 =	vadd.s32 v29, v46  }
0x2b2: {  	v41 =	vadd.s32 v8, v41;
	s15 =	sadd.s32 $0x2, s31;
	v36 =	vshrl.u32 v36, $0x3;
	v50 =	vld [tilespmem:s11+$0xFFFFFF70];
	[tilespmem:v45+s18+$0x0] =	vst.idx.msk $0xffff, v39;
	v39 =	vadd.s32 v15, v34  }
0x2b3: {  	v42 =	vadd.s32 v24, v42;
	v45 =	vmov s15;
	s15 =	sadd.s32 $0x6, s31;
	v36 =	vshll.u32 v36, v1;
	[tilespmem:v53+s18+$0x0] =	vst.idx.msk $0xffff, v49;
	v49 =	vld [tilespmem:s11+$0x70]  }
0x2b4: {  	v53 =	vadd.s32 v3, v40;
	v45 =	vshrl.u32 v45, $0x3;
	v51 =	vld [tilespmem:s12+$0xFFFFFF20];
	[tilespmem:v52+s18+$0x0] =	vst.idx.msk $0xffff, v47;
	v47 =	vmov s15  }
0x2b5: {  	v54 =	vadd.s32 v19, v44;
	v45 =	vshll.u32 v45, v1;
	v52 =	vld [tilespmem:s12+$0x20];
	v47 =	vshrl.u32 v47, $0x3;
	[tilespmem:v35+s18+$0x0] =	vst.idx.msk $0xffff, v37  }
0x2b6: {  	v35 =	vbroadcast v45, $0x0;
	v37 =	vshll.u32 v47, v1;
	v45 =	vld [tilespmem:s30+$0xFFFFFFC0];
	v47 =	vbroadcast v36, $0x0;
	[tilespmem:v48+s18+$0x0] =	vst.idx.msk $0xffff, v38  }
0x2b7: {  	[tilespmem:v41+s18+$0x0] =	vst.idx.msk $0xffff, v50;
	v36 =	vbroadcast v37, $0x0;
	v37 =	vld [tilespmem:s30+$0xD0];
	v41 =	vadd.s32 v30, v46  }
0x2b8: {  	v50 =	vadd.s32 v9, v35;
	v48 =	vld [tilespmem:s11+$0xFFFFFF80];
	[tilespmem:v42+s18+$0x0] =	vst.idx.msk $0xffff, v49;
	v38 =	vadd.s32 v14, v47  }
0x2b9: {  	[tilespmem:v53+s18+$0x0] =	vst.idx.msk $0xffff, v51;
	v42 =	vld [tilespmem:s11+$0x80];
	v49 =	vadd.s32 v25, v36  }
0x2ba: {  	s15 =	sadd.s32 $0x1, s22;
	v53 =	vadd.s32 v4, v40;
	v51 =	vld [tilespmem:s12+$0xFFFFFF30];
	[tilespmem:v54+s18+$0x0] =	vst.idx.msk $0xffff, v52  }
0x2bb: {  	v40 =	vmov s15;
	s15 =	sadd.s32 $0x5, s22;
	v54 =	vadd.s32 v20, v44;
	v52 =	vld [tilespmem:s12+$0x30];
	[tilespmem:v39+s18+$0x0] =	vst.idx.msk $0xffff, v43  }
0x2bc: {  	v55 =	vadd.s32 v13, v47;
	v39 =	vshrl.u32 v40, $0x3;
	v40 =	vmov s15;
	[tilespmem:v41+s18+$0x0] =	vst.idx.msk $0xffff, v37;
	v56 =	vld [tilespmem:s29+$0xFFFFFFF0]  }
0x2bd: {  	v57 =	vadd.s32 v16, v34;
	v39 =	vshll.u32 v39, v1;
	v40 =	vshrl.u32 v40, $0x3;
	[tilespmem:v50+s18+$0x0] =	vst.idx.msk $0xffff, v48;
	v37 =	vld [tilespmem:s30+$0xE0]  }
.Ltmp6:
0x2be: {  	v41 =	vbroadcast v39, $0x0;
	v48 =	vshll.u32 v40, v1;
	v39 =	vadd.s32 v32, v33;
	[tilespmem:v49+s18+$0x0] =	vst.idx.msk $0xffff, v42;
	v40 =	vld [tilespmem:s29+$0xF0];
	s29 =	smov.u32 s30;
	s30 =	smov.u32 s11;
	(pc) =	sbr.rel @p1 .LBB2_11-.Ltmp6, $4  }
0x2bf: {  	v34 =	vmovc v47;
	v44 =	vadd.s32 v26, v36;
	v33 =	vmov v46;
	v42 =	vbroadcast v48, $0x0;
	s11 =	smov.u32 s12;
	[tilespmem:v53+s18+$0x0] =	vst.idx.msk $0xffff, v51;
	v43 =	vld [tilespmem:s30+$0x90]  }
0x2c0: {  	v50 =	vadd.s32 v5, v41;
	v48 =	vld [tilespmem:s12+$0xFFFFFF40];
	[tilespmem:v54+s18+$0x0] =	vst.idx.msk $0xffff, v52  }
0x2c1: {  	v49 =	vadd.s32 v21, v42;
	v47 =	vld [tilespmem:s12+$0x40];
	[tilespmem:v55+s18+$0x0] =	vst.idx.msk $0xffff, v45  }
0x2c2: {  	s22 =	sadd.s32 $0x8, s22;
	v46 =	vadd.s32 v10, v35;
	v45 =	vld [tilespmem:s30+$0xFFFFFF90];
	[tilespmem:v57+s18+$0x0] =	vst.idx.msk $0xffff, v56  }
0x2c3: {  	_ =	sdelay $0x3  }
0x2c4: {  	[tilespmem:v50+s18+$0x0] =	vst.idx.msk $0xffff, v48  }
0x2c5: {  	v62 =	vadd.s32 v6, v41;
	v48 =	vld [tilespmem:s11+$0xFFFFFF50];
	[tilespmem:v49+s18+$0x0] =	vst.idx.msk $0xffff, v47  }
0x2c6: {  	v63 =	vadd.s32 v22, v42;
	v47 =	vld [tilespmem:s11+$0x50];
	_ =	sdelay $0x3  }
0x2c7: {  	[tilespmem:v62+s18+$0x0] =	vst.idx.msk $0xffff, v48  }
0x2c8: {  	v52 =	vadd.s32 v7, v41;
	v48 =	vld [tilespmem:s11+$0xFFFFFF60];
	[tilespmem:v63+s18+$0x0] =	vst.idx.msk $0xffff, v47  }
0x2c9: {  	v53 =	vadd.s32 v23, v42;
	v47 =	vld [tilespmem:s11+$0x60];
	_ =	sdelay $0x3  }
0x2ca: {  	[tilespmem:v52+s18+$0x0] =	vst.idx.msk $0xffff, v48  }
0x2cb: {  	v54 =	vadd.s32 v8, v41;
	s12 =	sadd.s32 $0x2, s0;
	v48 =	vld [tilespmem:s11+$0xFFFFFF70];
	[tilespmem:v53+s18+$0x0] =	vst.idx.msk $0xffff, v47  }
0x2cc: {  	v56 =	vadd.s32 v24, v42;
	s22 =	sadd.s32 $0x6, s0;
	v55 =	vmov s12;
	v49 =	vld [tilespmem:s11+$0x70]  }
0x2cd: {  	v57 =	vmov s22;
	v47 =	vshrl.u32 v55, $0x3  }
0x2ce: {  	v50 =	vshrl.u32 v57, $0x3;
	v47 =	vshll.u32 v47, v1  }
0x2cf: {  	v50 =	vshll.u32 v50, v1;
	v47 =	vbroadcast v47, $0x0  }
0x2d0: {  	v41 =	vbroadcast v50, $0x0;
	[tilespmem:v54+s18+$0x0] =	vst.idx.msk $0xffff, v48  }
0x2d1: {  	v58 =	vadd.s32 v9, v47;
	v48 =	vld [tilespmem:s11+$0xFFFFFF80];
	[tilespmem:v56+s18+$0x0] =	vst.idx.msk $0xffff, v49  }
0x2d2: {  	v59 =	vadd.s32 v25, v41;
	v42 =	vld [tilespmem:s11+$0x80];
	_ =	sdelay $0x3  }
0x2d3: {  	[tilespmem:v58+s18+$0x0] =	vst.idx.msk $0xffff, v48  }
0x2d4: {  	v61 =	vadd.s32 v10, v47;
	[tilespmem:v59+s18+$0x0] =	vst.idx.msk $0xffff, v42;
	v60 =	vld [tilespmem:s11+$0xFFFFFF90]  }
0x2d5: {  	v62 =	vadd.s32 v26, v41;
	v49 =	vld [tilespmem:s11+$0x90];
	_ =	sdelay $0x1  }
0x2d6: {  	[tilespmem:v46+s18+$0x0] =	vst.idx.msk $0xffff, v45  }
0x2d7: {  	[tilespmem:v44+s18+$0x0] =	vst.idx.msk $0xffff, v43;
	v63 =	vld [tilespmem:s30+$0xFFFFFFA0];
	v52 =	vadd.s32 v11, v35  }
0x2d8: {  	v53 =	vld [tilespmem:s30+$0xA0];
	v54 =	vadd.s32 v27, v36;
	[tilespmem:v61+s18+$0x0] =	vst.idx.msk $0xffff, v60  }
0x2d9: {  	v55 =	vadd.s32 v11, v47;
	[tilespmem:v62+s18+$0x0] =	vst.idx.msk $0xffff, v49;
	v42 =	vld [tilespmem:s11+$0xFFFFFFA0]  }
0x2da: {  	v56 =	vadd.s32 v27, v41;
	v49 =	vld [tilespmem:s11+$0xA0];
	_ =	sdelay $0x1  }
0x2db: {  	s4 =	sadd.s32 $0x7, s31;
	[tilespmem:v52+s18+$0x0] =	vst.idx.msk $0xffff, v63  }
0x2dc: {  	s15 =	sadd.s32 $0x3, s31;
	v57 =	vmov s4;
	v44 =	vld [tilespmem:s30+$0xFFFFFFB0];
	[tilespmem:v54+s18+$0x0] =	vst.idx.msk $0xffff, v53;
	v58 =	vadd.s32 v12, v35  }
0x2dd: {  	v43 =	vshrl.u32 v57, $0x3;
	v45 =	vld [tilespmem:s30+$0xB0];
	v59 =	vadd.s32 v28, v36;
	v60 =	vmov s15;
	[tilespmem:v55+s18+$0x0] =	vst.idx.msk $0xffff, v42  }
0x2de: {  	s19 =	sadd.s32 $0x3, s0;
	v47 =	vadd.s32 v12, v47;
	v41 =	vadd.s32 v28, v41;
	v62 =	vshrl.u32 v60, $0x3;
	[tilespmem:v56+s18+$0x0] =	vst.idx.msk $0xffff, v49;
	v63 =	vld [tilespmem:s11+$0xFFFFFFB0]  }
0x2df: {  	s22 =	sadd.s32 $0x7, s0;
	v53 =	vmov s19;
	v61 =	vshll.u32 v43, v1;
	v43 =	vshll.u32 v62, v1;
	v52 =	vld [tilespmem:s11+$0xB0]  }
0x2e0: {  	v54 =	vmov s22;
	v43 =	vbroadcast v43, $0x0;
	v49 =	vshrl.u32 v53, $0x3  }
0x2e1: {  	[tilespmem:v58+s18+$0x0] =	vst.idx.msk $0xffff, v44;
	v42 =	vbroadcast v61, $0x0;
	v55 =	vshrl.u32 v54, $0x3;
	v56 =	vshll.u32 v49, v1  }
0x2e2: {  	[tilespmem:v59+s18+$0x0] =	vst.idx.msk $0xffff, v45;
	v57 =	vld [tilespmem:s30+$0xFFFFFFC0];
	v58 =	vadd.s32 v13, v43;
	v35 =	vshll.u32 v55, v1;
	v44 =	vbroadcast v56, $0x0  }
0x2e3: {  	v59 =	vld [tilespmem:s30+$0xC0];
	v60 =	vadd.s32 v29, v42;
	v35 =	vbroadcast v35, $0x0;
	[tilespmem:v47+s18+$0x0] =	vst.idx.msk $0xffff, v63  }
0x2e4: {  	v62 =	vadd.s32 v13, v44;
	[tilespmem:v41+s18+$0x0] =	vst.idx.msk $0xffff, v52;
	v61 =	vld [tilespmem:s11+$0xFFFFFFC0]  }
0x2e5: {  	v54 =	vadd.s32 v29, v35;
	v63 =	vld [tilespmem:s11+$0xC0]  }
0x2e6: {  	v51 =	vld [tilespmem:s29+$0xFFFFFFD0]  }
0x2e7: {  	[tilespmem:v58+s18+$0x0] =	vst.idx.msk $0xffff, v57  }
0x2e8: {  	v55 =	vadd.s32 v14, v43;
	v45 =	vld [tilespmem:s30+$0xFFFFFFD0];
	[tilespmem:v60+s18+$0x0] =	vst.idx.msk $0xffff, v59  }
0x2e9: {  	v56 =	vadd.s32 v30, v42;
	v49 =	vld [tilespmem:s30+$0xD0];
	[tilespmem:v62+s18+$0x0] =	vst.idx.msk $0xffff, v61  }
0x2ea: {  	v57 =	vadd.s32 v14, v44;
	[tilespmem:v54+s18+$0x0] =	vst.idx.msk $0xffff, v63;
	v46 =	vld [tilespmem:s11+$0xFFFFFFD0]  }
0x2eb: {  	[tilespmem:v38+s18+$0x0] =	vst.idx.msk $0xffff, v51;
	v59 =	vadd.s32 v30, v35;
	v58 =	vld [tilespmem:s11+$0xD0]  }
0x2ec: {  	[tilespmem:v39+s18+$0x0] =	vst.idx.msk $0xffff, v40;
	v60 =	vld [tilespmem:s29+$0xFFFFFFE0];
	v61 =	vadd.s32 v15, v34  }
0x2ed: {  	[tilespmem:v55+s18+$0x0] =	vst.idx.msk $0xffff, v45;
	v62 =	vadd.s32 v31, v33  }
0x2ee: {  	v36 =	vld [tilespmem:s30+$0xFFFFFFE0];
	[tilespmem:v56+s18+$0x0] =	vst.idx.msk $0xffff, v49;
	v63 =	vadd.s32 v15, v43  }
0x2ef: {  	v52 =	vadd.s32 v31, v42;
	v49 =	vld [tilespmem:s30+$0xE0];
	[tilespmem:v57+s18+$0x0] =	vst.idx.msk $0xffff, v46  }
0x2f0: {  	v54 =	vadd.s32 v15, v44;
	[tilespmem:v59+s18+$0x0] =	vst.idx.msk $0xffff, v58;
	v53 =	vld [tilespmem:s11+$0xFFFFFFE0]  }
0x2f1: {  	v56 =	vadd.s32 v31, v35;
	[tilespmem:v61+s18+$0x0] =	vst.idx.msk $0xffff, v60;
	v55 =	vld [tilespmem:s11+$0xE0]  }
0x2f2: {  	[tilespmem:v62+s18+$0x0] =	vst.idx.msk $0xffff, v37;
	v57 =	vld [tilespmem:s29+$0xFFFFFFF0];
	v58 =	vadd.s32 v16, v34  }
0x2f3: {  	v60 =	vadd.s32 v32, v33;
	[tilespmem:v63+s18+$0x0] =	vst.idx.msk $0xffff, v36;
	v59 =	vld [tilespmem:s29+$0xF0]  }
0x2f4: {  	v43 =	vadd.s32 v16, v43;
	[tilespmem:v52+s18+$0x0] =	vst.idx.msk $0xffff, v49;
	v36 =	vld [tilespmem:s30+$0xFFFFFFF0]  }
0x2f5: {  	v42 =	vadd.s32 v32, v42;
	v61 =	vld [tilespmem:s30+$0xF0];
	[tilespmem:v54+s18+$0x0] =	vst.idx.msk $0xffff, v53  }
0x2f6: {  	v62 =	vadd.s32 v16, v44;
	[tilespmem:v56+s18+$0x0] =	vst.idx.msk $0xffff, v55;
	v38 =	vld [tilespmem:s11+$0xFFFFFFF0]  }
0x2f7: {  	v35 =	vadd.s32 v32, v35;
	s29 =	sshll.u32 s28, $0x1;
	[tilespmem:v58+s18+$0x0] =	vst.idx.msk $0xffff, v57;
	v63 =	vld [tilespmem:s11+$0xF0]  }
0x2f8: {  	s31 =	sadd.s32 $0x2, s29;
	[tilespmem:v60+s18+$0x0] =	vst.idx.msk $0xffff, v59  }
0x2f9: {  	s4 =	sshll.u32 s31, $0xF;
	s0 =	sand.u32 $0x2, s31;
	[tilespmem:v43+s18+$0x0] =	vst.idx.msk $0xffff, v36  }
0x2fa: {  	s0 =	sor.u32 s6, s0;
	[tilespmem:v42+s18+$0x0] =	vst.idx.msk $0xffff, v61;
	s11 =	sand.u32 $0xFE0000, s4  }
0x2fb: {  	s0 =	sshll.u32 s0, $0x7;
	s11 =	sadd.s32 s1, s11;
	[tilespmem:v62+s18+$0x0] =	vst.idx.msk $0xffff, v38  }
0x2fc: {  	s12 =	simm.s32 $0xA400;
	s11 =	sadd.s32 s0, s11;
	[tilespmem:v35+s18+$0x0] =	vst.idx.msk $0xffff, v63  }
0x2fd: {  	[hbm4b:s11+s3] =	stream.linear.scatter [tilespmem:s12], [sflag:$0x3], $0x80, $0x38;
	[tilespmem:$0xF000] =	vst v63  }
0x2fe: {  	s15 =	simm.s32 $0xA488;
	s19 =	sadd.s32 $0x10, s11  }
0x2ff: {  	[hbm4b:s19+s3] =	stream.linear.scatter [tilespmem:s15], [sflag:$0x3], $0x80, $0x38;
	[tilespmem:$0xF000] =	vst v63  }
0x300: {  	s22 =	simm.s32 $0xA510;
	s31 =	simm.s32 $0xA598;
	s30 =	sadd.s32 $0x20, s11  }
0x301: {  	[hbm4b:s30+s3] =	stream.linear.scatter [tilespmem:s22], [sflag:$0x3], $0x80, $0x38;
	[tilespmem:$0xF000] =	vst v63  }
0x302: {  	s0 =	simm.s32 $0x440;
	s4 =	sadd.s32 $0x30, s11;
	s12 =	simm.s32 $0xA620  }
0x303: {  	[hbm4b:s4+s3] =	stream.linear.scatter [tilespmem:s31], [sflag:$0x3], $0x80, $0x38;
	[tilespmem:$0xF000] =	vst v63  }
0x304: {  	s15 =	sadd.s32 $0x40, s11;
	s19 =	simm.s32 $0xA6A8;
	s22 =	sadd.s32 $0x50, s11  }
0x305: {  	[hbm4b:s15+s3] =	stream.linear.scatter [tilespmem:s12], [sflag:$0x3], $0x80, $0x38;
	[tilespmem:$0xF000] =	vst v63  }
0x306: {  	s30 =	simm.s32 $0xA730;
	s31 =	sadd.s32 $0x60, s11;
	s12 =	simm.s32 $0x2200  }
0x307: {  	[hbm4b:s22+s3] =	stream.linear.scatter [tilespmem:s19], [sflag:$0x3], $0x80, $0x38;
	[tilespmem:$0xF000] =	vst v63  }
0x308: {  	s15 =	simm.s32 $0xA7B8;
	s19 =	sadd.s32 $0x70, s11;
	s11 =	sadd.s32 $0x4000, s11  }
0x309: {  	[hbm4b:s31+s3] =	stream.linear.scatter [tilespmem:s30], [sflag:$0x3], $0x80, $0x38;
	[tilespmem:$0xF000] =	vst v63  }
.LBB2_13:
0x30a: {  	[hbm4b:s19+s3] =	stream.linear.scatter [tilespmem:s15], [sflag:$0x3], $0x80, $0x38;
	[tilespmem:$0xF000] =	vst v63  }
0x30b: {  	s15 =	smov.u32 s0;
	s0 =	smov.u32 s12  }
0x30c: {  	s22 =	sadd.s32 $0x1100, s12;
	s0 =	sshra.s32 s0, $0x2;
	s19 =	sadd.s32 $0xA400, s15  }
0x30d: {  	[hbm4b:s11+s3] =	stream.linear.scatter [tilespmem:s19], [sflag:$0x3], $0x80, $0x38;
	[tilespmem:$0xF000] =	vst v63  }
0x30e: {  	p1 =	sne.s32 s12, $0x7700;
	s12 =	sadd.s32 $0xA488, s15;
	s19 =	sadd.s32 $0x10, s11  }
0x30f: {  	[hbm4b:s19+s3] =	stream.linear.scatter [tilespmem:s12], [sflag:$0x3], $0x80, $0x38;
	[tilespmem:$0xF000] =	vst v63  }
0x310: {  	s12 =	sadd.s32 $0xA510, s15;
	s19 =	sadd.s32 $0x20, s11  }
0x311: {  	[hbm4b:s19+s3] =	stream.linear.scatter [tilespmem:s12], [sflag:$0x3], $0x80, $0x38;
	[tilespmem:$0xF000] =	vst v63  }
0x312: {  	s12 =	sadd.s32 $0xA598, s15;
	s19 =	sadd.s32 $0x30, s11  }
0x313: {  	[hbm4b:s19+s3] =	stream.linear.scatter [tilespmem:s12], [sflag:$0x3], $0x80, $0x38;
	[tilespmem:$0xF000] =	vst v63  }
0x314: {  	s12 =	sadd.s32 $0xA620, s15;
	s19 =	sadd.s32 $0x40, s11  }
0x315: {  	[hbm4b:s19+s3] =	stream.linear.scatter [tilespmem:s12], [sflag:$0x3], $0x80, $0x38;
	[tilespmem:$0xF000] =	vst v63  }
.Ltmp7:
0x316: {  	s12 =	sadd.s32 $0xA6A8, s15;
	s19 =	sadd.s32 $0x50, s11;
	(pc) =	sbr.rel @p1 .LBB2_13-.Ltmp7, $4  }
0x317: {  	[hbm4b:s19+s3] =	stream.linear.scatter [tilespmem:s12], [sflag:$0x3], $0x80, $0x38;
	[tilespmem:$0xF000] =	vst v63  }
0x318: {  	s12 =	sadd.s32 $0xA730, s15;
	s19 =	sadd.s32 $0x60, s11;
	s15 =	sadd.s32 $0xA7B8, s15  }
0x319: {  	[hbm4b:s19+s3] =	stream.linear.scatter [tilespmem:s12], [sflag:$0x3], $0x80, $0x38;
	[tilespmem:$0xF000] =	vst v63  }
0x31a: {  	s19 =	sadd.s32 $0x70, s11;
	s11 =	sadd.s32 $0x4000, s11;
	s12 =	smov.u32 s22  }
0x31b: {  	[hbm4b:s19+s3] =	stream.linear.scatter [tilespmem:s15], [sflag:$0x3], $0x80, $0x38;
	[tilespmem:$0xF000] =	vst v63  }
0x31c: {  	s12 =	sadd.s32 $0xA400, s0  }
0x31d: {  	[hbm4b:s11+s3] =	stream.linear.scatter [tilespmem:s12], [sflag:$0x3], $0x80, $0x38;
	[tilespmem:$0xF000] =	vst v63  }
0x31e: {  	s15 =	sadd.s32 $0xA488, s0;
	s19 =	sadd.s32 $0x10, s11  }
0x31f: {  	[hbm4b:s19+s3] =	stream.linear.scatter [tilespmem:s15], [sflag:$0x3], $0x80, $0x38;
	[tilespmem:$0xF000] =	vst v63  }
0x320: {  	s22 =	sadd.s32 $0xA510, s0;
	s4 =	sadd.s32 $0x20, s11  }
0x321: {  	[hbm4b:s4+s3] =	stream.linear.scatter [tilespmem:s22], [sflag:$0x3], $0x80, $0x38;
	[tilespmem:$0xF000] =	vst v63  }
0x322: {  	s15 =	sadd.s32 $0xA598, s0;
	s19 =	sadd.s32 $0x30, s11  }
0x323: {  	[hbm4b:s19+s3] =	stream.linear.scatter [tilespmem:s15], [sflag:$0x3], $0x80, $0x38;
	[tilespmem:$0xF000] =	vst v63  }
0x324: {  	s22 =	sadd.s32 $0xA620, s0;
	s4 =	sadd.s32 $0x40, s11  }
0x325: {  	[hbm4b:s4+s3] =	stream.linear.scatter [tilespmem:s22], [sflag:$0x3], $0x80, $0x38;
	[tilespmem:$0xF000] =	vst v63  }
0x326: {  	p1 =	seq.s32 s28, $0x62;
	s15 =	sadd.s32 $0xA6A8, s0;
	s19 =	sadd.s32 $0x50, s11  }
0x327: {  	[hbm4b:s19+s3] =	stream.linear.scatter [tilespmem:s15], [sflag:$0x3], $0x80, $0x38;
	[tilespmem:$0xF000] =	vst v63  }
0x328: {  	s22 =	sadd.s32 $0xA730, s0;
	s19 =	sadd.s32 $0xA7B8, s0;
	s0 =	sshll.u32 @!p1 s28, $0xA  }
0x329: {  	s4 =	sadd.s32 $0x60, s11;
	s0 =	sadd.s32 @!p1 $0x800, s0  }
0x32a: {  	[hbm4b:s4+s3] =	stream.linear.scatter [tilespmem:s22], [sflag:$0x3], $0x80, $0x38;
	[tilespmem:$0xF000] =	vst v63  }
0x32b: {  	s22 =	sadd.s32 $0x70, s11;
	s11 =	sshll.u32 @!p1 s28, $0x8;
	s0 =	sand.u32 @!p1 $0x3F800, s0  }
0x32c: {  	s11 =	sand.u32 @!p1 $0x100, s11;
	s0 =	sshrl.u32 @!p1 s0, $0x2  }
0x32d: {  	[hbm4b:s22+s3] =	stream.linear.scatter [tilespmem:s19], [sflag:$0x3], $0x80, $0x38;
	[tilespmem:$0xF000] =	vst v63  }
0x32e: {  	s12 =	simm.s32 @!p1 $0x6400;
	s0 =	sor.u32 @!p1 s11, s0;
	s11 =	simm.s32 @!p1 $0x80  }
0x32f: {  	[tilespmem:s12], [sflag:$0x1] =	stream.indirect.gather @!p1 [spmem:s2], $0x40, s0, s11, $0xb8;
	[tilespmem:$0xF000] =	vst v63  }
0x330: {  	s4 =	simm.s32 $0x4;
	_ =	swait.ge [sflag:s20], $0x2000  }
0x331: {  	v33 =	vmov s4;
	[sflag:s20] =	ssyncset.done $0x0  }
0x332: {  	v33 =	vshrl.u32 v33, $0x3;
	[sflag:s20] =	ssyncadd.s32 $0xFFFFE000  }
0x333: {  	v33 =	vshll.u32 v33, v1;
	_ =	swait.ge [sflag:s24], $0x2000  }
0x334: {  	v33 =	vbroadcast v33, $0x0;
	[sflag:s24] =	ssyncset.done $0x0  }
0x335: {  	s12 =	simm.s32 $0x85F0;
	[sflag:s24] =	ssyncadd.s32 $0xFFFFE000  }
0x336: {  	v35 =	vadd.s32 v17, v33;
	v34 =	vld [tilespmem:s12+$0xFFFFFF10];
	_ =	sdelay $0x2  }
0x337: {  	s11 =	simm.s32 $0x0  }
0x338: {  	v41 =	vmov s11  }
0x339: {  	[tilespmem:v35+s21+$0x0] =	vst.idx.msk $0xffff, v34;
	v34 =	vshrl.u32 v41, $0x3  }
0x33a: {  	v36 =	vadd.s32 v18, v33;
	v35 =	vld [tilespmem:s12+$0xFFFFFF20];
	v34 =	vshll.u32 v34, v1  }
0x33b: {  	v34 =	vbroadcast v34, $0x0;
	_ =	sdelay $0x1  }
0x33c: {  	v37 =	vld [tilespmem:s12+$0xFFFFFE10];
	v38 =	vadd.s32 v0, v34;
	_ =	sdelay $0x1  }
0x33d: {  	[tilespmem:v36+s21+$0x0] =	vst.idx.msk $0xffff, v35  }
0x33e: {  	v42 =	vadd.s32 v19, v33;
	v35 =	vld [tilespmem:s12+$0xFFFFFF30];
	_ =	sdelay $0x1  }
0x33f: {  	[tilespmem:v38+s21+$0x0] =	vst.idx.msk $0xffff, v37  }
0x340: {  	v43 =	vadd.s32 v2, v34;
	v37 =	vld [tilespmem:s12+$0xFFFFFE20];
	_ =	sdelay $0x1  }
0x341: {  	[tilespmem:v42+s21+$0x0] =	vst.idx.msk $0xffff, v35  }
0x342: {  	s15 =	simm.s32 $0x5;
	v33 =	vadd.s32 v20, v33;
	v35 =	vld [tilespmem:s12+$0xFFFFFF40]  }
0x343: {  	v44 =	vmov s15  }
0x344: {  	v36 =	vshrl.u32 v44, $0x3;
	[tilespmem:v43+s21+$0x0] =	vst.idx.msk $0xffff, v37  }
0x345: {  	s19 =	simm.s32 $0xC;
	v45 =	vadd.s32 v3, v34;
	v36 =	vshll.u32 v36, v1;
	v37 =	vld [tilespmem:s12+$0xFFFFFE30]  }
0x346: {  	v39 =	vmov s19;
	v36 =	vbroadcast v36, $0x0  }
0x347: {  	s22 =	simm.s32 $0x8;
	v39 =	vshrl.u32 v39, $0x3;
	[tilespmem:v33+s21+$0x0] =	vst.idx.msk $0xffff, v35  }
0x348: {  	v48 =	vmov s22;
	v47 =	vshll.u32 v39, v1;
	v46 =	vadd.s32 v21, v36;
	v33 =	vld [tilespmem:s12+$0xFFFFFF50]  }
0x349: {  	v51 =	vshrl.u32 v48, $0x3;
	v49 =	vbroadcast v47, $0x0  }
0x34a: {  	s30 =	simm.s32 $0x87F0;
	[tilespmem:v45+s21+$0x0] =	vst.idx.msk $0xffff, v37;
	v37 =	vshll.u32 v51, v1  }
0x34b: {  	v41 =	vld [tilespmem:s30+$0xFFFFFF10];
	v42 =	vadd.s32 v17, v49;
	v37 =	vbroadcast v37, $0x0  }
0x34c: {  	s4 =	simm.s32 $0x1;
	v34 =	vadd.s32 v4, v34;
	v38 =	vld [tilespmem:s12+$0xFFFFFE40]  }
0x34d: {  	v50 =	vmov s4;
	v53 =	vld [tilespmem:s30+$0xFFFFFE10];
	[tilespmem:v46+s21+$0x0] =	vst.idx.msk $0xffff, v33;
	v54 =	vadd.s32 v0, v37  }
0x34e: {  	v40 =	vadd.s32 v22, v36;
	v35 =	vshrl.u32 v50, $0x3;
	v52 =	vld [tilespmem:s12+$0xFFFFFF60]  }
0x34f: {  	v35 =	vshll.u32 v35, v1  }
0x350: {  	[tilespmem:v42+s21+$0x0] =	vst.idx.msk $0xffff, v41;
	v35 =	vbroadcast v35, $0x0  }
0x351: {  	v56 =	vadd.s32 v18, v49;
	v41 =	vld [tilespmem:s30+$0xFFFFFF20];
	[tilespmem:v34+s21+$0x0] =	vst.idx.msk $0xffff, v38  }
0x352: {  	v44 =	vadd.s32 v5, v35;
	v43 =	vld [tilespmem:s12+$0xFFFFFE50];
	[tilespmem:v54+s21+$0x0] =	vst.idx.msk $0xffff, v53  }
0x353: {  	v57 =	vadd.s32 v2, v37;
	[tilespmem:v40+s21+$0x0] =	vst.idx.msk $0xffff, v52;
	v34 =	vld [tilespmem:s30+$0xFFFFFE20]  }
0x354: {  	v55 =	vadd.s32 v23, v36;
	v39 =	vld [tilespmem:s12+$0xFFFFFF70];
	_ =	sdelay $0x1  }
0x355: {  	[tilespmem:v56+s21+$0x0] =	vst.idx.msk $0xffff, v41  }
0x356: {  	v60 =	vadd.s32 v19, v49;
	v41 =	vld [tilespmem:s30+$0xFFFFFF30];
	[tilespmem:v44+s21+$0x0] =	vst.idx.msk $0xffff, v43  }
0x357: {  	v58 =	vadd.s32 v6, v35;
	v43 =	vld [tilespmem:s12+$0xFFFFFE60];
	[tilespmem:v57+s21+$0x0] =	vst.idx.msk $0xffff, v34  }
0x358: {  	v62 =	vadd.s32 v3, v37;
	[tilespmem:v55+s21+$0x0] =	vst.idx.msk $0xffff, v39;
	v38 =	vld [tilespmem:s30+$0xFFFFFE30]  }
0x359: {  	s11 =	simm.s32 $0x6;
	v36 =	vadd.s32 v24, v36;
	v39 =	vld [tilespmem:s12+$0xFFFFFF80]  }
0x35a: {  	v59 =	vmov s11  }
0x35b: {  	[tilespmem:v60+s21+$0x0] =	vst.idx.msk $0xffff, v41;
	v40 =	vshrl.u32 v59, $0x3  }
0x35c: {  	v33 =	vadd.s32 v20, v49;
	v41 =	vld [tilespmem:s30+$0xFFFFFF40];
	v61 =	vshll.u32 v40, v1;
	[tilespmem:v58+s21+$0x0] =	vst.idx.msk $0xffff, v43  }
0x35d: {  	v63 =	vadd.s32 v7, v35;
	v34 =	vbroadcast v61, $0x0;
	v43 =	vld [tilespmem:s12+$0xFFFFFE70];
	[tilespmem:v62+s21+$0x0] =	vst.idx.msk $0xffff, v38  }
0x35e: {  	v37 =	vadd.s32 v4, v37;
	[tilespmem:v36+s21+$0x0] =	vst.idx.msk $0xffff, v39;
	v40 =	vld [tilespmem:s30+$0xFFFFFE40]  }
0x35f: {  	s22 =	simm.s32 $0x2;
	v45 =	vadd.s32 v25, v34;
	v36 =	vld [tilespmem:s12+$0xFFFFFF90]  }
0x360: {  	s15 =	simm.s32 $0xD;
	s19 =	simm.s32 $0x9;
	v50 =	vmov s22;
	v35 =	vadd.s32 v8, v35  }
0x361: {  	v46 =	vmov s15;
	v49 =	vmov s19;
	v54 =	vshrl.u32 v50, $0x3;
	[tilespmem:v33+s21+$0x0] =	vst.idx.msk $0xffff, v41  }
0x362: {  	s4 =	simm.s32 $0x14;
	s0 =	simm.s32 $0x10;
	v47 =	vshrl.u32 v46, $0x3;
	v51 =	vshrl.u32 v49, $0x3;
	v33 =	vshll.u32 v54, v1;
	[tilespmem:v63+s21+$0x0] =	vst.idx.msk $0xffff, v43  }
0x363: {  	v61 =	vmov s4;
	v58 =	vmov s0;
	v38 =	vshll.u32 v47, v1;
	v48 =	vld [tilespmem:s12+$0xFFFFFE80];
	[tilespmem:v37+s21+$0x0] =	vst.idx.msk $0xffff, v40  }
0x364: {  	v55 =	vshll.u32 v51, v1;
	v37 =	vshrl.u32 v58, $0x3;
	[tilespmem:v45+s21+$0x0] =	vst.idx.msk $0xffff, v36;
	v36 =	vbroadcast v38, $0x0  }
0x365: {  	v53 =	vadd.s32 v26, v34;
	v38 =	vbroadcast v55, $0x0;
	v37 =	vshll.u32 v37, v1;
	v52 =	vld [tilespmem:s12+$0xFFFFFFA0]  }
0x366: {  	v56 =	vld [tilespmem:s30+$0xFFFFFF50];
	v42 =	vshrl.u32 v61, $0x3;
	v37 =	vbroadcast v37, $0x0;
	v57 =	vadd.s32 v21, v36  }
0x367: {  	s31 =	simm.s32 $0x89F0;
	v33 =	vbroadcast v33, $0x0;
	v42 =	vshll.u32 v42, v1;
	v59 =	vld [tilespmem:s30+$0xFFFFFE50];
	v60 =	vadd.s32 v5, v38  }
0x368: {  	v41 =	vbroadcast v42, $0x0;
	v47 =	vld [tilespmem:s31+$0xFFFFFE10];
	[tilespmem:v35+s21+$0x0] =	vst.idx.msk $0xffff, v48;
	v48 =	vadd.s32 v0, v37  }
0x369: {  	v46 =	vadd.s32 v9, v33;
	v45 =	vld [tilespmem:s12+$0xFFFFFE90]  }
0x36a: {  	[tilespmem:v53+s21+$0x0] =	vst.idx.msk $0xffff, v52;
	v52 =	vld [tilespmem:s31+$0xFFFFFF10];
	v53 =	vadd.s32 v17, v41  }
0x36b: {  	v62 =	vadd.s32 v27, v34;
	v43 =	vld [tilespmem:s12+$0xFFFFFFB0];
	[tilespmem:v57+s21+$0x0] =	vst.idx.msk $0xffff, v56  }
0x36c: {  	v63 =	vadd.s32 v22, v36;
	[tilespmem:v60+s21+$0x0] =	vst.idx.msk $0xffff, v59;
	v39 =	vld [tilespmem:s30+$0xFFFFFF60]  }
0x36d: {  	v55 =	vadd.s32 v6, v38;
	v54 =	vld [tilespmem:s30+$0xFFFFFE60];
	[tilespmem:v48+s21+$0x0] =	vst.idx.msk $0xffff, v47  }
0x36e: {  	v58 =	vadd.s32 v2, v37;
	[tilespmem:v46+s21+$0x0] =	vst.idx.msk $0xffff, v45;
	v47 =	vld [tilespmem:s31+$0xFFFFFE20]  }
0x36f: {  	v50 =	vadd.s32 v10, v33;
	v49 =	vld [tilespmem:s12+$0xFFFFFEA0];
	[tilespmem:v53+s21+$0x0] =	vst.idx.msk $0xffff, v52  }
0x370: {  	v60 =	vadd.s32 v18, v41;
	[tilespmem:v62+s21+$0x0] =	vst.idx.msk $0xffff, v43;
	v40 =	vld [tilespmem:s31+$0xFFFFFF20]  }
0x371: {  	s15 =	simm.s32 $0x7;
	v34 =	vadd.s32 v28, v34;
	v43 =	vld [tilespmem:s12+$0xFFFFFFC0];
	[tilespmem:v63+s21+$0x0] =	vst.idx.msk $0xffff, v39  }
0x372: {  	v56 =	vmov s15;
	v57 =	vadd.s32 v23, v36;
	[tilespmem:v55+s21+$0x0] =	vst.idx.msk $0xffff, v54;
	v42 =	vld [tilespmem:s30+$0xFFFFFF70]  }
0x373: {  	v61 =	vadd.s32 v7, v38;
	v39 =	vshrl.u32 v56, $0x3;
	v46 =	vld [tilespmem:s30+$0xFFFFFE70];
	[tilespmem:v58+s21+$0x0] =	vst.idx.msk $0xffff, v47  }
0x374: {  	v59 =	vshll.u32 v39, v1;
	v47 =	vadd.s32 v3, v37;
	[tilespmem:v50+s21+$0x0] =	vst.idx.msk $0xffff, v49;
	v44 =	vld [tilespmem:s31+$0xFFFFFE30]  }
0x375: {  	v63 =	vadd.s32 v11, v33;
	v39 =	vbroadcast v59, $0x0;
	v62 =	vld [tilespmem:s12+$0xFFFFFEB0];
	[tilespmem:v60+s21+$0x0] =	vst.idx.msk $0xffff, v40  }
0x376: {  	v54 =	vadd.s32 v19, v41;
	[tilespmem:v34+s21+$0x0] =	vst.idx.msk $0xffff, v43;
	v45 =	vld [tilespmem:s31+$0xFFFFFF30]  }
0x377: {  	v52 =	vadd.s32 v29, v39;
	v34 =	vld [tilespmem:s12+$0xFFFFFFD0];
	[tilespmem:v57+s21+$0x0] =	vst.idx.msk $0xffff, v42  }
0x378: {  	v36 =	vadd.s32 v24, v36;
	[tilespmem:v61+s21+$0x0] =	vst.idx.msk $0xffff, v46;
	v42 =	vld [tilespmem:s30+$0xFFFFFF80]  }
0x379: {  	s19 =	simm.s32 $0xE;
	v56 =	vadd.s32 v8, v38;
	v55 =	vld [tilespmem:s30+$0xFFFFFE80];
	[tilespmem:v47+s21+$0x0] =	vst.idx.msk $0xffff, v44  }
0x37a: {  	s22 =	simm.s32 $0xA;
	v53 =	vmov s19;
	v33 =	vadd.s32 v12, v33;
	v41 =	vadd.s32 v20, v41;
	[tilespmem:v63+s21+$0x0] =	vst.idx.msk $0xffff, v62  }
0x37b: {  	s4 =	simm.s32 $0x3;
	v37 =	vadd.s32 v4, v37;
	v59 =	vmov s22;
	v40 =	vshrl.u32 v53, $0x3;
	v58 =	vld [tilespmem:s12+$0xFFFFFEC0];
	[tilespmem:v54+s21+$0x0] =	vst.idx.msk $0xffff, v45  }
0x37c: {  	v60 =	vmov s4;
	v57 =	vshll.u32 v40, v1;
	v61 =	vshrl.u32 v59, $0x3;
	v47 =	vld [tilespmem:s31+$0xFFFFFE40];
	[tilespmem:v52+s21+$0x0] =	vst.idx.msk $0xffff, v34  }
0x37d: {  	s15 =	simm.s32 $0x11;
	v63 =	vadd.s32 v30, v39;
	v34 =	vbroadcast v57, $0x0;
	v52 =	vshll.u32 v61, v1;
	v62 =	vld [tilespmem:s12+$0xFFFFFFE0];
	[tilespmem:v36+s21+$0x0] =	vst.idx.msk $0xffff, v42  }
0x37e: {  	v51 =	vshrl.u32 v60, $0x3;
	v54 =	vmov s15;
	v44 =	vbroadcast v52, $0x0;
	[tilespmem:v56+s21+$0x0] =	vst.idx.msk $0xffff, v55;
	v55 =	vld [tilespmem:s31+$0xFFFFFF40]  }
0x37f: {  	v35 =	vshrl.u32 v54, $0x3;
	v36 =	vshll.u32 v51, v1;
	v42 =	vld [tilespmem:s30+$0xFFFFFF90];
	v53 =	vadd.s32 v25, v34  }
0x380: {  	s19 =	simm.s32 $0x15;
	v35 =	vshll.u32 v35, v1;
	v38 =	vbroadcast v36, $0x0;
	v57 =	vld [tilespmem:s30+$0xFFFFFE90];
	[tilespmem:v33+s21+$0x0] =	vst.idx.msk $0xffff, v58;
	v58 =	vadd.s32 v9, v44  }
0x381: {  	v59 =	vmov s19;
	v35 =	vbroadcast v35, $0x0;
	[tilespmem:v37+s21+$0x0] =	vst.idx.msk $0xffff, v47  }
0x382: {  	v45 =	vshrl.u32 v59, $0x3;
	v60 =	vld [tilespmem:s12+$0xFFFFFED0];
	v61 =	vadd.s32 v13, v38;
	[tilespmem:v63+s21+$0x0] =	vst.idx.msk $0xffff, v62  }
0x383: {  	v45 =	vshll.u32 v45, v1;
	v56 =	vadd.s32 v5, v35;
	v63 =	vld [tilespmem:s31+$0xFFFFFE50];
	[tilespmem:v41+s21+$0x0] =	vst.idx.msk $0xffff, v55  }
0x384: {  	s11 =	simm.s32 $0x18;
	v37 =	vbroadcast v45, $0x0;
	[tilespmem:v53+s21+$0x0] =	vst.idx.msk $0xffff, v42  }
0x385: {  	v62 =	vadd.s32 v26, v34;
	v42 =	vld [tilespmem:s30+$0xFFFFFFA0];
	[tilespmem:v58+s21+$0x0] =	vst.idx.msk $0xffff, v57;
	v58 =	vmov s11  }
0x386: {  	v33 =	vld [tilespmem:s31+$0xFFFFFF50];
	v57 =	vadd.s32 v21, v37;
	v48 =	vshrl.u32 v58, $0x3  }
0x387: {  	v41 =	vadd.s32 v10, v44;
	[tilespmem:v61+s21+$0x0] =	vst.idx.msk $0xffff, v60;
	v40 =	vld [tilespmem:s30+$0xFFFFFEA0];
	v60 =	vshll.u32 v48, v1  }
0x388: {  	s22 =	simm.s32 $0x1C;
	v46 =	vadd.s32 v14, v38;
	v59 =	vld [tilespmem:s12+$0xFFFFFEE0];
	[tilespmem:v56+s21+$0x0] =	vst.idx.msk $0xffff, v63;
	v43 =	vbroadcast v60, $0x0  }
0x389: {  	s19 =	simm.s32 $0x8BF0;
	v52 =	vmov s22;
	v53 =	vadd.s32 v6, v35;
	v56 =	vld [tilespmem:s31+$0xFFFFFE60]  }
0x38a: {  	v51 =	vld [tilespmem:s19+$0xFFFFFE10];
	v61 =	vshrl.u32 v52, $0x3;
	[tilespmem:v62+s21+$0x0] =	vst.idx.msk $0xffff, v42;
	v58 =	vadd.s32 v0, v43  }
0x38b: {  	v48 =	vshll.u32 v61, v1;
	v63 =	vadd.s32 v27, v34;
	[tilespmem:v57+s21+$0x0] =	vst.idx.msk $0xffff, v33;
	v62 =	vld [tilespmem:s30+$0xFFFFFFB0]  }
0x38c: {  	v48 =	vbroadcast v48, $0x0;
	v57 =	vadd.s32 v22, v37;
	v33 =	vld [tilespmem:s31+$0xFFFFFF60];
	[tilespmem:v41+s21+$0x0] =	vst.idx.msk $0xffff, v40  }
0x38d: {  	[tilespmem:v46+s21+$0x0] =	vst.idx.msk $0xffff, v59  }
0x38e: {  	v60 =	vadd.s32 v17, v48;
	v59 =	vld [tilespmem:s19+$0xFFFFFF10];
	[tilespmem:v53+s21+$0x0] =	vst.idx.msk $0xffff, v56  }
0x38f: {  	v61 =	vadd.s32 v11, v44;
	v41 =	vld [tilespmem:s30+$0xFFFFFEB0];
	[tilespmem:v58+s21+$0x0] =	vst.idx.msk $0xffff, v51  }
0x390: {  	[tilespmem:v63+s21+$0x0] =	vst.idx.msk $0xffff, v62;
	v62 =	vld [tilespmem:s31+$0xFFFFFE70];
	v63 =	vadd.s32 v7, v35  }
0x391: {  	[tilespmem:v57+s21+$0x0] =	vst.idx.msk $0xffff, v33;
	v51 =	vld [tilespmem:s19+$0xFFFFFE20];
	v57 =	vadd.s32 v2, v43  }
0x392: {  	v34 =	vadd.s32 v28, v34;
	v47 =	vld [tilespmem:s30+$0xFFFFFFC0]  }
0x393: {  	s4 =	simm.s32 $0xF;
	v56 =	vadd.s32 v23, v37;
	v36 =	vld [tilespmem:s31+$0xFFFFFF70];
	[tilespmem:v60+s21+$0x0] =	vst.idx.msk $0xffff, v59  }
0x394: {  	v55 =	vmov s4;
	v49 =	vld [tilespmem:s12+$0xFFFFFFF0];
	v42 =	vadd.s32 v31, v39;
	[tilespmem:v61+s21+$0x0] =	vst.idx.msk $0xffff, v41  }
0x395: {  	v58 =	vadd.s32 v18, v48;
	v33 =	vshrl.u32 v55, $0x3;
	v46 =	vld [tilespmem:s19+$0xFFFFFF20];
	[tilespmem:v63+s21+$0x0] =	vst.idx.msk $0xffff, v62  }
0x396: {  	v33 =	vshll.u32 v33, v1;
	v59 =	vadd.s32 v12, v44;
	v41 =	vld [tilespmem:s30+$0xFFFFFEC0];
	[tilespmem:v57+s21+$0x0] =	vst.idx.msk $0xffff, v51  }
0x397: {  	s22 =	simm.s32 $0x12;
	v33 =	vbroadcast v33, $0x0;
	v62 =	vadd.s32 v8, v35;
	[tilespmem:v34+s21+$0x0] =	vst.idx.msk $0xffff, v47;
	v61 =	vld [tilespmem:s31+$0xFFFFFE80]  }
0x398: {  	v63 =	vmov s22;
	[tilespmem:v56+s21+$0x0] =	vst.idx.msk $0xffff, v36;
	v51 =	vld [tilespmem:s19+$0xFFFFFE30];
	v56 =	vadd.s32 v3, v43  }
0x399: {  	[tilespmem:v42+s21+$0x0] =	vst.idx.msk $0xffff, v49;
	v60 =	vadd.s32 v29, v33;
	v35 =	vshrl.u32 v63, $0x3;
	v34 =	vld [tilespmem:s30+$0xFFFFFFD0]  }
0x39a: {  	s4 =	simm.s32 $0x16;
	v37 =	vadd.s32 v24, v37;
	v40 =	vld [tilespmem:s31+$0xFFFFFF80];
	[tilespmem:v58+s21+$0x0] =	vst.idx.msk $0xffff, v46;
	v35 =	vshll.u32 v35, v1  }
0x39b: {  	v45 =	vld [tilespmem:s12+$0xFFFFFEF0];
	v57 =	vmov s4;
	[tilespmem:v59+s21+$0x0] =	vst.idx.msk $0xffff, v41;
	v59 =	vadd.s32 v15, v38;
	v35 =	vbroadcast v35, $0x0  }
0x39c: {  	v36 =	vshrl.u32 v57, $0x3;
	v58 =	vadd.s32 v19, v48;
	v46 =	vld [tilespmem:s19+$0xFFFFFF30];
	[tilespmem:v62+s21+$0x0] =	vst.idx.msk $0xffff, v61  }
0x39d: {  	v36 =	vshll.u32 v36, v1;
	v63 =	vadd.s32 v9, v35;
	[tilespmem:v56+s21+$0x0] =	vst.idx.msk $0xffff, v51;
	v47 =	vld [tilespmem:s31+$0xFFFFFE90]  }
0x39e: {  	v43 =	vadd.s32 v4, v43;
	v36 =	vbroadcast v36, $0x0;
	[tilespmem:v60+s21+$0x0] =	vst.idx.msk $0xffff, v34;
	v52 =	vld [tilespmem:s19+$0xFFFFFE40]  }
0x39f: {  	s22 =	simm.s32 $0xB;
	v62 =	vadd.s32 v30, v33;
	[tilespmem:v37+s21+$0x0] =	vst.idx.msk $0xffff, v40;
	v61 =	vld [tilespmem:s30+$0xFFFFFFE0]  }
0x3a0: {  	v57 =	vadd.s32 v25, v36;
	v60 =	vmov s22;
	[tilespmem:v59+s21+$0x0] =	vst.idx.msk $0xffff, v45;
	v40 =	vld [tilespmem:s31+$0xFFFFFF90]  }
0x3a1: {  	v34 =	vshrl.u32 v60, $0x3;
	[tilespmem:v58+s21+$0x0] =	vst.idx.msk $0xffff, v46  }
0x3a2: {  	s4 =	simm.s32 $0x19;
	v53 =	vld [tilespmem:s30+$0xFFFFFED0];
	v34 =	vshll.u32 v34, v1;
	[tilespmem:v63+s21+$0x0] =	vst.idx.msk $0xffff, v47  }
0x3a3: {  	v59 =	vmov s4;
	s22 =	simm.s32 $0x1D;
	v58 =	vadd.s32 v20, v48;
	v46 =	vld [tilespmem:s19+$0xFFFFFF40];
	v34 =	vbroadcast v34, $0x0;
	[tilespmem:v43+s21+$0x0] =	vst.idx.msk $0xffff, v52  }
0x3a4: {  	v55 =	vadd.s32 v16, v38;
	v54 =	vld [tilespmem:s12+$0xFFFFFF00];
	[tilespmem:v62+s21+$0x0] =	vst.idx.msk $0xffff, v61;
	v61 =	vshrl.u32 v59, $0x3;
	v62 =	vmov s22  }
0x3a5: {  	v60 =	vadd.s32 v13, v34;
	[tilespmem:v57+s21+$0x0] =	vst.idx.msk $0xffff, v40;
	v40 =	vld [tilespmem:s12+$0x0];
	v63 =	vshll.u32 v61, v1;
	v42 =	vshrl.u32 v62, $0x3  }
0x3a6: {  	v39 =	vadd.s32 v32, v39;
	v48 =	vld [tilespmem:s19+$0xFFFFFE50];
	v41 =	vbroadcast v63, $0x0;
	v42 =	vshll.u32 v42, v1  }
0x3a7: {  	v44 =	vadd.s32 v26, v36;
	v43 =	vld [tilespmem:s31+$0xFFFFFFA0];
	v42 =	vbroadcast v42, $0x0  }
0x3a8: {  	v45 =	vld [tilespmem:s31+$0xFFFFFEA0];
	[tilespmem:v58+s21+$0x0] =	vst.idx.msk $0xffff, v46;
	v50 =	vadd.s32 v5, v41  }
0x3a9: {  	[tilespmem:v55+s21+$0x0] =	vst.idx.msk $0xffff, v54;
	v47 =	vld [tilespmem:s19+$0xFFFFFF50];
	v49 =	vadd.s32 v21, v42  }
0x3aa: {  	s15 =	simm.s32 $0x20;
	v38 =	vadd.s32 v14, v34;
	s22 =	simm.s32 $0x6;
	s12 =	simm.s32 $0x8BF0;
	v37 =	vld [tilespmem:s30+$0xFFFFFFF0];
	v46 =	vadd.s32 v10, v35;
	[tilespmem:v60+s21+$0x0] =	vst.idx.msk $0xffff, v53  }
.LBB2_15:
0x3ab: {  	v51 =	vmov s15;
	s4 =	sadd.s32 $0x4, s15;
	s22 =	sadd.s32 $0x2, s22;
	s19 =	sadd.s32 $0x200, s19;
	v52 =	vld [tilespmem:s30+$0xFFFFFEE0];
	[tilespmem:v39+s21+$0x0] =	vst.idx.msk $0xffff, v40  }
0x3ac: {  	v39 =	vld [tilespmem:s19+$0xFFFFFE10];
	v40 =	vshrl.u32 v51, $0x3;
	v51 =	vmov s4;
	p2 =	slt.u32 s22, $0x1E;
	[tilespmem:v44+s21+$0x0] =	vst.idx.msk $0xffff, v43;
	v43 =	vadd.s32 v31, v33  }
0x3ad: {  	v40 =	vshll.u32 v40, v1;
	v44 =	vshrl.u32 v51, $0x3;
	[tilespmem:v50+s21+$0x0] =	vst.idx.msk $0xffff, v48;
	v48 =	vld [tilespmem:s31+$0xFFFFFFB0];
	v50 =	vadd.s32 v27, v36  }
0x3ae: {  	v53 =	vadd.s32 v6, v41;
	v40 =	vbroadcast v40, $0x0;
	v44 =	vshll.u32 v44, v1;
	v51 =	vld [tilespmem:s12+$0xFFFFFE60];
	[tilespmem:v49+s21+$0x0] =	vst.idx.msk $0xffff, v47  }
0x3af: {  	v49 =	vadd.s32 v22, v42;
	v44 =	vbroadcast v44, $0x0;
	v47 =	vld [tilespmem:s12+$0xFFFFFF60];
	[tilespmem:v46+s21+$0x0] =	vst.idx.msk $0xffff, v45  }
0x3b0: {  	v45 =	vadd.s32 v0, v40;
	v46 =	vld [tilespmem:s31+$0xFFFFFEB0];
	[tilespmem:v38+s21+$0x0] =	vst.idx.msk $0xffff, v52  }
0x3b1: {  	v38 =	vld [tilespmem:s19+$0xFFFFFF10];
	v52 =	vadd.s32 v17, v44;
	[tilespmem:v43+s21+$0x0] =	vst.idx.msk $0xffff, v37  }
0x3b2: {  	v37 =	vadd.s32 v11, v35;
	[tilespmem:v50+s21+$0x0] =	vst.idx.msk $0xffff, v48;
	v43 =	vld [tilespmem:s30+$0xFFFFFEF0]  }
0x3b3: {  	s4 =	sadd.s32 $0x7, s0;
	v36 =	vadd.s32 v28, v36;
	[tilespmem:v53+s21+$0x0] =	vst.idx.msk $0xffff, v51;
	v48 =	vld [tilespmem:s31+$0xFFFFFFC0]  }
0x3b4: {  	v51 =	vadd.s32 v7, v41;
	v50 =	vld [tilespmem:s12+$0xFFFFFE70];
	[tilespmem:v49+s21+$0x0] =	vst.idx.msk $0xffff, v47;
	v47 =	vmov s4  }
0x3b5: {  	[tilespmem:v45+s21+$0x0] =	vst.idx.msk $0xffff, v39;
	v39 =	vld [tilespmem:s12+$0xFFFFFF70];
	v45 =	vadd.s32 v23, v42;
	v47 =	vshrl.u32 v47, $0x3  }
0x3b6: {  	v53 =	vadd.s32 v2, v40;
	v49 =	vld [tilespmem:s19+$0xFFFFFE20];
	[tilespmem:v52+s21+$0x0] =	vst.idx.msk $0xffff, v38;
	v38 =	vshll.u32 v47, v1  }
0x3b7: {  	v52 =	vadd.s32 v18, v44;
	v47 =	vld [tilespmem:s19+$0xFFFFFF20];
	[tilespmem:v37+s21+$0x0] =	vst.idx.msk $0xffff, v46;
	v46 =	vbroadcast v38, $0x0  }
0x3b8: {  	v35 =	vadd.s32 v12, v35;
	s4 =	sadd.s32 $0x3, s0;
	s0 =	smov.u32 s11;
	s11 =	smov.u32 s15;
	v37 =	vld [tilespmem:s31+$0xFFFFFEC0];
	[tilespmem:v36+s21+$0x0] =	vst.idx.msk $0xffff, v48  }
0x3b9: {  	v36 =	vmov s4;
	[tilespmem:v51+s21+$0x0] =	vst.idx.msk $0xffff, v50;
	v38 =	vld [tilespmem:s31+$0xFFFFFFD0];
	v48 =	vadd.s32 v29, v46  }
0x3ba: {  	v41 =	vadd.s32 v8, v41;
	s4 =	sadd.s32 $0x2, s0;
	v36 =	vshrl.u32 v36, $0x3;
	v50 =	vld [tilespmem:s12+$0xFFFFFE80];
	[tilespmem:v45+s21+$0x0] =	vst.idx.msk $0xffff, v39;
	v39 =	vadd.s32 v15, v34  }
0x3bb: {  	v42 =	vadd.s32 v24, v42;
	v45 =	vmov s4;
	s4 =	sadd.s32 $0x6, s0;
	v36 =	vshll.u32 v36, v1;
	[tilespmem:v53+s21+$0x0] =	vst.idx.msk $0xffff, v49;
	v49 =	vld [tilespmem:s12+$0xFFFFFF80]  }
0x3bc: {  	v53 =	vadd.s32 v3, v40;
	v45 =	vshrl.u32 v45, $0x3;
	v51 =	vld [tilespmem:s19+$0xFFFFFE30];
	[tilespmem:v52+s21+$0x0] =	vst.idx.msk $0xffff, v47;
	v47 =	vmov s4  }
0x3bd: {  	v54 =	vadd.s32 v19, v44;
	v45 =	vshll.u32 v45, v1;
	v52 =	vld [tilespmem:s19+$0xFFFFFF30];
	v47 =	vshrl.u32 v47, $0x3;
	[tilespmem:v35+s21+$0x0] =	vst.idx.msk $0xffff, v37  }
0x3be: {  	v35 =	vbroadcast v45, $0x0;
	v37 =	vshll.u32 v47, v1;
	v45 =	vld [tilespmem:s31+$0xFFFFFED0];
	v47 =	vbroadcast v36, $0x0;
	[tilespmem:v48+s21+$0x0] =	vst.idx.msk $0xffff, v38  }
0x3bf: {  	[tilespmem:v41+s21+$0x0] =	vst.idx.msk $0xffff, v50;
	v36 =	vbroadcast v37, $0x0;
	v37 =	vld [tilespmem:s31+$0xFFFFFFE0];
	v41 =	vadd.s32 v30, v46  }
0x3c0: {  	v50 =	vadd.s32 v9, v35;
	v48 =	vld [tilespmem:s12+$0xFFFFFE90];
	[tilespmem:v42+s21+$0x0] =	vst.idx.msk $0xffff, v49;
	v38 =	vadd.s32 v14, v47  }
0x3c1: {  	[tilespmem:v53+s21+$0x0] =	vst.idx.msk $0xffff, v51;
	v42 =	vld [tilespmem:s12+$0xFFFFFF90];
	v49 =	vadd.s32 v25, v36  }
0x3c2: {  	s4 =	sadd.s32 $0x1, s15;
	v53 =	vadd.s32 v4, v40;
	v51 =	vld [tilespmem:s19+$0xFFFFFE40];
	[tilespmem:v54+s21+$0x0] =	vst.idx.msk $0xffff, v52  }
0x3c3: {  	v40 =	vmov s4;
	s4 =	sadd.s32 $0x5, s15;
	v54 =	vadd.s32 v20, v44;
	v52 =	vld [tilespmem:s19+$0xFFFFFF40];
	[tilespmem:v39+s21+$0x0] =	vst.idx.msk $0xffff, v43  }
0x3c4: {  	v55 =	vadd.s32 v13, v47;
	v39 =	vshrl.u32 v40, $0x3;
	v40 =	vmov s4;
	[tilespmem:v41+s21+$0x0] =	vst.idx.msk $0xffff, v37;
	v56 =	vld [tilespmem:s30+$0xFFFFFF00]  }
0x3c5: {  	v57 =	vadd.s32 v16, v34;
	v39 =	vshll.u32 v39, v1;
	v40 =	vshrl.u32 v40, $0x3;
	[tilespmem:v50+s21+$0x0] =	vst.idx.msk $0xffff, v48;
	v37 =	vld [tilespmem:s31+$0xFFFFFFF0]  }
.Ltmp8:
0x3c6: {  	v41 =	vbroadcast v39, $0x0;
	v48 =	vshll.u32 v40, v1;
	v39 =	vadd.s32 v32, v33;
	[tilespmem:v49+s21+$0x0] =	vst.idx.msk $0xffff, v42;
	v40 =	vld [tilespmem:s30+$0x0];
	s30 =	smov.u32 s31;
	s31 =	smov.u32 s12;
	(pc) =	sbr.rel @p2 .LBB2_15-.Ltmp8, $4  }
0x3c7: {  	v34 =	vmovc v47;
	v44 =	vadd.s32 v26, v36;
	v33 =	vmov v46;
	v42 =	vbroadcast v48, $0x0;
	s12 =	smov.u32 s19;
	[tilespmem:v53+s21+$0x0] =	vst.idx.msk $0xffff, v51;
	v43 =	vld [tilespmem:s31+$0xFFFFFFA0]  }
0x3c8: {  	v50 =	vadd.s32 v5, v41;
	v48 =	vld [tilespmem:s19+$0xFFFFFE50];
	[tilespmem:v54+s21+$0x0] =	vst.idx.msk $0xffff, v52  }
0x3c9: {  	v49 =	vadd.s32 v21, v42;
	v47 =	vld [tilespmem:s19+$0xFFFFFF50];
	[tilespmem:v55+s21+$0x0] =	vst.idx.msk $0xffff, v45  }
0x3ca: {  	s15 =	sadd.s32 $0x8, s15;
	v46 =	vadd.s32 v10, v35;
	v45 =	vld [tilespmem:s31+$0xFFFFFEA0];
	[tilespmem:v57+s21+$0x0] =	vst.idx.msk $0xffff, v56  }
0x3cb: {  	_ =	sdelay $0x3  }
0x3cc: {  	[tilespmem:v50+s21+$0x0] =	vst.idx.msk $0xffff, v48  }
0x3cd: {  	v62 =	vadd.s32 v6, v41;
	v48 =	vld [tilespmem:s12+$0xFFFFFE60];
	[tilespmem:v49+s21+$0x0] =	vst.idx.msk $0xffff, v47  }
0x3ce: {  	v63 =	vadd.s32 v22, v42;
	v47 =	vld [tilespmem:s12+$0xFFFFFF60];
	_ =	sdelay $0x3  }
0x3cf: {  	[tilespmem:v62+s21+$0x0] =	vst.idx.msk $0xffff, v48  }
0x3d0: {  	v52 =	vadd.s32 v7, v41;
	v48 =	vld [tilespmem:s12+$0xFFFFFE70];
	[tilespmem:v63+s21+$0x0] =	vst.idx.msk $0xffff, v47  }
0x3d1: {  	v53 =	vadd.s32 v23, v42;
	v47 =	vld [tilespmem:s12+$0xFFFFFF70];
	_ =	sdelay $0x3  }
0x3d2: {  	[tilespmem:v52+s21+$0x0] =	vst.idx.msk $0xffff, v48  }
0x3d3: {  	v54 =	vadd.s32 v8, v41;
	s4 =	sadd.s32 $0x2, s11;
	v48 =	vld [tilespmem:s12+$0xFFFFFE80];
	[tilespmem:v53+s21+$0x0] =	vst.idx.msk $0xffff, v47  }
0x3d4: {  	v56 =	vadd.s32 v24, v42;
	s19 =	sadd.s32 $0x6, s11;
	v55 =	vmov s4;
	v49 =	vld [tilespmem:s12+$0xFFFFFF80]  }
0x3d5: {  	v57 =	vmov s19;
	v47 =	vshrl.u32 v55, $0x3  }
0x3d6: {  	v50 =	vshrl.u32 v57, $0x3;
	v47 =	vshll.u32 v47, v1  }
0x3d7: {  	v50 =	vshll.u32 v50, v1;
	v47 =	vbroadcast v47, $0x0  }
0x3d8: {  	v41 =	vbroadcast v50, $0x0;
	[tilespmem:v54+s21+$0x0] =	vst.idx.msk $0xffff, v48  }
0x3d9: {  	v58 =	vadd.s32 v9, v47;
	v48 =	vld [tilespmem:s12+$0xFFFFFE90];
	[tilespmem:v56+s21+$0x0] =	vst.idx.msk $0xffff, v49  }
0x3da: {  	v59 =	vadd.s32 v25, v41;
	v42 =	vld [tilespmem:s12+$0xFFFFFF90];
	_ =	sdelay $0x3  }
0x3db: {  	[tilespmem:v58+s21+$0x0] =	vst.idx.msk $0xffff, v48  }
0x3dc: {  	v61 =	vadd.s32 v10, v47;
	[tilespmem:v59+s21+$0x0] =	vst.idx.msk $0xffff, v42;
	v60 =	vld [tilespmem:s12+$0xFFFFFEA0]  }
0x3dd: {  	v62 =	vadd.s32 v26, v41;
	v49 =	vld [tilespmem:s12+$0xFFFFFFA0];
	_ =	sdelay $0x1  }
0x3de: {  	[tilespmem:v46+s21+$0x0] =	vst.idx.msk $0xffff, v45  }
0x3df: {  	[tilespmem:v44+s21+$0x0] =	vst.idx.msk $0xffff, v43;
	v63 =	vld [tilespmem:s31+$0xFFFFFEB0];
	v52 =	vadd.s32 v11, v35  }
0x3e0: {  	v53 =	vld [tilespmem:s31+$0xFFFFFFB0];
	v54 =	vadd.s32 v27, v36;
	[tilespmem:v61+s21+$0x0] =	vst.idx.msk $0xffff, v60  }
0x3e1: {  	v55 =	vadd.s32 v11, v47;
	[tilespmem:v62+s21+$0x0] =	vst.idx.msk $0xffff, v49;
	v42 =	vld [tilespmem:s12+$0xFFFFFEB0]  }
0x3e2: {  	v56 =	vadd.s32 v27, v41;
	v49 =	vld [tilespmem:s12+$0xFFFFFFB0];
	_ =	sdelay $0x1  }
0x3e3: {  	s22 =	sadd.s32 $0x7, s0;
	[tilespmem:v52+s21+$0x0] =	vst.idx.msk $0xffff, v63  }
0x3e4: {  	s15 =	sadd.s32 $0x3, s0;
	v57 =	vmov s22;
	v44 =	vld [tilespmem:s31+$0xFFFFFEC0];
	[tilespmem:v54+s21+$0x0] =	vst.idx.msk $0xffff, v53;
	v58 =	vadd.s32 v12, v35  }
0x3e5: {  	v43 =	vshrl.u32 v57, $0x3;
	v45 =	vld [tilespmem:s31+$0xFFFFFFC0];
	v59 =	vadd.s32 v28, v36;
	v60 =	vmov s15;
	[tilespmem:v55+s21+$0x0] =	vst.idx.msk $0xffff, v42  }
0x3e6: {  	s19 =	sadd.s32 $0x3, s11;
	v47 =	vadd.s32 v12, v47;
	v41 =	vadd.s32 v28, v41;
	v62 =	vshrl.u32 v60, $0x3;
	[tilespmem:v56+s21+$0x0] =	vst.idx.msk $0xffff, v49;
	v63 =	vld [tilespmem:s12+$0xFFFFFEC0]  }
0x3e7: {  	s22 =	sadd.s32 $0x7, s11;
	v53 =	vmov s19;
	v61 =	vshll.u32 v43, v1;
	v43 =	vshll.u32 v62, v1;
	v52 =	vld [tilespmem:s12+$0xFFFFFFC0]  }
0x3e8: {  	v54 =	vmov s22;
	v43 =	vbroadcast v43, $0x0;
	v49 =	vshrl.u32 v53, $0x3  }
0x3e9: {  	[tilespmem:v58+s21+$0x0] =	vst.idx.msk $0xffff, v44;
	v42 =	vbroadcast v61, $0x0;
	v55 =	vshrl.u32 v54, $0x3;
	v56 =	vshll.u32 v49, v1  }
0x3ea: {  	[tilespmem:v59+s21+$0x0] =	vst.idx.msk $0xffff, v45;
	v57 =	vld [tilespmem:s31+$0xFFFFFED0];
	v58 =	vadd.s32 v13, v43;
	v35 =	vshll.u32 v55, v1;
	v44 =	vbroadcast v56, $0x0  }
0x3eb: {  	v59 =	vld [tilespmem:s31+$0xFFFFFFD0];
	v60 =	vadd.s32 v29, v42;
	v35 =	vbroadcast v35, $0x0;
	[tilespmem:v47+s21+$0x0] =	vst.idx.msk $0xffff, v63  }
0x3ec: {  	v62 =	vadd.s32 v13, v44;
	[tilespmem:v41+s21+$0x0] =	vst.idx.msk $0xffff, v52;
	v61 =	vld [tilespmem:s12+$0xFFFFFED0]  }
0x3ed: {  	v54 =	vadd.s32 v29, v35;
	v63 =	vld [tilespmem:s12+$0xFFFFFFD0]  }
0x3ee: {  	v51 =	vld [tilespmem:s30+$0xFFFFFEE0]  }
0x3ef: {  	[tilespmem:v58+s21+$0x0] =	vst.idx.msk $0xffff, v57  }
0x3f0: {  	v55 =	vadd.s32 v14, v43;
	v45 =	vld [tilespmem:s31+$0xFFFFFEE0];
	[tilespmem:v60+s21+$0x0] =	vst.idx.msk $0xffff, v59  }
0x3f1: {  	v56 =	vadd.s32 v30, v42;
	v49 =	vld [tilespmem:s31+$0xFFFFFFE0];
	[tilespmem:v62+s21+$0x0] =	vst.idx.msk $0xffff, v61  }
0x3f2: {  	v57 =	vadd.s32 v14, v44;
	[tilespmem:v54+s21+$0x0] =	vst.idx.msk $0xffff, v63;
	v46 =	vld [tilespmem:s12+$0xFFFFFEE0]  }
0x3f3: {  	[tilespmem:v38+s21+$0x0] =	vst.idx.msk $0xffff, v51;
	v59 =	vadd.s32 v30, v35;
	v58 =	vld [tilespmem:s12+$0xFFFFFFE0]  }
0x3f4: {  	[tilespmem:v39+s21+$0x0] =	vst.idx.msk $0xffff, v40;
	v60 =	vld [tilespmem:s30+$0xFFFFFEF0];
	v61 =	vadd.s32 v15, v34  }
0x3f5: {  	[tilespmem:v55+s21+$0x0] =	vst.idx.msk $0xffff, v45;
	v62 =	vadd.s32 v31, v33  }
0x3f6: {  	v36 =	vld [tilespmem:s31+$0xFFFFFEF0];
	[tilespmem:v56+s21+$0x0] =	vst.idx.msk $0xffff, v49;
	v63 =	vadd.s32 v15, v43  }
0x3f7: {  	v52 =	vadd.s32 v31, v42;
	v49 =	vld [tilespmem:s31+$0xFFFFFFF0];
	[tilespmem:v57+s21+$0x0] =	vst.idx.msk $0xffff, v46  }
0x3f8: {  	v54 =	vadd.s32 v15, v44;
	[tilespmem:v59+s21+$0x0] =	vst.idx.msk $0xffff, v58;
	v53 =	vld [tilespmem:s12+$0xFFFFFEF0]  }
0x3f9: {  	v56 =	vadd.s32 v31, v35;
	[tilespmem:v61+s21+$0x0] =	vst.idx.msk $0xffff, v60;
	v55 =	vld [tilespmem:s12+$0xFFFFFFF0]  }
0x3fa: {  	[tilespmem:v62+s21+$0x0] =	vst.idx.msk $0xffff, v37;
	v57 =	vld [tilespmem:s30+$0xFFFFFF00];
	v58 =	vadd.s32 v16, v34  }
0x3fb: {  	v60 =	vadd.s32 v32, v33;
	[tilespmem:v63+s21+$0x0] =	vst.idx.msk $0xffff, v36;
	v59 =	vld [tilespmem:s30+$0x0]  }
0x3fc: {  	v43 =	vadd.s32 v16, v43;
	[tilespmem:v52+s21+$0x0] =	vst.idx.msk $0xffff, v49;
	v36 =	vld [tilespmem:s31+$0xFFFFFF00]  }
0x3fd: {  	v42 =	vadd.s32 v32, v42;
	v61 =	vld [tilespmem:s31+$0x0];
	[tilespmem:v54+s21+$0x0] =	vst.idx.msk $0xffff, v53  }
0x3fe: {  	v62 =	vadd.s32 v16, v44;
	[tilespmem:v56+s21+$0x0] =	vst.idx.msk $0xffff, v55;
	v38 =	vld [tilespmem:s12+$0xFFFFFF00]  }
0x3ff: {  	v35 =	vadd.s32 v32, v35;
	[tilespmem:v58+s21+$0x0] =	vst.idx.msk $0xffff, v57;
	v63 =	vld [tilespmem:s12+$0x0]  }
0x400: {  	s30 =	sadd.s32 $0x3, s29;
	[tilespmem:v60+s21+$0x0] =	vst.idx.msk $0xffff, v59  }
0x401: {  	s31 =	sshll.u32 s30, $0xF;
	s0 =	sand.u32 $0x3, s30;
	[tilespmem:v43+s21+$0x0] =	vst.idx.msk $0xffff, v36  }
0x402: {  	s4 =	sand.u32 $0xFE0000, s31;
	s0 =	sor.u32 s6, s0;
	[tilespmem:v42+s21+$0x0] =	vst.idx.msk $0xffff, v61  }
0x403: {  	s0 =	sshll.u32 s0, $0x7;
	s4 =	sadd.s32 s1, s4;
	[tilespmem:v62+s21+$0x0] =	vst.idx.msk $0xffff, v38  }
0x404: {  	s11 =	simm.s32 $0xC600;
	s4 =	sadd.s32 s0, s4;
	[tilespmem:v35+s21+$0x0] =	vst.idx.msk $0xffff, v63  }
0x405: {  	[hbm4b:s4+s3] =	stream.linear.scatter [tilespmem:s11], [sflag:$0x4], $0x80, $0x38;
	[tilespmem:$0xF000] =	vst v63  }
0x406: {  	s15 =	sadd.s32 $0x10, s4;
	s12 =	simm.s32 $0xC688  }
0x407: {  	[hbm4b:s15+s3] =	stream.linear.scatter [tilespmem:s12], [sflag:$0x4], $0x80, $0x38;
	[tilespmem:$0xF000] =	vst v63  }
0x408: {  	s19 =	simm.s32 $0xC710;
	s30 =	simm.s32 $0xC798;
	s22 =	sadd.s32 $0x20, s4  }
0x409: {  	[hbm4b:s22+s3] =	stream.linear.scatter [tilespmem:s19], [sflag:$0x4], $0x80, $0x38;
	[tilespmem:$0xF000] =	vst v63  }
0x40a: {  	s0 =	simm.s32 $0x440;
	s31 =	sadd.s32 $0x30, s4;
	s11 =	sadd.s32 $0x4000, s4  }
0x40b: {  	[hbm4b:s31+s3] =	stream.linear.scatter [tilespmem:s30], [sflag:$0x4], $0x80, $0x38;
	[tilespmem:$0xF000] =	vst v63  }
0x40c: {  	s12 =	simm.s32 $0xC820;
	s15 =	sadd.s32 $0x40, s4;
	s19 =	simm.s32 $0xC8A8  }
0x40d: {  	[hbm4b:s15+s3] =	stream.linear.scatter [tilespmem:s12], [sflag:$0x4], $0x80, $0x38;
	[tilespmem:$0xF000] =	vst v63  }
0x40e: {  	s22 =	sadd.s32 $0x50, s4;
	s30 =	simm.s32 $0xC930;
	s31 =	sadd.s32 $0x60, s4  }
0x40f: {  	[hbm4b:s22+s3] =	stream.linear.scatter [tilespmem:s19], [sflag:$0x4], $0x80, $0x38;
	[tilespmem:$0xF000] =	vst v63  }
0x410: {  	s12 =	simm.s32 $0x2200;
	s15 =	simm.s32 $0xC9B8;
	s19 =	sadd.s32 $0x70, s4  }
0x411: {  	[hbm4b:s31+s3] =	stream.linear.scatter [tilespmem:s30], [sflag:$0x4], $0x80, $0x38;
	[tilespmem:$0xF000] =	vst v63  }
.LBB2_17:
0x412: {  	[hbm4b:s19+s3] =	stream.linear.scatter [tilespmem:s15], [sflag:$0x4], $0x80, $0x38;
	[tilespmem:$0xF000] =	vst v63  }
0x413: {  	s4 =	smov.u32 s0;
	s0 =	smov.u32 s12  }
0x414: {  	s22 =	sadd.s32 $0x1100, s12;
	s0 =	sshra.s32 s0, $0x2;
	s15 =	sadd.s32 $0xC600, s4  }
0x415: {  	[hbm4b:s11+s3] =	stream.linear.scatter [tilespmem:s15], [sflag:$0x4], $0x80, $0x38;
	[tilespmem:$0xF000] =	vst v63  }
0x416: {  	p2 =	sne.s32 s12, $0x7700;
	s12 =	sadd.s32 $0xC688, s4;
	s15 =	sadd.s32 $0x10, s11  }
0x417: {  	[hbm4b:s15+s3] =	stream.linear.scatter [tilespmem:s12], [sflag:$0x4], $0x80, $0x38;
	[tilespmem:$0xF000] =	vst v63  }
0x418: {  	s12 =	sadd.s32 $0xC710, s4;
	s15 =	sadd.s32 $0x20, s11  }
0x419: {  	[hbm4b:s15+s3] =	stream.linear.scatter [tilespmem:s12], [sflag:$0x4], $0x80, $0x38;
	[tilespmem:$0xF000] =	vst v63  }
0x41a: {  	s12 =	sadd.s32 $0xC798, s4;
	s15 =	sadd.s32 $0x30, s11  }
0x41b: {  	[hbm4b:s15+s3] =	stream.linear.scatter [tilespmem:s12], [sflag:$0x4], $0x80, $0x38;
	[tilespmem:$0xF000] =	vst v63  }
0x41c: {  	s12 =	sadd.s32 $0xC820, s4;
	s15 =	sadd.s32 $0x40, s11  }
0x41d: {  	[hbm4b:s15+s3] =	stream.linear.scatter [tilespmem:s12], [sflag:$0x4], $0x80, $0x38;
	[tilespmem:$0xF000] =	vst v63  }
.Ltmp9:
0x41e: {  	s12 =	sadd.s32 $0xC8A8, s4;
	s15 =	sadd.s32 $0x50, s11;
	(pc) =	sbr.rel @p2 .LBB2_17-.Ltmp9, $4  }
0x41f: {  	[hbm4b:s15+s3] =	stream.linear.scatter [tilespmem:s12], [sflag:$0x4], $0x80, $0x38;
	[tilespmem:$0xF000] =	vst v63  }
0x420: {  	s19 =	sadd.s32 $0x70, s11;
	s12 =	sadd.s32 $0xC930, s4;
	s15 =	sadd.s32 $0x60, s11  }
0x421: {  	[hbm4b:s15+s3] =	stream.linear.scatter [tilespmem:s12], [sflag:$0x4], $0x80, $0x38;
	[tilespmem:$0xF000] =	vst v63  }
0x422: {  	s11 =	sadd.s32 $0x4000, s11;
	s15 =	sadd.s32 $0xC9B8, s4;
	s12 =	smov.u32 s22  }
0x423: {  	[hbm4b:s19+s3] =	stream.linear.scatter [tilespmem:s15], [sflag:$0x4], $0x80, $0x38;
	[tilespmem:$0xF000] =	vst v63  }
0x424: {  	s4 =	sadd.s32 $0xC600, s0  }
0x425: {  	[hbm4b:s11+s3] =	stream.linear.scatter [tilespmem:s4], [sflag:$0x4], $0x80, $0x38;
	[tilespmem:$0xF000] =	vst v63  }
0x426: {  	s31 =	sadd.s32 $0xC688, s0;
	s12 =	sadd.s32 $0x10, s11  }
0x427: {  	[hbm4b:s12+s3] =	stream.linear.scatter [tilespmem:s31], [sflag:$0x4], $0x80, $0x38;
	[tilespmem:$0xF000] =	vst v63  }
0x428: {  	s15 =	sadd.s32 $0x20, s11;
	s12 =	sadd.s32 $0xC710, s0  }
0x429: {  	[hbm4b:s15+s3] =	stream.linear.scatter [tilespmem:s12], [sflag:$0x4], $0x80, $0x38;
	[tilespmem:$0xF000] =	vst v63  }
0x42a: {  	s19 =	sadd.s32 $0xC798, s0;
	s22 =	sadd.s32 $0x30, s11  }
0x42b: {  	[hbm4b:s22+s3] =	stream.linear.scatter [tilespmem:s19], [sflag:$0x4], $0x80, $0x38;
	[tilespmem:$0xF000] =	vst v63  }
0x42c: {  	s30 =	sadd.s32 $0xC820, s0;
	s31 =	sadd.s32 $0x40, s11  }
0x42d: {  	[hbm4b:s31+s3] =	stream.linear.scatter [tilespmem:s30], [sflag:$0x4], $0x80, $0x38;
	[tilespmem:$0xF000] =	vst v63  }
0x42e: {  	s12 =	sadd.s32 $0xC8A8, s0;
	s15 =	sadd.s32 $0x50, s11  }
0x42f: {  	[hbm4b:s15+s3] =	stream.linear.scatter [tilespmem:s12], [sflag:$0x4], $0x80, $0x38;
	[tilespmem:$0xF000] =	vst v63  }
.Ltmp10:
0x430: {  	_ = 	snop;
	(pc) =	sbr.rel @p1 .LBB2_20-.Ltmp10, $4  }
0x431: {  	s19 =	sadd.s32 $0xC930, s0;
	s22 =	sadd.s32 $0x60, s11  }
0x432: {  	[hbm4b:s22+s3] =	stream.linear.scatter [tilespmem:s19], [sflag:$0x4], $0x80, $0x38;
	[tilespmem:$0xF000] =	vst v63  }
0x433: {  	s30 =	sadd.s32 $0xC9B8, s0;
	s31 =	sadd.s32 $0x70, s11  }
0x434: {  	[hbm4b:s31+s3] =	stream.linear.scatter [tilespmem:s30], [sflag:$0x4], $0x80, $0x38;
	[tilespmem:$0xF000] =	vst v63  }
.Ltmp11:
0x435: {  	(pc) =	sbr.rel .LBB2_10-.Ltmp11, $4  }
0x436: {  	s0 =	sshll.u32 s29, $0x7  }
0x437: {  	s0 =	sadd.s32 $0x280, s0  }
0x438: {  	s28 =	sadd.s32 $0x1, s28;
	s0 =	sand.u32 $0xFF80, s0  }
0x439: {  	[tilespmem:s16], [sflag:$0x2] =	stream.indirect.gather [spmem:s2], $0x40, s0, s14, $0xb8;
	[tilespmem:$0xF000] =	vst v63  }
.LBB2_21:
0x43a: {  	_ =	sfence.sel $0x180000  }
0x43b: {  	[bflag:$0x0] =	sbarrier.arrive $0xFFFF  }
0x43c: {  	_ =	strace $0x90000047  }
0x43d: {  	[bflag:$0x2] =	sbarrier.arrive $0xFFFF  }
0x43e: {  	s0 =	rddreg [dreg:$0x3]  }
0x43f: {  	s0 =	sadd.s32 @!p0 $0x100000, s0  }
0x440: {  	[sflag:s0] =	ssyncadd.tile.s32 @!p0 $0x1;
	_ =	shalt  }
.Lfunc_end2:
_tile_overlayer_lowered:
.L_overlay_start_2:
0x441: {  	(tag) =	ssettag $0x2  }
0x442: {  	s0 =	rddreg [dreg:$0x0];
	s2 =	stileid.u32  }
0x443: {  	s1 =	rddreg [dreg:$0x1];
	p0 =	sne.s32 s2, $0x0  }
0x444: {  	s3 =	rddreg [dreg:$0x2];
	[bflag:$0x3] =	sbarrier.arrive $0xFFFF;
	s2 =	simm.s32 @!p0 $0x1C05  }
0x445: {  	[timem:s3], [sflag:s2] =	dma.local @!p0 [hbm:s0], s1  }
0x446: {  	s0 =	simm.s32 @!p0 $0x5  }
0x447: {  	_ =	swait.ge @!p0 [sflag:s0], s1  }
0x448: {  	s1 =	ssub.s32 @!p0 $0x0, s1;
	[sflag:s0] =	ssyncset.done @!p0 $0x0  }
0x449: {  	[sflag:s0] =	ssyncadd.s32 @!p0 s1  }
0x44a: {  	[bflag:$0x3] =	sbarrier.arrive $0xFFFF  }
0x44b: {  	_ =	shalt  }

</sc_bundles>
